<compile_context>
chip_gen: v7x
topology: tpu7x:2x2x1
jax: 0.10.2.dev20260603
libtpu: 0.0.44.dev20260713+nightly
codegen_flags: <defaults>
</compile_context>

<pallas_src>
import jax
import jax.numpy as jnp
from jax import lax
from jax.experimental import pallas as pl
from jax.experimental.pallas import tpu as pltpu
from jax.experimental.pallas import tpu_sc as plsc

H = 16
TP = 8
K = 8
EMB = 8192
B = 32
T = 16
HK = H * K
C = 2 * HK + 1
PERM_PAD = 264
ROWS = B * T
LOCW = 16
NSUB = 32
RPW = ROWS // NSUB
G = 4


def _sc_gather_body(sta_ind_hbm, loc_hbm, out_hbm, idx_v, rows_v, sem):
    wid = lax.axis_index("s") * 2 + lax.axis_index("c")
    base = wid * RPW
    pltpu.sync_copy(sta_ind_hbm.at[pl.ds(base, RPW)], idx_v)
    pltpu.async_copy(loc_hbm.at[idx_v], rows_v, sem).wait()
    pltpu.sync_copy(rows_v, out_hbm.at[pl.ds(base, RPW)])


def _sc_gather(sta_ind_flat, loc_pad):
    mesh = plsc.VectorSubcoreMesh(core_axis_name="c", subcore_axis_name="s",
                                  num_cores=2, num_subcores=16)
    return pl.kernel(
        _sc_gather_body,
        out_type=jax.ShapeDtypeStruct((ROWS, LOCW), jnp.int32),
        mesh=mesh,
        scratch_types=[
            pltpu.VMEM((RPW,), jnp.int32),
            pltpu.VMEM((RPW, LOCW), jnp.int32),
            pltpu.SemaphoreType.DMA,
        ],
        compiler_params=pltpu.CompilerParams(use_tc_tiling_on_sc=False),
    )(sta_ind_flat, loc_pad)


def _draw(xr):
    y = xr + 1
    f = y.astype(jnp.float32)
    e = lax.shift_right_logical(lax.bitcast_convert_type(f, jnp.int32),
                                jnp.int32(23))
    is_pow2 = (y & xr) == 0
    in_set = (y & 63688) != 0
    adj = jnp.where(is_pow2 & in_set, jnp.int32(1), jnp.int32(0))
    return (142 - e + adj).astype(jnp.float32) * 0.0625


def _tc_kernel(sta_loc_ref, logits_ref, masks_ref, perm_ref,
               sel_ref, mloss_ref):
    one = jnp.float32(1.0)
    zero = jnp.int32(0)

    pvec = perm_ref[:, 0:1]
    prow = lax.broadcasted_iota(jnp.int32, (PERM_PAD, HK), 0)
    o_pos = lax.broadcasted_iota(jnp.int32, (1, HK), 1)
    rank_pos = jnp.sum(jnp.where(pvec == o_pos, prow, zero), axis=0,
                       keepdims=True, dtype=jnp.int32).reshape(1, 1, HK)
    rank_neg = jnp.sum(jnp.where(pvec == o_pos + 129, prow, zero), axis=0,
                       keepdims=True, dtype=jnp.int32).reshape(1, 1, HK)
    rank_abs = jnp.sum(jnp.where(pvec == 128, prow[:, 0:1], zero), axis=0,
                       keepdims=True, dtype=jnp.int32)

    cidx = lax.broadcasted_iota(jnp.int32, (1, 1, 1, HK), 3)
    flip = jnp.left_shift(jnp.int32(1),
                          lax.shift_right_logical(cidx, jnp.int32(3)))
    rank_pos4 = rank_pos.reshape(1, 1, 1, HK)
    rank_neg4 = rank_neg.reshape(1, 1, 1, HK)

    def body(g, carry):
        base = g * jnp.int32(G)
        sta_loc = sta_loc_ref[pl.ds(base, G)][:, :, 0:TP]
        abs_x = jnp.abs(sta_loc)
        sg_x = jnp.where(sta_loc >= 0, one, -one)

        xr_p = abs_x[:, :, None, :] ^ abs_x[:, None, :, :]
        d_p = _draw(xr_p) * (sg_x[:, :, None, :] * sg_x[:, None, :, :])
        s_sum = jnp.sum(d_p, axis=-1)

        masks_g = masks_ref[pl.ds(base, G)]
        res = (abs_x[:, :, :, None] ^ flip) ^ masks_g
        sgneg = jnp.where(res == 0, one, -one)
        logits_g = logits_ref[pl.ds(base, G)]

        abs_t = jnp.transpose(abs_x, (0, 2, 1))
        sg8_t = jnp.transpose(sg_x, (0, 2, 1)) * 0.125
        w_t = jnp.transpose((s_sum[:, :, :, None] - d_p) * 0.125,
                            (0, 1, 3, 2))
        acc_p = jnp.zeros((G, T, TP, HK), jnp.float32)
        acc_n = jnp.zeros((G, T, TP, HK), jnp.float32)
        acc_a = jnp.zeros((G, T, TP), jnp.float32)
        for j in range(T):
            xj = abs_t[:, None, :, j:j + 1]
            sgj8 = sg8_t[:, None, :, j:j + 1]
            u = _draw(res ^ xj) * sgj8
            w3 = w_t[:, :, :, j:j + 1]
            lj = logits_g[:, :, j][:, :, None, None]
            acc_p += jnp.abs((u + w3) - lj)
            acc_n += jnp.abs((u * sgneg + w3) - lj)
            u_abs = _draw(abs_x ^ abs_t[:, None, :, j]) * sg8_t[:, None, :, j]
            acc_a += jnp.abs((u_abs + w_t[:, :, :, j])
                             - logits_g[:, :, j][:, :, None])
        tot_p = acc_p * 0.0625
        tot_n = acc_n * 0.0625
        tot_a = acc_a * 0.0625

        m = jnp.minimum(jnp.min(jnp.minimum(tot_p, tot_n), axis=3), tot_a)

        big = jnp.int32(2 ** 30)
        m4 = m[:, :, :, None]
        pk_p = jnp.where(tot_p == m4, rank_pos4 * 262144 + (res + 65536), big)
        pk_n = jnp.where(tot_n == m4, rank_neg4 * 262144 + (65536 - res), big)
        pk_a = jnp.where(tot_a == m, rank_abs * 262144 + (abs_x + 65536), big)
        pmin = jnp.minimum(jnp.min(jnp.minimum(pk_p, pk_n), axis=3), pk_a)

        sel_ref[pl.ds(base, G)] = (pmin & 262143) - 65536
        mloss_ref[pl.ds(base, G)] = m
        return carry

    lax.fori_loop(jnp.int32(0), jnp.int32(B // G), body, jnp.int32(0))


def kernel(sta_ind, logits, epoch, locations, masks, perm):
    del epoch
    sta_ind32 = sta_ind.astype(jnp.int32).reshape(ROWS)
    loc_pad = jnp.pad(locations.astype(jnp.int32), ((0, 0), (0, LOCW - TP)))
    masks_t = (masks.astype(jnp.int32)
               .reshape(B, T, H, K, TP)
               .transpose(0, 1, 4, 2, 3)
               .reshape(B, T, TP, HK))
    perm_pad = jnp.concatenate(
        [perm.astype(jnp.int32).reshape(C, 1),
         jnp.full((PERM_PAD - C, 1), -1, jnp.int32)], axis=0)
    logits32 = logits.astype(jnp.float32)

    sta_loc = _sc_gather(sta_ind32, loc_pad).reshape(B, T, LOCW)

    sel32, mloss = pl.pallas_call(
        _tc_kernel,
        in_specs=[
            pl.BlockSpec(memory_space=pltpu.VMEM),
            pl.BlockSpec(memory_space=pltpu.VMEM),
            pl.BlockSpec(memory_space=pltpu.VMEM),
            pl.BlockSpec(memory_space=pltpu.VMEM),
        ],
        out_specs=[
            pl.BlockSpec(memory_space=pltpu.VMEM),
            pl.BlockSpec(memory_space=pltpu.VMEM),
        ],
        out_shape=[
            jax.ShapeDtypeStruct((B, T, TP), jnp.int32),
            jax.ShapeDtypeStruct((B, T, TP), jnp.float32),
        ],
    )(sta_loc, logits32, masks_t, perm_pad)
    return sel32.astype(jnp.int64), mloss

# --- scband reference (transcript-rebuilt; emitter-appended) ---
"""Pipeline reference for scband-criti-graph-35579509080218 (READ-ONLY COPY).

The authoritative reference and input builder live on the scoring server;
editing this copy changes nothing except your own understanding.
"""

import jax, jax.numpy as jnp
import numpy as np
jax.config.update("jax_enable_x64", True)

H = 16
TP = 8
K = 8  # int(c*h), c=0.5
N = 2 ** H
EMB = 8192
B = 32
T = 16  # blk_size
C = 2 * H * K + 1
EPOCHS = 100
CONVERGENCE = 0.5


def setup_inputs(seed: int = 0):
    key = jax.random.key(seed)
    k1, k2, k3, k4, k5 = jax.random.split(key, 5)
    sta_ind = jax.random.randint(k1, (B, T), 0, EMB, dtype=jnp.int64)
    logits = jax.random.normal(k2, (B, T, T), dtype=jnp.float32)
    locations = jax.random.randint(k3, (EMB, TP), 1 - N, N, dtype=jnp.int64)
    upper = (2 ** jnp.arange(H, dtype=jnp.int64)).reshape(-1, 1, 1, 1)
    rnd = jax.random.randint(k4, (H, B * T, K, TP), 0, N, dtype=jnp.int64)
    masks = jnp.transpose(rnd % upper, (1, 0, 2, 3))  # (B*T, H, K, TP)
    perm = jax.random.permutation(k5, C)
    return {"sta_ind": sta_ind, "logits": logits, "epoch": 60,
            "locations": locations, "masks": masks, "perm": perm}


def _dist(table, c1, c2):
    sg = ((2 * (c1 >= 0).astype(jnp.int32) - 1) * (2 * (c2 >= 0).astype(jnp.int32) - 1)).astype(jnp.float32)
    xr = jnp.bitwise_xor(jnp.abs(c1), jnp.abs(c2))
    return sg * (1.0 - table[xr])


def reference(sta_ind, logits, epoch, locations, masks, perm):
    table = ((jnp.floor(jnp.log2(jnp.arange(N, dtype=jnp.float64) + 1.0)) + 1.0) / H).astype(jnp.float32)
    sta_loc = locations[sta_ind]  # (B, T, TP)
    abs_loc = jnp.abs(sta_loc).reshape(-1, TP)  # (B*T, TP)
    flip = (jnp.int64(1) << jnp.arange(H, dtype=jnp.int64)).reshape(1, H, 1)
    flipped = abs_loc[:, None, :] ^ flip  # (B*T, H, TP)
    res = (flipped[:, :, None, :] ^ masks).reshape(-1, H * K, TP)
    cnc = jnp.concatenate([res, abs_loc[:, None, :], -res], axis=1)  # (B*T, C, TP)
    cnc = cnc.reshape(B, T, C, TP)[:, :, perm, :]
    converged = epoch > CONVERGENCE * EPOCHS
    lg_true = jnp.full((B, T), T, dtype=jnp.float32)
    mask_true = jnp.ones((B, T, T), dtype=jnp.float32)
    kk = jax.random.key(7)
    probs = jax.random.uniform(kk, (B, T))
    keep = probs > 0.2
    lg_false = jnp.where(keep, T, 1).astype(jnp.float32)
    col = jax.random.randint(jax.random.fold_in(kk, 1), (B, T), 0, T)
    onehot = jax.nn.one_hot(col, T, dtype=jnp.float32)
    mask_false = jnp.where(keep[:, :, None], jnp.ones((B, T, T), dtype=jnp.float32), onehot)
    lg = jnp.where(converged, lg_true, lg_false)
    mask = jnp.where(converged, mask_true, mask_false)
    dis_pos = _dist(table, sta_loc[:, :, None, :], sta_loc[:, None, :, :])  # (B,T,T,TP)
    dis_sum = dis_pos.sum(-1)  # (B,T,T)
    lct = _dist(table, sta_loc[:, None, :, None, :], cnc[:, :, None, :, :])  # (B,T,T,C,TP)
    lct = (lct - dis_pos[:, :, :, None, :] + dis_sum[:, :, :, None, None]) / TP
    m0 = mask[:, :, :, None, None]
    lct = lct * m0
    leu = logits[:, :, :, None, None] * m0
    total = jnp.abs(lct - leu).sum(axis=2) / lg[:, :, None, None]  # (B,T,C,TP)
    idx = jnp.argmin(total, axis=2)  # (B,T,TP)
    sel = jnp.take_along_axis(cnc, idx[:, :, None, :], axis=2).squeeze(2)  # (B,T,TP)
    mloss = jnp.take_along_axis(total, idx[:, :, None, :], axis=2).squeeze(2)  # (B,T,TP)
    return sel, mloss

if __name__ == "__main__":
    import jax
    _d = setup_inputs()
    print(jax.jit(kernel)(*tuple(_d.values())))

</pallas_src>

<mosaic_0001>
#map = affine_map<(d0, d1) -> (0)>
#map1 = affine_map<(d0, d1) -> (0, 0)>
module attributes {stable_mosaic.version = 14 : i64} {
  func.func @_sc_gather_body(%arg0: i32, %arg1: i32, %arg2: memref<512xi32, #tpu.memory_space<hbm>>, %arg3: memref<8192x16xi32, #tpu.memory_space<hbm>>, %arg4: memref<512x16xi32, #tpu.memory_space<hbm>>, %arg5: memref<16xi32, #tpu.memory_space<vmem>>, %arg6: memref<16x16xi32, #tpu.memory_space<vmem>>, %arg7: memref<!tpu.dma_semaphore, #tpu.memory_space<semaphore_mem>>) attributes {dimension_semantics = [#tpu.dimension_semantics<core_parallel>, #tpu.dimension_semantics<subcore_parallel>], iteration_bounds = array<i64: 2, 16>, scalar_prefetch = 0 : i64, scratch_operands = 3 : i64, tpu.core_type = #tpu.core_type<sc_vector_subcore>, window_params = [{transform_indices = #map}, {transform_indices = #map1}, {transform_indices = #map1}]} {
    %mul3A = arith.constant 2 : i32
    %mul3A_0 = arith.muli %arg1, %mul3A : i32
    %add3A = arith.addi %mul3A_0, %arg0 : i32
    %mul3A_1 = arith.constant 16 : i32
    %mul3A_2 = arith.muli %add3A, %mul3A_1 : i32
    "tpu.region"() ({
      %run_scoped3A = tpu.sem_alloc : memref<!tpu.dma_semaphore, #tpu.memory_space<semaphore_mem>>
      %dma_start3A_7 = tpu.memref_slice %arg2[%mul3A_2] : memref<512xi32, #tpu.memory_space<hbm>> -> memref<16xi32, #tpu.memory_space<hbm>>
      %dma_start3A_8 = tpu.memref_slice %arg2[%mul3A_2] : memref<512xi32, #tpu.memory_space<hbm>> -> memref<16xi32, #tpu.memory_space<hbm>>
      tpu.enqueue_dma source(%dma_start3A_8 : memref<16xi32, #tpu.memory_space<hbm>>) target(%arg5 : memref<16xi32, #tpu.memory_space<vmem>>) target_semaphore(%run_scoped3A : memref<!tpu.dma_semaphore, #tpu.memory_space<semaphore_mem>>)
      %dma_wait3A_9 = tpu.memref_slice %arg2[%mul3A_2] : memref<512xi32, #tpu.memory_space<hbm>> -> memref<16xi32, #tpu.memory_space<hbm>>
      %dma_wait3A_10 = tpu.memref_slice %arg2[%mul3A_2] : memref<512xi32, #tpu.memory_space<hbm>> -> memref<16xi32, #tpu.memory_space<hbm>>
      tpu.wait_dma2 semaphore(%run_scoped3A : memref<!tpu.dma_semaphore, #tpu.memory_space<semaphore_mem>>) src(%dma_wait3A_10 : memref<16xi32, #tpu.memory_space<hbm>>) dst(%arg5 : memref<16xi32, #tpu.memory_space<vmem>>)
      tpu.yield
    }) : () -> ()
    %dma_start3A = arith.constant 0 : i32
    %dma_start3A_3 = arith.constant 0 : i32
    %dma_start3A_4 = tpu.memref_slice %arg3[%dma_start3A, %dma_start3A_3] : memref<8192x16xi32, #tpu.memory_space<hbm>> -> memref<8192x16xi32, #tpu.memory_space<hbm>>
    tpu.enqueue_indirect_dma source(%dma_start3A_4 : memref<8192x16xi32, #tpu.memory_space<hbm>>) target(%arg6 : memref<16x16xi32, #tpu.memory_space<vmem>>) offsets(%arg5 : memref<16xi32, #tpu.memory_space<vmem>>) semaphore(%arg7 : memref<!tpu.dma_semaphore, #tpu.memory_space<semaphore_mem>>)
    %dma_wait3A = arith.constant 0 : i32
    %dma_wait3A_5 = arith.constant 0 : i32
    %dma_wait3A_6 = tpu.memref_slice %arg3[%dma_wait3A, %dma_wait3A_5] : memref<8192x16xi32, #tpu.memory_space<hbm>> -> memref<8192x16xi32, #tpu.memory_space<hbm>>
    tpu.wait_indirect_dma semaphore(%arg7 : memref<!tpu.dma_semaphore, #tpu.memory_space<semaphore_mem>>) src(%dma_wait3A_6 : memref<8192x16xi32, #tpu.memory_space<hbm>>) dst(%arg6 : memref<16x16xi32, #tpu.memory_space<vmem>>)
    "tpu.region"() ({
      %run_scoped3A = tpu.sem_alloc : memref<!tpu.dma_semaphore, #tpu.memory_space<semaphore_mem>>
      %dma_start3A_7 = arith.constant 0 : i32
      %dma_start3A_8 = tpu.memref_slice %arg4[%mul3A_2, %dma_start3A_7] : memref<512x16xi32, #tpu.memory_space<hbm>> -> memref<16x16xi32, #tpu.memory_space<hbm>>
      %dma_start3A_9 = arith.constant 0 : i32
      %dma_start3A_10 = tpu.memref_slice %arg4[%mul3A_2, %dma_start3A_9] : memref<512x16xi32, #tpu.memory_space<hbm>> -> memref<16x16xi32, #tpu.memory_space<hbm>>
      tpu.enqueue_dma source(%arg6 : memref<16x16xi32, #tpu.memory_space<vmem>>) target(%dma_start3A_10 : memref<16x16xi32, #tpu.memory_space<hbm>>) target_semaphore(%run_scoped3A : memref<!tpu.dma_semaphore, #tpu.memory_space<semaphore_mem>>)
      %dma_wait3A_11 = arith.constant 0 : i32
      %dma_wait3A_12 = tpu.memref_slice %arg4[%mul3A_2, %dma_wait3A_11] : memref<512x16xi32, #tpu.memory_space<hbm>> -> memref<16x16xi32, #tpu.memory_space<hbm>>
      %dma_wait3A_13 = arith.constant 0 : i32
      %dma_wait3A_14 = tpu.memref_slice %arg4[%mul3A_2, %dma_wait3A_13] : memref<512x16xi32, #tpu.memory_space<hbm>> -> memref<16x16xi32, #tpu.memory_space<hbm>>
      tpu.wait_dma2 semaphore(%run_scoped3A : memref<!tpu.dma_semaphore, #tpu.memory_space<semaphore_mem>>) src(%arg6 : memref<16x16xi32, #tpu.memory_space<vmem>>) dst(%dma_wait3A_14 : memref<16x16xi32, #tpu.memory_space<hbm>>)
      tpu.yield
    }) : () -> ()
    return
  }
}

module attributes {stable_mosaic.version = 14 : i64} {
  func.func @_tc_kernel(%arg0: memref<32x16x16xi32, #tpu.memory_space<vmem>>, %arg1: memref<32x16x16xf32, #tpu.memory_space<vmem>>, %arg2: memref<32x16x8x128xi32, #tpu.memory_space<vmem>>, %arg3: memref<264x1xi32, #tpu.memory_space<vmem>>, %arg4: memref<32x16x8xi32, #tpu.memory_space<vmem>>, %arg5: memref<32x16x8xf32, #tpu.memory_space<vmem>>) attributes {dimension_semantics = [], scalar_prefetch = 0 : i64, scratch_operands = 0 : i64, tpu.core_type = #tpu.core_type<tc>} {
    %get3A = arith.constant 0 : index
    %get3A_0 = arith.constant 0 : index
    %get3A_1 = vector.load %arg3[%get3A, %get3A_0] : memref<264x1xi32, #tpu.memory_space<vmem>>, vector<264x1xi32>
    %iota3A = tpu.iota {dimensions = array<i32: 0>} : vector<264x128xi32>
    %iota3A_2 = tpu.iota {dimensions = array<i32: 1>} : vector<1x128xi32>
    %eq3A = vector.broadcast %get3A_1 : vector<264x1xi32> to vector<264x128xi32>
    %eq3A_3 = vector.broadcast %iota3A_2 : vector<1x128xi32> to vector<264x128xi32>
    %eq3A_4 = arith.cmpi eq, %eq3A, %eq3A_3 : vector<264x128xi32>
    %jit3A = arith.constant 0 : i32
    %broadcast_in_dim3A = vector.broadcast %jit3A : i32 to vector<264x128xi32>
    %select_n3A = arith.select %eq3A_4, %iota3A, %broadcast_in_dim3A : vector<264x128xi1>, vector<264x128xi32>
    %reduce_sum3A = arith.constant dense<0> : vector<128xi32>
    %reduce_sum3A_5 = vector.multi_reduction <add>, %select_n3A, %reduce_sum3A [0] : vector<264x128xi32> to vector<128xi32>
    %broadcast_in_dim3A_6 = vector.shape_cast %reduce_sum3A_5 : vector<128xi32> to vector<1x128xi32>
    %reshape3A = vector.shape_cast %broadcast_in_dim3A_6 : vector<1x128xi32> to vector<1x1x128xi32>
    %add3A = arith.constant 129 : i32
    %add3A_7 = vector.broadcast %add3A : i32 to vector<1x128xi32>
    %add3A_8 = arith.addi %iota3A_2, %add3A_7 : vector<1x128xi32>
    %eq3A_9 = vector.broadcast %get3A_1 : vector<264x1xi32> to vector<264x128xi32>
    %eq3A_10 = vector.broadcast %add3A_8 : vector<1x128xi32> to vector<264x128xi32>
    %eq3A_11 = arith.cmpi eq, %eq3A_9, %eq3A_10 : vector<264x128xi32>
    %jit3A_12 = arith.constant 0 : i32
    %broadcast_in_dim3A_13 = vector.broadcast %jit3A_12 : i32 to vector<264x128xi32>
    %select_n3A_14 = arith.select %eq3A_11, %iota3A, %broadcast_in_dim3A_13 : vector<264x128xi1>, vector<264x128xi32>
    %reduce_sum3A_15 = arith.constant dense<0> : vector<128xi32>
    %reduce_sum3A_16 = vector.multi_reduction <add>, %select_n3A_14, %reduce_sum3A_15 [0] : vector<264x128xi32> to vector<128xi32>
    %broadcast_in_dim3A_17 = vector.shape_cast %reduce_sum3A_16 : vector<128xi32> to vector<1x128xi32>
    %reshape3A_18 = vector.shape_cast %broadcast_in_dim3A_17 : vector<1x128xi32> to vector<1x1x128xi32>
    %eq3A_19 = arith.constant 128 : i32
    %eq3A_20 = vector.broadcast %eq3A_19 : i32 to vector<264x1xi32>
    %eq3A_21 = arith.cmpi eq, %get3A_1, %eq3A_20 : vector<264x1xi32>
    %slice3A = vector.extract_strided_slice %iota3A {offsets = [0, 0], sizes = [264, 1], strides = [1, 1]} : vector<264x128xi32> to vector<264x1xi32>
    %jit3A_22 = arith.constant 0 : i32
    %broadcast_in_dim3A_23 = vector.broadcast %jit3A_22 : i32 to vector<264x1xi32>
    %select_n3A_24 = arith.select %eq3A_21, %slice3A, %broadcast_in_dim3A_23 : vector<264x1xi1>, vector<264x1xi32>
    %reduce_sum3A_25 = arith.constant dense<0> : vector<1xi32>
    %reduce_sum3A_26 = vector.multi_reduction <add>, %select_n3A_24, %reduce_sum3A_25 [0] : vector<264x1xi32> to vector<1xi32>
    %broadcast_in_dim3A_27 = vector.shape_cast %reduce_sum3A_26 : vector<1xi32> to vector<1x1xi32>
    %iota3A_28 = tpu.iota {dimensions = array<i32: 3>} : vector<1x1x1x128xi32>
    %shift_right_logical3A = arith.constant 3 : i32
    %shift_right_logical3A_29 = vector.broadcast %shift_right_logical3A : i32 to vector<1x1x1x128xi32>
    %shift_right_logical3A_30 = arith.shrui %iota3A_28, %shift_right_logical3A_29 : vector<1x1x1x128xi32>
    %shift_left3A = arith.constant 1 : i32
    %shift_left3A_31 = vector.broadcast %shift_left3A : i32 to vector<1x1x1x128xi32>
    %shift_left3A_32 = arith.shli %shift_left3A_31, %shift_right_logical3A_30 : vector<1x1x1x128xi32>
    %reshape3A_33 = vector.shape_cast %reshape3A : vector<1x1x128xi32> to vector<1x1x1x128xi32>
    %reshape3A_34 = vector.shape_cast %reshape3A_18 : vector<1x1x128xi32> to vector<1x1x1x128xi32>
    %while3A = arith.constant 0 : i32
    %while3A_35 = arith.constant 1.000000e+00 : f32
    %while3A_36 = arith.constant 0 : i32
    %while3A_37 = arith.constant 8 : i32
    %while3A_38 = arith.subi %while3A_37, %while3A_36 : i32
    %while3A_39 = arith.addi %while3A_36, %while3A_38 : i32
    %while3A_40 = arith.constant 1 : i32
    %while3A_41 = arith.divsi %while3A_38, %while3A_40 : i32
    %while3A_42 = arith.muli %while3A_41, %while3A_40 : i32
    %while3A_43 = arith.addi %while3A_36, %while3A_42 : i32
    %while3A_44 = arith.constant 1 : i32
    scf.for %while3A_46 = %while3A_36 to %while3A_43 step %while3A_44  : i32 {
      %mul3A = arith.constant 4 : i32
      %mul3A_47 = arith.muli %while3A_46, %mul3A : i32
      %get3A_48 = arith.index_cast %mul3A_47 : i32 to index
      %get3A_49 = arith.constant 0 : index
      %get3A_50 = arith.constant 0 : index
      %get3A_51 = vector.load %arg0[%get3A_48, %get3A_49, %get3A_50] : memref<32x16x16xi32, #tpu.memory_space<vmem>>, vector<4x16x16xi32>
      %slice3A_52 = vector.extract_strided_slice %get3A_51 {offsets = [0, 0, 0], sizes = [4, 16, 8], strides = [1, 1, 1]} : vector<4x16x16xi32> to vector<4x16x8xi32>
      %abs3A = math.absi %slice3A_52 : vector<4x16x8xi32>
      %ge3A = arith.constant 0 : i32
      %ge3A_53 = vector.broadcast %ge3A : i32 to vector<4x16x8xi32>
      %ge3A_54 = arith.cmpi sge, %slice3A_52, %ge3A_53 : vector<4x16x8xi32>
      %neg3A = arith.constant 0.000000e+00 : f32
      %neg3A_55 = arith.subf %neg3A, %while3A_35 : f32
      %broadcast_in_dim3A_56 = vector.broadcast %while3A_35 : f32 to vector<4x16x8xf32>
      %broadcast_in_dim3A_57 = vector.broadcast %neg3A_55 : f32 to vector<4x16x8xf32>
      %select_n3A_58 = arith.select %ge3A_54, %broadcast_in_dim3A_56, %broadcast_in_dim3A_57 : vector<4x16x8xi1>, vector<4x16x8xf32>
      %broadcast_in_dim3A_59 = vector.shape_cast %abs3A : vector<4x16x8xi32> to vector<4x16x1x8xi32>
      %broadcast_in_dim3A_60 = vector.shape_cast %abs3A : vector<4x16x8xi32> to vector<4x1x16x8xi32>
      %xor3A = vector.broadcast %broadcast_in_dim3A_59 : vector<4x16x1x8xi32> to vector<4x16x16x8xi32>
      %xor3A_61 = vector.broadcast %broadcast_in_dim3A_60 : vector<4x1x16x8xi32> to vector<4x16x16x8xi32>
      %xor3A_62 = arith.xori %xor3A, %xor3A_61 : vector<4x16x16x8xi32>
      %add3A_63 = arith.constant 1 : i32
      %add3A_64 = vector.broadcast %add3A_63 : i32 to vector<4x16x16x8xi32>
      %add3A_65 = arith.addi %xor3A_62, %add3A_64 : vector<4x16x16x8xi32>
      %convert_element_type3A = arith.sitofp %add3A_65 : vector<4x16x16x8xi32> to vector<4x16x16x8xf32>
      %bitcast_convert_type3A = tpu.bitcast %convert_element_type3A : vector<4x16x16x8xf32> -> vector<4x16x16x8xi32>
      %shift_right_logical3A_66 = arith.constant 23 : i32
      %shift_right_logical3A_67 = vector.broadcast %shift_right_logical3A_66 : i32 to vector<4x16x16x8xi32>
      %shift_right_logical3A_68 = arith.shrui %bitcast_convert_type3A, %shift_right_logical3A_67 : vector<4x16x16x8xi32>
      %and3A = arith.andi %add3A_65, %xor3A_62 : vector<4x16x16x8xi32>
      %eq3A_69 = arith.constant 0 : i32
      %eq3A_70 = vector.broadcast %eq3A_69 : i32 to vector<4x16x16x8xi32>
      %eq3A_71 = arith.cmpi eq, %and3A, %eq3A_70 : vector<4x16x16x8xi32>
      %and3A_72 = arith.constant 63688 : i32
      %and3A_73 = vector.broadcast %and3A_72 : i32 to vector<4x16x16x8xi32>
      %and3A_74 = arith.andi %add3A_65, %and3A_73 : vector<4x16x16x8xi32>
      %ne3A = arith.constant 0 : i32
      %ne3A_75 = vector.broadcast %ne3A : i32 to vector<4x16x16x8xi32>
      %ne3A_76 = arith.cmpi ne, %and3A_74, %ne3A_75 : vector<4x16x16x8xi32>
      %and3A_77 = arith.andi %eq3A_71, %ne3A_76 : vector<4x16x16x8xi1>
      %jit3A_78 = arith.constant 1 : i32
      %jit3A_79 = arith.constant 0 : i32
      %broadcast_in_dim3A_80 = vector.broadcast %jit3A_78 : i32 to vector<4x16x16x8xi32>
      %broadcast_in_dim3A_81 = vector.broadcast %jit3A_79 : i32 to vector<4x16x16x8xi32>
      %select_n3A_82 = arith.select %and3A_77, %broadcast_in_dim3A_80, %broadcast_in_dim3A_81 : vector<4x16x16x8xi1>, vector<4x16x16x8xi32>
      %sub3A = arith.constant 142 : i32
      %sub3A_83 = vector.broadcast %sub3A : i32 to vector<4x16x16x8xi32>
      %sub3A_84 = arith.subi %sub3A_83, %shift_right_logical3A_68 : vector<4x16x16x8xi32>
      %add3A_85 = arith.addi %sub3A_84, %select_n3A_82 : vector<4x16x16x8xi32>
      %convert_element_type3A_86 = arith.sitofp %add3A_85 : vector<4x16x16x8xi32> to vector<4x16x16x8xf32>
      %mul3A_87 = arith.constant 6.250000e-02 : f32
      %mul3A_88 = vector.broadcast %mul3A_87 : f32 to vector<4x16x16x8xf32>
      %mul3A_89 = arith.mulf %convert_element_type3A_86, %mul3A_88 : vector<4x16x16x8xf32>
      %broadcast_in_dim3A_90 = vector.shape_cast %select_n3A_58 : vector<4x16x8xf32> to vector<4x16x1x8xf32>
      %broadcast_in_dim3A_91 = vector.shape_cast %select_n3A_58 : vector<4x16x8xf32> to vector<4x1x16x8xf32>
      %mul3A_92 = vector.broadcast %broadcast_in_dim3A_90 : vector<4x16x1x8xf32> to vector<4x16x16x8xf32>
      %mul3A_93 = vector.broadcast %broadcast_in_dim3A_91 : vector<4x1x16x8xf32> to vector<4x16x16x8xf32>
      %mul3A_94 = arith.mulf %mul3A_92, %mul3A_93 : vector<4x16x16x8xf32>
      %mul3A_95 = arith.mulf %mul3A_89, %mul3A_94 : vector<4x16x16x8xf32>
      %reduce_sum3A_96 = arith.constant dense<0.000000e+00> : vector<4x16x16xf32>
      %reduce_sum3A_97 = vector.multi_reduction <add>, %mul3A_95, %reduce_sum3A_96 [3] : vector<4x16x16x8xf32> to vector<4x16x16xf32>
      %get3A_98 = arith.index_cast %mul3A_47 : i32 to index
      %get3A_99 = arith.constant 0 : index
      %get3A_100 = arith.constant 0 : index
      %get3A_101 = arith.constant 0 : index
      %get3A_102 = vector.load %arg2[%get3A_98, %get3A_99, %get3A_100, %get3A_101] : memref<32x16x8x128xi32, #tpu.memory_space<vmem>>, vector<4x16x8x128xi32>
      %broadcast_in_dim3A_103 = vector.shape_cast %abs3A : vector<4x16x8xi32> to vector<4x16x8x1xi32>
      %xor3A_104 = vector.broadcast %broadcast_in_dim3A_103 : vector<4x16x8x1xi32> to vector<4x16x8x128xi32>
      %xor3A_105 = vector.broadcast %shift_left3A_32 : vector<1x1x1x128xi32> to vector<4x16x8x128xi32>
      %xor3A_106 = arith.xori %xor3A_104, %xor3A_105 : vector<4x16x8x128xi32>
      %xor3A_107 = arith.xori %xor3A_106, %get3A_102 : vector<4x16x8x128xi32>
      %eq3A_108 = arith.constant 0 : i32
      %eq3A_109 = vector.broadcast %eq3A_108 : i32 to vector<4x16x8x128xi32>
      %eq3A_110 = arith.cmpi eq, %xor3A_107, %eq3A_109 : vector<4x16x8x128xi32>
      %neg3A_111 = arith.constant 0.000000e+00 : f32
      %neg3A_112 = arith.subf %neg3A_111, %while3A_35 : f32
      %broadcast_in_dim3A_113 = vector.broadcast %while3A_35 : f32 to vector<4x16x8x128xf32>
      %broadcast_in_dim3A_114 = vector.broadcast %neg3A_112 : f32 to vector<4x16x8x128xf32>
      %select_n3A_115 = arith.select %eq3A_110, %broadcast_in_dim3A_113, %broadcast_in_dim3A_114 : vector<4x16x8x128xi1>, vector<4x16x8x128xf32>
      %get3A_116 = arith.index_cast %mul3A_47 : i32 to index
      %get3A_117 = arith.constant 0 : index
      %get3A_118 = arith.constant 0 : index
      %get3A_119 = vector.load %arg1[%get3A_116, %get3A_117, %get3A_118] : memref<32x16x16xf32, #tpu.memory_space<vmem>>, vector<4x16x16xf32>
      %transpose3A = tpu.transpose %abs3A, [0, 2, 1] : vector<4x16x8xi32> -> vector<4x8x16xi32>
      %transpose3A_120 = tpu.transpose %select_n3A_58, [0, 2, 1] : vector<4x16x8xf32> -> vector<4x8x16xf32>
      %mul3A_121 = arith.constant 1.250000e-01 : f32
      %mul3A_122 = vector.broadcast %mul3A_121 : f32 to vector<4x8x16xf32>
      %mul3A_123 = arith.mulf %transpose3A_120, %mul3A_122 : vector<4x8x16xf32>
      %broadcast_in_dim3A_124 = vector.shape_cast %reduce_sum3A_97 : vector<4x16x16xf32> to vector<4x16x16x1xf32>
      %sub3A_125 = vector.broadcast %broadcast_in_dim3A_124 : vector<4x16x16x1xf32> to vector<4x16x16x8xf32>
      %sub3A_126 = arith.subf %sub3A_125, %mul3A_95 : vector<4x16x16x8xf32>
      %mul3A_127 = arith.constant 1.250000e-01 : f32
      %mul3A_128 = vector.broadcast %mul3A_127 : f32 to vector<4x16x16x8xf32>
      %mul3A_129 = arith.mulf %sub3A_126, %mul3A_128 : vector<4x16x16x8xf32>
      %transpose3A_130 = tpu.transpose %mul3A_129, [0, 1, 3, 2] : vector<4x16x16x8xf32> -> vector<4x16x8x16xf32>
      %broadcast_in_dim3A_131 = arith.constant 0.000000e+00 : f32
      %broadcast_in_dim3A_132 = vector.broadcast %broadcast_in_dim3A_131 : f32 to vector<4x16x8x128xf32>
      %broadcast_in_dim3A_133 = arith.constant 0.000000e+00 : f32
      %broadcast_in_dim3A_134 = vector.broadcast %broadcast_in_dim3A_133 : f32 to vector<4x16x8x128xf32>
      %broadcast_in_dim3A_135 = arith.constant 0.000000e+00 : f32
      %broadcast_in_dim3A_136 = vector.broadcast %broadcast_in_dim3A_135 : f32 to vector<4x16x8xf32>
      %slice3A_137 = vector.extract_strided_slice %transpose3A {offsets = [0, 0, 0], sizes = [4, 8, 1], strides = [1, 1, 1]} : vector<4x8x16xi32> to vector<4x8x1xi32>
      %broadcast_in_dim3A_138 = vector.shape_cast %slice3A_137 : vector<4x8x1xi32> to vector<4x1x8x1xi32>
      %slice3A_139 = vector.extract_strided_slice %mul3A_123 {offsets = [0, 0, 0], sizes = [4, 8, 1], strides = [1, 1, 1]} : vector<4x8x16xf32> to vector<4x8x1xf32>
      %broadcast_in_dim3A_140 = vector.shape_cast %slice3A_139 : vector<4x8x1xf32> to vector<4x1x8x1xf32>
      %xor3A_141 = vector.broadcast %broadcast_in_dim3A_138 : vector<4x1x8x1xi32> to vector<4x16x8x128xi32>
      %xor3A_142 = arith.xori %xor3A_107, %xor3A_141 : vector<4x16x8x128xi32>
      %add3A_143 = arith.constant 1 : i32
      %add3A_144 = vector.broadcast %add3A_143 : i32 to vector<4x16x8x128xi32>
      %add3A_145 = arith.addi %xor3A_142, %add3A_144 : vector<4x16x8x128xi32>
      %convert_element_type3A_146 = arith.sitofp %add3A_145 : vector<4x16x8x128xi32> to vector<4x16x8x128xf32>
      %bitcast_convert_type3A_147 = tpu.bitcast %convert_element_type3A_146 : vector<4x16x8x128xf32> -> vector<4x16x8x128xi32>
      %shift_right_logical3A_148 = arith.constant 23 : i32
      %shift_right_logical3A_149 = vector.broadcast %shift_right_logical3A_148 : i32 to vector<4x16x8x128xi32>
      %shift_right_logical3A_150 = arith.shrui %bitcast_convert_type3A_147, %shift_right_logical3A_149 : vector<4x16x8x128xi32>
      %and3A_151 = arith.andi %add3A_145, %xor3A_142 : vector<4x16x8x128xi32>
      %eq3A_152 = arith.constant 0 : i32
      %eq3A_153 = vector.broadcast %eq3A_152 : i32 to vector<4x16x8x128xi32>
      %eq3A_154 = arith.cmpi eq, %and3A_151, %eq3A_153 : vector<4x16x8x128xi32>
      %and3A_155 = arith.constant 63688 : i32
      %and3A_156 = vector.broadcast %and3A_155 : i32 to vector<4x16x8x128xi32>
      %and3A_157 = arith.andi %add3A_145, %and3A_156 : vector<4x16x8x128xi32>
      %ne3A_158 = arith.constant 0 : i32
      %ne3A_159 = vector.broadcast %ne3A_158 : i32 to vector<4x16x8x128xi32>
      %ne3A_160 = arith.cmpi ne, %and3A_157, %ne3A_159 : vector<4x16x8x128xi32>
      %and3A_161 = arith.andi %eq3A_154, %ne3A_160 : vector<4x16x8x128xi1>
      %jit3A_162 = arith.constant 1 : i32
      %jit3A_163 = arith.constant 0 : i32
      %broadcast_in_dim3A_164 = vector.broadcast %jit3A_162 : i32 to vector<4x16x8x128xi32>
      %broadcast_in_dim3A_165 = vector.broadcast %jit3A_163 : i32 to vector<4x16x8x128xi32>
      %select_n3A_166 = arith.select %and3A_161, %broadcast_in_dim3A_164, %broadcast_in_dim3A_165 : vector<4x16x8x128xi1>, vector<4x16x8x128xi32>
      %sub3A_167 = arith.constant 142 : i32
      %sub3A_168 = vector.broadcast %sub3A_167 : i32 to vector<4x16x8x128xi32>
      %sub3A_169 = arith.subi %sub3A_168, %shift_right_logical3A_150 : vector<4x16x8x128xi32>
      %add3A_170 = arith.addi %sub3A_169, %select_n3A_166 : vector<4x16x8x128xi32>
      %convert_element_type3A_171 = arith.sitofp %add3A_170 : vector<4x16x8x128xi32> to vector<4x16x8x128xf32>
      %mul3A_172 = arith.constant 6.250000e-02 : f32
      %mul3A_173 = vector.broadcast %mul3A_172 : f32 to vector<4x16x8x128xf32>
      %mul3A_174 = arith.mulf %convert_element_type3A_171, %mul3A_173 : vector<4x16x8x128xf32>
      %mul3A_175 = vector.broadcast %broadcast_in_dim3A_140 : vector<4x1x8x1xf32> to vector<4x16x8x128xf32>
      %mul3A_176 = arith.mulf %mul3A_174, %mul3A_175 : vector<4x16x8x128xf32>
      %slice3A_177 = vector.extract_strided_slice %transpose3A_130 {offsets = [0, 0, 0, 0], sizes = [4, 16, 8, 1], strides = [1, 1, 1, 1]} : vector<4x16x8x16xf32> to vector<4x16x8x1xf32>
      %slice3A_178 = vector.extract_strided_slice %get3A_119 {offsets = [0, 0, 0], sizes = [4, 16, 1], strides = [1, 1, 1]} : vector<4x16x16xf32> to vector<4x16x1xf32>
      %squeeze3A = vector.shape_cast %slice3A_178 : vector<4x16x1xf32> to vector<4x16xf32>
      %broadcast_in_dim3A_179 = vector.shape_cast %squeeze3A : vector<4x16xf32> to vector<4x16x1x1xf32>
      %add3A_180 = vector.broadcast %slice3A_177 : vector<4x16x8x1xf32> to vector<4x16x8x128xf32>
      %add3A_181 = arith.addf %mul3A_176, %add3A_180 : vector<4x16x8x128xf32>
      %sub3A_182 = vector.broadcast %broadcast_in_dim3A_179 : vector<4x16x1x1xf32> to vector<4x16x8x128xf32>
      %sub3A_183 = arith.subf %add3A_181, %sub3A_182 : vector<4x16x8x128xf32>
      %abs3A_184 = math.absf %sub3A_183 : vector<4x16x8x128xf32>
      %add3A_185 = arith.addf %broadcast_in_dim3A_132, %abs3A_184 : vector<4x16x8x128xf32>
      %mul3A_186 = arith.mulf %mul3A_176, %select_n3A_115 : vector<4x16x8x128xf32>
      %add3A_187 = vector.broadcast %slice3A_177 : vector<4x16x8x1xf32> to vector<4x16x8x128xf32>
      %add3A_188 = arith.addf %mul3A_186, %add3A_187 : vector<4x16x8x128xf32>
      %sub3A_189 = vector.broadcast %broadcast_in_dim3A_179 : vector<4x16x1x1xf32> to vector<4x16x8x128xf32>
      %sub3A_190 = arith.subf %add3A_188, %sub3A_189 : vector<4x16x8x128xf32>
      %abs3A_191 = math.absf %sub3A_190 : vector<4x16x8x128xf32>
      %add3A_192 = arith.addf %broadcast_in_dim3A_134, %abs3A_191 : vector<4x16x8x128xf32>
      %slice3A_193 = vector.extract_strided_slice %transpose3A {offsets = [0, 0, 0], sizes = [4, 8, 1], strides = [1, 1, 1]} : vector<4x8x16xi32> to vector<4x8x1xi32>
      %squeeze3A_194 = vector.shape_cast %slice3A_193 : vector<4x8x1xi32> to vector<4x8xi32>
      %broadcast_in_dim3A_195 = vector.shape_cast %squeeze3A_194 : vector<4x8xi32> to vector<4x1x8xi32>
      %xor3A_196 = vector.broadcast %broadcast_in_dim3A_195 : vector<4x1x8xi32> to vector<4x16x8xi32>
      %xor3A_197 = arith.xori %abs3A, %xor3A_196 : vector<4x16x8xi32>
      %add3A_198 = arith.constant 1 : i32
      %add3A_199 = vector.broadcast %add3A_198 : i32 to vector<4x16x8xi32>
      %add3A_200 = arith.addi %xor3A_197, %add3A_199 : vector<4x16x8xi32>
      %convert_element_type3A_201 = arith.sitofp %add3A_200 : vector<4x16x8xi32> to vector<4x16x8xf32>
      %bitcast_convert_type3A_202 = tpu.bitcast %convert_element_type3A_201 : vector<4x16x8xf32> -> vector<4x16x8xi32>
      %shift_right_logical3A_203 = arith.constant 23 : i32
      %shift_right_logical3A_204 = vector.broadcast %shift_right_logical3A_203 : i32 to vector<4x16x8xi32>
      %shift_right_logical3A_205 = arith.shrui %bitcast_convert_type3A_202, %shift_right_logical3A_204 : vector<4x16x8xi32>
      %and3A_206 = arith.andi %add3A_200, %xor3A_197 : vector<4x16x8xi32>
      %eq3A_207 = arith.constant 0 : i32
      %eq3A_208 = vector.broadcast %eq3A_207 : i32 to vector<4x16x8xi32>
      %eq3A_209 = arith.cmpi eq, %and3A_206, %eq3A_208 : vector<4x16x8xi32>
      %and3A_210 = arith.constant 63688 : i32
      %and3A_211 = vector.broadcast %and3A_210 : i32 to vector<4x16x8xi32>
      %and3A_212 = arith.andi %add3A_200, %and3A_211 : vector<4x16x8xi32>
      %ne3A_213 = arith.constant 0 : i32
      %ne3A_214 = vector.broadcast %ne3A_213 : i32 to vector<4x16x8xi32>
      %ne3A_215 = arith.cmpi ne, %and3A_212, %ne3A_214 : vector<4x16x8xi32>
      %and3A_216 = arith.andi %eq3A_209, %ne3A_215 : vector<4x16x8xi1>
      %jit3A_217 = arith.constant 1 : i32
      %jit3A_218 = arith.constant 0 : i32
      %broadcast_in_dim3A_219 = vector.broadcast %jit3A_217 : i32 to vector<4x16x8xi32>
      %broadcast_in_dim3A_220 = vector.broadcast %jit3A_218 : i32 to vector<4x16x8xi32>
      %select_n3A_221 = arith.select %and3A_216, %broadcast_in_dim3A_219, %broadcast_in_dim3A_220 : vector<4x16x8xi1>, vector<4x16x8xi32>
      %sub3A_222 = arith.constant 142 : i32
      %sub3A_223 = vector.broadcast %sub3A_222 : i32 to vector<4x16x8xi32>
      %sub3A_224 = arith.subi %sub3A_223, %shift_right_logical3A_205 : vector<4x16x8xi32>
      %add3A_225 = arith.addi %sub3A_224, %select_n3A_221 : vector<4x16x8xi32>
      %convert_element_type3A_226 = arith.sitofp %add3A_225 : vector<4x16x8xi32> to vector<4x16x8xf32>
      %mul3A_227 = arith.constant 6.250000e-02 : f32
      %mul3A_228 = vector.broadcast %mul3A_227 : f32 to vector<4x16x8xf32>
      %mul3A_229 = arith.mulf %convert_element_type3A_226, %mul3A_228 : vector<4x16x8xf32>
      %slice3A_230 = vector.extract_strided_slice %mul3A_123 {offsets = [0, 0, 0], sizes = [4, 8, 1], strides = [1, 1, 1]} : vector<4x8x16xf32> to vector<4x8x1xf32>
      %squeeze3A_231 = vector.shape_cast %slice3A_230 : vector<4x8x1xf32> to vector<4x8xf32>
      %broadcast_in_dim3A_232 = vector.shape_cast %squeeze3A_231 : vector<4x8xf32> to vector<4x1x8xf32>
      %mul3A_233 = vector.broadcast %broadcast_in_dim3A_232 : vector<4x1x8xf32> to vector<4x16x8xf32>
      %mul3A_234 = arith.mulf %mul3A_229, %mul3A_233 : vector<4x16x8xf32>
      %slice3A_235 = vector.extract_strided_slice %transpose3A_130 {offsets = [0, 0, 0, 0], sizes = [4, 16, 8, 1], strides = [1, 1, 1, 1]} : vector<4x16x8x16xf32> to vector<4x16x8x1xf32>
      %squeeze3A_236 = vector.shape_cast %slice3A_235 : vector<4x16x8x1xf32> to vector<4x16x8xf32>
      %add3A_237 = arith.addf %mul3A_234, %squeeze3A_236 : vector<4x16x8xf32>
      %slice3A_238 = vector.extract_strided_slice %get3A_119 {offsets = [0, 0, 0], sizes = [4, 16, 1], strides = [1, 1, 1]} : vector<4x16x16xf32> to vector<4x16x1xf32>
      %squeeze3A_239 = vector.shape_cast %slice3A_238 : vector<4x16x1xf32> to vector<4x16xf32>
      %broadcast_in_dim3A_240 = vector.shape_cast %squeeze3A_239 : vector<4x16xf32> to vector<4x16x1xf32>
      %sub3A_241 = vector.broadcast %broadcast_in_dim3A_240 : vector<4x16x1xf32> to vector<4x16x8xf32>
      %sub3A_242 = arith.subf %add3A_237, %sub3A_241 : vector<4x16x8xf32>
      %abs3A_243 = math.absf %sub3A_242 : vector<4x16x8xf32>
      %add3A_244 = arith.addf %broadcast_in_dim3A_136, %abs3A_243 : vector<4x16x8xf32>
      %slice3A_245 = vector.extract_strided_slice %transpose3A {offsets = [0, 0, 1], sizes = [4, 8, 1], strides = [1, 1, 1]} : vector<4x8x16xi32> to vector<4x8x1xi32>
      %broadcast_in_dim3A_246 = vector.shape_cast %slice3A_245 : vector<4x8x1xi32> to vector<4x1x8x1xi32>
      %slice3A_247 = vector.extract_strided_slice %mul3A_123 {offsets = [0, 0, 1], sizes = [4, 8, 1], strides = [1, 1, 1]} : vector<4x8x16xf32> to vector<4x8x1xf32>
      %broadcast_in_dim3A_248 = vector.shape_cast %slice3A_247 : vector<4x8x1xf32> to vector<4x1x8x1xf32>
      %xor3A_249 = vector.broadcast %broadcast_in_dim3A_246 : vector<4x1x8x1xi32> to vector<4x16x8x128xi32>
      %xor3A_250 = arith.xori %xor3A_107, %xor3A_249 : vector<4x16x8x128xi32>
      %add3A_251 = arith.constant 1 : i32
      %add3A_252 = vector.broadcast %add3A_251 : i32 to vector<4x16x8x128xi32>
      %add3A_253 = arith.addi %xor3A_250, %add3A_252 : vector<4x16x8x128xi32>
      %convert_element_type3A_254 = arith.sitofp %add3A_253 : vector<4x16x8x128xi32> to vector<4x16x8x128xf32>
      %bitcast_convert_type3A_255 = tpu.bitcast %convert_element_type3A_254 : vector<4x16x8x128xf32> -> vector<4x16x8x128xi32>
      %shift_right_logical3A_256 = arith.constant 23 : i32
      %shift_right_logical3A_257 = vector.broadcast %shift_right_logical3A_256 : i32 to vector<4x16x8x128xi32>
      %shift_right_logical3A_258 = arith.shrui %bitcast_convert_type3A_255, %shift_right_logical3A_257 : vector<4x16x8x128xi32>
      %and3A_259 = arith.andi %add3A_253, %xor3A_250 : vector<4x16x8x128xi32>
      %eq3A_260 = arith.constant 0 : i32
      %eq3A_261 = vector.broadcast %eq3A_260 : i32 to vector<4x16x8x128xi32>
      %eq3A_262 = arith.cmpi eq, %and3A_259, %eq3A_261 : vector<4x16x8x128xi32>
      %and3A_263 = arith.constant 63688 : i32
      %and3A_264 = vector.broadcast %and3A_263 : i32 to vector<4x16x8x128xi32>
      %and3A_265 = arith.andi %add3A_253, %and3A_264 : vector<4x16x8x128xi32>
      %ne3A_266 = arith.constant 0 : i32
      %ne3A_267 = vector.broadcast %ne3A_266 : i32 to vector<4x16x8x128xi32>
      %ne3A_268 = arith.cmpi ne, %and3A_265, %ne3A_267 : vector<4x16x8x128xi32>
      %and3A_269 = arith.andi %eq3A_262, %ne3A_268 : vector<4x16x8x128xi1>
      %jit3A_270 = arith.constant 1 : i32
      %jit3A_271 = arith.constant 0 : i32
      %broadcast_in_dim3A_272 = vector.broadcast %jit3A_270 : i32 to vector<4x16x8x128xi32>
      %broadcast_in_dim3A_273 = vector.broadcast %jit3A_271 : i32 to vector<4x16x8x128xi32>
      %select_n3A_274 = arith.select %and3A_269, %broadcast_in_dim3A_272, %broadcast_in_dim3A_273 : vector<4x16x8x128xi1>, vector<4x16x8x128xi32>
      %sub3A_275 = arith.constant 142 : i32
      %sub3A_276 = vector.broadcast %sub3A_275 : i32 to vector<4x16x8x128xi32>
      %sub3A_277 = arith.subi %sub3A_276, %shift_right_logical3A_258 : vector<4x16x8x128xi32>
      %add3A_278 = arith.addi %sub3A_277, %select_n3A_274 : vector<4x16x8x128xi32>
      %convert_element_type3A_279 = arith.sitofp %add3A_278 : vector<4x16x8x128xi32> to vector<4x16x8x128xf32>
      %mul3A_280 = arith.constant 6.250000e-02 : f32
      %mul3A_281 = vector.broadcast %mul3A_280 : f32 to vector<4x16x8x128xf32>
      %mul3A_282 = arith.mulf %convert_element_type3A_279, %mul3A_281 : vector<4x16x8x128xf32>
      %mul3A_283 = vector.broadcast %broadcast_in_dim3A_248 : vector<4x1x8x1xf32> to vector<4x16x8x128xf32>
      %mul3A_284 = arith.mulf %mul3A_282, %mul3A_283 : vector<4x16x8x128xf32>
      %slice3A_285 = vector.extract_strided_slice %transpose3A_130 {offsets = [0, 0, 0, 1], sizes = [4, 16, 8, 1], strides = [1, 1, 1, 1]} : vector<4x16x8x16xf32> to vector<4x16x8x1xf32>
      %slice3A_286 = vector.extract_strided_slice %get3A_119 {offsets = [0, 0, 1], sizes = [4, 16, 1], strides = [1, 1, 1]} : vector<4x16x16xf32> to vector<4x16x1xf32>
      %squeeze3A_287 = vector.shape_cast %slice3A_286 : vector<4x16x1xf32> to vector<4x16xf32>
      %broadcast_in_dim3A_288 = vector.shape_cast %squeeze3A_287 : vector<4x16xf32> to vector<4x16x1x1xf32>
      %add3A_289 = vector.broadcast %slice3A_285 : vector<4x16x8x1xf32> to vector<4x16x8x128xf32>
      %add3A_290 = arith.addf %mul3A_284, %add3A_289 : vector<4x16x8x128xf32>
      %sub3A_291 = vector.broadcast %broadcast_in_dim3A_288 : vector<4x16x1x1xf32> to vector<4x16x8x128xf32>
      %sub3A_292 = arith.subf %add3A_290, %sub3A_291 : vector<4x16x8x128xf32>
      %abs3A_293 = math.absf %sub3A_292 : vector<4x16x8x128xf32>
      %add3A_294 = arith.addf %add3A_185, %abs3A_293 : vector<4x16x8x128xf32>
      %mul3A_295 = arith.mulf %mul3A_284, %select_n3A_115 : vector<4x16x8x128xf32>
      %add3A_296 = vector.broadcast %slice3A_285 : vector<4x16x8x1xf32> to vector<4x16x8x128xf32>
      %add3A_297 = arith.addf %mul3A_295, %add3A_296 : vector<4x16x8x128xf32>
      %sub3A_298 = vector.broadcast %broadcast_in_dim3A_288 : vector<4x16x1x1xf32> to vector<4x16x8x128xf32>
      %sub3A_299 = arith.subf %add3A_297, %sub3A_298 : vector<4x16x8x128xf32>
      %abs3A_300 = math.absf %sub3A_299 : vector<4x16x8x128xf32>
      %add3A_301 = arith.addf %add3A_192, %abs3A_300 : vector<4x16x8x128xf32>
      %slice3A_302 = vector.extract_strided_slice %transpose3A {offsets = [0, 0, 1], sizes = [4, 8, 1], strides = [1, 1, 1]} : vector<4x8x16xi32> to vector<4x8x1xi32>
      %squeeze3A_303 = vector.shape_cast %slice3A_302 : vector<4x8x1xi32> to vector<4x8xi32>
      %broadcast_in_dim3A_304 = vector.shape_cast %squeeze3A_303 : vector<4x8xi32> to vector<4x1x8xi32>
      %xor3A_305 = vector.broadcast %broadcast_in_dim3A_304 : vector<4x1x8xi32> to vector<4x16x8xi32>
      %xor3A_306 = arith.xori %abs3A, %xor3A_305 : vector<4x16x8xi32>
      %add3A_307 = arith.constant 1 : i32
      %add3A_308 = vector.broadcast %add3A_307 : i32 to vector<4x16x8xi32>
      %add3A_309 = arith.addi %xor3A_306, %add3A_308 : vector<4x16x8xi32>
      %convert_element_type3A_310 = arith.sitofp %add3A_309 : vector<4x16x8xi32> to vector<4x16x8xf32>
      %bitcast_convert_type3A_311 = tpu.bitcast %convert_element_type3A_310 : vector<4x16x8xf32> -> vector<4x16x8xi32>
      %shift_right_logical3A_312 = arith.constant 23 : i32
      %shift_right_logical3A_313 = vector.broadcast %shift_right_logical3A_312 : i32 to vector<4x16x8xi32>
      %shift_right_logical3A_314 = arith.shrui %bitcast_convert_type3A_311, %shift_right_logical3A_313 : vector<4x16x8xi32>
      %and3A_315 = arith.andi %add3A_309, %xor3A_306 : vector<4x16x8xi32>
      %eq3A_316 = arith.constant 0 : i32
      %eq3A_317 = vector.broadcast %eq3A_316 : i32 to vector<4x16x8xi32>
      %eq3A_318 = arith.cmpi eq, %and3A_315, %eq3A_317 : vector<4x16x8xi32>
      %and3A_319 = arith.constant 63688 : i32
      %and3A_320 = vector.broadcast %and3A_319 : i32 to vector<4x16x8xi32>
      %and3A_321 = arith.andi %add3A_309, %and3A_320 : vector<4x16x8xi32>
      %ne3A_322 = arith.constant 0 : i32
      %ne3A_323 = vector.broadcast %ne3A_322 : i32 to vector<4x16x8xi32>
      %ne3A_324 = arith.cmpi ne, %and3A_321, %ne3A_323 : vector<4x16x8xi32>
      %and3A_325 = arith.andi %eq3A_318, %ne3A_324 : vector<4x16x8xi1>
      %jit3A_326 = arith.constant 1 : i32
      %jit3A_327 = arith.constant 0 : i32
      %broadcast_in_dim3A_328 = vector.broadcast %jit3A_326 : i32 to vector<4x16x8xi32>
      %broadcast_in_dim3A_329 = vector.broadcast %jit3A_327 : i32 to vector<4x16x8xi32>
      %select_n3A_330 = arith.select %and3A_325, %broadcast_in_dim3A_328, %broadcast_in_dim3A_329 : vector<4x16x8xi1>, vector<4x16x8xi32>
      %sub3A_331 = arith.constant 142 : i32
      %sub3A_332 = vector.broadcast %sub3A_331 : i32 to vector<4x16x8xi32>
      %sub3A_333 = arith.subi %sub3A_332, %shift_right_logical3A_314 : vector<4x16x8xi32>
      %add3A_334 = arith.addi %sub3A_333, %select_n3A_330 : vector<4x16x8xi32>
      %convert_element_type3A_335 = arith.sitofp %add3A_334 : vector<4x16x8xi32> to vector<4x16x8xf32>
      %mul3A_336 = arith.constant 6.250000e-02 : f32
      %mul3A_337 = vector.broadcast %mul3A_336 : f32 to vector<4x16x8xf32>
      %mul3A_338 = arith.mulf %convert_element_type3A_335, %mul3A_337 : vector<4x16x8xf32>
      %slice3A_339 = vector.extract_strided_slice %mul3A_123 {offsets = [0, 0, 1], sizes = [4, 8, 1], strides = [1, 1, 1]} : vector<4x8x16xf32> to vector<4x8x1xf32>
      %squeeze3A_340 = vector.shape_cast %slice3A_339 : vector<4x8x1xf32> to vector<4x8xf32>
      %broadcast_in_dim3A_341 = vector.shape_cast %squeeze3A_340 : vector<4x8xf32> to vector<4x1x8xf32>
      %mul3A_342 = vector.broadcast %broadcast_in_dim3A_341 : vector<4x1x8xf32> to vector<4x16x8xf32>
      %mul3A_343 = arith.mulf %mul3A_338, %mul3A_342 : vector<4x16x8xf32>
      %slice3A_344 = vector.extract_strided_slice %transpose3A_130 {offsets = [0, 0, 0, 1], sizes = [4, 16, 8, 1], strides = [1, 1, 1, 1]} : vector<4x16x8x16xf32> to vector<4x16x8x1xf32>
      %squeeze3A_345 = vector.shape_cast %slice3A_344 : vector<4x16x8x1xf32> to vector<4x16x8xf32>
      %add3A_346 = arith.addf %mul3A_343, %squeeze3A_345 : vector<4x16x8xf32>
      %slice3A_347 = vector.extract_strided_slice %get3A_119 {offsets = [0, 0, 1], sizes = [4, 16, 1], strides = [1, 1, 1]} : vector<4x16x16xf32> to vector<4x16x1xf32>
      %squeeze3A_348 = vector.shape_cast %slice3A_347 : vector<4x16x1xf32> to vector<4x16xf32>
      %broadcast_in_dim3A_349 = vector.shape_cast %squeeze3A_348 : vector<4x16xf32> to vector<4x16x1xf32>
      %sub3A_350 = vector.broadcast %broadcast_in_dim3A_349 : vector<4x16x1xf32> to vector<4x16x8xf32>
      %sub3A_351 = arith.subf %add3A_346, %sub3A_350 : vector<4x16x8xf32>
      %abs3A_352 = math.absf %sub3A_351 : vector<4x16x8xf32>
      %add3A_353 = arith.addf %add3A_244, %abs3A_352 : vector<4x16x8xf32>
      %slice3A_354 = vector.extract_strided_slice %transpose3A {offsets = [0, 0, 2], sizes = [4, 8, 1], strides = [1, 1, 1]} : vector<4x8x16xi32> to vector<4x8x1xi32>
      %broadcast_in_dim3A_355 = vector.shape_cast %slice3A_354 : vector<4x8x1xi32> to vector<4x1x8x1xi32>
      %slice3A_356 = vector.extract_strided_slice %mul3A_123 {offsets = [0, 0, 2], sizes = [4, 8, 1], strides = [1, 1, 1]} : vector<4x8x16xf32> to vector<4x8x1xf32>
      %broadcast_in_dim3A_357 = vector.shape_cast %slice3A_356 : vector<4x8x1xf32> to vector<4x1x8x1xf32>
      %xor3A_358 = vector.broadcast %broadcast_in_dim3A_355 : vector<4x1x8x1xi32> to vector<4x16x8x128xi32>
      %xor3A_359 = arith.xori %xor3A_107, %xor3A_358 : vector<4x16x8x128xi32>
      %add3A_360 = arith.constant 1 : i32
      %add3A_361 = vector.broadcast %add3A_360 : i32 to vector<4x16x8x128xi32>
      %add3A_362 = arith.addi %xor3A_359, %add3A_361 : vector<4x16x8x128xi32>
      %convert_element_type3A_363 = arith.sitofp %add3A_362 : vector<4x16x8x128xi32> to vector<4x16x8x128xf32>
      %bitcast_convert_type3A_364 = tpu.bitcast %convert_element_type3A_363 : vector<4x16x8x128xf32> -> vector<4x16x8x128xi32>
      %shift_right_logical3A_365 = arith.constant 23 : i32
      %shift_right_logical3A_366 = vector.broadcast %shift_right_logical3A_365 : i32 to vector<4x16x8x128xi32>
      %shift_right_logical3A_367 = arith.shrui %bitcast_convert_type3A_364, %shift_right_logical3A_366 : vector<4x16x8x128xi32>
      %and3A_368 = arith.andi %add3A_362, %xor3A_359 : vector<4x16x8x128xi32>
      %eq3A_369 = arith.constant 0 : i32
      %eq3A_370 = vector.broadcast %eq3A_369 : i32 to vector<4x16x8x128xi32>
      %eq3A_371 = arith.cmpi eq, %and3A_368, %eq3A_370 : vector<4x16x8x128xi32>
      %and3A_372 = arith.constant 63688 : i32
      %and3A_373 = vector.broadcast %and3A_372 : i32 to vector<4x16x8x128xi32>
      %and3A_374 = arith.andi %add3A_362, %and3A_373 : vector<4x16x8x128xi32>
      %ne3A_375 = arith.constant 0 : i32
      %ne3A_376 = vector.broadcast %ne3A_375 : i32 to vector<4x16x8x128xi32>
      %ne3A_377 = arith.cmpi ne, %and3A_374, %ne3A_376 : vector<4x16x8x128xi32>
      %and3A_378 = arith.andi %eq3A_371, %ne3A_377 : vector<4x16x8x128xi1>
      %jit3A_379 = arith.constant 1 : i32
      %jit3A_380 = arith.constant 0 : i32
      %broadcast_in_dim3A_381 = vector.broadcast %jit3A_379 : i32 to vector<4x16x8x128xi32>
      %broadcast_in_dim3A_382 = vector.broadcast %jit3A_380 : i32 to vector<4x16x8x128xi32>
      %select_n3A_383 = arith.select %and3A_378, %broadcast_in_dim3A_381, %broadcast_in_dim3A_382 : vector<4x16x8x128xi1>, vector<4x16x8x128xi32>
      %sub3A_384 = arith.constant 142 : i32
      %sub3A_385 = vector.broadcast %sub3A_384 : i32 to vector<4x16x8x128xi32>
      %sub3A_386 = arith.subi %sub3A_385, %shift_right_logical3A_367 : vector<4x16x8x128xi32>
      %add3A_387 = arith.addi %sub3A_386, %select_n3A_383 : vector<4x16x8x128xi32>
      %convert_element_type3A_388 = arith.sitofp %add3A_387 : vector<4x16x8x128xi32> to vector<4x16x8x128xf32>
      %mul3A_389 = arith.constant 6.250000e-02 : f32
      %mul3A_390 = vector.broadcast %mul3A_389 : f32 to vector<4x16x8x128xf32>
      %mul3A_391 = arith.mulf %convert_element_type3A_388, %mul3A_390 : vector<4x16x8x128xf32>
      %mul3A_392 = vector.broadcast %broadcast_in_dim3A_357 : vector<4x1x8x1xf32> to vector<4x16x8x128xf32>
      %mul3A_393 = arith.mulf %mul3A_391, %mul3A_392 : vector<4x16x8x128xf32>
      %slice3A_394 = vector.extract_strided_slice %transpose3A_130 {offsets = [0, 0, 0, 2], sizes = [4, 16, 8, 1], strides = [1, 1, 1, 1]} : vector<4x16x8x16xf32> to vector<4x16x8x1xf32>
      %slice3A_395 = vector.extract_strided_slice %get3A_119 {offsets = [0, 0, 2], sizes = [4, 16, 1], strides = [1, 1, 1]} : vector<4x16x16xf32> to vector<4x16x1xf32>
      %squeeze3A_396 = vector.shape_cast %slice3A_395 : vector<4x16x1xf32> to vector<4x16xf32>
      %broadcast_in_dim3A_397 = vector.shape_cast %squeeze3A_396 : vector<4x16xf32> to vector<4x16x1x1xf32>
      %add3A_398 = vector.broadcast %slice3A_394 : vector<4x16x8x1xf32> to vector<4x16x8x128xf32>
      %add3A_399 = arith.addf %mul3A_393, %add3A_398 : vector<4x16x8x128xf32>
      %sub3A_400 = vector.broadcast %broadcast_in_dim3A_397 : vector<4x16x1x1xf32> to vector<4x16x8x128xf32>
      %sub3A_401 = arith.subf %add3A_399, %sub3A_400 : vector<4x16x8x128xf32>
      %abs3A_402 = math.absf %sub3A_401 : vector<4x16x8x128xf32>
      %add3A_403 = arith.addf %add3A_294, %abs3A_402 : vector<4x16x8x128xf32>
      %mul3A_404 = arith.mulf %mul3A_393, %select_n3A_115 : vector<4x16x8x128xf32>
      %add3A_405 = vector.broadcast %slice3A_394 : vector<4x16x8x1xf32> to vector<4x16x8x128xf32>
      %add3A_406 = arith.addf %mul3A_404, %add3A_405 : vector<4x16x8x128xf32>
      %sub3A_407 = vector.broadcast %broadcast_in_dim3A_397 : vector<4x16x1x1xf32> to vector<4x16x8x128xf32>
      %sub3A_408 = arith.subf %add3A_406, %sub3A_407 : vector<4x16x8x128xf32>
      %abs3A_409 = math.absf %sub3A_408 : vector<4x16x8x128xf32>
      %add3A_410 = arith.addf %add3A_301, %abs3A_409 : vector<4x16x8x128xf32>
      %slice3A_411 = vector.extract_strided_slice %transpose3A {offsets = [0, 0, 2], sizes = [4, 8, 1], strides = [1, 1, 1]} : vector<4x8x16xi32> to vector<4x8x1xi32>
      %squeeze3A_412 = vector.shape_cast %slice3A_411 : vector<4x8x1xi32> to vector<4x8xi32>
      %broadcast_in_dim3A_413 = vector.shape_cast %squeeze3A_412 : vector<4x8xi32> to vector<4x1x8xi32>
      %xor3A_414 = vector.broadcast %broadcast_in_dim3A_413 : vector<4x1x8xi32> to vector<4x16x8xi32>
      %xor3A_415 = arith.xori %abs3A, %xor3A_414 : vector<4x16x8xi32>
      %add3A_416 = arith.constant 1 : i32
      %add3A_417 = vector.broadcast %add3A_416 : i32 to vector<4x16x8xi32>
      %add3A_418 = arith.addi %xor3A_415, %add3A_417 : vector<4x16x8xi32>
      %convert_element_type3A_419 = arith.sitofp %add3A_418 : vector<4x16x8xi32> to vector<4x16x8xf32>
      %bitcast_convert_type3A_420 = tpu.bitcast %convert_element_type3A_419 : vector<4x16x8xf32> -> vector<4x16x8xi32>
      %shift_right_logical3A_421 = arith.constant 23 : i32
      %shift_right_logical3A_422 = vector.broadcast %shift_right_logical3A_421 : i32 to vector<4x16x8xi32>
      %shift_right_logical3A_423 = arith.shrui %bitcast_convert_type3A_420, %shift_right_logical3A_422 : vector<4x16x8xi32>
      %and3A_424 = arith.andi %add3A_418, %xor3A_415 : vector<4x16x8xi32>
      %eq3A_425 = arith.constant 0 : i32
      %eq3A_426 = vector.broadcast %eq3A_425 : i32 to vector<4x16x8xi32>
      %eq3A_427 = arith.cmpi eq, %and3A_424, %eq3A_426 : vector<4x16x8xi32>
      %and3A_428 = arith.constant 63688 : i32
      %and3A_429 = vector.broadcast %and3A_428 : i32 to vector<4x16x8xi32>
      %and3A_430 = arith.andi %add3A_418, %and3A_429 : vector<4x16x8xi32>
      %ne3A_431 = arith.constant 0 : i32
      %ne3A_432 = vector.broadcast %ne3A_431 : i32 to vector<4x16x8xi32>
      %ne3A_433 = arith.cmpi ne, %and3A_430, %ne3A_432 : vector<4x16x8xi32>
      %and3A_434 = arith.andi %eq3A_427, %ne3A_433 : vector<4x16x8xi1>
      %jit3A_435 = arith.constant 1 : i32
      %jit3A_436 = arith.constant 0 : i32
      %broadcast_in_dim3A_437 = vector.broadcast %jit3A_435 : i32 to vector<4x16x8xi32>
      %broadcast_in_dim3A_438 = vector.broadcast %jit3A_436 : i32 to vector<4x16x8xi32>
      %select_n3A_439 = arith.select %and3A_434, %broadcast_in_dim3A_437, %broadcast_in_dim3A_438 : vector<4x16x8xi1>, vector<4x16x8xi32>
      %sub3A_440 = arith.constant 142 : i32
      %sub3A_441 = vector.broadcast %sub3A_440 : i32 to vector<4x16x8xi32>
      %sub3A_442 = arith.subi %sub3A_441, %shift_right_logical3A_423 : vector<4x16x8xi32>
      %add3A_443 = arith.addi %sub3A_442, %select_n3A_439 : vector<4x16x8xi32>
      %convert_element_type3A_444 = arith.sitofp %add3A_443 : vector<4x16x8xi32> to vector<4x16x8xf32>
      %mul3A_445 = arith.constant 6.250000e-02 : f32
      %mul3A_446 = vector.broadcast %mul3A_445 : f32 to vector<4x16x8xf32>
      %mul3A_447 = arith.mulf %convert_element_type3A_444, %mul3A_446 : vector<4x16x8xf32>
      %slice3A_448 = vector.extract_strided_slice %mul3A_123 {offsets = [0, 0, 2], sizes = [4, 8, 1], strides = [1, 1, 1]} : vector<4x8x16xf32> to vector<4x8x1xf32>
      %squeeze3A_449 = vector.shape_cast %slice3A_448 : vector<4x8x1xf32> to vector<4x8xf32>
      %broadcast_in_dim3A_450 = vector.shape_cast %squeeze3A_449 : vector<4x8xf32> to vector<4x1x8xf32>
      %mul3A_451 = vector.broadcast %broadcast_in_dim3A_450 : vector<4x1x8xf32> to vector<4x16x8xf32>
      %mul3A_452 = arith.mulf %mul3A_447, %mul3A_451 : vector<4x16x8xf32>
      %slice3A_453 = vector.extract_strided_slice %transpose3A_130 {offsets = [0, 0, 0, 2], sizes = [4, 16, 8, 1], strides = [1, 1, 1, 1]} : vector<4x16x8x16xf32> to vector<4x16x8x1xf32>
      %squeeze3A_454 = vector.shape_cast %slice3A_453 : vector<4x16x8x1xf32> to vector<4x16x8xf32>
      %add3A_455 = arith.addf %mul3A_452, %squeeze3A_454 : vector<4x16x8xf32>
      %slice3A_456 = vector.extract_strided_slice %get3A_119 {offsets = [0, 0, 2], sizes = [4, 16, 1], strides = [1, 1, 1]} : vector<4x16x16xf32> to vector<4x16x1xf32>
      %squeeze3A_457 = vector.shape_cast %slice3A_456 : vector<4x16x1xf32> to vector<4x16xf32>
      %broadcast_in_dim3A_458 = vector.shape_cast %squeeze3A_457 : vector<4x16xf32> to vector<4x16x1xf32>
      %sub3A_459 = vector.broadcast %broadcast_in_dim3A_458 : vector<4x16x1xf32> to vector<4x16x8xf32>
      %sub3A_460 = arith.subf %add3A_455, %sub3A_459 : vector<4x16x8xf32>
      %abs3A_461 = math.absf %sub3A_460 : vector<4x16x8xf32>
      %add3A_462 = arith.addf %add3A_353, %abs3A_461 : vector<4x16x8xf32>
      %slice3A_463 = vector.extract_strided_slice %transpose3A {offsets = [0, 0, 3], sizes = [4, 8, 1], strides = [1, 1, 1]} : vector<4x8x16xi32> to vector<4x8x1xi32>
      %broadcast_in_dim3A_464 = vector.shape_cast %slice3A_463 : vector<4x8x1xi32> to vector<4x1x8x1xi32>
      %slice3A_465 = vector.extract_strided_slice %mul3A_123 {offsets = [0, 0, 3], sizes = [4, 8, 1], strides = [1, 1, 1]} : vector<4x8x16xf32> to vector<4x8x1xf32>
      %broadcast_in_dim3A_466 = vector.shape_cast %slice3A_465 : vector<4x8x1xf32> to vector<4x1x8x1xf32>
      %xor3A_467 = vector.broadcast %broadcast_in_dim3A_464 : vector<4x1x8x1xi32> to vector<4x16x8x128xi32>
      %xor3A_468 = arith.xori %xor3A_107, %xor3A_467 : vector<4x16x8x128xi32>
      %add3A_469 = arith.constant 1 : i32
      %add3A_470 = vector.broadcast %add3A_469 : i32 to vector<4x16x8x128xi32>
      %add3A_471 = arith.addi %xor3A_468, %add3A_470 : vector<4x16x8x128xi32>
      %convert_element_type3A_472 = arith.sitofp %add3A_471 : vector<4x16x8x128xi32> to vector<4x16x8x128xf32>
      %bitcast_convert_type3A_473 = tpu.bitcast %convert_element_type3A_472 : vector<4x16x8x128xf32> -> vector<4x16x8x128xi32>
      %shift_right_logical3A_474 = arith.constant 23 : i32
      %shift_right_logical3A_475 = vector.broadcast %shift_right_logical3A_474 : i32 to vector<4x16x8x128xi32>
      %shift_right_logical3A_476 = arith.shrui %bitcast_convert_type3A_473, %shift_right_logical3A_475 : vector<4x16x8x128xi32>
      %and3A_477 = arith.andi %add3A_471, %xor3A_468 : vector<4x16x8x128xi32>
      %eq3A_478 = arith.constant 0 : i32
      %eq3A_479 = vector.broadcast %eq3A_478 : i32 to vector<4x16x8x128xi32>
      %eq3A_480 = arith.cmpi eq, %and3A_477, %eq3A_479 : vector<4x16x8x128xi32>
      %and3A_481 = arith.constant 63688 : i32
      %and3A_482 = vector.broadcast %and3A_481 : i32 to vector<4x16x8x128xi32>
      %and3A_483 = arith.andi %add3A_471, %and3A_482 : vector<4x16x8x128xi32>
      %ne3A_484 = arith.constant 0 : i32
      %ne3A_485 = vector.broadcast %ne3A_484 : i32 to vector<4x16x8x128xi32>
      %ne3A_486 = arith.cmpi ne, %and3A_483, %ne3A_485 : vector<4x16x8x128xi32>
      %and3A_487 = arith.andi %eq3A_480, %ne3A_486 : vector<4x16x8x128xi1>
      %jit3A_488 = arith.constant 1 : i32
      %jit3A_489 = arith.constant 0 : i32
      %broadcast_in_dim3A_490 = vector.broadcast %jit3A_488 : i32 to vector<4x16x8x128xi32>
      %broadcast_in_dim3A_491 = vector.broadcast %jit3A_489 : i32 to vector<4x16x8x128xi32>
      %select_n3A_492 = arith.select %and3A_487, %broadcast_in_dim3A_490, %broadcast_in_dim3A_491 : vector<4x16x8x128xi1>, vector<4x16x8x128xi32>
      %sub3A_493 = arith.constant 142 : i32
      %sub3A_494 = vector.broadcast %sub3A_493 : i32 to vector<4x16x8x128xi32>
      %sub3A_495 = arith.subi %sub3A_494, %shift_right_logical3A_476 : vector<4x16x8x128xi32>
      %add3A_496 = arith.addi %sub3A_495, %select_n3A_492 : vector<4x16x8x128xi32>
      %convert_element_type3A_497 = arith.sitofp %add3A_496 : vector<4x16x8x128xi32> to vector<4x16x8x128xf32>
      %mul3A_498 = arith.constant 6.250000e-02 : f32
      %mul3A_499 = vector.broadcast %mul3A_498 : f32 to vector<4x16x8x128xf32>
      %mul3A_500 = arith.mulf %convert_element_type3A_497, %mul3A_499 : vector<4x16x8x128xf32>
      %mul3A_501 = vector.broadcast %broadcast_in_dim3A_466 : vector<4x1x8x1xf32> to vector<4x16x8x128xf32>
      %mul3A_502 = arith.mulf %mul3A_500, %mul3A_501 : vector<4x16x8x128xf32>
      %slice3A_503 = vector.extract_strided_slice %transpose3A_130 {offsets = [0, 0, 0, 3], sizes = [4, 16, 8, 1], strides = [1, 1, 1, 1]} : vector<4x16x8x16xf32> to vector<4x16x8x1xf32>
      %slice3A_504 = vector.extract_strided_slice %get3A_119 {offsets = [0, 0, 3], sizes = [4, 16, 1], strides = [1, 1, 1]} : vector<4x16x16xf32> to vector<4x16x1xf32>
      %squeeze3A_505 = vector.shape_cast %slice3A_504 : vector<4x16x1xf32> to vector<4x16xf32>
      %broadcast_in_dim3A_506 = vector.shape_cast %squeeze3A_505 : vector<4x16xf32> to vector<4x16x1x1xf32>
      %add3A_507 = vector.broadcast %slice3A_503 : vector<4x16x8x1xf32> to vector<4x16x8x128xf32>
      %add3A_508 = arith.addf %mul3A_502, %add3A_507 : vector<4x16x8x128xf32>
      %sub3A_509 = vector.broadcast %broadcast_in_dim3A_506 : vector<4x16x1x1xf32> to vector<4x16x8x128xf32>
      %sub3A_510 = arith.subf %add3A_508, %sub3A_509 : vector<4x16x8x128xf32>
      %abs3A_511 = math.absf %sub3A_510 : vector<4x16x8x128xf32>
      %add3A_512 = arith.addf %add3A_403, %abs3A_511 : vector<4x16x8x128xf32>
      %mul3A_513 = arith.mulf %mul3A_502, %select_n3A_115 : vector<4x16x8x128xf32>
      %add3A_514 = vector.broadcast %slice3A_503 : vector<4x16x8x1xf32> to vector<4x16x8x128xf32>
      %add3A_515 = arith.addf %mul3A_513, %add3A_514 : vector<4x16x8x128xf32>
      %sub3A_516 = vector.broadcast %broadcast_in_dim3A_506 : vector<4x16x1x1xf32> to vector<4x16x8x128xf32>
      %sub3A_517 = arith.subf %add3A_515, %sub3A_516 : vector<4x16x8x128xf32>
      %abs3A_518 = math.absf %sub3A_517 : vector<4x16x8x128xf32>
      %add3A_519 = arith.addf %add3A_410, %abs3A_518 : vector<4x16x8x128xf32>
      %slice3A_520 = vector.extract_strided_slice %transpose3A {offsets = [0, 0, 3], sizes = [4, 8, 1], strides = [1, 1, 1]} : vector<4x8x16xi32> to vector<4x8x1xi32>
      %squeeze3A_521 = vector.shape_cast %slice3A_520 : vector<4x8x1xi32> to vector<4x8xi32>
      %broadcast_in_dim3A_522 = vector.shape_cast %squeeze3A_521 : vector<4x8xi32> to vector<4x1x8xi32>
      %xor3A_523 = vector.broadcast %broadcast_in_dim3A_522 : vector<4x1x8xi32> to vector<4x16x8xi32>
      %xor3A_524 = arith.xori %abs3A, %xor3A_523 : vector<4x16x8xi32>
      %add3A_525 = arith.constant 1 : i32
      %add3A_526 = vector.broadcast %add3A_525 : i32 to vector<4x16x8xi32>
      %add3A_527 = arith.addi %xor3A_524, %add3A_526 : vector<4x16x8xi32>
      %convert_element_type3A_528 = arith.sitofp %add3A_527 : vector<4x16x8xi32> to vector<4x16x8xf32>
      %bitcast_convert_type3A_529 = tpu.bitcast %convert_element_type3A_528 : vector<4x16x8xf32> -> vector<4x16x8xi32>
      %shift_right_logical3A_530 = arith.constant 23 : i32
      %shift_right_logical3A_531 = vector.broadcast %shift_right_logical3A_530 : i32 to vector<4x16x8xi32>
      %shift_right_logical3A_532 = arith.shrui %bitcast_convert_type3A_529, %shift_right_logical3A_531 : vector<4x16x8xi32>
      %and3A_533 = arith.andi %add3A_527, %xor3A_524 : vector<4x16x8xi32>
      %eq3A_534 = arith.constant 0 : i32
      %eq3A_535 = vector.broadcast %eq3A_534 : i32 to vector<4x16x8xi32>
      %eq3A_536 = arith.cmpi eq, %and3A_533, %eq3A_535 : vector<4x16x8xi32>
      %and3A_537 = arith.constant 63688 : i32
      %and3A_538 = vector.broadcast %and3A_537 : i32 to vector<4x16x8xi32>
      %and3A_539 = arith.andi %add3A_527, %and3A_538 : vector<4x16x8xi32>
      %ne3A_540 = arith.constant 0 : i32
      %ne3A_541 = vector.broadcast %ne3A_540 : i32 to vector<4x16x8xi32>
      %ne3A_542 = arith.cmpi ne, %and3A_539, %ne3A_541 : vector<4x16x8xi32>
      %and3A_543 = arith.andi %eq3A_536, %ne3A_542 : vector<4x16x8xi1>
      %jit3A_544 = arith.constant 1 : i32
      %jit3A_545 = arith.constant 0 : i32
      %broadcast_in_dim3A_546 = vector.broadcast %jit3A_544 : i32 to vector<4x16x8xi32>
      %broadcast_in_dim3A_547 = vector.broadcast %jit3A_545 : i32 to vector<4x16x8xi32>
      %select_n3A_548 = arith.select %and3A_543, %broadcast_in_dim3A_546, %broadcast_in_dim3A_547 : vector<4x16x8xi1>, vector<4x16x8xi32>
      %sub3A_549 = arith.constant 142 : i32
      %sub3A_550 = vector.broadcast %sub3A_549 : i32 to vector<4x16x8xi32>
      %sub3A_551 = arith.subi %sub3A_550, %shift_right_logical3A_532 : vector<4x16x8xi32>
      %add3A_552 = arith.addi %sub3A_551, %select_n3A_548 : vector<4x16x8xi32>
      %convert_element_type3A_553 = arith.sitofp %add3A_552 : vector<4x16x8xi32> to vector<4x16x8xf32>
      %mul3A_554 = arith.constant 6.250000e-02 : f32
      %mul3A_555 = vector.broadcast %mul3A_554 : f32 to vector<4x16x8xf32>
      %mul3A_556 = arith.mulf %convert_element_type3A_553, %mul3A_555 : vector<4x16x8xf32>
      %slice3A_557 = vector.extract_strided_slice %mul3A_123 {offsets = [0, 0, 3], sizes = [4, 8, 1], strides = [1, 1, 1]} : vector<4x8x16xf32> to vector<4x8x1xf32>
      %squeeze3A_558 = vector.shape_cast %slice3A_557 : vector<4x8x1xf32> to vector<4x8xf32>
      %broadcast_in_dim3A_559 = vector.shape_cast %squeeze3A_558 : vector<4x8xf32> to vector<4x1x8xf32>
      %mul3A_560 = vector.broadcast %broadcast_in_dim3A_559 : vector<4x1x8xf32> to vector<4x16x8xf32>
      %mul3A_561 = arith.mulf %mul3A_556, %mul3A_560 : vector<4x16x8xf32>
      %slice3A_562 = vector.extract_strided_slice %transpose3A_130 {offsets = [0, 0, 0, 3], sizes = [4, 16, 8, 1], strides = [1, 1, 1, 1]} : vector<4x16x8x16xf32> to vector<4x16x8x1xf32>
      %squeeze3A_563 = vector.shape_cast %slice3A_562 : vector<4x16x8x1xf32> to vector<4x16x8xf32>
      %add3A_564 = arith.addf %mul3A_561, %squeeze3A_563 : vector<4x16x8xf32>
      %slice3A_565 = vector.extract_strided_slice %get3A_119 {offsets = [0, 0, 3], sizes = [4, 16, 1], strides = [1, 1, 1]} : vector<4x16x16xf32> to vector<4x16x1xf32>
      %squeeze3A_566 = vector.shape_cast %slice3A_565 : vector<4x16x1xf32> to vector<4x16xf32>
      %broadcast_in_dim3A_567 = vector.shape_cast %squeeze3A_566 : vector<4x16xf32> to vector<4x16x1xf32>
      %sub3A_568 = vector.broadcast %broadcast_in_dim3A_567 : vector<4x16x1xf32> to vector<4x16x8xf32>
      %sub3A_569 = arith.subf %add3A_564, %sub3A_568 : vector<4x16x8xf32>
      %abs3A_570 = math.absf %sub3A_569 : vector<4x16x8xf32>
      %add3A_571 = arith.addf %add3A_462, %abs3A_570 : vector<4x16x8xf32>
      %slice3A_572 = vector.extract_strided_slice %transpose3A {offsets = [0, 0, 4], sizes = [4, 8, 1], strides = [1, 1, 1]} : vector<4x8x16xi32> to vector<4x8x1xi32>
      %broadcast_in_dim3A_573 = vector.shape_cast %slice3A_572 : vector<4x8x1xi32> to vector<4x1x8x1xi32>
      %slice3A_574 = vector.extract_strided_slice %mul3A_123 {offsets = [0, 0, 4], sizes = [4, 8, 1], strides = [1, 1, 1]} : vector<4x8x16xf32> to vector<4x8x1xf32>
      %broadcast_in_dim3A_575 = vector.shape_cast %slice3A_574 : vector<4x8x1xf32> to vector<4x1x8x1xf32>
      %xor3A_576 = vector.broadcast %broadcast_in_dim3A_573 : vector<4x1x8x1xi32> to vector<4x16x8x128xi32>
      %xor3A_577 = arith.xori %xor3A_107, %xor3A_576 : vector<4x16x8x128xi32>
      %add3A_578 = arith.constant 1 : i32
      %add3A_579 = vector.broadcast %add3A_578 : i32 to vector<4x16x8x128xi32>
      %add3A_580 = arith.addi %xor3A_577, %add3A_579 : vector<4x16x8x128xi32>
      %convert_element_type3A_581 = arith.sitofp %add3A_580 : vector<4x16x8x128xi32> to vector<4x16x8x128xf32>
      %bitcast_convert_type3A_582 = tpu.bitcast %convert_element_type3A_581 : vector<4x16x8x128xf32> -> vector<4x16x8x128xi32>
      %shift_right_logical3A_583 = arith.constant 23 : i32
      %shift_right_logical3A_584 = vector.broadcast %shift_right_logical3A_583 : i32 to vector<4x16x8x128xi32>
      %shift_right_logical3A_585 = arith.shrui %bitcast_convert_type3A_582, %shift_right_logical3A_584 : vector<4x16x8x128xi32>
      %and3A_586 = arith.andi %add3A_580, %xor3A_577 : vector<4x16x8x128xi32>
      %eq3A_587 = arith.constant 0 : i32
      %eq3A_588 = vector.broadcast %eq3A_587 : i32 to vector<4x16x8x128xi32>
      %eq3A_589 = arith.cmpi eq, %and3A_586, %eq3A_588 : vector<4x16x8x128xi32>
      %and3A_590 = arith.constant 63688 : i32
      %and3A_591 = vector.broadcast %and3A_590 : i32 to vector<4x16x8x128xi32>
      %and3A_592 = arith.andi %add3A_580, %and3A_591 : vector<4x16x8x128xi32>
      %ne3A_593 = arith.constant 0 : i32
      %ne3A_594 = vector.broadcast %ne3A_593 : i32 to vector<4x16x8x128xi32>
      %ne3A_595 = arith.cmpi ne, %and3A_592, %ne3A_594 : vector<4x16x8x128xi32>
      %and3A_596 = arith.andi %eq3A_589, %ne3A_595 : vector<4x16x8x128xi1>
      %jit3A_597 = arith.constant 1 : i32
      %jit3A_598 = arith.constant 0 : i32
      %broadcast_in_dim3A_599 = vector.broadcast %jit3A_597 : i32 to vector<4x16x8x128xi32>
      %broadcast_in_dim3A_600 = vector.broadcast %jit3A_598 : i32 to vector<4x16x8x128xi32>
      %select_n3A_601 = arith.select %and3A_596, %broadcast_in_dim3A_599, %broadcast_in_dim3A_600 : vector<4x16x8x128xi1>, vector<4x16x8x128xi32>
      %sub3A_602 = arith.constant 142 : i32
      %sub3A_603 = vector.broadcast %sub3A_602 : i32 to vector<4x16x8x128xi32>
      %sub3A_604 = arith.subi %sub3A_603, %shift_right_logical3A_585 : vector<4x16x8x128xi32>
      %add3A_605 = arith.addi %sub3A_604, %select_n3A_601 : vector<4x16x8x128xi32>
      %convert_element_type3A_606 = arith.sitofp %add3A_605 : vector<4x16x8x128xi32> to vector<4x16x8x128xf32>
      %mul3A_607 = arith.constant 6.250000e-02 : f32
      %mul3A_608 = vector.broadcast %mul3A_607 : f32 to vector<4x16x8x128xf32>
      %mul3A_609 = arith.mulf %convert_element_type3A_606, %mul3A_608 : vector<4x16x8x128xf32>
      %mul3A_610 = vector.broadcast %broadcast_in_dim3A_575 : vector<4x1x8x1xf32> to vector<4x16x8x128xf32>
      %mul3A_611 = arith.mulf %mul3A_609, %mul3A_610 : vector<4x16x8x128xf32>
      %slice3A_612 = vector.extract_strided_slice %transpose3A_130 {offsets = [0, 0, 0, 4], sizes = [4, 16, 8, 1], strides = [1, 1, 1, 1]} : vector<4x16x8x16xf32> to vector<4x16x8x1xf32>
      %slice3A_613 = vector.extract_strided_slice %get3A_119 {offsets = [0, 0, 4], sizes = [4, 16, 1], strides = [1, 1, 1]} : vector<4x16x16xf32> to vector<4x16x1xf32>
      %squeeze3A_614 = vector.shape_cast %slice3A_613 : vector<4x16x1xf32> to vector<4x16xf32>
      %broadcast_in_dim3A_615 = vector.shape_cast %squeeze3A_614 : vector<4x16xf32> to vector<4x16x1x1xf32>
      %add3A_616 = vector.broadcast %slice3A_612 : vector<4x16x8x1xf32> to vector<4x16x8x128xf32>
      %add3A_617 = arith.addf %mul3A_611, %add3A_616 : vector<4x16x8x128xf32>
      %sub3A_618 = vector.broadcast %broadcast_in_dim3A_615 : vector<4x16x1x1xf32> to vector<4x16x8x128xf32>
      %sub3A_619 = arith.subf %add3A_617, %sub3A_618 : vector<4x16x8x128xf32>
      %abs3A_620 = math.absf %sub3A_619 : vector<4x16x8x128xf32>
      %add3A_621 = arith.addf %add3A_512, %abs3A_620 : vector<4x16x8x128xf32>
      %mul3A_622 = arith.mulf %mul3A_611, %select_n3A_115 : vector<4x16x8x128xf32>
      %add3A_623 = vector.broadcast %slice3A_612 : vector<4x16x8x1xf32> to vector<4x16x8x128xf32>
      %add3A_624 = arith.addf %mul3A_622, %add3A_623 : vector<4x16x8x128xf32>
      %sub3A_625 = vector.broadcast %broadcast_in_dim3A_615 : vector<4x16x1x1xf32> to vector<4x16x8x128xf32>
      %sub3A_626 = arith.subf %add3A_624, %sub3A_625 : vector<4x16x8x128xf32>
      %abs3A_627 = math.absf %sub3A_626 : vector<4x16x8x128xf32>
      %add3A_628 = arith.addf %add3A_519, %abs3A_627 : vector<4x16x8x128xf32>
      %slice3A_629 = vector.extract_strided_slice %transpose3A {offsets = [0, 0, 4], sizes = [4, 8, 1], strides = [1, 1, 1]} : vector<4x8x16xi32> to vector<4x8x1xi32>
      %squeeze3A_630 = vector.shape_cast %slice3A_629 : vector<4x8x1xi32> to vector<4x8xi32>
      %broadcast_in_dim3A_631 = vector.shape_cast %squeeze3A_630 : vector<4x8xi32> to vector<4x1x8xi32>
      %xor3A_632 = vector.broadcast %broadcast_in_dim3A_631 : vector<4x1x8xi32> to vector<4x16x8xi32>
      %xor3A_633 = arith.xori %abs3A, %xor3A_632 : vector<4x16x8xi32>
      %add3A_634 = arith.constant 1 : i32
      %add3A_635 = vector.broadcast %add3A_634 : i32 to vector<4x16x8xi32>
      %add3A_636 = arith.addi %xor3A_633, %add3A_635 : vector<4x16x8xi32>
      %convert_element_type3A_637 = arith.sitofp %add3A_636 : vector<4x16x8xi32> to vector<4x16x8xf32>
      %bitcast_convert_type3A_638 = tpu.bitcast %convert_element_type3A_637 : vector<4x16x8xf32> -> vector<4x16x8xi32>
      %shift_right_logical3A_639 = arith.constant 23 : i32
      %shift_right_logical3A_640 = vector.broadcast %shift_right_logical3A_639 : i32 to vector<4x16x8xi32>
      %shift_right_logical3A_641 = arith.shrui %bitcast_convert_type3A_638, %shift_right_logical3A_640 : vector<4x16x8xi32>
      %and3A_642 = arith.andi %add3A_636, %xor3A_633 : vector<4x16x8xi32>
      %eq3A_643 = arith.constant 0 : i32
      %eq3A_644 = vector.broadcast %eq3A_643 : i32 to vector<4x16x8xi32>
      %eq3A_645 = arith.cmpi eq, %and3A_642, %eq3A_644 : vector<4x16x8xi32>
      %and3A_646 = arith.constant 63688 : i32
      %and3A_647 = vector.broadcast %and3A_646 : i32 to vector<4x16x8xi32>
      %and3A_648 = arith.andi %add3A_636, %and3A_647 : vector<4x16x8xi32>
      %ne3A_649 = arith.constant 0 : i32
      %ne3A_650 = vector.broadcast %ne3A_649 : i32 to vector<4x16x8xi32>
      %ne3A_651 = arith.cmpi ne, %and3A_648, %ne3A_650 : vector<4x16x8xi32>
      %and3A_652 = arith.andi %eq3A_645, %ne3A_651 : vector<4x16x8xi1>
      %jit3A_653 = arith.constant 1 : i32
      %jit3A_654 = arith.constant 0 : i32
      %broadcast_in_dim3A_655 = vector.broadcast %jit3A_653 : i32 to vector<4x16x8xi32>
      %broadcast_in_dim3A_656 = vector.broadcast %jit3A_654 : i32 to vector<4x16x8xi32>
      %select_n3A_657 = arith.select %and3A_652, %broadcast_in_dim3A_655, %broadcast_in_dim3A_656 : vector<4x16x8xi1>, vector<4x16x8xi32>
      %sub3A_658 = arith.constant 142 : i32
      %sub3A_659 = vector.broadcast %sub3A_658 : i32 to vector<4x16x8xi32>
      %sub3A_660 = arith.subi %sub3A_659, %shift_right_logical3A_641 : vector<4x16x8xi32>
      %add3A_661 = arith.addi %sub3A_660, %select_n3A_657 : vector<4x16x8xi32>
      %convert_element_type3A_662 = arith.sitofp %add3A_661 : vector<4x16x8xi32> to vector<4x16x8xf32>
      %mul3A_663 = arith.constant 6.250000e-02 : f32
      %mul3A_664 = vector.broadcast %mul3A_663 : f32 to vector<4x16x8xf32>
      %mul3A_665 = arith.mulf %convert_element_type3A_662, %mul3A_664 : vector<4x16x8xf32>
      %slice3A_666 = vector.extract_strided_slice %mul3A_123 {offsets = [0, 0, 4], sizes = [4, 8, 1], strides = [1, 1, 1]} : vector<4x8x16xf32> to vector<4x8x1xf32>
      %squeeze3A_667 = vector.shape_cast %slice3A_666 : vector<4x8x1xf32> to vector<4x8xf32>
      %broadcast_in_dim3A_668 = vector.shape_cast %squeeze3A_667 : vector<4x8xf32> to vector<4x1x8xf32>
      %mul3A_669 = vector.broadcast %broadcast_in_dim3A_668 : vector<4x1x8xf32> to vector<4x16x8xf32>
      %mul3A_670 = arith.mulf %mul3A_665, %mul3A_669 : vector<4x16x8xf32>
      %slice3A_671 = vector.extract_strided_slice %transpose3A_130 {offsets = [0, 0, 0, 4], sizes = [4, 16, 8, 1], strides = [1, 1, 1, 1]} : vector<4x16x8x16xf32> to vector<4x16x8x1xf32>
      %squeeze3A_672 = vector.shape_cast %slice3A_671 : vector<4x16x8x1xf32> to vector<4x16x8xf32>
      %add3A_673 = arith.addf %mul3A_670, %squeeze3A_672 : vector<4x16x8xf32>
      %slice3A_674 = vector.extract_strided_slice %get3A_119 {offsets = [0, 0, 4], sizes = [4, 16, 1], strides = [1, 1, 1]} : vector<4x16x16xf32> to vector<4x16x1xf32>
      %squeeze3A_675 = vector.shape_cast %slice3A_674 : vector<4x16x1xf32> to vector<4x16xf32>
      %broadcast_in_dim3A_676 = vector.shape_cast %squeeze3A_675 : vector<4x16xf32> to vector<4x16x1xf32>
      %sub3A_677 = vector.broadcast %broadcast_in_dim3A_676 : vector<4x16x1xf32> to vector<4x16x8xf32>
      %sub3A_678 = arith.subf %add3A_673, %sub3A_677 : vector<4x16x8xf32>
      %abs3A_679 = math.absf %sub3A_678 : vector<4x16x8xf32>
      %add3A_680 = arith.addf %add3A_571, %abs3A_679 : vector<4x16x8xf32>
      %slice3A_681 = vector.extract_strided_slice %transpose3A {offsets = [0, 0, 5], sizes = [4, 8, 1], strides = [1, 1, 1]} : vector<4x8x16xi32> to vector<4x8x1xi32>
      %broadcast_in_dim3A_682 = vector.shape_cast %slice3A_681 : vector<4x8x1xi32> to vector<4x1x8x1xi32>
      %slice3A_683 = vector.extract_strided_slice %mul3A_123 {offsets = [0, 0, 5], sizes = [4, 8, 1], strides = [1, 1, 1]} : vector<4x8x16xf32> to vector<4x8x1xf32>
      %broadcast_in_dim3A_684 = vector.shape_cast %slice3A_683 : vector<4x8x1xf32> to vector<4x1x8x1xf32>
      %xor3A_685 = vector.broadcast %broadcast_in_dim3A_682 : vector<4x1x8x1xi32> to vector<4x16x8x128xi32>
      %xor3A_686 = arith.xori %xor3A_107, %xor3A_685 : vector<4x16x8x128xi32>
      %add3A_687 = arith.constant 1 : i32
      %add3A_688 = vector.broadcast %add3A_687 : i32 to vector<4x16x8x128xi32>
      %add3A_689 = arith.addi %xor3A_686, %add3A_688 : vector<4x16x8x128xi32>
      %convert_element_type3A_690 = arith.sitofp %add3A_689 : vector<4x16x8x128xi32> to vector<4x16x8x128xf32>
      %bitcast_convert_type3A_691 = tpu.bitcast %convert_element_type3A_690 : vector<4x16x8x128xf32> -> vector<4x16x8x128xi32>
      %shift_right_logical3A_692 = arith.constant 23 : i32
      %shift_right_logical3A_693 = vector.broadcast %shift_right_logical3A_692 : i32 to vector<4x16x8x128xi32>
      %shift_right_logical3A_694 = arith.shrui %bitcast_convert_type3A_691, %shift_right_logical3A_693 : vector<4x16x8x128xi32>
      %and3A_695 = arith.andi %add3A_689, %xor3A_686 : vector<4x16x8x128xi32>
      %eq3A_696 = arith.constant 0 : i32
      %eq3A_697 = vector.broadcast %eq3A_696 : i32 to vector<4x16x8x128xi32>
      %eq3A_698 = arith.cmpi eq, %and3A_695, %eq3A_697 : vector<4x16x8x128xi32>
      %and3A_699 = arith.constant 63688 : i32
      %and3A_700 = vector.broadcast %and3A_699 : i32 to vector<4x16x8x128xi32>
      %and3A_701 = arith.andi %add3A_689, %and3A_700 : vector<4x16x8x128xi32>
      %ne3A_702 = arith.constant 0 : i32
      %ne3A_703 = vector.broadcast %ne3A_702 : i32 to vector<4x16x8x128xi32>
      %ne3A_704 = arith.cmpi ne, %and3A_701, %ne3A_703 : vector<4x16x8x128xi32>
      %and3A_705 = arith.andi %eq3A_698, %ne3A_704 : vector<4x16x8x128xi1>
      %jit3A_706 = arith.constant 1 : i32
      %jit3A_707 = arith.constant 0 : i32
      %broadcast_in_dim3A_708 = vector.broadcast %jit3A_706 : i32 to vector<4x16x8x128xi32>
      %broadcast_in_dim3A_709 = vector.broadcast %jit3A_707 : i32 to vector<4x16x8x128xi32>
      %select_n3A_710 = arith.select %and3A_705, %broadcast_in_dim3A_708, %broadcast_in_dim3A_709 : vector<4x16x8x128xi1>, vector<4x16x8x128xi32>
      %sub3A_711 = arith.constant 142 : i32
      %sub3A_712 = vector.broadcast %sub3A_711 : i32 to vector<4x16x8x128xi32>
      %sub3A_713 = arith.subi %sub3A_712, %shift_right_logical3A_694 : vector<4x16x8x128xi32>
      %add3A_714 = arith.addi %sub3A_713, %select_n3A_710 : vector<4x16x8x128xi32>
      %convert_element_type3A_715 = arith.sitofp %add3A_714 : vector<4x16x8x128xi32> to vector<4x16x8x128xf32>
      %mul3A_716 = arith.constant 6.250000e-02 : f32
      %mul3A_717 = vector.broadcast %mul3A_716 : f32 to vector<4x16x8x128xf32>
      %mul3A_718 = arith.mulf %convert_element_type3A_715, %mul3A_717 : vector<4x16x8x128xf32>
      %mul3A_719 = vector.broadcast %broadcast_in_dim3A_684 : vector<4x1x8x1xf32> to vector<4x16x8x128xf32>
      %mul3A_720 = arith.mulf %mul3A_718, %mul3A_719 : vector<4x16x8x128xf32>
      %slice3A_721 = vector.extract_strided_slice %transpose3A_130 {offsets = [0, 0, 0, 5], sizes = [4, 16, 8, 1], strides = [1, 1, 1, 1]} : vector<4x16x8x16xf32> to vector<4x16x8x1xf32>
      %slice3A_722 = vector.extract_strided_slice %get3A_119 {offsets = [0, 0, 5], sizes = [4, 16, 1], strides = [1, 1, 1]} : vector<4x16x16xf32> to vector<4x16x1xf32>
      %squeeze3A_723 = vector.shape_cast %slice3A_722 : vector<4x16x1xf32> to vector<4x16xf32>
      %broadcast_in_dim3A_724 = vector.shape_cast %squeeze3A_723 : vector<4x16xf32> to vector<4x16x1x1xf32>
      %add3A_725 = vector.broadcast %slice3A_721 : vector<4x16x8x1xf32> to vector<4x16x8x128xf32>
      %add3A_726 = arith.addf %mul3A_720, %add3A_725 : vector<4x16x8x128xf32>
      %sub3A_727 = vector.broadcast %broadcast_in_dim3A_724 : vector<4x16x1x1xf32> to vector<4x16x8x128xf32>
      %sub3A_728 = arith.subf %add3A_726, %sub3A_727 : vector<4x16x8x128xf32>
      %abs3A_729 = math.absf %sub3A_728 : vector<4x16x8x128xf32>
      %add3A_730 = arith.addf %add3A_621, %abs3A_729 : vector<4x16x8x128xf32>
      %mul3A_731 = arith.mulf %mul3A_720, %select_n3A_115 : vector<4x16x8x128xf32>
      %add3A_732 = vector.broadcast %slice3A_721 : vector<4x16x8x1xf32> to vector<4x16x8x128xf32>
      %add3A_733 = arith.addf %mul3A_731, %add3A_732 : vector<4x16x8x128xf32>
      %sub3A_734 = vector.broadcast %broadcast_in_dim3A_724 : vector<4x16x1x1xf32> to vector<4x16x8x128xf32>
      %sub3A_735 = arith.subf %add3A_733, %sub3A_734 : vector<4x16x8x128xf32>
      %abs3A_736 = math.absf %sub3A_735 : vector<4x16x8x128xf32>
      %add3A_737 = arith.addf %add3A_628, %abs3A_736 : vector<4x16x8x128xf32>
      %slice3A_738 = vector.extract_strided_slice %transpose3A {offsets = [0, 0, 5], sizes = [4, 8, 1], strides = [1, 1, 1]} : vector<4x8x16xi32> to vector<4x8x1xi32>
      %squeeze3A_739 = vector.shape_cast %slice3A_738 : vector<4x8x1xi32> to vector<4x8xi32>
      %broadcast_in_dim3A_740 = vector.shape_cast %squeeze3A_739 : vector<4x8xi32> to vector<4x1x8xi32>
      %xor3A_741 = vector.broadcast %broadcast_in_dim3A_740 : vector<4x1x8xi32> to vector<4x16x8xi32>
      %xor3A_742 = arith.xori %abs3A, %xor3A_741 : vector<4x16x8xi32>
      %add3A_743 = arith.constant 1 : i32
      %add3A_744 = vector.broadcast %add3A_743 : i32 to vector<4x16x8xi32>
      %add3A_745 = arith.addi %xor3A_742, %add3A_744 : vector<4x16x8xi32>
      %convert_element_type3A_746 = arith.sitofp %add3A_745 : vector<4x16x8xi32> to vector<4x16x8xf32>
      %bitcast_convert_type3A_747 = tpu.bitcast %convert_element_type3A_746 : vector<4x16x8xf32> -> vector<4x16x8xi32>
      %shift_right_logical3A_748 = arith.constant 23 : i32
      %shift_right_logical3A_749 = vector.broadcast %shift_right_logical3A_748 : i32 to vector<4x16x8xi32>
      %shift_right_logical3A_750 = arith.shrui %bitcast_convert_type3A_747, %shift_right_logical3A_749 : vector<4x16x8xi32>
      %and3A_751 = arith.andi %add3A_745, %xor3A_742 : vector<4x16x8xi32>
      %eq3A_752 = arith.constant 0 : i32
      %eq3A_753 = vector.broadcast %eq3A_752 : i32 to vector<4x16x8xi32>
      %eq3A_754 = arith.cmpi eq, %and3A_751, %eq3A_753 : vector<4x16x8xi32>
      %and3A_755 = arith.constant 63688 : i32
      %and3A_756 = vector.broadcast %and3A_755 : i32 to vector<4x16x8xi32>
      %and3A_757 = arith.andi %add3A_745, %and3A_756 : vector<4x16x8xi32>
      %ne3A_758 = arith.constant 0 : i32
      %ne3A_759 = vector.broadcast %ne3A_758 : i32 to vector<4x16x8xi32>
      %ne3A_760 = arith.cmpi ne, %and3A_757, %ne3A_759 : vector<4x16x8xi32>
      %and3A_761 = arith.andi %eq3A_754, %ne3A_760 : vector<4x16x8xi1>
      %jit3A_762 = arith.constant 1 : i32
      %jit3A_763 = arith.constant 0 : i32
      %broadcast_in_dim3A_764 = vector.broadcast %jit3A_762 : i32 to vector<4x16x8xi32>
      %broadcast_in_dim3A_765 = vector.broadcast %jit3A_763 : i32 to vector<4x16x8xi32>
      %select_n3A_766 = arith.select %and3A_761, %broadcast_in_dim3A_764, %broadcast_in_dim3A_765 : vector<4x16x8xi1>, vector<4x16x8xi32>
      %sub3A_767 = arith.constant 142 : i32
      %sub3A_768 = vector.broadcast %sub3A_767 : i32 to vector<4x16x8xi32>
      %sub3A_769 = arith.subi %sub3A_768, %shift_right_logical3A_750 : vector<4x16x8xi32>
      %add3A_770 = arith.addi %sub3A_769, %select_n3A_766 : vector<4x16x8xi32>
      %convert_element_type3A_771 = arith.sitofp %add3A_770 : vector<4x16x8xi32> to vector<4x16x8xf32>
      %mul3A_772 = arith.constant 6.250000e-02 : f32
      %mul3A_773 = vector.broadcast %mul3A_772 : f32 to vector<4x16x8xf32>
      %mul3A_774 = arith.mulf %convert_element_type3A_771, %mul3A_773 : vector<4x16x8xf32>
      %slice3A_775 = vector.extract_strided_slice %mul3A_123 {offsets = [0, 0, 5], sizes = [4, 8, 1], strides = [1, 1, 1]} : vector<4x8x16xf32> to vector<4x8x1xf32>
      %squeeze3A_776 = vector.shape_cast %slice3A_775 : vector<4x8x1xf32> to vector<4x8xf32>
      %broadcast_in_dim3A_777 = vector.shape_cast %squeeze3A_776 : vector<4x8xf32> to vector<4x1x8xf32>
      %mul3A_778 = vector.broadcast %broadcast_in_dim3A_777 : vector<4x1x8xf32> to vector<4x16x8xf32>
      %mul3A_779 = arith.mulf %mul3A_774, %mul3A_778 : vector<4x16x8xf32>
      %slice3A_780 = vector.extract_strided_slice %transpose3A_130 {offsets = [0, 0, 0, 5], sizes = [4, 16, 8, 1], strides = [1, 1, 1, 1]} : vector<4x16x8x16xf32> to vector<4x16x8x1xf32>
      %squeeze3A_781 = vector.shape_cast %slice3A_780 : vector<4x16x8x1xf32> to vector<4x16x8xf32>
      %add3A_782 = arith.addf %mul3A_779, %squeeze3A_781 : vector<4x16x8xf32>
      %slice3A_783 = vector.extract_strided_slice %get3A_119 {offsets = [0, 0, 5], sizes = [4, 16, 1], strides = [1, 1, 1]} : vector<4x16x16xf32> to vector<4x16x1xf32>
      %squeeze3A_784 = vector.shape_cast %slice3A_783 : vector<4x16x1xf32> to vector<4x16xf32>
      %broadcast_in_dim3A_785 = vector.shape_cast %squeeze3A_784 : vector<4x16xf32> to vector<4x16x1xf32>
      %sub3A_786 = vector.broadcast %broadcast_in_dim3A_785 : vector<4x16x1xf32> to vector<4x16x8xf32>
      %sub3A_787 = arith.subf %add3A_782, %sub3A_786 : vector<4x16x8xf32>
      %abs3A_788 = math.absf %sub3A_787 : vector<4x16x8xf32>
      %add3A_789 = arith.addf %add3A_680, %abs3A_788 : vector<4x16x8xf32>
      %slice3A_790 = vector.extract_strided_slice %transpose3A {offsets = [0, 0, 6], sizes = [4, 8, 1], strides = [1, 1, 1]} : vector<4x8x16xi32> to vector<4x8x1xi32>
      %broadcast_in_dim3A_791 = vector.shape_cast %slice3A_790 : vector<4x8x1xi32> to vector<4x1x8x1xi32>
      %slice3A_792 = vector.extract_strided_slice %mul3A_123 {offsets = [0, 0, 6], sizes = [4, 8, 1], strides = [1, 1, 1]} : vector<4x8x16xf32> to vector<4x8x1xf32>
      %broadcast_in_dim3A_793 = vector.shape_cast %slice3A_792 : vector<4x8x1xf32> to vector<4x1x8x1xf32>
      %xor3A_794 = vector.broadcast %broadcast_in_dim3A_791 : vector<4x1x8x1xi32> to vector<4x16x8x128xi32>
      %xor3A_795 = arith.xori %xor3A_107, %xor3A_794 : vector<4x16x8x128xi32>
      %add3A_796 = arith.constant 1 : i32
      %add3A_797 = vector.broadcast %add3A_796 : i32 to vector<4x16x8x128xi32>
      %add3A_798 = arith.addi %xor3A_795, %add3A_797 : vector<4x16x8x128xi32>
      %convert_element_type3A_799 = arith.sitofp %add3A_798 : vector<4x16x8x128xi32> to vector<4x16x8x128xf32>
      %bitcast_convert_type3A_800 = tpu.bitcast %convert_element_type3A_799 : vector<4x16x8x128xf32> -> vector<4x16x8x128xi32>
      %shift_right_logical3A_801 = arith.constant 23 : i32
      %shift_right_logical3A_802 = vector.broadcast %shift_right_logical3A_801 : i32 to vector<4x16x8x128xi32>
      %shift_right_logical3A_803 = arith.shrui %bitcast_convert_type3A_800, %shift_right_logical3A_802 : vector<4x16x8x128xi32>
      %and3A_804 = arith.andi %add3A_798, %xor3A_795 : vector<4x16x8x128xi32>
      %eq3A_805 = arith.constant 0 : i32
      %eq3A_806 = vector.broadcast %eq3A_805 : i32 to vector<4x16x8x128xi32>
      %eq3A_807 = arith.cmpi eq, %and3A_804, %eq3A_806 : vector<4x16x8x128xi32>
      %and3A_808 = arith.constant 63688 : i32
      %and3A_809 = vector.broadcast %and3A_808 : i32 to vector<4x16x8x128xi32>
      %and3A_810 = arith.andi %add3A_798, %and3A_809 : vector<4x16x8x128xi32>
      %ne3A_811 = arith.constant 0 : i32
      %ne3A_812 = vector.broadcast %ne3A_811 : i32 to vector<4x16x8x128xi32>
      %ne3A_813 = arith.cmpi ne, %and3A_810, %ne3A_812 : vector<4x16x8x128xi32>
      %and3A_814 = arith.andi %eq3A_807, %ne3A_813 : vector<4x16x8x128xi1>
      %jit3A_815 = arith.constant 1 : i32
      %jit3A_816 = arith.constant 0 : i32
      %broadcast_in_dim3A_817 = vector.broadcast %jit3A_815 : i32 to vector<4x16x8x128xi32>
      %broadcast_in_dim3A_818 = vector.broadcast %jit3A_816 : i32 to vector<4x16x8x128xi32>
      %select_n3A_819 = arith.select %and3A_814, %broadcast_in_dim3A_817, %broadcast_in_dim3A_818 : vector<4x16x8x128xi1>, vector<4x16x8x128xi32>
      %sub3A_820 = arith.constant 142 : i32
      %sub3A_821 = vector.broadcast %sub3A_820 : i32 to vector<4x16x8x128xi32>
      %sub3A_822 = arith.subi %sub3A_821, %shift_right_logical3A_803 : vector<4x16x8x128xi32>
      %add3A_823 = arith.addi %sub3A_822, %select_n3A_819 : vector<4x16x8x128xi32>
      %convert_element_type3A_824 = arith.sitofp %add3A_823 : vector<4x16x8x128xi32> to vector<4x16x8x128xf32>
      %mul3A_825 = arith.constant 6.250000e-02 : f32
      %mul3A_826 = vector.broadcast %mul3A_825 : f32 to vector<4x16x8x128xf32>
      %mul3A_827 = arith.mulf %convert_element_type3A_824, %mul3A_826 : vector<4x16x8x128xf32>
      %mul3A_828 = vector.broadcast %broadcast_in_dim3A_793 : vector<4x1x8x1xf32> to vector<4x16x8x128xf32>
      %mul3A_829 = arith.mulf %mul3A_827, %mul3A_828 : vector<4x16x8x128xf32>
      %slice3A_830 = vector.extract_strided_slice %transpose3A_130 {offsets = [0, 0, 0, 6], sizes = [4, 16, 8, 1], strides = [1, 1, 1, 1]} : vector<4x16x8x16xf32> to vector<4x16x8x1xf32>
      %slice3A_831 = vector.extract_strided_slice %get3A_119 {offsets = [0, 0, 6], sizes = [4, 16, 1], strides = [1, 1, 1]} : vector<4x16x16xf32> to vector<4x16x1xf32>
      %squeeze3A_832 = vector.shape_cast %slice3A_831 : vector<4x16x1xf32> to vector<4x16xf32>
      %broadcast_in_dim3A_833 = vector.shape_cast %squeeze3A_832 : vector<4x16xf32> to vector<4x16x1x1xf32>
      %add3A_834 = vector.broadcast %slice3A_830 : vector<4x16x8x1xf32> to vector<4x16x8x128xf32>
      %add3A_835 = arith.addf %mul3A_829, %add3A_834 : vector<4x16x8x128xf32>
      %sub3A_836 = vector.broadcast %broadcast_in_dim3A_833 : vector<4x16x1x1xf32> to vector<4x16x8x128xf32>
      %sub3A_837 = arith.subf %add3A_835, %sub3A_836 : vector<4x16x8x128xf32>
      %abs3A_838 = math.absf %sub3A_837 : vector<4x16x8x128xf32>
      %add3A_839 = arith.addf %add3A_730, %abs3A_838 : vector<4x16x8x128xf32>
      %mul3A_840 = arith.mulf %mul3A_829, %select_n3A_115 : vector<4x16x8x128xf32>
      %add3A_841 = vector.broadcast %slice3A_830 : vector<4x16x8x1xf32> to vector<4x16x8x128xf32>
      %add3A_842 = arith.addf %mul3A_840, %add3A_841 : vector<4x16x8x128xf32>
      %sub3A_843 = vector.broadcast %broadcast_in_dim3A_833 : vector<4x16x1x1xf32> to vector<4x16x8x128xf32>
      %sub3A_844 = arith.subf %add3A_842, %sub3A_843 : vector<4x16x8x128xf32>
      %abs3A_845 = math.absf %sub3A_844 : vector<4x16x8x128xf32>
      %add3A_846 = arith.addf %add3A_737, %abs3A_845 : vector<4x16x8x128xf32>
      %slice3A_847 = vector.extract_strided_slice %transpose3A {offsets = [0, 0, 6], sizes = [4, 8, 1], strides = [1, 1, 1]} : vector<4x8x16xi32> to vector<4x8x1xi32>
      %squeeze3A_848 = vector.shape_cast %slice3A_847 : vector<4x8x1xi32> to vector<4x8xi32>
      %broadcast_in_dim3A_849 = vector.shape_cast %squeeze3A_848 : vector<4x8xi32> to vector<4x1x8xi32>
      %xor3A_850 = vector.broadcast %broadcast_in_dim3A_849 : vector<4x1x8xi32> to vector<4x16x8xi32>
      %xor3A_851 = arith.xori %abs3A, %xor3A_850 : vector<4x16x8xi32>
      %add3A_852 = arith.constant 1 : i32
      %add3A_853 = vector.broadcast %add3A_852 : i32 to vector<4x16x8xi32>
      %add3A_854 = arith.addi %xor3A_851, %add3A_853 : vector<4x16x8xi32>
      %convert_element_type3A_855 = arith.sitofp %add3A_854 : vector<4x16x8xi32> to vector<4x16x8xf32>
      %bitcast_convert_type3A_856 = tpu.bitcast %convert_element_type3A_855 : vector<4x16x8xf32> -> vector<4x16x8xi32>
      %shift_right_logical3A_857 = arith.constant 23 : i32
      %shift_right_logical3A_858 = vector.broadcast %shift_right_logical3A_857 : i32 to vector<4x16x8xi32>
      %shift_right_logical3A_859 = arith.shrui %bitcast_convert_type3A_856, %shift_right_logical3A_858 : vector<4x16x8xi32>
      %and3A_860 = arith.andi %add3A_854, %xor3A_851 : vector<4x16x8xi32>
      %eq3A_861 = arith.constant 0 : i32
      %eq3A_862 = vector.broadcast %eq3A_861 : i32 to vector<4x16x8xi32>
      %eq3A_863 = arith.cmpi eq, %and3A_860, %eq3A_862 : vector<4x16x8xi32>
      %and3A_864 = arith.constant 63688 : i32
      %and3A_865 = vector.broadcast %and3A_864 : i32 to vector<4x16x8xi32>
      %and3A_866 = arith.andi %add3A_854, %and3A_865 : vector<4x16x8xi32>
      %ne3A_867 = arith.constant 0 : i32
      %ne3A_868 = vector.broadcast %ne3A_867 : i32 to vector<4x16x8xi32>
      %ne3A_869 = arith.cmpi ne, %and3A_866, %ne3A_868 : vector<4x16x8xi32>
      %and3A_870 = arith.andi %eq3A_863, %ne3A_869 : vector<4x16x8xi1>
      %jit3A_871 = arith.constant 1 : i32
      %jit3A_872 = arith.constant 0 : i32
      %broadcast_in_dim3A_873 = vector.broadcast %jit3A_871 : i32 to vector<4x16x8xi32>
      %broadcast_in_dim3A_874 = vector.broadcast %jit3A_872 : i32 to vector<4x16x8xi32>
      %select_n3A_875 = arith.select %and3A_870, %broadcast_in_dim3A_873, %broadcast_in_dim3A_874 : vector<4x16x8xi1>, vector<4x16x8xi32>
      %sub3A_876 = arith.constant 142 : i32
      %sub3A_877 = vector.broadcast %sub3A_876 : i32 to vector<4x16x8xi32>
      %sub3A_878 = arith.subi %sub3A_877, %shift_right_logical3A_859 : vector<4x16x8xi32>
      %add3A_879 = arith.addi %sub3A_878, %select_n3A_875 : vector<4x16x8xi32>
      %convert_element_type3A_880 = arith.sitofp %add3A_879 : vector<4x16x8xi32> to vector<4x16x8xf32>
      %mul3A_881 = arith.constant 6.250000e-02 : f32
      %mul3A_882 = vector.broadcast %mul3A_881 : f32 to vector<4x16x8xf32>
      %mul3A_883 = arith.mulf %convert_element_type3A_880, %mul3A_882 : vector<4x16x8xf32>
      %slice3A_884 = vector.extract_strided_slice %mul3A_123 {offsets = [0, 0, 6], sizes = [4, 8, 1], strides = [1, 1, 1]} : vector<4x8x16xf32> to vector<4x8x1xf32>
      %squeeze3A_885 = vector.shape_cast %slice3A_884 : vector<4x8x1xf32> to vector<4x8xf32>
      %broadcast_in_dim3A_886 = vector.shape_cast %squeeze3A_885 : vector<4x8xf32> to vector<4x1x8xf32>
      %mul3A_887 = vector.broadcast %broadcast_in_dim3A_886 : vector<4x1x8xf32> to vector<4x16x8xf32>
      %mul3A_888 = arith.mulf %mul3A_883, %mul3A_887 : vector<4x16x8xf32>
      %slice3A_889 = vector.extract_strided_slice %transpose3A_130 {offsets = [0, 0, 0, 6], sizes = [4, 16, 8, 1], strides = [1, 1, 1, 1]} : vector<4x16x8x16xf32> to vector<4x16x8x1xf32>
      %squeeze3A_890 = vector.shape_cast %slice3A_889 : vector<4x16x8x1xf32> to vector<4x16x8xf32>
      %add3A_891 = arith.addf %mul3A_888, %squeeze3A_890 : vector<4x16x8xf32>
      %slice3A_892 = vector.extract_strided_slice %get3A_119 {offsets = [0, 0, 6], sizes = [4, 16, 1], strides = [1, 1, 1]} : vector<4x16x16xf32> to vector<4x16x1xf32>
      %squeeze3A_893 = vector.shape_cast %slice3A_892 : vector<4x16x1xf32> to vector<4x16xf32>
      %broadcast_in_dim3A_894 = vector.shape_cast %squeeze3A_893 : vector<4x16xf32> to vector<4x16x1xf32>
      %sub3A_895 = vector.broadcast %broadcast_in_dim3A_894 : vector<4x16x1xf32> to vector<4x16x8xf32>
      %sub3A_896 = arith.subf %add3A_891, %sub3A_895 : vector<4x16x8xf32>
      %abs3A_897 = math.absf %sub3A_896 : vector<4x16x8xf32>
      %add3A_898 = arith.addf %add3A_789, %abs3A_897 : vector<4x16x8xf32>
      %slice3A_899 = vector.extract_strided_slice %transpose3A {offsets = [0, 0, 7], sizes = [4, 8, 1], strides = [1, 1, 1]} : vector<4x8x16xi32> to vector<4x8x1xi32>
      %broadcast_in_dim3A_900 = vector.shape_cast %slice3A_899 : vector<4x8x1xi32> to vector<4x1x8x1xi32>
      %slice3A_901 = vector.extract_strided_slice %mul3A_123 {offsets = [0, 0, 7], sizes = [4, 8, 1], strides = [1, 1, 1]} : vector<4x8x16xf32> to vector<4x8x1xf32>
      %broadcast_in_dim3A_902 = vector.shape_cast %slice3A_901 : vector<4x8x1xf32> to vector<4x1x8x1xf32>
      %xor3A_903 = vector.broadcast %broadcast_in_dim3A_900 : vector<4x1x8x1xi32> to vector<4x16x8x128xi32>
      %xor3A_904 = arith.xori %xor3A_107, %xor3A_903 : vector<4x16x8x128xi32>
      %add3A_905 = arith.constant 1 : i32
      %add3A_906 = vector.broadcast %add3A_905 : i32 to vector<4x16x8x128xi32>
      %add3A_907 = arith.addi %xor3A_904, %add3A_906 : vector<4x16x8x128xi32>
      %convert_element_type3A_908 = arith.sitofp %add3A_907 : vector<4x16x8x128xi32> to vector<4x16x8x128xf32>
      %bitcast_convert_type3A_909 = tpu.bitcast %convert_element_type3A_908 : vector<4x16x8x128xf32> -> vector<4x16x8x128xi32>
      %shift_right_logical3A_910 = arith.constant 23 : i32
      %shift_right_logical3A_911 = vector.broadcast %shift_right_logical3A_910 : i32 to vector<4x16x8x128xi32>
      %shift_right_logical3A_912 = arith.shrui %bitcast_convert_type3A_909, %shift_right_logical3A_911 : vector<4x16x8x128xi32>
      %and3A_913 = arith.andi %add3A_907, %xor3A_904 : vector<4x16x8x128xi32>
      %eq3A_914 = arith.constant 0 : i32
      %eq3A_915 = vector.broadcast %eq3A_914 : i32 to vector<4x16x8x128xi32>
      %eq3A_916 = arith.cmpi eq, %and3A_913, %eq3A_915 : vector<4x16x8x128xi32>
      %and3A_917 = arith.constant 63688 : i32
      %and3A_918 = vector.broadcast %and3A_917 : i32 to vector<4x16x8x128xi32>
      %and3A_919 = arith.andi %add3A_907, %and3A_918 : vector<4x16x8x128xi32>
      %ne3A_920 = arith.constant 0 : i32
      %ne3A_921 = vector.broadcast %ne3A_920 : i32 to vector<4x16x8x128xi32>
      %ne3A_922 = arith.cmpi ne, %and3A_919, %ne3A_921 : vector<4x16x8x128xi32>
      %and3A_923 = arith.andi %eq3A_916, %ne3A_922 : vector<4x16x8x128xi1>
      %jit3A_924 = arith.constant 1 : i32
      %jit3A_925 = arith.constant 0 : i32
      %broadcast_in_dim3A_926 = vector.broadcast %jit3A_924 : i32 to vector<4x16x8x128xi32>
      %broadcast_in_dim3A_927 = vector.broadcast %jit3A_925 : i32 to vector<4x16x8x128xi32>
      %select_n3A_928 = arith.select %and3A_923, %broadcast_in_dim3A_926, %broadcast_in_dim3A_927 : vector<4x16x8x128xi1>, vector<4x16x8x128xi32>
      %sub3A_929 = arith.constant 142 : i32
      %sub3A_930 = vector.broadcast %sub3A_929 : i32 to vector<4x16x8x128xi32>
      %sub3A_931 = arith.subi %sub3A_930, %shift_right_logical3A_912 : vector<4x16x8x128xi32>
      %add3A_932 = arith.addi %sub3A_931, %select_n3A_928 : vector<4x16x8x128xi32>
      %convert_element_type3A_933 = arith.sitofp %add3A_932 : vector<4x16x8x128xi32> to vector<4x16x8x128xf32>
      %mul3A_934 = arith.constant 6.250000e-02 : f32
      %mul3A_935 = vector.broadcast %mul3A_934 : f32 to vector<4x16x8x128xf32>
      %mul3A_936 = arith.mulf %convert_element_type3A_933, %mul3A_935 : vector<4x16x8x128xf32>
      %mul3A_937 = vector.broadcast %broadcast_in_dim3A_902 : vector<4x1x8x1xf32> to vector<4x16x8x128xf32>
      %mul3A_938 = arith.mulf %mul3A_936, %mul3A_937 : vector<4x16x8x128xf32>
      %slice3A_939 = vector.extract_strided_slice %transpose3A_130 {offsets = [0, 0, 0, 7], sizes = [4, 16, 8, 1], strides = [1, 1, 1, 1]} : vector<4x16x8x16xf32> to vector<4x16x8x1xf32>
      %slice3A_940 = vector.extract_strided_slice %get3A_119 {offsets = [0, 0, 7], sizes = [4, 16, 1], strides = [1, 1, 1]} : vector<4x16x16xf32> to vector<4x16x1xf32>
      %squeeze3A_941 = vector.shape_cast %slice3A_940 : vector<4x16x1xf32> to vector<4x16xf32>
      %broadcast_in_dim3A_942 = vector.shape_cast %squeeze3A_941 : vector<4x16xf32> to vector<4x16x1x1xf32>
      %add3A_943 = vector.broadcast %slice3A_939 : vector<4x16x8x1xf32> to vector<4x16x8x128xf32>
      %add3A_944 = arith.addf %mul3A_938, %add3A_943 : vector<4x16x8x128xf32>
      %sub3A_945 = vector.broadcast %broadcast_in_dim3A_942 : vector<4x16x1x1xf32> to vector<4x16x8x128xf32>
      %sub3A_946 = arith.subf %add3A_944, %sub3A_945 : vector<4x16x8x128xf32>
      %abs3A_947 = math.absf %sub3A_946 : vector<4x16x8x128xf32>
      %add3A_948 = arith.addf %add3A_839, %abs3A_947 : vector<4x16x8x128xf32>
      %mul3A_949 = arith.mulf %mul3A_938, %select_n3A_115 : vector<4x16x8x128xf32>
      %add3A_950 = vector.broadcast %slice3A_939 : vector<4x16x8x1xf32> to vector<4x16x8x128xf32>
      %add3A_951 = arith.addf %mul3A_949, %add3A_950 : vector<4x16x8x128xf32>
      %sub3A_952 = vector.broadcast %broadcast_in_dim3A_942 : vector<4x16x1x1xf32> to vector<4x16x8x128xf32>
      %sub3A_953 = arith.subf %add3A_951, %sub3A_952 : vector<4x16x8x128xf32>
      %abs3A_954 = math.absf %sub3A_953 : vector<4x16x8x128xf32>
      %add3A_955 = arith.addf %add3A_846, %abs3A_954 : vector<4x16x8x128xf32>
      %slice3A_956 = vector.extract_strided_slice %transpose3A {offsets = [0, 0, 7], sizes = [4, 8, 1], strides = [1, 1, 1]} : vector<4x8x16xi32> to vector<4x8x1xi32>
      %squeeze3A_957 = vector.shape_cast %slice3A_956 : vector<4x8x1xi32> to vector<4x8xi32>
      %broadcast_in_dim3A_958 = vector.shape_cast %squeeze3A_957 : vector<4x8xi32> to vector<4x1x8xi32>
      %xor3A_959 = vector.broadcast %broadcast_in_dim3A_958 : vector<4x1x8xi32> to vector<4x16x8xi32>
      %xor3A_960 = arith.xori %abs3A, %xor3A_959 : vector<4x16x8xi32>
      %add3A_961 = arith.constant 1 : i32
      %add3A_962 = vector.broadcast %add3A_961 : i32 to vector<4x16x8xi32>
      %add3A_963 = arith.addi %xor3A_960, %add3A_962 : vector<4x16x8xi32>
      %convert_element_type3A_964 = arith.sitofp %add3A_963 : vector<4x16x8xi32> to vector<4x16x8xf32>
      %bitcast_convert_type3A_965 = tpu.bitcast %convert_element_type3A_964 : vector<4x16x8xf32> -> vector<4x16x8xi32>
      %shift_right_logical3A_966 = arith.constant 23 : i32
      %shift_right_logical3A_967 = vector.broadcast %shift_right_logical3A_966 : i32 to vector<4x16x8xi32>
      %shift_right_logical3A_968 = arith.shrui %bitcast_convert_type3A_965, %shift_right_logical3A_967 : vector<4x16x8xi32>
      %and3A_969 = arith.andi %add3A_963, %xor3A_960 : vector<4x16x8xi32>
      %eq3A_970 = arith.constant 0 : i32
      %eq3A_971 = vector.broadcast %eq3A_970 : i32 to vector<4x16x8xi32>
      %eq3A_972 = arith.cmpi eq, %and3A_969, %eq3A_971 : vector<4x16x8xi32>
      %and3A_973 = arith.constant 63688 : i32
      %and3A_974 = vector.broadcast %and3A_973 : i32 to vector<4x16x8xi32>
      %and3A_975 = arith.andi %add3A_963, %and3A_974 : vector<4x16x8xi32>
      %ne3A_976 = arith.constant 0 : i32
      %ne3A_977 = vector.broadcast %ne3A_976 : i32 to vector<4x16x8xi32>
      %ne3A_978 = arith.cmpi ne, %and3A_975, %ne3A_977 : vector<4x16x8xi32>
      %and3A_979 = arith.andi %eq3A_972, %ne3A_978 : vector<4x16x8xi1>
      %jit3A_980 = arith.constant 1 : i32
      %jit3A_981 = arith.constant 0 : i32
      %broadcast_in_dim3A_982 = vector.broadcast %jit3A_980 : i32 to vector<4x16x8xi32>
      %broadcast_in_dim3A_983 = vector.broadcast %jit3A_981 : i32 to vector<4x16x8xi32>
      %select_n3A_984 = arith.select %and3A_979, %broadcast_in_dim3A_982, %broadcast_in_dim3A_983 : vector<4x16x8xi1>, vector<4x16x8xi32>
      %sub3A_985 = arith.constant 142 : i32
      %sub3A_986 = vector.broadcast %sub3A_985 : i32 to vector<4x16x8xi32>
      %sub3A_987 = arith.subi %sub3A_986, %shift_right_logical3A_968 : vector<4x16x8xi32>
      %add3A_988 = arith.addi %sub3A_987, %select_n3A_984 : vector<4x16x8xi32>
      %convert_element_type3A_989 = arith.sitofp %add3A_988 : vector<4x16x8xi32> to vector<4x16x8xf32>
      %mul3A_990 = arith.constant 6.250000e-02 : f32
      %mul3A_991 = vector.broadcast %mul3A_990 : f32 to vector<4x16x8xf32>
      %mul3A_992 = arith.mulf %convert_element_type3A_989, %mul3A_991 : vector<4x16x8xf32>
      %slice3A_993 = vector.extract_strided_slice %mul3A_123 {offsets = [0, 0, 7], sizes = [4, 8, 1], strides = [1, 1, 1]} : vector<4x8x16xf32> to vector<4x8x1xf32>
      %squeeze3A_994 = vector.shape_cast %slice3A_993 : vector<4x8x1xf32> to vector<4x8xf32>
      %broadcast_in_dim3A_995 = vector.shape_cast %squeeze3A_994 : vector<4x8xf32> to vector<4x1x8xf32>
      %mul3A_996 = vector.broadcast %broadcast_in_dim3A_995 : vector<4x1x8xf32> to vector<4x16x8xf32>
      %mul3A_997 = arith.mulf %mul3A_992, %mul3A_996 : vector<4x16x8xf32>
      %slice3A_998 = vector.extract_strided_slice %transpose3A_130 {offsets = [0, 0, 0, 7], sizes = [4, 16, 8, 1], strides = [1, 1, 1, 1]} : vector<4x16x8x16xf32> to vector<4x16x8x1xf32>
      %squeeze3A_999 = vector.shape_cast %slice3A_998 : vector<4x16x8x1xf32> to vector<4x16x8xf32>
      %add3A_1000 = arith.addf %mul3A_997, %squeeze3A_999 : vector<4x16x8xf32>
      %slice3A_1001 = vector.extract_strided_slice %get3A_119 {offsets = [0, 0, 7], sizes = [4, 16, 1], strides = [1, 1, 1]} : vector<4x16x16xf32> to vector<4x16x1xf32>
      %squeeze3A_1002 = vector.shape_cast %slice3A_1001 : vector<4x16x1xf32> to vector<4x16xf32>
      %broadcast_in_dim3A_1003 = vector.shape_cast %squeeze3A_1002 : vector<4x16xf32> to vector<4x16x1xf32>
      %sub3A_1004 = vector.broadcast %broadcast_in_dim3A_1003 : vector<4x16x1xf32> to vector<4x16x8xf32>
      %sub3A_1005 = arith.subf %add3A_1000, %sub3A_1004 : vector<4x16x8xf32>
      %abs3A_1006 = math.absf %sub3A_1005 : vector<4x16x8xf32>
      %add3A_1007 = arith.addf %add3A_898, %abs3A_1006 : vector<4x16x8xf32>
      %slice3A_1008 = vector.extract_strided_slice %transpose3A {offsets = [0, 0, 8], sizes = [4, 8, 1], strides = [1, 1, 1]} : vector<4x8x16xi32> to vector<4x8x1xi32>
      %broadcast_in_dim3A_1009 = vector.shape_cast %slice3A_1008 : vector<4x8x1xi32> to vector<4x1x8x1xi32>
      %slice3A_1010 = vector.extract_strided_slice %mul3A_123 {offsets = [0, 0, 8], sizes = [4, 8, 1], strides = [1, 1, 1]} : vector<4x8x16xf32> to vector<4x8x1xf32>
      %broadcast_in_dim3A_1011 = vector.shape_cast %slice3A_1010 : vector<4x8x1xf32> to vector<4x1x8x1xf32>
      %xor3A_1012 = vector.broadcast %broadcast_in_dim3A_1009 : vector<4x1x8x1xi32> to vector<4x16x8x128xi32>
      %xor3A_1013 = arith.xori %xor3A_107, %xor3A_1012 : vector<4x16x8x128xi32>
      %add3A_1014 = arith.constant 1 : i32
      %add3A_1015 = vector.broadcast %add3A_1014 : i32 to vector<4x16x8x128xi32>
      %add3A_1016 = arith.addi %xor3A_1013, %add3A_1015 : vector<4x16x8x128xi32>
      %convert_element_type3A_1017 = arith.sitofp %add3A_1016 : vector<4x16x8x128xi32> to vector<4x16x8x128xf32>
      %bitcast_convert_type3A_1018 = tpu.bitcast %convert_element_type3A_1017 : vector<4x16x8x128xf32> -> vector<4x16x8x128xi32>
      %shift_right_logical3A_1019 = arith.constant 23 : i32
      %shift_right_logical3A_1020 = vector.broadcast %shift_right_logical3A_1019 : i32 to vector<4x16x8x128xi32>
      %shift_right_logical3A_1021 = arith.shrui %bitcast_convert_type3A_1018, %shift_right_logical3A_1020 : vector<4x16x8x128xi32>
      %and3A_1022 = arith.andi %add3A_1016, %xor3A_1013 : vector<4x16x8x128xi32>
      %eq3A_1023 = arith.constant 0 : i32
      %eq3A_1024 = vector.broadcast %eq3A_1023 : i32 to vector<4x16x8x128xi32>
      %eq3A_1025 = arith.cmpi eq, %and3A_1022, %eq3A_1024 : vector<4x16x8x128xi32>
      %and3A_1026 = arith.constant 63688 : i32
      %and3A_1027 = vector.broadcast %and3A_1026 : i32 to vector<4x16x8x128xi32>
      %and3A_1028 = arith.andi %add3A_1016, %and3A_1027 : vector<4x16x8x128xi32>
      %ne3A_1029 = arith.constant 0 : i32
      %ne3A_1030 = vector.broadcast %ne3A_1029 : i32 to vector<4x16x8x128xi32>
      %ne3A_1031 = arith.cmpi ne, %and3A_1028, %ne3A_1030 : vector<4x16x8x128xi32>
      %and3A_1032 = arith.andi %eq3A_1025, %ne3A_1031 : vector<4x16x8x128xi1>
      %jit3A_1033 = arith.constant 1 : i32
      %jit3A_1034 = arith.constant 0 : i32
      %broadcast_in_dim3A_1035 = vector.broadcast %jit3A_1033 : i32 to vector<4x16x8x128xi32>
      %broadcast_in_dim3A_1036 = vector.broadcast %jit3A_1034 : i32 to vector<4x16x8x128xi32>
      %select_n3A_1037 = arith.select %and3A_1032, %broadcast_in_dim3A_1035, %broadcast_in_dim3A_1036 : vector<4x16x8x128xi1>, vector<4x16x8x128xi32>
      %sub3A_1038 = arith.constant 142 : i32
      %sub3A_1039 = vector.broadcast %sub3A_1038 : i32 to vector<4x16x8x128xi32>
      %sub3A_1040 = arith.subi %sub3A_1039, %shift_right_logical3A_1021 : vector<4x16x8x128xi32>
      %add3A_1041 = arith.addi %sub3A_1040, %select_n3A_1037 : vector<4x16x8x128xi32>
      %convert_element_type3A_1042 = arith.sitofp %add3A_1041 : vector<4x16x8x128xi32> to vector<4x16x8x128xf32>
      %mul3A_1043 = arith.constant 6.250000e-02 : f32
      %mul3A_1044 = vector.broadcast %mul3A_1043 : f32 to vector<4x16x8x128xf32>
      %mul3A_1045 = arith.mulf %convert_element_type3A_1042, %mul3A_1044 : vector<4x16x8x128xf32>
      %mul3A_1046 = vector.broadcast %broadcast_in_dim3A_1011 : vector<4x1x8x1xf32> to vector<4x16x8x128xf32>
      %mul3A_1047 = arith.mulf %mul3A_1045, %mul3A_1046 : vector<4x16x8x128xf32>
      %slice3A_1048 = vector.extract_strided_slice %transpose3A_130 {offsets = [0, 0, 0, 8], sizes = [4, 16, 8, 1], strides = [1, 1, 1, 1]} : vector<4x16x8x16xf32> to vector<4x16x8x1xf32>
      %slice3A_1049 = vector.extract_strided_slice %get3A_119 {offsets = [0, 0, 8], sizes = [4, 16, 1], strides = [1, 1, 1]} : vector<4x16x16xf32> to vector<4x16x1xf32>
      %squeeze3A_1050 = vector.shape_cast %slice3A_1049 : vector<4x16x1xf32> to vector<4x16xf32>
      %broadcast_in_dim3A_1051 = vector.shape_cast %squeeze3A_1050 : vector<4x16xf32> to vector<4x16x1x1xf32>
      %add3A_1052 = vector.broadcast %slice3A_1048 : vector<4x16x8x1xf32> to vector<4x16x8x128xf32>
      %add3A_1053 = arith.addf %mul3A_1047, %add3A_1052 : vector<4x16x8x128xf32>
      %sub3A_1054 = vector.broadcast %broadcast_in_dim3A_1051 : vector<4x16x1x1xf32> to vector<4x16x8x128xf32>
      %sub3A_1055 = arith.subf %add3A_1053, %sub3A_1054 : vector<4x16x8x128xf32>
      %abs3A_1056 = math.absf %sub3A_1055 : vector<4x16x8x128xf32>
      %add3A_1057 = arith.addf %add3A_948, %abs3A_1056 : vector<4x16x8x128xf32>
      %mul3A_1058 = arith.mulf %mul3A_1047, %select_n3A_115 : vector<4x16x8x128xf32>
      %add3A_1059 = vector.broadcast %slice3A_1048 : vector<4x16x8x1xf32> to vector<4x16x8x128xf32>
      %add3A_1060 = arith.addf %mul3A_1058, %add3A_1059 : vector<4x16x8x128xf32>
      %sub3A_1061 = vector.broadcast %broadcast_in_dim3A_1051 : vector<4x16x1x1xf32> to vector<4x16x8x128xf32>
      %sub3A_1062 = arith.subf %add3A_1060, %sub3A_1061 : vector<4x16x8x128xf32>
      %abs3A_1063 = math.absf %sub3A_1062 : vector<4x16x8x128xf32>
      %add3A_1064 = arith.addf %add3A_955, %abs3A_1063 : vector<4x16x8x128xf32>
      %slice3A_1065 = vector.extract_strided_slice %transpose3A {offsets = [0, 0, 8], sizes = [4, 8, 1], strides = [1, 1, 1]} : vector<4x8x16xi32> to vector<4x8x1xi32>
      %squeeze3A_1066 = vector.shape_cast %slice3A_1065 : vector<4x8x1xi32> to vector<4x8xi32>
      %broadcast_in_dim3A_1067 = vector.shape_cast %squeeze3A_1066 : vector<4x8xi32> to vector<4x1x8xi32>
      %xor3A_1068 = vector.broadcast %broadcast_in_dim3A_1067 : vector<4x1x8xi32> to vector<4x16x8xi32>
      %xor3A_1069 = arith.xori %abs3A, %xor3A_1068 : vector<4x16x8xi32>
      %add3A_1070 = arith.constant 1 : i32
      %add3A_1071 = vector.broadcast %add3A_1070 : i32 to vector<4x16x8xi32>
      %add3A_1072 = arith.addi %xor3A_1069, %add3A_1071 : vector<4x16x8xi32>
      %convert_element_type3A_1073 = arith.sitofp %add3A_1072 : vector<4x16x8xi32> to vector<4x16x8xf32>
      %bitcast_convert_type3A_1074 = tpu.bitcast %convert_element_type3A_1073 : vector<4x16x8xf32> -> vector<4x16x8xi32>
      %shift_right_logical3A_1075 = arith.constant 23 : i32
      %shift_right_logical3A_1076 = vector.broadcast %shift_right_logical3A_1075 : i32 to vector<4x16x8xi32>
      %shift_right_logical3A_1077 = arith.shrui %bitcast_convert_type3A_1074, %shift_right_logical3A_1076 : vector<4x16x8xi32>
      %and3A_1078 = arith.andi %add3A_1072, %xor3A_1069 : vector<4x16x8xi32>
      %eq3A_1079 = arith.constant 0 : i32
      %eq3A_1080 = vector.broadcast %eq3A_1079 : i32 to vector<4x16x8xi32>
      %eq3A_1081 = arith.cmpi eq, %and3A_1078, %eq3A_1080 : vector<4x16x8xi32>
      %and3A_1082 = arith.constant 63688 : i32
      %and3A_1083 = vector.broadcast %and3A_1082 : i32 to vector<4x16x8xi32>
      %and3A_1084 = arith.andi %add3A_1072, %and3A_1083 : vector<4x16x8xi32>
      %ne3A_1085 = arith.constant 0 : i32
      %ne3A_1086 = vector.broadcast %ne3A_1085 : i32 to vector<4x16x8xi32>
      %ne3A_1087 = arith.cmpi ne, %and3A_1084, %ne3A_1086 : vector<4x16x8xi32>
      %and3A_1088 = arith.andi %eq3A_1081, %ne3A_1087 : vector<4x16x8xi1>
      %jit3A_1089 = arith.constant 1 : i32
      %jit3A_1090 = arith.constant 0 : i32
      %broadcast_in_dim3A_1091 = vector.broadcast %jit3A_1089 : i32 to vector<4x16x8xi32>
      %broadcast_in_dim3A_1092 = vector.broadcast %jit3A_1090 : i32 to vector<4x16x8xi32>
      %select_n3A_1093 = arith.select %and3A_1088, %broadcast_in_dim3A_1091, %broadcast_in_dim3A_1092 : vector<4x16x8xi1>, vector<4x16x8xi32>
      %sub3A_1094 = arith.constant 142 : i32
      %sub3A_1095 = vector.broadcast %sub3A_1094 : i32 to vector<4x16x8xi32>
      %sub3A_1096 = arith.subi %sub3A_1095, %shift_right_logical3A_1077 : vector<4x16x8xi32>
      %add3A_1097 = arith.addi %sub3A_1096, %select_n3A_1093 : vector<4x16x8xi32>
      %convert_element_type3A_1098 = arith.sitofp %add3A_1097 : vector<4x16x8xi32> to vector<4x16x8xf32>
      %mul3A_1099 = arith.constant 6.250000e-02 : f32
      %mul3A_1100 = vector.broadcast %mul3A_1099 : f32 to vector<4x16x8xf32>
      %mul3A_1101 = arith.mulf %convert_element_type3A_1098, %mul3A_1100 : vector<4x16x8xf32>
      %slice3A_1102 = vector.extract_strided_slice %mul3A_123 {offsets = [0, 0, 8], sizes = [4, 8, 1], strides = [1, 1, 1]} : vector<4x8x16xf32> to vector<4x8x1xf32>
      %squeeze3A_1103 = vector.shape_cast %slice3A_1102 : vector<4x8x1xf32> to vector<4x8xf32>
      %broadcast_in_dim3A_1104 = vector.shape_cast %squeeze3A_1103 : vector<4x8xf32> to vector<4x1x8xf32>
      %mul3A_1105 = vector.broadcast %broadcast_in_dim3A_1104 : vector<4x1x8xf32> to vector<4x16x8xf32>
      %mul3A_1106 = arith.mulf %mul3A_1101, %mul3A_1105 : vector<4x16x8xf32>
      %slice3A_1107 = vector.extract_strided_slice %transpose3A_130 {offsets = [0, 0, 0, 8], sizes = [4, 16, 8, 1], strides = [1, 1, 1, 1]} : vector<4x16x8x16xf32> to vector<4x16x8x1xf32>
      %squeeze3A_1108 = vector.shape_cast %slice3A_1107 : vector<4x16x8x1xf32> to vector<4x16x8xf32>
      %add3A_1109 = arith.addf %mul3A_1106, %squeeze3A_1108 : vector<4x16x8xf32>
      %slice3A_1110 = vector.extract_strided_slice %get3A_119 {offsets = [0, 0, 8], sizes = [4, 16, 1], strides = [1, 1, 1]} : vector<4x16x16xf32> to vector<4x16x1xf32>
      %squeeze3A_1111 = vector.shape_cast %slice3A_1110 : vector<4x16x1xf32> to vector<4x16xf32>
      %broadcast_in_dim3A_1112 = vector.shape_cast %squeeze3A_1111 : vector<4x16xf32> to vector<4x16x1xf32>
      %sub3A_1113 = vector.broadcast %broadcast_in_dim3A_1112 : vector<4x16x1xf32> to vector<4x16x8xf32>
      %sub3A_1114 = arith.subf %add3A_1109, %sub3A_1113 : vector<4x16x8xf32>
      %abs3A_1115 = math.absf %sub3A_1114 : vector<4x16x8xf32>
      %add3A_1116 = arith.addf %add3A_1007, %abs3A_1115 : vector<4x16x8xf32>
      %slice3A_1117 = vector.extract_strided_slice %transpose3A {offsets = [0, 0, 9], sizes = [4, 8, 1], strides = [1, 1, 1]} : vector<4x8x16xi32> to vector<4x8x1xi32>
      %broadcast_in_dim3A_1118 = vector.shape_cast %slice3A_1117 : vector<4x8x1xi32> to vector<4x1x8x1xi32>
      %slice3A_1119 = vector.extract_strided_slice %mul3A_123 {offsets = [0, 0, 9], sizes = [4, 8, 1], strides = [1, 1, 1]} : vector<4x8x16xf32> to vector<4x8x1xf32>
      %broadcast_in_dim3A_1120 = vector.shape_cast %slice3A_1119 : vector<4x8x1xf32> to vector<4x1x8x1xf32>
      %xor3A_1121 = vector.broadcast %broadcast_in_dim3A_1118 : vector<4x1x8x1xi32> to vector<4x16x8x128xi32>
      %xor3A_1122 = arith.xori %xor3A_107, %xor3A_1121 : vector<4x16x8x128xi32>
      %add3A_1123 = arith.constant 1 : i32
      %add3A_1124 = vector.broadcast %add3A_1123 : i32 to vector<4x16x8x128xi32>
      %add3A_1125 = arith.addi %xor3A_1122, %add3A_1124 : vector<4x16x8x128xi32>
      %convert_element_type3A_1126 = arith.sitofp %add3A_1125 : vector<4x16x8x128xi32> to vector<4x16x8x128xf32>
      %bitcast_convert_type3A_1127 = tpu.bitcast %convert_element_type3A_1126 : vector<4x16x8x128xf32> -> vector<4x16x8x128xi32>
      %shift_right_logical3A_1128 = arith.constant 23 : i32
      %shift_right_logical3A_1129 = vector.broadcast %shift_right_logical3A_1128 : i32 to vector<4x16x8x128xi32>
      %shift_right_logical3A_1130 = arith.shrui %bitcast_convert_type3A_1127, %shift_right_logical3A_1129 : vector<4x16x8x128xi32>
      %and3A_1131 = arith.andi %add3A_1125, %xor3A_1122 : vector<4x16x8x128xi32>
      %eq3A_1132 = arith.constant 0 : i32
      %eq3A_1133 = vector.broadcast %eq3A_1132 : i32 to vector<4x16x8x128xi32>
      %eq3A_1134 = arith.cmpi eq, %and3A_1131, %eq3A_1133 : vector<4x16x8x128xi32>
      %and3A_1135 = arith.constant 63688 : i32
      %and3A_1136 = vector.broadcast %and3A_1135 : i32 to vector<4x16x8x128xi32>
      %and3A_1137 = arith.andi %add3A_1125, %and3A_1136 : vector<4x16x8x128xi32>
      %ne3A_1138 = arith.constant 0 : i32
      %ne3A_1139 = vector.broadcast %ne3A_1138 : i32 to vector<4x16x8x128xi32>
      %ne3A_1140 = arith.cmpi ne, %and3A_1137, %ne3A_1139 : vector<4x16x8x128xi32>
      %and3A_1141 = arith.andi %eq3A_1134, %ne3A_1140 : vector<4x16x8x128xi1>
      %jit3A_1142 = arith.constant 1 : i32
      %jit3A_1143 = arith.constant 0 : i32
      %broadcast_in_dim3A_1144 = vector.broadcast %jit3A_1142 : i32 to vector<4x16x8x128xi32>
      %broadcast_in_dim3A_1145 = vector.broadcast %jit3A_1143 : i32 to vector<4x16x8x128xi32>
      %select_n3A_1146 = arith.select %and3A_1141, %broadcast_in_dim3A_1144, %broadcast_in_dim3A_1145 : vector<4x16x8x128xi1>, vector<4x16x8x128xi32>
      %sub3A_1147 = arith.constant 142 : i32
      %sub3A_1148 = vector.broadcast %sub3A_1147 : i32 to vector<4x16x8x128xi32>
      %sub3A_1149 = arith.subi %sub3A_1148, %shift_right_logical3A_1130 : vector<4x16x8x128xi32>
      %add3A_1150 = arith.addi %sub3A_1149, %select_n3A_1146 : vector<4x16x8x128xi32>
      %convert_element_type3A_1151 = arith.sitofp %add3A_1150 : vector<4x16x8x128xi32> to vector<4x16x8x128xf32>
      %mul3A_1152 = arith.constant 6.250000e-02 : f32
      %mul3A_1153 = vector.broadcast %mul3A_1152 : f32 to vector<4x16x8x128xf32>
      %mul3A_1154 = arith.mulf %convert_element_type3A_1151, %mul3A_1153 : vector<4x16x8x128xf32>
      %mul3A_1155 = vector.broadcast %broadcast_in_dim3A_1120 : vector<4x1x8x1xf32> to vector<4x16x8x128xf32>
      %mul3A_1156 = arith.mulf %mul3A_1154, %mul3A_1155 : vector<4x16x8x128xf32>
      %slice3A_1157 = vector.extract_strided_slice %transpose3A_130 {offsets = [0, 0, 0, 9], sizes = [4, 16, 8, 1], strides = [1, 1, 1, 1]} : vector<4x16x8x16xf32> to vector<4x16x8x1xf32>
      %slice3A_1158 = vector.extract_strided_slice %get3A_119 {offsets = [0, 0, 9], sizes = [4, 16, 1], strides = [1, 1, 1]} : vector<4x16x16xf32> to vector<4x16x1xf32>
      %squeeze3A_1159 = vector.shape_cast %slice3A_1158 : vector<4x16x1xf32> to vector<4x16xf32>
      %broadcast_in_dim3A_1160 = vector.shape_cast %squeeze3A_1159 : vector<4x16xf32> to vector<4x16x1x1xf32>
      %add3A_1161 = vector.broadcast %slice3A_1157 : vector<4x16x8x1xf32> to vector<4x16x8x128xf32>
      %add3A_1162 = arith.addf %mul3A_1156, %add3A_1161 : vector<4x16x8x128xf32>
      %sub3A_1163 = vector.broadcast %broadcast_in_dim3A_1160 : vector<4x16x1x1xf32> to vector<4x16x8x128xf32>
      %sub3A_1164 = arith.subf %add3A_1162, %sub3A_1163 : vector<4x16x8x128xf32>
      %abs3A_1165 = math.absf %sub3A_1164 : vector<4x16x8x128xf32>
      %add3A_1166 = arith.addf %add3A_1057, %abs3A_1165 : vector<4x16x8x128xf32>
      %mul3A_1167 = arith.mulf %mul3A_1156, %select_n3A_115 : vector<4x16x8x128xf32>
      %add3A_1168 = vector.broadcast %slice3A_1157 : vector<4x16x8x1xf32> to vector<4x16x8x128xf32>
      %add3A_1169 = arith.addf %mul3A_1167, %add3A_1168 : vector<4x16x8x128xf32>
      %sub3A_1170 = vector.broadcast %broadcast_in_dim3A_1160 : vector<4x16x1x1xf32> to vector<4x16x8x128xf32>
      %sub3A_1171 = arith.subf %add3A_1169, %sub3A_1170 : vector<4x16x8x128xf32>
      %abs3A_1172 = math.absf %sub3A_1171 : vector<4x16x8x128xf32>
      %add3A_1173 = arith.addf %add3A_1064, %abs3A_1172 : vector<4x16x8x128xf32>
      %slice3A_1174 = vector.extract_strided_slice %transpose3A {offsets = [0, 0, 9], sizes = [4, 8, 1], strides = [1, 1, 1]} : vector<4x8x16xi32> to vector<4x8x1xi32>
      %squeeze3A_1175 = vector.shape_cast %slice3A_1174 : vector<4x8x1xi32> to vector<4x8xi32>
      %broadcast_in_dim3A_1176 = vector.shape_cast %squeeze3A_1175 : vector<4x8xi32> to vector<4x1x8xi32>
      %xor3A_1177 = vector.broadcast %broadcast_in_dim3A_1176 : vector<4x1x8xi32> to vector<4x16x8xi32>
      %xor3A_1178 = arith.xori %abs3A, %xor3A_1177 : vector<4x16x8xi32>
      %add3A_1179 = arith.constant 1 : i32
      %add3A_1180 = vector.broadcast %add3A_1179 : i32 to vector<4x16x8xi32>
      %add3A_1181 = arith.addi %xor3A_1178, %add3A_1180 : vector<4x16x8xi32>
      %convert_element_type3A_1182 = arith.sitofp %add3A_1181 : vector<4x16x8xi32> to vector<4x16x8xf32>
      %bitcast_convert_type3A_1183 = tpu.bitcast %convert_element_type3A_1182 : vector<4x16x8xf32> -> vector<4x16x8xi32>
      %shift_right_logical3A_1184 = arith.constant 23 : i32
      %shift_right_logical3A_1185 = vector.broadcast %shift_right_logical3A_1184 : i32 to vector<4x16x8xi32>
      %shift_right_logical3A_1186 = arith.shrui %bitcast_convert_type3A_1183, %shift_right_logical3A_1185 : vector<4x16x8xi32>
      %and3A_1187 = arith.andi %add3A_1181, %xor3A_1178 : vector<4x16x8xi32>
      %eq3A_1188 = arith.constant 0 : i32
      %eq3A_1189 = vector.broadcast %eq3A_1188 : i32 to vector<4x16x8xi32>
      %eq3A_1190 = arith.cmpi eq, %and3A_1187, %eq3A_1189 : vector<4x16x8xi32>
      %and3A_1191 = arith.constant 63688 : i32
      %and3A_1192 = vector.broadcast %and3A_1191 : i32 to vector<4x16x8xi32>
      %and3A_1193 = arith.andi %add3A_1181, %and3A_1192 : vector<4x16x8xi32>
      %ne3A_1194 = arith.constant 0 : i32
      %ne3A_1195 = vector.broadcast %ne3A_1194 : i32 to vector<4x16x8xi32>
      %ne3A_1196 = arith.cmpi ne, %and3A_1193, %ne3A_1195 : vector<4x16x8xi32>
      %and3A_1197 = arith.andi %eq3A_1190, %ne3A_1196 : vector<4x16x8xi1>
      %jit3A_1198 = arith.constant 1 : i32
      %jit3A_1199 = arith.constant 0 : i32
      %broadcast_in_dim3A_1200 = vector.broadcast %jit3A_1198 : i32 to vector<4x16x8xi32>
      %broadcast_in_dim3A_1201 = vector.broadcast %jit3A_1199 : i32 to vector<4x16x8xi32>
      %select_n3A_1202 = arith.select %and3A_1197, %broadcast_in_dim3A_1200, %broadcast_in_dim3A_1201 : vector<4x16x8xi1>, vector<4x16x8xi32>
      %sub3A_1203 = arith.constant 142 : i32
      %sub3A_1204 = vector.broadcast %sub3A_1203 : i32 to vector<4x16x8xi32>
      %sub3A_1205 = arith.subi %sub3A_1204, %shift_right_logical3A_1186 : vector<4x16x8xi32>
      %add3A_1206 = arith.addi %sub3A_1205, %select_n3A_1202 : vector<4x16x8xi32>
      %convert_element_type3A_1207 = arith.sitofp %add3A_1206 : vector<4x16x8xi32> to vector<4x16x8xf32>
      %mul3A_1208 = arith.constant 6.250000e-02 : f32
      %mul3A_1209 = vector.broadcast %mul3A_1208 : f32 to vector<4x16x8xf32>
      %mul3A_1210 = arith.mulf %convert_element_type3A_1207, %mul3A_1209 : vector<4x16x8xf32>
      %slice3A_1211 = vector.extract_strided_slice %mul3A_123 {offsets = [0, 0, 9], sizes = [4, 8, 1], strides = [1, 1, 1]} : vector<4x8x16xf32> to vector<4x8x1xf32>
      %squeeze3A_1212 = vector.shape_cast %slice3A_1211 : vector<4x8x1xf32> to vector<4x8xf32>
      %broadcast_in_dim3A_1213 = vector.shape_cast %squeeze3A_1212 : vector<4x8xf32> to vector<4x1x8xf32>
      %mul3A_1214 = vector.broadcast %broadcast_in_dim3A_1213 : vector<4x1x8xf32> to vector<4x16x8xf32>
      %mul3A_1215 = arith.mulf %mul3A_1210, %mul3A_1214 : vector<4x16x8xf32>
      %slice3A_1216 = vector.extract_strided_slice %transpose3A_130 {offsets = [0, 0, 0, 9], sizes = [4, 16, 8, 1], strides = [1, 1, 1, 1]} : vector<4x16x8x16xf32> to vector<4x16x8x1xf32>
      %squeeze3A_1217 = vector.shape_cast %slice3A_1216 : vector<4x16x8x1xf32> to vector<4x16x8xf32>
      %add3A_1218 = arith.addf %mul3A_1215, %squeeze3A_1217 : vector<4x16x8xf32>
      %slice3A_1219 = vector.extract_strided_slice %get3A_119 {offsets = [0, 0, 9], sizes = [4, 16, 1], strides = [1, 1, 1]} : vector<4x16x16xf32> to vector<4x16x1xf32>
      %squeeze3A_1220 = vector.shape_cast %slice3A_1219 : vector<4x16x1xf32> to vector<4x16xf32>
      %broadcast_in_dim3A_1221 = vector.shape_cast %squeeze3A_1220 : vector<4x16xf32> to vector<4x16x1xf32>
      %sub3A_1222 = vector.broadcast %broadcast_in_dim3A_1221 : vector<4x16x1xf32> to vector<4x16x8xf32>
      %sub3A_1223 = arith.subf %add3A_1218, %sub3A_1222 : vector<4x16x8xf32>
      %abs3A_1224 = math.absf %sub3A_1223 : vector<4x16x8xf32>
      %add3A_1225 = arith.addf %add3A_1116, %abs3A_1224 : vector<4x16x8xf32>
      %slice3A_1226 = vector.extract_strided_slice %transpose3A {offsets = [0, 0, 10], sizes = [4, 8, 1], strides = [1, 1, 1]} : vector<4x8x16xi32> to vector<4x8x1xi32>
      %broadcast_in_dim3A_1227 = vector.shape_cast %slice3A_1226 : vector<4x8x1xi32> to vector<4x1x8x1xi32>
      %slice3A_1228 = vector.extract_strided_slice %mul3A_123 {offsets = [0, 0, 10], sizes = [4, 8, 1], strides = [1, 1, 1]} : vector<4x8x16xf32> to vector<4x8x1xf32>
      %broadcast_in_dim3A_1229 = vector.shape_cast %slice3A_1228 : vector<4x8x1xf32> to vector<4x1x8x1xf32>
      %xor3A_1230 = vector.broadcast %broadcast_in_dim3A_1227 : vector<4x1x8x1xi32> to vector<4x16x8x128xi32>
      %xor3A_1231 = arith.xori %xor3A_107, %xor3A_1230 : vector<4x16x8x128xi32>
      %add3A_1232 = arith.constant 1 : i32
      %add3A_1233 = vector.broadcast %add3A_1232 : i32 to vector<4x16x8x128xi32>
      %add3A_1234 = arith.addi %xor3A_1231, %add3A_1233 : vector<4x16x8x128xi32>
      %convert_element_type3A_1235 = arith.sitofp %add3A_1234 : vector<4x16x8x128xi32> to vector<4x16x8x128xf32>
      %bitcast_convert_type3A_1236 = tpu.bitcast %convert_element_type3A_1235 : vector<4x16x8x128xf32> -> vector<4x16x8x128xi32>
      %shift_right_logical3A_1237 = arith.constant 23 : i32
      %shift_right_logical3A_1238 = vector.broadcast %shift_right_logical3A_1237 : i32 to vector<4x16x8x128xi32>
      %shift_right_logical3A_1239 = arith.shrui %bitcast_convert_type3A_1236, %shift_right_logical3A_1238 : vector<4x16x8x128xi32>
      %and3A_1240 = arith.andi %add3A_1234, %xor3A_1231 : vector<4x16x8x128xi32>
      %eq3A_1241 = arith.constant 0 : i32
      %eq3A_1242 = vector.broadcast %eq3A_1241 : i32 to vector<4x16x8x128xi32>
      %eq3A_1243 = arith.cmpi eq, %and3A_1240, %eq3A_1242 : vector<4x16x8x128xi32>
      %and3A_1244 = arith.constant 63688 : i32
      %and3A_1245 = vector.broadcast %and3A_1244 : i32 to vector<4x16x8x128xi32>
      %and3A_1246 = arith.andi %add3A_1234, %and3A_1245 : vector<4x16x8x128xi32>
      %ne3A_1247 = arith.constant 0 : i32
      %ne3A_1248 = vector.broadcast %ne3A_1247 : i32 to vector<4x16x8x128xi32>
      %ne3A_1249 = arith.cmpi ne, %and3A_1246, %ne3A_1248 : vector<4x16x8x128xi32>
      %and3A_1250 = arith.andi %eq3A_1243, %ne3A_1249 : vector<4x16x8x128xi1>
      %jit3A_1251 = arith.constant 1 : i32
      %jit3A_1252 = arith.constant 0 : i32
      %broadcast_in_dim3A_1253 = vector.broadcast %jit3A_1251 : i32 to vector<4x16x8x128xi32>
      %broadcast_in_dim3A_1254 = vector.broadcast %jit3A_1252 : i32 to vector<4x16x8x128xi32>
      %select_n3A_1255 = arith.select %and3A_1250, %broadcast_in_dim3A_1253, %broadcast_in_dim3A_1254 : vector<4x16x8x128xi1>, vector<4x16x8x128xi32>
      %sub3A_1256 = arith.constant 142 : i32
      %sub3A_1257 = vector.broadcast %sub3A_1256 : i32 to vector<4x16x8x128xi32>
      %sub3A_1258 = arith.subi %sub3A_1257, %shift_right_logical3A_1239 : vector<4x16x8x128xi32>
      %add3A_1259 = arith.addi %sub3A_1258, %select_n3A_1255 : vector<4x16x8x128xi32>
      %convert_element_type3A_1260 = arith.sitofp %add3A_1259 : vector<4x16x8x128xi32> to vector<4x16x8x128xf32>
      %mul3A_1261 = arith.constant 6.250000e-02 : f32
      %mul3A_1262 = vector.broadcast %mul3A_1261 : f32 to vector<4x16x8x128xf32>
      %mul3A_1263 = arith.mulf %convert_element_type3A_1260, %mul3A_1262 : vector<4x16x8x128xf32>
      %mul3A_1264 = vector.broadcast %broadcast_in_dim3A_1229 : vector<4x1x8x1xf32> to vector<4x16x8x128xf32>
      %mul3A_1265 = arith.mulf %mul3A_1263, %mul3A_1264 : vector<4x16x8x128xf32>
      %slice3A_1266 = vector.extract_strided_slice %transpose3A_130 {offsets = [0, 0, 0, 10], sizes = [4, 16, 8, 1], strides = [1, 1, 1, 1]} : vector<4x16x8x16xf32> to vector<4x16x8x1xf32>
      %slice3A_1267 = vector.extract_strided_slice %get3A_119 {offsets = [0, 0, 10], sizes = [4, 16, 1], strides = [1, 1, 1]} : vector<4x16x16xf32> to vector<4x16x1xf32>
      %squeeze3A_1268 = vector.shape_cast %slice3A_1267 : vector<4x16x1xf32> to vector<4x16xf32>
      %broadcast_in_dim3A_1269 = vector.shape_cast %squeeze3A_1268 : vector<4x16xf32> to vector<4x16x1x1xf32>
      %add3A_1270 = vector.broadcast %slice3A_1266 : vector<4x16x8x1xf32> to vector<4x16x8x128xf32>
      %add3A_1271 = arith.addf %mul3A_1265, %add3A_1270 : vector<4x16x8x128xf32>
      %sub3A_1272 = vector.broadcast %broadcast_in_dim3A_1269 : vector<4x16x1x1xf32> to vector<4x16x8x128xf32>
      %sub3A_1273 = arith.subf %add3A_1271, %sub3A_1272 : vector<4x16x8x128xf32>
      %abs3A_1274 = math.absf %sub3A_1273 : vector<4x16x8x128xf32>
      %add3A_1275 = arith.addf %add3A_1166, %abs3A_1274 : vector<4x16x8x128xf32>
      %mul3A_1276 = arith.mulf %mul3A_1265, %select_n3A_115 : vector<4x16x8x128xf32>
      %add3A_1277 = vector.broadcast %slice3A_1266 : vector<4x16x8x1xf32> to vector<4x16x8x128xf32>
      %add3A_1278 = arith.addf %mul3A_1276, %add3A_1277 : vector<4x16x8x128xf32>
      %sub3A_1279 = vector.broadcast %broadcast_in_dim3A_1269 : vector<4x16x1x1xf32> to vector<4x16x8x128xf32>
      %sub3A_1280 = arith.subf %add3A_1278, %sub3A_1279 : vector<4x16x8x128xf32>
      %abs3A_1281 = math.absf %sub3A_1280 : vector<4x16x8x128xf32>
      %add3A_1282 = arith.addf %add3A_1173, %abs3A_1281 : vector<4x16x8x128xf32>
      %slice3A_1283 = vector.extract_strided_slice %transpose3A {offsets = [0, 0, 10], sizes = [4, 8, 1], strides = [1, 1, 1]} : vector<4x8x16xi32> to vector<4x8x1xi32>
      %squeeze3A_1284 = vector.shape_cast %slice3A_1283 : vector<4x8x1xi32> to vector<4x8xi32>
      %broadcast_in_dim3A_1285 = vector.shape_cast %squeeze3A_1284 : vector<4x8xi32> to vector<4x1x8xi32>
      %xor3A_1286 = vector.broadcast %broadcast_in_dim3A_1285 : vector<4x1x8xi32> to vector<4x16x8xi32>
      %xor3A_1287 = arith.xori %abs3A, %xor3A_1286 : vector<4x16x8xi32>
      %add3A_1288 = arith.constant 1 : i32
      %add3A_1289 = vector.broadcast %add3A_1288 : i32 to vector<4x16x8xi32>
      %add3A_1290 = arith.addi %xor3A_1287, %add3A_1289 : vector<4x16x8xi32>
      %convert_element_type3A_1291 = arith.sitofp %add3A_1290 : vector<4x16x8xi32> to vector<4x16x8xf32>
      %bitcast_convert_type3A_1292 = tpu.bitcast %convert_element_type3A_1291 : vector<4x16x8xf32> -> vector<4x16x8xi32>
      %shift_right_logical3A_1293 = arith.constant 23 : i32
      %shift_right_logical3A_1294 = vector.broadcast %shift_right_logical3A_1293 : i32 to vector<4x16x8xi32>
      %shift_right_logical3A_1295 = arith.shrui %bitcast_convert_type3A_1292, %shift_right_logical3A_1294 : vector<4x16x8xi32>
      %and3A_1296 = arith.andi %add3A_1290, %xor3A_1287 : vector<4x16x8xi32>
      %eq3A_1297 = arith.constant 0 : i32
      %eq3A_1298 = vector.broadcast %eq3A_1297 : i32 to vector<4x16x8xi32>
      %eq3A_1299 = arith.cmpi eq, %and3A_1296, %eq3A_1298 : vector<4x16x8xi32>
      %and3A_1300 = arith.constant 63688 : i32
      %and3A_1301 = vector.broadcast %and3A_1300 : i32 to vector<4x16x8xi32>
      %and3A_1302 = arith.andi %add3A_1290, %and3A_1301 : vector<4x16x8xi32>
      %ne3A_1303 = arith.constant 0 : i32
      %ne3A_1304 = vector.broadcast %ne3A_1303 : i32 to vector<4x16x8xi32>
      %ne3A_1305 = arith.cmpi ne, %and3A_1302, %ne3A_1304 : vector<4x16x8xi32>
      %and3A_1306 = arith.andi %eq3A_1299, %ne3A_1305 : vector<4x16x8xi1>
      %jit3A_1307 = arith.constant 1 : i32
      %jit3A_1308 = arith.constant 0 : i32
      %broadcast_in_dim3A_1309 = vector.broadcast %jit3A_1307 : i32 to vector<4x16x8xi32>
      %broadcast_in_dim3A_1310 = vector.broadcast %jit3A_1308 : i32 to vector<4x16x8xi32>
      %select_n3A_1311 = arith.select %and3A_1306, %broadcast_in_dim3A_1309, %broadcast_in_dim3A_1310 : vector<4x16x8xi1>, vector<4x16x8xi32>
      %sub3A_1312 = arith.constant 142 : i32
      %sub3A_1313 = vector.broadcast %sub3A_1312 : i32 to vector<4x16x8xi32>
      %sub3A_1314 = arith.subi %sub3A_1313, %shift_right_logical3A_1295 : vector<4x16x8xi32>
      %add3A_1315 = arith.addi %sub3A_1314, %select_n3A_1311 : vector<4x16x8xi32>
      %convert_element_type3A_1316 = arith.sitofp %add3A_1315 : vector<4x16x8xi32> to vector<4x16x8xf32>
      %mul3A_1317 = arith.constant 6.250000e-02 : f32
      %mul3A_1318 = vector.broadcast %mul3A_1317 : f32 to vector<4x16x8xf32>
      %mul3A_1319 = arith.mulf %convert_element_type3A_1316, %mul3A_1318 : vector<4x16x8xf32>
      %slice3A_1320 = vector.extract_strided_slice %mul3A_123 {offsets = [0, 0, 10], sizes = [4, 8, 1], strides = [1, 1, 1]} : vector<4x8x16xf32> to vector<4x8x1xf32>
      %squeeze3A_1321 = vector.shape_cast %slice3A_1320 : vector<4x8x1xf32> to vector<4x8xf32>
      %broadcast_in_dim3A_1322 = vector.shape_cast %squeeze3A_1321 : vector<4x8xf32> to vector<4x1x8xf32>
      %mul3A_1323 = vector.broadcast %broadcast_in_dim3A_1322 : vector<4x1x8xf32> to vector<4x16x8xf32>
      %mul3A_1324 = arith.mulf %mul3A_1319, %mul3A_1323 : vector<4x16x8xf32>
      %slice3A_1325 = vector.extract_strided_slice %transpose3A_130 {offsets = [0, 0, 0, 10], sizes = [4, 16, 8, 1], strides = [1, 1, 1, 1]} : vector<4x16x8x16xf32> to vector<4x16x8x1xf32>
      %squeeze3A_1326 = vector.shape_cast %slice3A_1325 : vector<4x16x8x1xf32> to vector<4x16x8xf32>
      %add3A_1327 = arith.addf %mul3A_1324, %squeeze3A_1326 : vector<4x16x8xf32>
      %slice3A_1328 = vector.extract_strided_slice %get3A_119 {offsets = [0, 0, 10], sizes = [4, 16, 1], strides = [1, 1, 1]} : vector<4x16x16xf32> to vector<4x16x1xf32>
      %squeeze3A_1329 = vector.shape_cast %slice3A_1328 : vector<4x16x1xf32> to vector<4x16xf32>
      %broadcast_in_dim3A_1330 = vector.shape_cast %squeeze3A_1329 : vector<4x16xf32> to vector<4x16x1xf32>
      %sub3A_1331 = vector.broadcast %broadcast_in_dim3A_1330 : vector<4x16x1xf32> to vector<4x16x8xf32>
      %sub3A_1332 = arith.subf %add3A_1327, %sub3A_1331 : vector<4x16x8xf32>
      %abs3A_1333 = math.absf %sub3A_1332 : vector<4x16x8xf32>
      %add3A_1334 = arith.addf %add3A_1225, %abs3A_1333 : vector<4x16x8xf32>
      %slice3A_1335 = vector.extract_strided_slice %transpose3A {offsets = [0, 0, 11], sizes = [4, 8, 1], strides = [1, 1, 1]} : vector<4x8x16xi32> to vector<4x8x1xi32>
      %broadcast_in_dim3A_1336 = vector.shape_cast %slice3A_1335 : vector<4x8x1xi32> to vector<4x1x8x1xi32>
      %slice3A_1337 = vector.extract_strided_slice %mul3A_123 {offsets = [0, 0, 11], sizes = [4, 8, 1], strides = [1, 1, 1]} : vector<4x8x16xf32> to vector<4x8x1xf32>
      %broadcast_in_dim3A_1338 = vector.shape_cast %slice3A_1337 : vector<4x8x1xf32> to vector<4x1x8x1xf32>
      %xor3A_1339 = vector.broadcast %broadcast_in_dim3A_1336 : vector<4x1x8x1xi32> to vector<4x16x8x128xi32>
      %xor3A_1340 = arith.xori %xor3A_107, %xor3A_1339 : vector<4x16x8x128xi32>
      %add3A_1341 = arith.constant 1 : i32
      %add3A_1342 = vector.broadcast %add3A_1341 : i32 to vector<4x16x8x128xi32>
      %add3A_1343 = arith.addi %xor3A_1340, %add3A_1342 : vector<4x16x8x128xi32>
      %convert_element_type3A_1344 = arith.sitofp %add3A_1343 : vector<4x16x8x128xi32> to vector<4x16x8x128xf32>
      %bitcast_convert_type3A_1345 = tpu.bitcast %convert_element_type3A_1344 : vector<4x16x8x128xf32> -> vector<4x16x8x128xi32>
      %shift_right_logical3A_1346 = arith.constant 23 : i32
      %shift_right_logical3A_1347 = vector.broadcast %shift_right_logical3A_1346 : i32 to vector<4x16x8x128xi32>
      %shift_right_logical3A_1348 = arith.shrui %bitcast_convert_type3A_1345, %shift_right_logical3A_1347 : vector<4x16x8x128xi32>
      %and3A_1349 = arith.andi %add3A_1343, %xor3A_1340 : vector<4x16x8x128xi32>
      %eq3A_1350 = arith.constant 0 : i32
      %eq3A_1351 = vector.broadcast %eq3A_1350 : i32 to vector<4x16x8x128xi32>
      %eq3A_1352 = arith.cmpi eq, %and3A_1349, %eq3A_1351 : vector<4x16x8x128xi32>
      %and3A_1353 = arith.constant 63688 : i32
      %and3A_1354 = vector.broadcast %and3A_1353 : i32 to vector<4x16x8x128xi32>
      %and3A_1355 = arith.andi %add3A_1343, %and3A_1354 : vector<4x16x8x128xi32>
      %ne3A_1356 = arith.constant 0 : i32
      %ne3A_1357 = vector.broadcast %ne3A_1356 : i32 to vector<4x16x8x128xi32>
      %ne3A_1358 = arith.cmpi ne, %and3A_1355, %ne3A_1357 : vector<4x16x8x128xi32>
      %and3A_1359 = arith.andi %eq3A_1352, %ne3A_1358 : vector<4x16x8x128xi1>
      %jit3A_1360 = arith.constant 1 : i32
      %jit3A_1361 = arith.constant 0 : i32
      %broadcast_in_dim3A_1362 = vector.broadcast %jit3A_1360 : i32 to vector<4x16x8x128xi32>
      %broadcast_in_dim3A_1363 = vector.broadcast %jit3A_1361 : i32 to vector<4x16x8x128xi32>
      %select_n3A_1364 = arith.select %and3A_1359, %broadcast_in_dim3A_1362, %broadcast_in_dim3A_1363 : vector<4x16x8x128xi1>, vector<4x16x8x128xi32>
      %sub3A_1365 = arith.constant 142 : i32
      %sub3A_1366 = vector.broadcast %sub3A_1365 : i32 to vector<4x16x8x128xi32>
      %sub3A_1367 = arith.subi %sub3A_1366, %shift_right_logical3A_1348 : vector<4x16x8x128xi32>
      %add3A_1368 = arith.addi %sub3A_1367, %select_n3A_1364 : vector<4x16x8x128xi32>
      %convert_element_type3A_1369 = arith.sitofp %add3A_1368 : vector<4x16x8x128xi32> to vector<4x16x8x128xf32>
      %mul3A_1370 = arith.constant 6.250000e-02 : f32
      %mul3A_1371 = vector.broadcast %mul3A_1370 : f32 to vector<4x16x8x128xf32>
      %mul3A_1372 = arith.mulf %convert_element_type3A_1369, %mul3A_1371 : vector<4x16x8x128xf32>
      %mul3A_1373 = vector.broadcast %broadcast_in_dim3A_1338 : vector<4x1x8x1xf32> to vector<4x16x8x128xf32>
      %mul3A_1374 = arith.mulf %mul3A_1372, %mul3A_1373 : vector<4x16x8x128xf32>
      %slice3A_1375 = vector.extract_strided_slice %transpose3A_130 {offsets = [0, 0, 0, 11], sizes = [4, 16, 8, 1], strides = [1, 1, 1, 1]} : vector<4x16x8x16xf32> to vector<4x16x8x1xf32>
      %slice3A_1376 = vector.extract_strided_slice %get3A_119 {offsets = [0, 0, 11], sizes = [4, 16, 1], strides = [1, 1, 1]} : vector<4x16x16xf32> to vector<4x16x1xf32>
      %squeeze3A_1377 = vector.shape_cast %slice3A_1376 : vector<4x16x1xf32> to vector<4x16xf32>
      %broadcast_in_dim3A_1378 = vector.shape_cast %squeeze3A_1377 : vector<4x16xf32> to vector<4x16x1x1xf32>
      %add3A_1379 = vector.broadcast %slice3A_1375 : vector<4x16x8x1xf32> to vector<4x16x8x128xf32>
      %add3A_1380 = arith.addf %mul3A_1374, %add3A_1379 : vector<4x16x8x128xf32>
      %sub3A_1381 = vector.broadcast %broadcast_in_dim3A_1378 : vector<4x16x1x1xf32> to vector<4x16x8x128xf32>
      %sub3A_1382 = arith.subf %add3A_1380, %sub3A_1381 : vector<4x16x8x128xf32>
      %abs3A_1383 = math.absf %sub3A_1382 : vector<4x16x8x128xf32>
      %add3A_1384 = arith.addf %add3A_1275, %abs3A_1383 : vector<4x16x8x128xf32>
      %mul3A_1385 = arith.mulf %mul3A_1374, %select_n3A_115 : vector<4x16x8x128xf32>
      %add3A_1386 = vector.broadcast %slice3A_1375 : vector<4x16x8x1xf32> to vector<4x16x8x128xf32>
      %add3A_1387 = arith.addf %mul3A_1385, %add3A_1386 : vector<4x16x8x128xf32>
      %sub3A_1388 = vector.broadcast %broadcast_in_dim3A_1378 : vector<4x16x1x1xf32> to vector<4x16x8x128xf32>
      %sub3A_1389 = arith.subf %add3A_1387, %sub3A_1388 : vector<4x16x8x128xf32>
      %abs3A_1390 = math.absf %sub3A_1389 : vector<4x16x8x128xf32>
      %add3A_1391 = arith.addf %add3A_1282, %abs3A_1390 : vector<4x16x8x128xf32>
      %slice3A_1392 = vector.extract_strided_slice %transpose3A {offsets = [0, 0, 11], sizes = [4, 8, 1], strides = [1, 1, 1]} : vector<4x8x16xi32> to vector<4x8x1xi32>
      %squeeze3A_1393 = vector.shape_cast %slice3A_1392 : vector<4x8x1xi32> to vector<4x8xi32>
      %broadcast_in_dim3A_1394 = vector.shape_cast %squeeze3A_1393 : vector<4x8xi32> to vector<4x1x8xi32>
      %xor3A_1395 = vector.broadcast %broadcast_in_dim3A_1394 : vector<4x1x8xi32> to vector<4x16x8xi32>
      %xor3A_1396 = arith.xori %abs3A, %xor3A_1395 : vector<4x16x8xi32>
      %add3A_1397 = arith.constant 1 : i32
      %add3A_1398 = vector.broadcast %add3A_1397 : i32 to vector<4x16x8xi32>
      %add3A_1399 = arith.addi %xor3A_1396, %add3A_1398 : vector<4x16x8xi32>
      %convert_element_type3A_1400 = arith.sitofp %add3A_1399 : vector<4x16x8xi32> to vector<4x16x8xf32>
      %bitcast_convert_type3A_1401 = tpu.bitcast %convert_element_type3A_1400 : vector<4x16x8xf32> -> vector<4x16x8xi32>
      %shift_right_logical3A_1402 = arith.constant 23 : i32
      %shift_right_logical3A_1403 = vector.broadcast %shift_right_logical3A_1402 : i32 to vector<4x16x8xi32>
      %shift_right_logical3A_1404 = arith.shrui %bitcast_convert_type3A_1401, %shift_right_logical3A_1403 : vector<4x16x8xi32>
      %and3A_1405 = arith.andi %add3A_1399, %xor3A_1396 : vector<4x16x8xi32>
      %eq3A_1406 = arith.constant 0 : i32
      %eq3A_1407 = vector.broadcast %eq3A_1406 : i32 to vector<4x16x8xi32>
      %eq3A_1408 = arith.cmpi eq, %and3A_1405, %eq3A_1407 : vector<4x16x8xi32>
      %and3A_1409 = arith.constant 63688 : i32
      %and3A_1410 = vector.broadcast %and3A_1409 : i32 to vector<4x16x8xi32>
      %and3A_1411 = arith.andi %add3A_1399, %and3A_1410 : vector<4x16x8xi32>
      %ne3A_1412 = arith.constant 0 : i32
      %ne3A_1413 = vector.broadcast %ne3A_1412 : i32 to vector<4x16x8xi32>
      %ne3A_1414 = arith.cmpi ne, %and3A_1411, %ne3A_1413 : vector<4x16x8xi32>
      %and3A_1415 = arith.andi %eq3A_1408, %ne3A_1414 : vector<4x16x8xi1>
      %jit3A_1416 = arith.constant 1 : i32
      %jit3A_1417 = arith.constant 0 : i32
      %broadcast_in_dim3A_1418 = vector.broadcast %jit3A_1416 : i32 to vector<4x16x8xi32>
      %broadcast_in_dim3A_1419 = vector.broadcast %jit3A_1417 : i32 to vector<4x16x8xi32>
      %select_n3A_1420 = arith.select %and3A_1415, %broadcast_in_dim3A_1418, %broadcast_in_dim3A_1419 : vector<4x16x8xi1>, vector<4x16x8xi32>
      %sub3A_1421 = arith.constant 142 : i32
      %sub3A_1422 = vector.broadcast %sub3A_1421 : i32 to vector<4x16x8xi32>
      %sub3A_1423 = arith.subi %sub3A_1422, %shift_right_logical3A_1404 : vector<4x16x8xi32>
      %add3A_1424 = arith.addi %sub3A_1423, %select_n3A_1420 : vector<4x16x8xi32>
      %convert_element_type3A_1425 = arith.sitofp %add3A_1424 : vector<4x16x8xi32> to vector<4x16x8xf32>
      %mul3A_1426 = arith.constant 6.250000e-02 : f32
      %mul3A_1427 = vector.broadcast %mul3A_1426 : f32 to vector<4x16x8xf32>
      %mul3A_1428 = arith.mulf %convert_element_type3A_1425, %mul3A_1427 : vector<4x16x8xf32>
      %slice3A_1429 = vector.extract_strided_slice %mul3A_123 {offsets = [0, 0, 11], sizes = [4, 8, 1], strides = [1, 1, 1]} : vector<4x8x16xf32> to vector<4x8x1xf32>
      %squeeze3A_1430 = vector.shape_cast %slice3A_1429 : vector<4x8x1xf32> to vector<4x8xf32>
      %broadcast_in_dim3A_1431 = vector.shape_cast %squeeze3A_1430 : vector<4x8xf32> to vector<4x1x8xf32>
      %mul3A_1432 = vector.broadcast %broadcast_in_dim3A_1431 : vector<4x1x8xf32> to vector<4x16x8xf32>
      %mul3A_1433 = arith.mulf %mul3A_1428, %mul3A_1432 : vector<4x16x8xf32>
      %slice3A_1434 = vector.extract_strided_slice %transpose3A_130 {offsets = [0, 0, 0, 11], sizes = [4, 16, 8, 1], strides = [1, 1, 1, 1]} : vector<4x16x8x16xf32> to vector<4x16x8x1xf32>
      %squeeze3A_1435 = vector.shape_cast %slice3A_1434 : vector<4x16x8x1xf32> to vector<4x16x8xf32>
      %add3A_1436 = arith.addf %mul3A_1433, %squeeze3A_1435 : vector<4x16x8xf32>
      %slice3A_1437 = vector.extract_strided_slice %get3A_119 {offsets = [0, 0, 11], sizes = [4, 16, 1], strides = [1, 1, 1]} : vector<4x16x16xf32> to vector<4x16x1xf32>
      %squeeze3A_1438 = vector.shape_cast %slice3A_1437 : vector<4x16x1xf32> to vector<4x16xf32>
      %broadcast_in_dim3A_1439 = vector.shape_cast %squeeze3A_1438 : vector<4x16xf32> to vector<4x16x1xf32>
      %sub3A_1440 = vector.broadcast %broadcast_in_dim3A_1439 : vector<4x16x1xf32> to vector<4x16x8xf32>
      %sub3A_1441 = arith.subf %add3A_1436, %sub3A_1440 : vector<4x16x8xf32>
      %abs3A_1442 = math.absf %sub3A_1441 : vector<4x16x8xf32>
      %add3A_1443 = arith.addf %add3A_1334, %abs3A_1442 : vector<4x16x8xf32>
      %slice3A_1444 = vector.extract_strided_slice %transpose3A {offsets = [0, 0, 12], sizes = [4, 8, 1], strides = [1, 1, 1]} : vector<4x8x16xi32> to vector<4x8x1xi32>
      %broadcast_in_dim3A_1445 = vector.shape_cast %slice3A_1444 : vector<4x8x1xi32> to vector<4x1x8x1xi32>
      %slice3A_1446 = vector.extract_strided_slice %mul3A_123 {offsets = [0, 0, 12], sizes = [4, 8, 1], strides = [1, 1, 1]} : vector<4x8x16xf32> to vector<4x8x1xf32>
      %broadcast_in_dim3A_1447 = vector.shape_cast %slice3A_1446 : vector<4x8x1xf32> to vector<4x1x8x1xf32>
      %xor3A_1448 = vector.broadcast %broadcast_in_dim3A_1445 : vector<4x1x8x1xi32> to vector<4x16x8x128xi32>
      %xor3A_1449 = arith.xori %xor3A_107, %xor3A_1448 : vector<4x16x8x128xi32>
      %add3A_1450 = arith.constant 1 : i32
      %add3A_1451 = vector.broadcast %add3A_1450 : i32 to vector<4x16x8x128xi32>
      %add3A_1452 = arith.addi %xor3A_1449, %add3A_1451 : vector<4x16x8x128xi32>
      %convert_element_type3A_1453 = arith.sitofp %add3A_1452 : vector<4x16x8x128xi32> to vector<4x16x8x128xf32>
      %bitcast_convert_type3A_1454 = tpu.bitcast %convert_element_type3A_1453 : vector<4x16x8x128xf32> -> vector<4x16x8x128xi32>
      %shift_right_logical3A_1455 = arith.constant 23 : i32
      %shift_right_logical3A_1456 = vector.broadcast %shift_right_logical3A_1455 : i32 to vector<4x16x8x128xi32>
      %shift_right_logical3A_1457 = arith.shrui %bitcast_convert_type3A_1454, %shift_right_logical3A_1456 : vector<4x16x8x128xi32>
      %and3A_1458 = arith.andi %add3A_1452, %xor3A_1449 : vector<4x16x8x128xi32>
      %eq3A_1459 = arith.constant 0 : i32
      %eq3A_1460 = vector.broadcast %eq3A_1459 : i32 to vector<4x16x8x128xi32>
      %eq3A_1461 = arith.cmpi eq, %and3A_1458, %eq3A_1460 : vector<4x16x8x128xi32>
      %and3A_1462 = arith.constant 63688 : i32
      %and3A_1463 = vector.broadcast %and3A_1462 : i32 to vector<4x16x8x128xi32>
      %and3A_1464 = arith.andi %add3A_1452, %and3A_1463 : vector<4x16x8x128xi32>
      %ne3A_1465 = arith.constant 0 : i32
      %ne3A_1466 = vector.broadcast %ne3A_1465 : i32 to vector<4x16x8x128xi32>
      %ne3A_1467 = arith.cmpi ne, %and3A_1464, %ne3A_1466 : vector<4x16x8x128xi32>
      %and3A_1468 = arith.andi %eq3A_1461, %ne3A_1467 : vector<4x16x8x128xi1>
      %jit3A_1469 = arith.constant 1 : i32
      %jit3A_1470 = arith.constant 0 : i32
      %broadcast_in_dim3A_1471 = vector.broadcast %jit3A_1469 : i32 to vector<4x16x8x128xi32>
      %broadcast_in_dim3A_1472 = vector.broadcast %jit3A_1470 : i32 to vector<4x16x8x128xi32>
      %select_n3A_1473 = arith.select %and3A_1468, %broadcast_in_dim3A_1471, %broadcast_in_dim3A_1472 : vector<4x16x8x128xi1>, vector<4x16x8x128xi32>
      %sub3A_1474 = arith.constant 142 : i32
      %sub3A_1475 = vector.broadcast %sub3A_1474 : i32 to vector<4x16x8x128xi32>
      %sub3A_1476 = arith.subi %sub3A_1475, %shift_right_logical3A_1457 : vector<4x16x8x128xi32>
      %add3A_1477 = arith.addi %sub3A_1476, %select_n3A_1473 : vector<4x16x8x128xi32>
      %convert_element_type3A_1478 = arith.sitofp %add3A_1477 : vector<4x16x8x128xi32> to vector<4x16x8x128xf32>
      %mul3A_1479 = arith.constant 6.250000e-02 : f32
      %mul3A_1480 = vector.broadcast %mul3A_1479 : f32 to vector<4x16x8x128xf32>
      %mul3A_1481 = arith.mulf %convert_element_type3A_1478, %mul3A_1480 : vector<4x16x8x128xf32>
      %mul3A_1482 = vector.broadcast %broadcast_in_dim3A_1447 : vector<4x1x8x1xf32> to vector<4x16x8x128xf32>
      %mul3A_1483 = arith.mulf %mul3A_1481, %mul3A_1482 : vector<4x16x8x128xf32>
      %slice3A_1484 = vector.extract_strided_slice %transpose3A_130 {offsets = [0, 0, 0, 12], sizes = [4, 16, 8, 1], strides = [1, 1, 1, 1]} : vector<4x16x8x16xf32> to vector<4x16x8x1xf32>
      %slice3A_1485 = vector.extract_strided_slice %get3A_119 {offsets = [0, 0, 12], sizes = [4, 16, 1], strides = [1, 1, 1]} : vector<4x16x16xf32> to vector<4x16x1xf32>
      %squeeze3A_1486 = vector.shape_cast %slice3A_1485 : vector<4x16x1xf32> to vector<4x16xf32>
      %broadcast_in_dim3A_1487 = vector.shape_cast %squeeze3A_1486 : vector<4x16xf32> to vector<4x16x1x1xf32>
      %add3A_1488 = vector.broadcast %slice3A_1484 : vector<4x16x8x1xf32> to vector<4x16x8x128xf32>
      %add3A_1489 = arith.addf %mul3A_1483, %add3A_1488 : vector<4x16x8x128xf32>
      %sub3A_1490 = vector.broadcast %broadcast_in_dim3A_1487 : vector<4x16x1x1xf32> to vector<4x16x8x128xf32>
      %sub3A_1491 = arith.subf %add3A_1489, %sub3A_1490 : vector<4x16x8x128xf32>
      %abs3A_1492 = math.absf %sub3A_1491 : vector<4x16x8x128xf32>
      %add3A_1493 = arith.addf %add3A_1384, %abs3A_1492 : vector<4x16x8x128xf32>
      %mul3A_1494 = arith.mulf %mul3A_1483, %select_n3A_115 : vector<4x16x8x128xf32>
      %add3A_1495 = vector.broadcast %slice3A_1484 : vector<4x16x8x1xf32> to vector<4x16x8x128xf32>
      %add3A_1496 = arith.addf %mul3A_1494, %add3A_1495 : vector<4x16x8x128xf32>
      %sub3A_1497 = vector.broadcast %broadcast_in_dim3A_1487 : vector<4x16x1x1xf32> to vector<4x16x8x128xf32>
      %sub3A_1498 = arith.subf %add3A_1496, %sub3A_1497 : vector<4x16x8x128xf32>
      %abs3A_1499 = math.absf %sub3A_1498 : vector<4x16x8x128xf32>
      %add3A_1500 = arith.addf %add3A_1391, %abs3A_1499 : vector<4x16x8x128xf32>
      %slice3A_1501 = vector.extract_strided_slice %transpose3A {offsets = [0, 0, 12], sizes = [4, 8, 1], strides = [1, 1, 1]} : vector<4x8x16xi32> to vector<4x8x1xi32>
      %squeeze3A_1502 = vector.shape_cast %slice3A_1501 : vector<4x8x1xi32> to vector<4x8xi32>
      %broadcast_in_dim3A_1503 = vector.shape_cast %squeeze3A_1502 : vector<4x8xi32> to vector<4x1x8xi32>
      %xor3A_1504 = vector.broadcast %broadcast_in_dim3A_1503 : vector<4x1x8xi32> to vector<4x16x8xi32>
      %xor3A_1505 = arith.xori %abs3A, %xor3A_1504 : vector<4x16x8xi32>
      %add3A_1506 = arith.constant 1 : i32
      %add3A_1507 = vector.broadcast %add3A_1506 : i32 to vector<4x16x8xi32>
      %add3A_1508 = arith.addi %xor3A_1505, %add3A_1507 : vector<4x16x8xi32>
      %convert_element_type3A_1509 = arith.sitofp %add3A_1508 : vector<4x16x8xi32> to vector<4x16x8xf32>
      %bitcast_convert_type3A_1510 = tpu.bitcast %convert_element_type3A_1509 : vector<4x16x8xf32> -> vector<4x16x8xi32>
      %shift_right_logical3A_1511 = arith.constant 23 : i32
      %shift_right_logical3A_1512 = vector.broadcast %shift_right_logical3A_1511 : i32 to vector<4x16x8xi32>
      %shift_right_logical3A_1513 = arith.shrui %bitcast_convert_type3A_1510, %shift_right_logical3A_1512 : vector<4x16x8xi32>
      %and3A_1514 = arith.andi %add3A_1508, %xor3A_1505 : vector<4x16x8xi32>
      %eq3A_1515 = arith.constant 0 : i32
      %eq3A_1516 = vector.broadcast %eq3A_1515 : i32 to vector<4x16x8xi32>
      %eq3A_1517 = arith.cmpi eq, %and3A_1514, %eq3A_1516 : vector<4x16x8xi32>
      %and3A_1518 = arith.constant 63688 : i32
      %and3A_1519 = vector.broadcast %and3A_1518 : i32 to vector<4x16x8xi32>
      %and3A_1520 = arith.andi %add3A_1508, %and3A_1519 : vector<4x16x8xi32>
      %ne3A_1521 = arith.constant 0 : i32
      %ne3A_1522 = vector.broadcast %ne3A_1521 : i32 to vector<4x16x8xi32>
      %ne3A_1523 = arith.cmpi ne, %and3A_1520, %ne3A_1522 : vector<4x16x8xi32>
      %and3A_1524 = arith.andi %eq3A_1517, %ne3A_1523 : vector<4x16x8xi1>
      %jit3A_1525 = arith.constant 1 : i32
      %jit3A_1526 = arith.constant 0 : i32
      %broadcast_in_dim3A_1527 = vector.broadcast %jit3A_1525 : i32 to vector<4x16x8xi32>
      %broadcast_in_dim3A_1528 = vector.broadcast %jit3A_1526 : i32 to vector<4x16x8xi32>
      %select_n3A_1529 = arith.select %and3A_1524, %broadcast_in_dim3A_1527, %broadcast_in_dim3A_1528 : vector<4x16x8xi1>, vector<4x16x8xi32>
      %sub3A_1530 = arith.constant 142 : i32
      %sub3A_1531 = vector.broadcast %sub3A_1530 : i32 to vector<4x16x8xi32>
      %sub3A_1532 = arith.subi %sub3A_1531, %shift_right_logical3A_1513 : vector<4x16x8xi32>
      %add3A_1533 = arith.addi %sub3A_1532, %select_n3A_1529 : vector<4x16x8xi32>
      %convert_element_type3A_1534 = arith.sitofp %add3A_1533 : vector<4x16x8xi32> to vector<4x16x8xf32>
      %mul3A_1535 = arith.constant 6.250000e-02 : f32
      %mul3A_1536 = vector.broadcast %mul3A_1535 : f32 to vector<4x16x8xf32>
      %mul3A_1537 = arith.mulf %convert_element_type3A_1534, %mul3A_1536 : vector<4x16x8xf32>
      %slice3A_1538 = vector.extract_strided_slice %mul3A_123 {offsets = [0, 0, 12], sizes = [4, 8, 1], strides = [1, 1, 1]} : vector<4x8x16xf32> to vector<4x8x1xf32>
      %squeeze3A_1539 = vector.shape_cast %slice3A_1538 : vector<4x8x1xf32> to vector<4x8xf32>
      %broadcast_in_dim3A_1540 = vector.shape_cast %squeeze3A_1539 : vector<4x8xf32> to vector<4x1x8xf32>
      %mul3A_1541 = vector.broadcast %broadcast_in_dim3A_1540 : vector<4x1x8xf32> to vector<4x16x8xf32>
      %mul3A_1542 = arith.mulf %mul3A_1537, %mul3A_1541 : vector<4x16x8xf32>
      %slice3A_1543 = vector.extract_strided_slice %transpose3A_130 {offsets = [0, 0, 0, 12], sizes = [4, 16, 8, 1], strides = [1, 1, 1, 1]} : vector<4x16x8x16xf32> to vector<4x16x8x1xf32>
      %squeeze3A_1544 = vector.shape_cast %slice3A_1543 : vector<4x16x8x1xf32> to vector<4x16x8xf32>
      %add3A_1545 = arith.addf %mul3A_1542, %squeeze3A_1544 : vector<4x16x8xf32>
      %slice3A_1546 = vector.extract_strided_slice %get3A_119 {offsets = [0, 0, 12], sizes = [4, 16, 1], strides = [1, 1, 1]} : vector<4x16x16xf32> to vector<4x16x1xf32>
      %squeeze3A_1547 = vector.shape_cast %slice3A_1546 : vector<4x16x1xf32> to vector<4x16xf32>
      %broadcast_in_dim3A_1548 = vector.shape_cast %squeeze3A_1547 : vector<4x16xf32> to vector<4x16x1xf32>
      %sub3A_1549 = vector.broadcast %broadcast_in_dim3A_1548 : vector<4x16x1xf32> to vector<4x16x8xf32>
      %sub3A_1550 = arith.subf %add3A_1545, %sub3A_1549 : vector<4x16x8xf32>
      %abs3A_1551 = math.absf %sub3A_1550 : vector<4x16x8xf32>
      %add3A_1552 = arith.addf %add3A_1443, %abs3A_1551 : vector<4x16x8xf32>
      %slice3A_1553 = vector.extract_strided_slice %transpose3A {offsets = [0, 0, 13], sizes = [4, 8, 1], strides = [1, 1, 1]} : vector<4x8x16xi32> to vector<4x8x1xi32>
      %broadcast_in_dim3A_1554 = vector.shape_cast %slice3A_1553 : vector<4x8x1xi32> to vector<4x1x8x1xi32>
      %slice3A_1555 = vector.extract_strided_slice %mul3A_123 {offsets = [0, 0, 13], sizes = [4, 8, 1], strides = [1, 1, 1]} : vector<4x8x16xf32> to vector<4x8x1xf32>
      %broadcast_in_dim3A_1556 = vector.shape_cast %slice3A_1555 : vector<4x8x1xf32> to vector<4x1x8x1xf32>
      %xor3A_1557 = vector.broadcast %broadcast_in_dim3A_1554 : vector<4x1x8x1xi32> to vector<4x16x8x128xi32>
      %xor3A_1558 = arith.xori %xor3A_107, %xor3A_1557 : vector<4x16x8x128xi32>
      %add3A_1559 = arith.constant 1 : i32
      %add3A_1560 = vector.broadcast %add3A_1559 : i32 to vector<4x16x8x128xi32>
      %add3A_1561 = arith.addi %xor3A_1558, %add3A_1560 : vector<4x16x8x128xi32>
      %convert_element_type3A_1562 = arith.sitofp %add3A_1561 : vector<4x16x8x128xi32> to vector<4x16x8x128xf32>
      %bitcast_convert_type3A_1563 = tpu.bitcast %convert_element_type3A_1562 : vector<4x16x8x128xf32> -> vector<4x16x8x128xi32>
      %shift_right_logical3A_1564 = arith.constant 23 : i32
      %shift_right_logical3A_1565 = vector.broadcast %shift_right_logical3A_1564 : i32 to vector<4x16x8x128xi32>
      %shift_right_logical3A_1566 = arith.shrui %bitcast_convert_type3A_1563, %shift_right_logical3A_1565 : vector<4x16x8x128xi32>
      %and3A_1567 = arith.andi %add3A_1561, %xor3A_1558 : vector<4x16x8x128xi32>
      %eq3A_1568 = arith.constant 0 : i32
      %eq3A_1569 = vector.broadcast %eq3A_1568 : i32 to vector<4x16x8x128xi32>
      %eq3A_1570 = arith.cmpi eq, %and3A_1567, %eq3A_1569 : vector<4x16x8x128xi32>
      %and3A_1571 = arith.constant 63688 : i32
      %and3A_1572 = vector.broadcast %and3A_1571 : i32 to vector<4x16x8x128xi32>
      %and3A_1573 = arith.andi %add3A_1561, %and3A_1572 : vector<4x16x8x128xi32>
      %ne3A_1574 = arith.constant 0 : i32
      %ne3A_1575 = vector.broadcast %ne3A_1574 : i32 to vector<4x16x8x128xi32>
      %ne3A_1576 = arith.cmpi ne, %and3A_1573, %ne3A_1575 : vector<4x16x8x128xi32>
      %and3A_1577 = arith.andi %eq3A_1570, %ne3A_1576 : vector<4x16x8x128xi1>
      %jit3A_1578 = arith.constant 1 : i32
      %jit3A_1579 = arith.constant 0 : i32
      %broadcast_in_dim3A_1580 = vector.broadcast %jit3A_1578 : i32 to vector<4x16x8x128xi32>
      %broadcast_in_dim3A_1581 = vector.broadcast %jit3A_1579 : i32 to vector<4x16x8x128xi32>
      %select_n3A_1582 = arith.select %and3A_1577, %broadcast_in_dim3A_1580, %broadcast_in_dim3A_1581 : vector<4x16x8x128xi1>, vector<4x16x8x128xi32>
      %sub3A_1583 = arith.constant 142 : i32
      %sub3A_1584 = vector.broadcast %sub3A_1583 : i32 to vector<4x16x8x128xi32>
      %sub3A_1585 = arith.subi %sub3A_1584, %shift_right_logical3A_1566 : vector<4x16x8x128xi32>
      %add3A_1586 = arith.addi %sub3A_1585, %select_n3A_1582 : vector<4x16x8x128xi32>
      %convert_element_type3A_1587 = arith.sitofp %add3A_1586 : vector<4x16x8x128xi32> to vector<4x16x8x128xf32>
      %mul3A_1588 = arith.constant 6.250000e-02 : f32
      %mul3A_1589 = vector.broadcast %mul3A_1588 : f32 to vector<4x16x8x128xf32>
      %mul3A_1590 = arith.mulf %convert_element_type3A_1587, %mul3A_1589 : vector<4x16x8x128xf32>
      %mul3A_1591 = vector.broadcast %broadcast_in_dim3A_1556 : vector<4x1x8x1xf32> to vector<4x16x8x128xf32>
      %mul3A_1592 = arith.mulf %mul3A_1590, %mul3A_1591 : vector<4x16x8x128xf32>
      %slice3A_1593 = vector.extract_strided_slice %transpose3A_130 {offsets = [0, 0, 0, 13], sizes = [4, 16, 8, 1], strides = [1, 1, 1, 1]} : vector<4x16x8x16xf32> to vector<4x16x8x1xf32>
      %slice3A_1594 = vector.extract_strided_slice %get3A_119 {offsets = [0, 0, 13], sizes = [4, 16, 1], strides = [1, 1, 1]} : vector<4x16x16xf32> to vector<4x16x1xf32>
      %squeeze3A_1595 = vector.shape_cast %slice3A_1594 : vector<4x16x1xf32> to vector<4x16xf32>
      %broadcast_in_dim3A_1596 = vector.shape_cast %squeeze3A_1595 : vector<4x16xf32> to vector<4x16x1x1xf32>
      %add3A_1597 = vector.broadcast %slice3A_1593 : vector<4x16x8x1xf32> to vector<4x16x8x128xf32>
      %add3A_1598 = arith.addf %mul3A_1592, %add3A_1597 : vector<4x16x8x128xf32>
      %sub3A_1599 = vector.broadcast %broadcast_in_dim3A_1596 : vector<4x16x1x1xf32> to vector<4x16x8x128xf32>
      %sub3A_1600 = arith.subf %add3A_1598, %sub3A_1599 : vector<4x16x8x128xf32>
      %abs3A_1601 = math.absf %sub3A_1600 : vector<4x16x8x128xf32>
      %add3A_1602 = arith.addf %add3A_1493, %abs3A_1601 : vector<4x16x8x128xf32>
      %mul3A_1603 = arith.mulf %mul3A_1592, %select_n3A_115 : vector<4x16x8x128xf32>
      %add3A_1604 = vector.broadcast %slice3A_1593 : vector<4x16x8x1xf32> to vector<4x16x8x128xf32>
      %add3A_1605 = arith.addf %mul3A_1603, %add3A_1604 : vector<4x16x8x128xf32>
      %sub3A_1606 = vector.broadcast %broadcast_in_dim3A_1596 : vector<4x16x1x1xf32> to vector<4x16x8x128xf32>
      %sub3A_1607 = arith.subf %add3A_1605, %sub3A_1606 : vector<4x16x8x128xf32>
      %abs3A_1608 = math.absf %sub3A_1607 : vector<4x16x8x128xf32>
      %add3A_1609 = arith.addf %add3A_1500, %abs3A_1608 : vector<4x16x8x128xf32>
      %slice3A_1610 = vector.extract_strided_slice %transpose3A {offsets = [0, 0, 13], sizes = [4, 8, 1], strides = [1, 1, 1]} : vector<4x8x16xi32> to vector<4x8x1xi32>
      %squeeze3A_1611 = vector.shape_cast %slice3A_1610 : vector<4x8x1xi32> to vector<4x8xi32>
      %broadcast_in_dim3A_1612 = vector.shape_cast %squeeze3A_1611 : vector<4x8xi32> to vector<4x1x8xi32>
      %xor3A_1613 = vector.broadcast %broadcast_in_dim3A_1612 : vector<4x1x8xi32> to vector<4x16x8xi32>
      %xor3A_1614 = arith.xori %abs3A, %xor3A_1613 : vector<4x16x8xi32>
      %add3A_1615 = arith.constant 1 : i32
      %add3A_1616 = vector.broadcast %add3A_1615 : i32 to vector<4x16x8xi32>
      %add3A_1617 = arith.addi %xor3A_1614, %add3A_1616 : vector<4x16x8xi32>
      %convert_element_type3A_1618 = arith.sitofp %add3A_1617 : vector<4x16x8xi32> to vector<4x16x8xf32>
      %bitcast_convert_type3A_1619 = tpu.bitcast %convert_element_type3A_1618 : vector<4x16x8xf32> -> vector<4x16x8xi32>
      %shift_right_logical3A_1620 = arith.constant 23 : i32
      %shift_right_logical3A_1621 = vector.broadcast %shift_right_logical3A_1620 : i32 to vector<4x16x8xi32>
      %shift_right_logical3A_1622 = arith.shrui %bitcast_convert_type3A_1619, %shift_right_logical3A_1621 : vector<4x16x8xi32>
      %and3A_1623 = arith.andi %add3A_1617, %xor3A_1614 : vector<4x16x8xi32>
      %eq3A_1624 = arith.constant 0 : i32
      %eq3A_1625 = vector.broadcast %eq3A_1624 : i32 to vector<4x16x8xi32>
      %eq3A_1626 = arith.cmpi eq, %and3A_1623, %eq3A_1625 : vector<4x16x8xi32>
      %and3A_1627 = arith.constant 63688 : i32
      %and3A_1628 = vector.broadcast %and3A_1627 : i32 to vector<4x16x8xi32>
      %and3A_1629 = arith.andi %add3A_1617, %and3A_1628 : vector<4x16x8xi32>
      %ne3A_1630 = arith.constant 0 : i32
      %ne3A_1631 = vector.broadcast %ne3A_1630 : i32 to vector<4x16x8xi32>
      %ne3A_1632 = arith.cmpi ne, %and3A_1629, %ne3A_1631 : vector<4x16x8xi32>
      %and3A_1633 = arith.andi %eq3A_1626, %ne3A_1632 : vector<4x16x8xi1>
      %jit3A_1634 = arith.constant 1 : i32
      %jit3A_1635 = arith.constant 0 : i32
      %broadcast_in_dim3A_1636 = vector.broadcast %jit3A_1634 : i32 to vector<4x16x8xi32>
      %broadcast_in_dim3A_1637 = vector.broadcast %jit3A_1635 : i32 to vector<4x16x8xi32>
      %select_n3A_1638 = arith.select %and3A_1633, %broadcast_in_dim3A_1636, %broadcast_in_dim3A_1637 : vector<4x16x8xi1>, vector<4x16x8xi32>
      %sub3A_1639 = arith.constant 142 : i32
      %sub3A_1640 = vector.broadcast %sub3A_1639 : i32 to vector<4x16x8xi32>
      %sub3A_1641 = arith.subi %sub3A_1640, %shift_right_logical3A_1622 : vector<4x16x8xi32>
      %add3A_1642 = arith.addi %sub3A_1641, %select_n3A_1638 : vector<4x16x8xi32>
      %convert_element_type3A_1643 = arith.sitofp %add3A_1642 : vector<4x16x8xi32> to vector<4x16x8xf32>
      %mul3A_1644 = arith.constant 6.250000e-02 : f32
      %mul3A_1645 = vector.broadcast %mul3A_1644 : f32 to vector<4x16x8xf32>
      %mul3A_1646 = arith.mulf %convert_element_type3A_1643, %mul3A_1645 : vector<4x16x8xf32>
      %slice3A_1647 = vector.extract_strided_slice %mul3A_123 {offsets = [0, 0, 13], sizes = [4, 8, 1], strides = [1, 1, 1]} : vector<4x8x16xf32> to vector<4x8x1xf32>
      %squeeze3A_1648 = vector.shape_cast %slice3A_1647 : vector<4x8x1xf32> to vector<4x8xf32>
      %broadcast_in_dim3A_1649 = vector.shape_cast %squeeze3A_1648 : vector<4x8xf32> to vector<4x1x8xf32>
      %mul3A_1650 = vector.broadcast %broadcast_in_dim3A_1649 : vector<4x1x8xf32> to vector<4x16x8xf32>
      %mul3A_1651 = arith.mulf %mul3A_1646, %mul3A_1650 : vector<4x16x8xf32>
      %slice3A_1652 = vector.extract_strided_slice %transpose3A_130 {offsets = [0, 0, 0, 13], sizes = [4, 16, 8, 1], strides = [1, 1, 1, 1]} : vector<4x16x8x16xf32> to vector<4x16x8x1xf32>
      %squeeze3A_1653 = vector.shape_cast %slice3A_1652 : vector<4x16x8x1xf32> to vector<4x16x8xf32>
      %add3A_1654 = arith.addf %mul3A_1651, %squeeze3A_1653 : vector<4x16x8xf32>
      %slice3A_1655 = vector.extract_strided_slice %get3A_119 {offsets = [0, 0, 13], sizes = [4, 16, 1], strides = [1, 1, 1]} : vector<4x16x16xf32> to vector<4x16x1xf32>
      %squeeze3A_1656 = vector.shape_cast %slice3A_1655 : vector<4x16x1xf32> to vector<4x16xf32>
      %broadcast_in_dim3A_1657 = vector.shape_cast %squeeze3A_1656 : vector<4x16xf32> to vector<4x16x1xf32>
      %sub3A_1658 = vector.broadcast %broadcast_in_dim3A_1657 : vector<4x16x1xf32> to vector<4x16x8xf32>
      %sub3A_1659 = arith.subf %add3A_1654, %sub3A_1658 : vector<4x16x8xf32>
      %abs3A_1660 = math.absf %sub3A_1659 : vector<4x16x8xf32>
      %add3A_1661 = arith.addf %add3A_1552, %abs3A_1660 : vector<4x16x8xf32>
      %slice3A_1662 = vector.extract_strided_slice %transpose3A {offsets = [0, 0, 14], sizes = [4, 8, 1], strides = [1, 1, 1]} : vector<4x8x16xi32> to vector<4x8x1xi32>
      %broadcast_in_dim3A_1663 = vector.shape_cast %slice3A_1662 : vector<4x8x1xi32> to vector<4x1x8x1xi32>
      %slice3A_1664 = vector.extract_strided_slice %mul3A_123 {offsets = [0, 0, 14], sizes = [4, 8, 1], strides = [1, 1, 1]} : vector<4x8x16xf32> to vector<4x8x1xf32>
      %broadcast_in_dim3A_1665 = vector.shape_cast %slice3A_1664 : vector<4x8x1xf32> to vector<4x1x8x1xf32>
      %xor3A_1666 = vector.broadcast %broadcast_in_dim3A_1663 : vector<4x1x8x1xi32> to vector<4x16x8x128xi32>
      %xor3A_1667 = arith.xori %xor3A_107, %xor3A_1666 : vector<4x16x8x128xi32>
      %add3A_1668 = arith.constant 1 : i32
      %add3A_1669 = vector.broadcast %add3A_1668 : i32 to vector<4x16x8x128xi32>
      %add3A_1670 = arith.addi %xor3A_1667, %add3A_1669 : vector<4x16x8x128xi32>
      %convert_element_type3A_1671 = arith.sitofp %add3A_1670 : vector<4x16x8x128xi32> to vector<4x16x8x128xf32>
      %bitcast_convert_type3A_1672 = tpu.bitcast %convert_element_type3A_1671 : vector<4x16x8x128xf32> -> vector<4x16x8x128xi32>
      %shift_right_logical3A_1673 = arith.constant 23 : i32
      %shift_right_logical3A_1674 = vector.broadcast %shift_right_logical3A_1673 : i32 to vector<4x16x8x128xi32>
      %shift_right_logical3A_1675 = arith.shrui %bitcast_convert_type3A_1672, %shift_right_logical3A_1674 : vector<4x16x8x128xi32>
      %and3A_1676 = arith.andi %add3A_1670, %xor3A_1667 : vector<4x16x8x128xi32>
      %eq3A_1677 = arith.constant 0 : i32
      %eq3A_1678 = vector.broadcast %eq3A_1677 : i32 to vector<4x16x8x128xi32>
      %eq3A_1679 = arith.cmpi eq, %and3A_1676, %eq3A_1678 : vector<4x16x8x128xi32>
      %and3A_1680 = arith.constant 63688 : i32
      %and3A_1681 = vector.broadcast %and3A_1680 : i32 to vector<4x16x8x128xi32>
      %and3A_1682 = arith.andi %add3A_1670, %and3A_1681 : vector<4x16x8x128xi32>
      %ne3A_1683 = arith.constant 0 : i32
      %ne3A_1684 = vector.broadcast %ne3A_1683 : i32 to vector<4x16x8x128xi32>
      %ne3A_1685 = arith.cmpi ne, %and3A_1682, %ne3A_1684 : vector<4x16x8x128xi32>
      %and3A_1686 = arith.andi %eq3A_1679, %ne3A_1685 : vector<4x16x8x128xi1>
      %jit3A_1687 = arith.constant 1 : i32
      %jit3A_1688 = arith.constant 0 : i32
      %broadcast_in_dim3A_1689 = vector.broadcast %jit3A_1687 : i32 to vector<4x16x8x128xi32>
      %broadcast_in_dim3A_1690 = vector.broadcast %jit3A_1688 : i32 to vector<4x16x8x128xi32>
      %select_n3A_1691 = arith.select %and3A_1686, %broadcast_in_dim3A_1689, %broadcast_in_dim3A_1690 : vector<4x16x8x128xi1>, vector<4x16x8x128xi32>
      %sub3A_1692 = arith.constant 142 : i32
      %sub3A_1693 = vector.broadcast %sub3A_1692 : i32 to vector<4x16x8x128xi32>
      %sub3A_1694 = arith.subi %sub3A_1693, %shift_right_logical3A_1675 : vector<4x16x8x128xi32>
      %add3A_1695 = arith.addi %sub3A_1694, %select_n3A_1691 : vector<4x16x8x128xi32>
      %convert_element_type3A_1696 = arith.sitofp %add3A_1695 : vector<4x16x8x128xi32> to vector<4x16x8x128xf32>
      %mul3A_1697 = arith.constant 6.250000e-02 : f32
      %mul3A_1698 = vector.broadcast %mul3A_1697 : f32 to vector<4x16x8x128xf32>
      %mul3A_1699 = arith.mulf %convert_element_type3A_1696, %mul3A_1698 : vector<4x16x8x128xf32>
      %mul3A_1700 = vector.broadcast %broadcast_in_dim3A_1665 : vector<4x1x8x1xf32> to vector<4x16x8x128xf32>
      %mul3A_1701 = arith.mulf %mul3A_1699, %mul3A_1700 : vector<4x16x8x128xf32>
      %slice3A_1702 = vector.extract_strided_slice %transpose3A_130 {offsets = [0, 0, 0, 14], sizes = [4, 16, 8, 1], strides = [1, 1, 1, 1]} : vector<4x16x8x16xf32> to vector<4x16x8x1xf32>
      %slice3A_1703 = vector.extract_strided_slice %get3A_119 {offsets = [0, 0, 14], sizes = [4, 16, 1], strides = [1, 1, 1]} : vector<4x16x16xf32> to vector<4x16x1xf32>
      %squeeze3A_1704 = vector.shape_cast %slice3A_1703 : vector<4x16x1xf32> to vector<4x16xf32>
      %broadcast_in_dim3A_1705 = vector.shape_cast %squeeze3A_1704 : vector<4x16xf32> to vector<4x16x1x1xf32>
      %add3A_1706 = vector.broadcast %slice3A_1702 : vector<4x16x8x1xf32> to vector<4x16x8x128xf32>
      %add3A_1707 = arith.addf %mul3A_1701, %add3A_1706 : vector<4x16x8x128xf32>
      %sub3A_1708 = vector.broadcast %broadcast_in_dim3A_1705 : vector<4x16x1x1xf32> to vector<4x16x8x128xf32>
      %sub3A_1709 = arith.subf %add3A_1707, %sub3A_1708 : vector<4x16x8x128xf32>
      %abs3A_1710 = math.absf %sub3A_1709 : vector<4x16x8x128xf32>
      %add3A_1711 = arith.addf %add3A_1602, %abs3A_1710 : vector<4x16x8x128xf32>
      %mul3A_1712 = arith.mulf %mul3A_1701, %select_n3A_115 : vector<4x16x8x128xf32>
      %add3A_1713 = vector.broadcast %slice3A_1702 : vector<4x16x8x1xf32> to vector<4x16x8x128xf32>
      %add3A_1714 = arith.addf %mul3A_1712, %add3A_1713 : vector<4x16x8x128xf32>
      %sub3A_1715 = vector.broadcast %broadcast_in_dim3A_1705 : vector<4x16x1x1xf32> to vector<4x16x8x128xf32>
      %sub3A_1716 = arith.subf %add3A_1714, %sub3A_1715 : vector<4x16x8x128xf32>
      %abs3A_1717 = math.absf %sub3A_1716 : vector<4x16x8x128xf32>
      %add3A_1718 = arith.addf %add3A_1609, %abs3A_1717 : vector<4x16x8x128xf32>
      %slice3A_1719 = vector.extract_strided_slice %transpose3A {offsets = [0, 0, 14], sizes = [4, 8, 1], strides = [1, 1, 1]} : vector<4x8x16xi32> to vector<4x8x1xi32>
      %squeeze3A_1720 = vector.shape_cast %slice3A_1719 : vector<4x8x1xi32> to vector<4x8xi32>
      %broadcast_in_dim3A_1721 = vector.shape_cast %squeeze3A_1720 : vector<4x8xi32> to vector<4x1x8xi32>
      %xor3A_1722 = vector.broadcast %broadcast_in_dim3A_1721 : vector<4x1x8xi32> to vector<4x16x8xi32>
      %xor3A_1723 = arith.xori %abs3A, %xor3A_1722 : vector<4x16x8xi32>
      %add3A_1724 = arith.constant 1 : i32
      %add3A_1725 = vector.broadcast %add3A_1724 : i32 to vector<4x16x8xi32>
      %add3A_1726 = arith.addi %xor3A_1723, %add3A_1725 : vector<4x16x8xi32>
      %convert_element_type3A_1727 = arith.sitofp %add3A_1726 : vector<4x16x8xi32> to vector<4x16x8xf32>
      %bitcast_convert_type3A_1728 = tpu.bitcast %convert_element_type3A_1727 : vector<4x16x8xf32> -> vector<4x16x8xi32>
      %shift_right_logical3A_1729 = arith.constant 23 : i32
      %shift_right_logical3A_1730 = vector.broadcast %shift_right_logical3A_1729 : i32 to vector<4x16x8xi32>
      %shift_right_logical3A_1731 = arith.shrui %bitcast_convert_type3A_1728, %shift_right_logical3A_1730 : vector<4x16x8xi32>
      %and3A_1732 = arith.andi %add3A_1726, %xor3A_1723 : vector<4x16x8xi32>
      %eq3A_1733 = arith.constant 0 : i32
      %eq3A_1734 = vector.broadcast %eq3A_1733 : i32 to vector<4x16x8xi32>
      %eq3A_1735 = arith.cmpi eq, %and3A_1732, %eq3A_1734 : vector<4x16x8xi32>
      %and3A_1736 = arith.constant 63688 : i32
      %and3A_1737 = vector.broadcast %and3A_1736 : i32 to vector<4x16x8xi32>
      %and3A_1738 = arith.andi %add3A_1726, %and3A_1737 : vector<4x16x8xi32>
      %ne3A_1739 = arith.constant 0 : i32
      %ne3A_1740 = vector.broadcast %ne3A_1739 : i32 to vector<4x16x8xi32>
      %ne3A_1741 = arith.cmpi ne, %and3A_1738, %ne3A_1740 : vector<4x16x8xi32>
      %and3A_1742 = arith.andi %eq3A_1735, %ne3A_1741 : vector<4x16x8xi1>
      %jit3A_1743 = arith.constant 1 : i32
      %jit3A_1744 = arith.constant 0 : i32
      %broadcast_in_dim3A_1745 = vector.broadcast %jit3A_1743 : i32 to vector<4x16x8xi32>
      %broadcast_in_dim3A_1746 = vector.broadcast %jit3A_1744 : i32 to vector<4x16x8xi32>
      %select_n3A_1747 = arith.select %and3A_1742, %broadcast_in_dim3A_1745, %broadcast_in_dim3A_1746 : vector<4x16x8xi1>, vector<4x16x8xi32>
      %sub3A_1748 = arith.constant 142 : i32
      %sub3A_1749 = vector.broadcast %sub3A_1748 : i32 to vector<4x16x8xi32>
      %sub3A_1750 = arith.subi %sub3A_1749, %shift_right_logical3A_1731 : vector<4x16x8xi32>
      %add3A_1751 = arith.addi %sub3A_1750, %select_n3A_1747 : vector<4x16x8xi32>
      %convert_element_type3A_1752 = arith.sitofp %add3A_1751 : vector<4x16x8xi32> to vector<4x16x8xf32>
      %mul3A_1753 = arith.constant 6.250000e-02 : f32
      %mul3A_1754 = vector.broadcast %mul3A_1753 : f32 to vector<4x16x8xf32>
      %mul3A_1755 = arith.mulf %convert_element_type3A_1752, %mul3A_1754 : vector<4x16x8xf32>
      %slice3A_1756 = vector.extract_strided_slice %mul3A_123 {offsets = [0, 0, 14], sizes = [4, 8, 1], strides = [1, 1, 1]} : vector<4x8x16xf32> to vector<4x8x1xf32>
      %squeeze3A_1757 = vector.shape_cast %slice3A_1756 : vector<4x8x1xf32> to vector<4x8xf32>
      %broadcast_in_dim3A_1758 = vector.shape_cast %squeeze3A_1757 : vector<4x8xf32> to vector<4x1x8xf32>
      %mul3A_1759 = vector.broadcast %broadcast_in_dim3A_1758 : vector<4x1x8xf32> to vector<4x16x8xf32>
      %mul3A_1760 = arith.mulf %mul3A_1755, %mul3A_1759 : vector<4x16x8xf32>
      %slice3A_1761 = vector.extract_strided_slice %transpose3A_130 {offsets = [0, 0, 0, 14], sizes = [4, 16, 8, 1], strides = [1, 1, 1, 1]} : vector<4x16x8x16xf32> to vector<4x16x8x1xf32>
      %squeeze3A_1762 = vector.shape_cast %slice3A_1761 : vector<4x16x8x1xf32> to vector<4x16x8xf32>
      %add3A_1763 = arith.addf %mul3A_1760, %squeeze3A_1762 : vector<4x16x8xf32>
      %slice3A_1764 = vector.extract_strided_slice %get3A_119 {offsets = [0, 0, 14], sizes = [4, 16, 1], strides = [1, 1, 1]} : vector<4x16x16xf32> to vector<4x16x1xf32>
      %squeeze3A_1765 = vector.shape_cast %slice3A_1764 : vector<4x16x1xf32> to vector<4x16xf32>
      %broadcast_in_dim3A_1766 = vector.shape_cast %squeeze3A_1765 : vector<4x16xf32> to vector<4x16x1xf32>
      %sub3A_1767 = vector.broadcast %broadcast_in_dim3A_1766 : vector<4x16x1xf32> to vector<4x16x8xf32>
      %sub3A_1768 = arith.subf %add3A_1763, %sub3A_1767 : vector<4x16x8xf32>
      %abs3A_1769 = math.absf %sub3A_1768 : vector<4x16x8xf32>
      %add3A_1770 = arith.addf %add3A_1661, %abs3A_1769 : vector<4x16x8xf32>
      %slice3A_1771 = vector.extract_strided_slice %transpose3A {offsets = [0, 0, 15], sizes = [4, 8, 1], strides = [1, 1, 1]} : vector<4x8x16xi32> to vector<4x8x1xi32>
      %broadcast_in_dim3A_1772 = vector.shape_cast %slice3A_1771 : vector<4x8x1xi32> to vector<4x1x8x1xi32>
      %slice3A_1773 = vector.extract_strided_slice %mul3A_123 {offsets = [0, 0, 15], sizes = [4, 8, 1], strides = [1, 1, 1]} : vector<4x8x16xf32> to vector<4x8x1xf32>
      %broadcast_in_dim3A_1774 = vector.shape_cast %slice3A_1773 : vector<4x8x1xf32> to vector<4x1x8x1xf32>
      %xor3A_1775 = vector.broadcast %broadcast_in_dim3A_1772 : vector<4x1x8x1xi32> to vector<4x16x8x128xi32>
      %xor3A_1776 = arith.xori %xor3A_107, %xor3A_1775 : vector<4x16x8x128xi32>
      %add3A_1777 = arith.constant 1 : i32
      %add3A_1778 = vector.broadcast %add3A_1777 : i32 to vector<4x16x8x128xi32>
      %add3A_1779 = arith.addi %xor3A_1776, %add3A_1778 : vector<4x16x8x128xi32>
      %convert_element_type3A_1780 = arith.sitofp %add3A_1779 : vector<4x16x8x128xi32> to vector<4x16x8x128xf32>
      %bitcast_convert_type3A_1781 = tpu.bitcast %convert_element_type3A_1780 : vector<4x16x8x128xf32> -> vector<4x16x8x128xi32>
      %shift_right_logical3A_1782 = arith.constant 23 : i32
      %shift_right_logical3A_1783 = vector.broadcast %shift_right_logical3A_1782 : i32 to vector<4x16x8x128xi32>
      %shift_right_logical3A_1784 = arith.shrui %bitcast_convert_type3A_1781, %shift_right_logical3A_1783 : vector<4x16x8x128xi32>
      %and3A_1785 = arith.andi %add3A_1779, %xor3A_1776 : vector<4x16x8x128xi32>
      %eq3A_1786 = arith.constant 0 : i32
      %eq3A_1787 = vector.broadcast %eq3A_1786 : i32 to vector<4x16x8x128xi32>
      %eq3A_1788 = arith.cmpi eq, %and3A_1785, %eq3A_1787 : vector<4x16x8x128xi32>
      %and3A_1789 = arith.constant 63688 : i32
      %and3A_1790 = vector.broadcast %and3A_1789 : i32 to vector<4x16x8x128xi32>
      %and3A_1791 = arith.andi %add3A_1779, %and3A_1790 : vector<4x16x8x128xi32>
      %ne3A_1792 = arith.constant 0 : i32
      %ne3A_1793 = vector.broadcast %ne3A_1792 : i32 to vector<4x16x8x128xi32>
      %ne3A_1794 = arith.cmpi ne, %and3A_1791, %ne3A_1793 : vector<4x16x8x128xi32>
      %and3A_1795 = arith.andi %eq3A_1788, %ne3A_1794 : vector<4x16x8x128xi1>
      %jit3A_1796 = arith.constant 1 : i32
      %jit3A_1797 = arith.constant 0 : i32
      %broadcast_in_dim3A_1798 = vector.broadcast %jit3A_1796 : i32 to vector<4x16x8x128xi32>
      %broadcast_in_dim3A_1799 = vector.broadcast %jit3A_1797 : i32 to vector<4x16x8x128xi32>
      %select_n3A_1800 = arith.select %and3A_1795, %broadcast_in_dim3A_1798, %broadcast_in_dim3A_1799 : vector<4x16x8x128xi1>, vector<4x16x8x128xi32>
      %sub3A_1801 = arith.constant 142 : i32
      %sub3A_1802 = vector.broadcast %sub3A_1801 : i32 to vector<4x16x8x128xi32>
      %sub3A_1803 = arith.subi %sub3A_1802, %shift_right_logical3A_1784 : vector<4x16x8x128xi32>
      %add3A_1804 = arith.addi %sub3A_1803, %select_n3A_1800 : vector<4x16x8x128xi32>
      %convert_element_type3A_1805 = arith.sitofp %add3A_1804 : vector<4x16x8x128xi32> to vector<4x16x8x128xf32>
      %mul3A_1806 = arith.constant 6.250000e-02 : f32
      %mul3A_1807 = vector.broadcast %mul3A_1806 : f32 to vector<4x16x8x128xf32>
      %mul3A_1808 = arith.mulf %convert_element_type3A_1805, %mul3A_1807 : vector<4x16x8x128xf32>
      %mul3A_1809 = vector.broadcast %broadcast_in_dim3A_1774 : vector<4x1x8x1xf32> to vector<4x16x8x128xf32>
      %mul3A_1810 = arith.mulf %mul3A_1808, %mul3A_1809 : vector<4x16x8x128xf32>
      %slice3A_1811 = vector.extract_strided_slice %transpose3A_130 {offsets = [0, 0, 0, 15], sizes = [4, 16, 8, 1], strides = [1, 1, 1, 1]} : vector<4x16x8x16xf32> to vector<4x16x8x1xf32>
      %slice3A_1812 = vector.extract_strided_slice %get3A_119 {offsets = [0, 0, 15], sizes = [4, 16, 1], strides = [1, 1, 1]} : vector<4x16x16xf32> to vector<4x16x1xf32>
      %squeeze3A_1813 = vector.shape_cast %slice3A_1812 : vector<4x16x1xf32> to vector<4x16xf32>
      %broadcast_in_dim3A_1814 = vector.shape_cast %squeeze3A_1813 : vector<4x16xf32> to vector<4x16x1x1xf32>
      %add3A_1815 = vector.broadcast %slice3A_1811 : vector<4x16x8x1xf32> to vector<4x16x8x128xf32>
      %add3A_1816 = arith.addf %mul3A_1810, %add3A_1815 : vector<4x16x8x128xf32>
      %sub3A_1817 = vector.broadcast %broadcast_in_dim3A_1814 : vector<4x16x1x1xf32> to vector<4x16x8x128xf32>
      %sub3A_1818 = arith.subf %add3A_1816, %sub3A_1817 : vector<4x16x8x128xf32>
      %abs3A_1819 = math.absf %sub3A_1818 : vector<4x16x8x128xf32>
      %add3A_1820 = arith.addf %add3A_1711, %abs3A_1819 : vector<4x16x8x128xf32>
      %mul3A_1821 = arith.mulf %mul3A_1810, %select_n3A_115 : vector<4x16x8x128xf32>
      %add3A_1822 = vector.broadcast %slice3A_1811 : vector<4x16x8x1xf32> to vector<4x16x8x128xf32>
      %add3A_1823 = arith.addf %mul3A_1821, %add3A_1822 : vector<4x16x8x128xf32>
      %sub3A_1824 = vector.broadcast %broadcast_in_dim3A_1814 : vector<4x16x1x1xf32> to vector<4x16x8x128xf32>
      %sub3A_1825 = arith.subf %add3A_1823, %sub3A_1824 : vector<4x16x8x128xf32>
      %abs3A_1826 = math.absf %sub3A_1825 : vector<4x16x8x128xf32>
      %add3A_1827 = arith.addf %add3A_1718, %abs3A_1826 : vector<4x16x8x128xf32>
      %slice3A_1828 = vector.extract_strided_slice %transpose3A {offsets = [0, 0, 15], sizes = [4, 8, 1], strides = [1, 1, 1]} : vector<4x8x16xi32> to vector<4x8x1xi32>
      %squeeze3A_1829 = vector.shape_cast %slice3A_1828 : vector<4x8x1xi32> to vector<4x8xi32>
      %broadcast_in_dim3A_1830 = vector.shape_cast %squeeze3A_1829 : vector<4x8xi32> to vector<4x1x8xi32>
      %xor3A_1831 = vector.broadcast %broadcast_in_dim3A_1830 : vector<4x1x8xi32> to vector<4x16x8xi32>
      %xor3A_1832 = arith.xori %abs3A, %xor3A_1831 : vector<4x16x8xi32>
      %add3A_1833 = arith.constant 1 : i32
      %add3A_1834 = vector.broadcast %add3A_1833 : i32 to vector<4x16x8xi32>
      %add3A_1835 = arith.addi %xor3A_1832, %add3A_1834 : vector<4x16x8xi32>
      %convert_element_type3A_1836 = arith.sitofp %add3A_1835 : vector<4x16x8xi32> to vector<4x16x8xf32>
      %bitcast_convert_type3A_1837 = tpu.bitcast %convert_element_type3A_1836 : vector<4x16x8xf32> -> vector<4x16x8xi32>
      %shift_right_logical3A_1838 = arith.constant 23 : i32
      %shift_right_logical3A_1839 = vector.broadcast %shift_right_logical3A_1838 : i32 to vector<4x16x8xi32>
      %shift_right_logical3A_1840 = arith.shrui %bitcast_convert_type3A_1837, %shift_right_logical3A_1839 : vector<4x16x8xi32>
      %and3A_1841 = arith.andi %add3A_1835, %xor3A_1832 : vector<4x16x8xi32>
      %eq3A_1842 = arith.constant 0 : i32
      %eq3A_1843 = vector.broadcast %eq3A_1842 : i32 to vector<4x16x8xi32>
      %eq3A_1844 = arith.cmpi eq, %and3A_1841, %eq3A_1843 : vector<4x16x8xi32>
      %and3A_1845 = arith.constant 63688 : i32
      %and3A_1846 = vector.broadcast %and3A_1845 : i32 to vector<4x16x8xi32>
      %and3A_1847 = arith.andi %add3A_1835, %and3A_1846 : vector<4x16x8xi32>
      %ne3A_1848 = arith.constant 0 : i32
      %ne3A_1849 = vector.broadcast %ne3A_1848 : i32 to vector<4x16x8xi32>
      %ne3A_1850 = arith.cmpi ne, %and3A_1847, %ne3A_1849 : vector<4x16x8xi32>
      %and3A_1851 = arith.andi %eq3A_1844, %ne3A_1850 : vector<4x16x8xi1>
      %jit3A_1852 = arith.constant 1 : i32
      %jit3A_1853 = arith.constant 0 : i32
      %broadcast_in_dim3A_1854 = vector.broadcast %jit3A_1852 : i32 to vector<4x16x8xi32>
      %broadcast_in_dim3A_1855 = vector.broadcast %jit3A_1853 : i32 to vector<4x16x8xi32>
      %select_n3A_1856 = arith.select %and3A_1851, %broadcast_in_dim3A_1854, %broadcast_in_dim3A_1855 : vector<4x16x8xi1>, vector<4x16x8xi32>
      %sub3A_1857 = arith.constant 142 : i32
      %sub3A_1858 = vector.broadcast %sub3A_1857 : i32 to vector<4x16x8xi32>
      %sub3A_1859 = arith.subi %sub3A_1858, %shift_right_logical3A_1840 : vector<4x16x8xi32>
      %add3A_1860 = arith.addi %sub3A_1859, %select_n3A_1856 : vector<4x16x8xi32>
      %convert_element_type3A_1861 = arith.sitofp %add3A_1860 : vector<4x16x8xi32> to vector<4x16x8xf32>
      %mul3A_1862 = arith.constant 6.250000e-02 : f32
      %mul3A_1863 = vector.broadcast %mul3A_1862 : f32 to vector<4x16x8xf32>
      %mul3A_1864 = arith.mulf %convert_element_type3A_1861, %mul3A_1863 : vector<4x16x8xf32>
      %slice3A_1865 = vector.extract_strided_slice %mul3A_123 {offsets = [0, 0, 15], sizes = [4, 8, 1], strides = [1, 1, 1]} : vector<4x8x16xf32> to vector<4x8x1xf32>
      %squeeze3A_1866 = vector.shape_cast %slice3A_1865 : vector<4x8x1xf32> to vector<4x8xf32>
      %broadcast_in_dim3A_1867 = vector.shape_cast %squeeze3A_1866 : vector<4x8xf32> to vector<4x1x8xf32>
      %mul3A_1868 = vector.broadcast %broadcast_in_dim3A_1867 : vector<4x1x8xf32> to vector<4x16x8xf32>
      %mul3A_1869 = arith.mulf %mul3A_1864, %mul3A_1868 : vector<4x16x8xf32>
      %slice3A_1870 = vector.extract_strided_slice %transpose3A_130 {offsets = [0, 0, 0, 15], sizes = [4, 16, 8, 1], strides = [1, 1, 1, 1]} : vector<4x16x8x16xf32> to vector<4x16x8x1xf32>
      %squeeze3A_1871 = vector.shape_cast %slice3A_1870 : vector<4x16x8x1xf32> to vector<4x16x8xf32>
      %add3A_1872 = arith.addf %mul3A_1869, %squeeze3A_1871 : vector<4x16x8xf32>
      %slice3A_1873 = vector.extract_strided_slice %get3A_119 {offsets = [0, 0, 15], sizes = [4, 16, 1], strides = [1, 1, 1]} : vector<4x16x16xf32> to vector<4x16x1xf32>
      %squeeze3A_1874 = vector.shape_cast %slice3A_1873 : vector<4x16x1xf32> to vector<4x16xf32>
      %broadcast_in_dim3A_1875 = vector.shape_cast %squeeze3A_1874 : vector<4x16xf32> to vector<4x16x1xf32>
      %sub3A_1876 = vector.broadcast %broadcast_in_dim3A_1875 : vector<4x16x1xf32> to vector<4x16x8xf32>
      %sub3A_1877 = arith.subf %add3A_1872, %sub3A_1876 : vector<4x16x8xf32>
      %abs3A_1878 = math.absf %sub3A_1877 : vector<4x16x8xf32>
      %add3A_1879 = arith.addf %add3A_1770, %abs3A_1878 : vector<4x16x8xf32>
      %mul3A_1880 = arith.constant 6.250000e-02 : f32
      %mul3A_1881 = vector.broadcast %mul3A_1880 : f32 to vector<4x16x8x128xf32>
      %mul3A_1882 = arith.mulf %add3A_1820, %mul3A_1881 : vector<4x16x8x128xf32>
      %mul3A_1883 = arith.constant 6.250000e-02 : f32
      %mul3A_1884 = vector.broadcast %mul3A_1883 : f32 to vector<4x16x8x128xf32>
      %mul3A_1885 = arith.mulf %add3A_1827, %mul3A_1884 : vector<4x16x8x128xf32>
      %mul3A_1886 = arith.constant 6.250000e-02 : f32
      %mul3A_1887 = vector.broadcast %mul3A_1886 : f32 to vector<4x16x8xf32>
      %mul3A_1888 = arith.mulf %add3A_1879, %mul3A_1887 : vector<4x16x8xf32>
      %min3A = arith.minimumf %mul3A_1882, %mul3A_1885 : vector<4x16x8x128xf32>
      %reduce_min3A = arith.constant dense<0x7F800000> : vector<4x16x8xf32>
      %reduce_min3A_1889 = vector.multi_reduction <minimumf>, %min3A, %reduce_min3A [3] : vector<4x16x8x128xf32> to vector<4x16x8xf32>
      %min3A_1890 = arith.minimumf %reduce_min3A_1889, %mul3A_1888 : vector<4x16x8xf32>
      %broadcast_in_dim3A_1891 = vector.shape_cast %min3A_1890 : vector<4x16x8xf32> to vector<4x16x8x1xf32>
      %eq3A_1892 = vector.broadcast %broadcast_in_dim3A_1891 : vector<4x16x8x1xf32> to vector<4x16x8x128xf32>
      %eq3A_1893 = arith.cmpf oeq, %mul3A_1882, %eq3A_1892 : vector<4x16x8x128xf32>
      %mul3A_1894 = arith.constant 262144 : i32
      %mul3A_1895 = vector.broadcast %mul3A_1894 : i32 to vector<1x1x1x128xi32>
      %mul3A_1896 = arith.muli %reshape3A_33, %mul3A_1895 : vector<1x1x1x128xi32>
      %add3A_1897 = arith.constant 65536 : i32
      %add3A_1898 = vector.broadcast %add3A_1897 : i32 to vector<4x16x8x128xi32>
      %add3A_1899 = arith.addi %xor3A_107, %add3A_1898 : vector<4x16x8x128xi32>
      %add3A_1900 = vector.broadcast %mul3A_1896 : vector<1x1x1x128xi32> to vector<4x16x8x128xi32>
      %add3A_1901 = arith.addi %add3A_1900, %add3A_1899 : vector<4x16x8x128xi32>
      %jit3A_1902 = arith.constant 1073741824 : i32
      %broadcast_in_dim3A_1903 = vector.broadcast %jit3A_1902 : i32 to vector<4x16x8x128xi32>
      %select_n3A_1904 = arith.select %eq3A_1893, %add3A_1901, %broadcast_in_dim3A_1903 : vector<4x16x8x128xi1>, vector<4x16x8x128xi32>
      %eq3A_1905 = vector.broadcast %broadcast_in_dim3A_1891 : vector<4x16x8x1xf32> to vector<4x16x8x128xf32>
      %eq3A_1906 = arith.cmpf oeq, %mul3A_1885, %eq3A_1905 : vector<4x16x8x128xf32>
      %mul3A_1907 = arith.constant 262144 : i32
      %mul3A_1908 = vector.broadcast %mul3A_1907 : i32 to vector<1x1x1x128xi32>
      %mul3A_1909 = arith.muli %reshape3A_34, %mul3A_1908 : vector<1x1x1x128xi32>
      %sub3A_1910 = arith.constant 65536 : i32
      %sub3A_1911 = vector.broadcast %sub3A_1910 : i32 to vector<4x16x8x128xi32>
      %sub3A_1912 = arith.subi %sub3A_1911, %xor3A_107 : vector<4x16x8x128xi32>
      %add3A_1913 = vector.broadcast %mul3A_1909 : vector<1x1x1x128xi32> to vector<4x16x8x128xi32>
      %add3A_1914 = arith.addi %add3A_1913, %sub3A_1912 : vector<4x16x8x128xi32>
      %jit3A_1915 = arith.constant 1073741824 : i32
      %broadcast_in_dim3A_1916 = vector.broadcast %jit3A_1915 : i32 to vector<4x16x8x128xi32>
      %select_n3A_1917 = arith.select %eq3A_1906, %add3A_1914, %broadcast_in_dim3A_1916 : vector<4x16x8x128xi1>, vector<4x16x8x128xi32>
      %eq3A_1918 = arith.cmpf oeq, %mul3A_1888, %min3A_1890 : vector<4x16x8xf32>
      %mul3A_1919 = arith.constant 262144 : i32
      %mul3A_1920 = vector.broadcast %mul3A_1919 : i32 to vector<1x1xi32>
      %mul3A_1921 = arith.muli %broadcast_in_dim3A_27, %mul3A_1920 : vector<1x1xi32>
      %add3A_1922 = arith.constant 65536 : i32
      %add3A_1923 = vector.broadcast %add3A_1922 : i32 to vector<4x16x8xi32>
      %add3A_1924 = arith.addi %abs3A, %add3A_1923 : vector<4x16x8xi32>
      %broadcast_in_dim3A_1925 = vector.shape_cast %mul3A_1921 : vector<1x1xi32> to vector<1x1x1xi32>
      %add3A_1926 = vector.broadcast %broadcast_in_dim3A_1925 : vector<1x1x1xi32> to vector<4x16x8xi32>
      %add3A_1927 = arith.addi %add3A_1926, %add3A_1924 : vector<4x16x8xi32>
      %jit3A_1928 = arith.constant 1073741824 : i32
      %broadcast_in_dim3A_1929 = vector.broadcast %jit3A_1928 : i32 to vector<4x16x8xi32>
      %select_n3A_1930 = arith.select %eq3A_1918, %add3A_1927, %broadcast_in_dim3A_1929 : vector<4x16x8xi1>, vector<4x16x8xi32>
      %min3A_1931 = arith.minsi %select_n3A_1904, %select_n3A_1917 : vector<4x16x8x128xi32>
      %reduce_min3A_1932 = arith.constant dense<2147483647> : vector<4x16x8xi32>
      %reduce_min3A_1933 = vector.multi_reduction <minsi>, %min3A_1931, %reduce_min3A_1932 [3] : vector<4x16x8x128xi32> to vector<4x16x8xi32>
      %min3A_1934 = arith.minsi %reduce_min3A_1933, %select_n3A_1930 : vector<4x16x8xi32>
      %and3A_1935 = arith.constant 262143 : i32
      %and3A_1936 = vector.broadcast %and3A_1935 : i32 to vector<4x16x8xi32>
      %and3A_1937 = arith.andi %min3A_1934, %and3A_1936 : vector<4x16x8xi32>
      %sub3A_1938 = arith.constant 65536 : i32
      %sub3A_1939 = vector.broadcast %sub3A_1938 : i32 to vector<4x16x8xi32>
      %sub3A_1940 = arith.subi %and3A_1937, %sub3A_1939 : vector<4x16x8xi32>
      %swap3A = arith.index_cast %mul3A_47 : i32 to index
      %swap3A_1941 = arith.constant 0 : index
      %swap3A_1942 = arith.constant 0 : index
      %swap3A_1943 = vector.load %arg4[%swap3A, %swap3A_1941, %swap3A_1942] : memref<32x16x8xi32, #tpu.memory_space<vmem>>, vector<4x16x8xi32>
      tpu.vector_store %arg4[%swap3A, %swap3A_1941, %swap3A_1942], %sub3A_1940 {strides = array<i32>} : memref<32x16x8xi32, #tpu.memory_space<vmem>>, vector<4x16x8xi32>,
      %swap3A_1944 = arith.index_cast %mul3A_47 : i32 to index
      %swap3A_1945 = arith.constant 0 : index
      %swap3A_1946 = arith.constant 0 : index
      %swap3A_1947 = vector.load %arg5[%swap3A_1944, %swap3A_1945, %swap3A_1946] : memref<32x16x8xf32, #tpu.memory_space<vmem>>, vector<4x16x8xf32>
      tpu.vector_store %arg5[%swap3A_1944, %swap3A_1945, %swap3A_1946], %min3A_1890 {strides = array<i32>} : memref<32x16x8xf32, #tpu.memory_space<vmem>>, vector<4x16x8xf32>,
    }
    %while3A_45 = arith.constant 1 : i32
    scf.for %while3A_46 = %while3A_43 to %while3A_39 step %while3A_45  : i32 {
      %mul3A = arith.constant 4 : i32
      %mul3A_47 = arith.muli %while3A_46, %mul3A : i32
      %get3A_48 = arith.index_cast %mul3A_47 : i32 to index
      %get3A_49 = arith.constant 0 : index
      %get3A_50 = arith.constant 0 : index
      %get3A_51 = vector.load %arg0[%get3A_48, %get3A_49, %get3A_50] : memref<32x16x16xi32, #tpu.memory_space<vmem>>, vector<4x16x16xi32>
      %slice3A_52 = vector.extract_strided_slice %get3A_51 {offsets = [0, 0, 0], sizes = [4, 16, 8], strides = [1, 1, 1]} : vector<4x16x16xi32> to vector<4x16x8xi32>
      %abs3A = math.absi %slice3A_52 : vector<4x16x8xi32>
      %ge3A = arith.constant 0 : i32
      %ge3A_53 = vector.broadcast %ge3A : i32 to vector<4x16x8xi32>
      %ge3A_54 = arith.cmpi sge, %slice3A_52, %ge3A_53 : vector<4x16x8xi32>
      %neg3A = arith.constant 0.000000e+00 : f32
      %neg3A_55 = arith.subf %neg3A, %while3A_35 : f32
      %broadcast_in_dim3A_56 = vector.broadcast %while3A_35 : f32 to vector<4x16x8xf32>
      %broadcast_in_dim3A_57 = vector.broadcast %neg3A_55 : f32 to vector<4x16x8xf32>
      %select_n3A_58 = arith.select %ge3A_54, %broadcast_in_dim3A_56, %broadcast_in_dim3A_57 : vector<4x16x8xi1>, vector<4x16x8xf32>
      %broadcast_in_dim3A_59 = vector.shape_cast %abs3A : vector<4x16x8xi32> to vector<4x16x1x8xi32>
      %broadcast_in_dim3A_60 = vector.shape_cast %abs3A : vector<4x16x8xi32> to vector<4x1x16x8xi32>
      %xor3A = vector.broadcast %broadcast_in_dim3A_59 : vector<4x16x1x8xi32> to vector<4x16x16x8xi32>
      %xor3A_61 = vector.broadcast %broadcast_in_dim3A_60 : vector<4x1x16x8xi32> to vector<4x16x16x8xi32>
      %xor3A_62 = arith.xori %xor3A, %xor3A_61 : vector<4x16x16x8xi32>
      %add3A_63 = arith.constant 1 : i32
      %add3A_64 = vector.broadcast %add3A_63 : i32 to vector<4x16x16x8xi32>
      %add3A_65 = arith.addi %xor3A_62, %add3A_64 : vector<4x16x16x8xi32>
      %convert_element_type3A = arith.sitofp %add3A_65 : vector<4x16x16x8xi32> to vector<4x16x16x8xf32>
      %bitcast_convert_type3A = tpu.bitcast %convert_element_type3A : vector<4x16x16x8xf32> -> vector<4x16x16x8xi32>
      %shift_right_logical3A_66 = arith.constant 23 : i32
      %shift_right_logical3A_67 = vector.broadcast %shift_right_logical3A_66 : i32 to vector<4x16x16x8xi32>
      %shift_right_logical3A_68 = arith.shrui %bitcast_convert_type3A, %shift_right_logical3A_67 : vector<4x16x16x8xi32>
      %and3A = arith.andi %add3A_65, %xor3A_62 : vector<4x16x16x8xi32>
      %eq3A_69 = arith.constant 0 : i32
      %eq3A_70 = vector.broadcast %eq3A_69 : i32 to vector<4x16x16x8xi32>
      %eq3A_71 = arith.cmpi eq, %and3A, %eq3A_70 : vector<4x16x16x8xi32>
      %and3A_72 = arith.constant 63688 : i32
      %and3A_73 = vector.broadcast %and3A_72 : i32 to vector<4x16x16x8xi32>
      %and3A_74 = arith.andi %add3A_65, %and3A_73 : vector<4x16x16x8xi32>
      %ne3A = arith.constant 0 : i32
      %ne3A_75 = vector.broadcast %ne3A : i32 to vector<4x16x16x8xi32>
      %ne3A_76 = arith.cmpi ne, %and3A_74, %ne3A_75 : vector<4x16x16x8xi32>
      %and3A_77 = arith.andi %eq3A_71, %ne3A_76 : vector<4x16x16x8xi1>
      %jit3A_78 = arith.constant 1 : i32
      %jit3A_79 = arith.constant 0 : i32
      %broadcast_in_dim3A_80 = vector.broadcast %jit3A_78 : i32 to vector<4x16x16x8xi32>
      %broadcast_in_dim3A_81 = vector.broadcast %jit3A_79 : i32 to vector<4x16x16x8xi32>
      %select_n3A_82 = arith.select %and3A_77, %broadcast_in_dim3A_80, %broadcast_in_dim3A_81 : vector<4x16x16x8xi1>, vector<4x16x16x8xi32>
      %sub3A = arith.constant 142 : i32
      %sub3A_83 = vector.broadcast %sub3A : i32 to vector<4x16x16x8xi32>
      %sub3A_84 = arith.subi %sub3A_83, %shift_right_logical3A_68 : vector<4x16x16x8xi32>
      %add3A_85 = arith.addi %sub3A_84, %select_n3A_82 : vector<4x16x16x8xi32>
      %convert_element_type3A_86 = arith.sitofp %add3A_85 : vector<4x16x16x8xi32> to vector<4x16x16x8xf32>
      %mul3A_87 = arith.constant 6.250000e-02 : f32
      %mul3A_88 = vector.broadcast %mul3A_87 : f32 to vector<4x16x16x8xf32>
      %mul3A_89 = arith.mulf %convert_element_type3A_86, %mul3A_88 : vector<4x16x16x8xf32>
      %broadcast_in_dim3A_90 = vector.shape_cast %select_n3A_58 : vector<4x16x8xf32> to vector<4x16x1x8xf32>
      %broadcast_in_dim3A_91 = vector.shape_cast %select_n3A_58 : vector<4x16x8xf32> to vector<4x1x16x8xf32>
      %mul3A_92 = vector.broadcast %broadcast_in_dim3A_90 : vector<4x16x1x8xf32> to vector<4x16x16x8xf32>
      %mul3A_93 = vector.broadcast %broadcast_in_dim3A_91 : vector<4x1x16x8xf32> to vector<4x16x16x8xf32>
      %mul3A_94 = arith.mulf %mul3A_92, %mul3A_93 : vector<4x16x16x8xf32>
      %mul3A_95 = arith.mulf %mul3A_89, %mul3A_94 : vector<4x16x16x8xf32>
      %reduce_sum3A_96 = arith.constant dense<0.000000e+00> : vector<4x16x16xf32>
      %reduce_sum3A_97 = vector.multi_reduction <add>, %mul3A_95, %reduce_sum3A_96 [3] : vector<4x16x16x8xf32> to vector<4x16x16xf32>
      %get3A_98 = arith.index_cast %mul3A_47 : i32 to index
      %get3A_99 = arith.constant 0 : index
      %get3A_100 = arith.constant 0 : index
      %get3A_101 = arith.constant 0 : index
      %get3A_102 = vector.load %arg2[%get3A_98, %get3A_99, %get3A_100, %get3A_101] : memref<32x16x8x128xi32, #tpu.memory_space<vmem>>, vector<4x16x8x128xi32>
      %broadcast_in_dim3A_103 = vector.shape_cast %abs3A : vector<4x16x8xi32> to vector<4x16x8x1xi32>
      %xor3A_104 = vector.broadcast %broadcast_in_dim3A_103 : vector<4x16x8x1xi32> to vector<4x16x8x128xi32>
      %xor3A_105 = vector.broadcast %shift_left3A_32 : vector<1x1x1x128xi32> to vector<4x16x8x128xi32>
      %xor3A_106 = arith.xori %xor3A_104, %xor3A_105 : vector<4x16x8x128xi32>
      %xor3A_107 = arith.xori %xor3A_106, %get3A_102 : vector<4x16x8x128xi32>
      %eq3A_108 = arith.constant 0 : i32
      %eq3A_109 = vector.broadcast %eq3A_108 : i32 to vector<4x16x8x128xi32>
      %eq3A_110 = arith.cmpi eq, %xor3A_107, %eq3A_109 : vector<4x16x8x128xi32>
      %neg3A_111 = arith.constant 0.000000e+00 : f32
      %neg3A_112 = arith.subf %neg3A_111, %while3A_35 : f32
      %broadcast_in_dim3A_113 = vector.broadcast %while3A_35 : f32 to vector<4x16x8x128xf32>
      %broadcast_in_dim3A_114 = vector.broadcast %neg3A_112 : f32 to vector<4x16x8x128xf32>
      %select_n3A_115 = arith.select %eq3A_110, %broadcast_in_dim3A_113, %broadcast_in_dim3A_114 : vector<4x16x8x128xi1>, vector<4x16x8x128xf32>
      %get3A_116 = arith.index_cast %mul3A_47 : i32 to index
      %get3A_117 = arith.constant 0 : index
      %get3A_118 = arith.constant 0 : index
      %get3A_119 = vector.load %arg1[%get3A_116, %get3A_117, %get3A_118] : memref<32x16x16xf32, #tpu.memory_space<vmem>>, vector<4x16x16xf32>
      %transpose3A = tpu.transpose %abs3A, [0, 2, 1] : vector<4x16x8xi32> -> vector<4x8x16xi32>
      %transpose3A_120 = tpu.transpose %select_n3A_58, [0, 2, 1] : vector<4x16x8xf32> -> vector<4x8x16xf32>
      %mul3A_121 = arith.constant 1.250000e-01 : f32
      %mul3A_122 = vector.broadcast %mul3A_121 : f32 to vector<4x8x16xf32>
      %mul3A_123 = arith.mulf %transpose3A_120, %mul3A_122 : vector<4x8x16xf32>
      %broadcast_in_dim3A_124 = vector.shape_cast %reduce_sum3A_97 : vector<4x16x16xf32> to vector<4x16x16x1xf32>
      %sub3A_125 = vector.broadcast %broadcast_in_dim3A_124 : vector<4x16x16x1xf32> to vector<4x16x16x8xf32>
      %sub3A_126 = arith.subf %sub3A_125, %mul3A_95 : vector<4x16x16x8xf32>
      %mul3A_127 = arith.constant 1.250000e-01 : f32
      %mul3A_128 = vector.broadcast %mul3A_127 : f32 to vector<4x16x16x8xf32>
      %mul3A_129 = arith.mulf %sub3A_126, %mul3A_128 : vector<4x16x16x8xf32>
      %transpose3A_130 = tpu.transpose %mul3A_129, [0, 1, 3, 2] : vector<4x16x16x8xf32> -> vector<4x16x8x16xf32>
      %broadcast_in_dim3A_131 = arith.constant 0.000000e+00 : f32
      %broadcast_in_dim3A_132 = vector.broadcast %broadcast_in_dim3A_131 : f32 to vector<4x16x8x128xf32>
      %broadcast_in_dim3A_133 = arith.constant 0.000000e+00 : f32
      %broadcast_in_dim3A_134 = vector.broadcast %broadcast_in_dim3A_133 : f32 to vector<4x16x8x128xf32>
      %broadcast_in_dim3A_135 = arith.constant 0.000000e+00 : f32
      %broadcast_in_dim3A_136 = vector.broadcast %broadcast_in_dim3A_135 : f32 to vector<4x16x8xf32>
      %slice3A_137 = vector.extract_strided_slice %transpose3A {offsets = [0, 0, 0], sizes = [4, 8, 1], strides = [1, 1, 1]} : vector<4x8x16xi32> to vector<4x8x1xi32>
      %broadcast_in_dim3A_138 = vector.shape_cast %slice3A_137 : vector<4x8x1xi32> to vector<4x1x8x1xi32>
      %slice3A_139 = vector.extract_strided_slice %mul3A_123 {offsets = [0, 0, 0], sizes = [4, 8, 1], strides = [1, 1, 1]} : vector<4x8x16xf32> to vector<4x8x1xf32>
      %broadcast_in_dim3A_140 = vector.shape_cast %slice3A_139 : vector<4x8x1xf32> to vector<4x1x8x1xf32>
      %xor3A_141 = vector.broadcast %broadcast_in_dim3A_138 : vector<4x1x8x1xi32> to vector<4x16x8x128xi32>
      %xor3A_142 = arith.xori %xor3A_107, %xor3A_141 : vector<4x16x8x128xi32>
      %add3A_143 = arith.constant 1 : i32
      %add3A_144 = vector.broadcast %add3A_143 : i32 to vector<4x16x8x128xi32>
      %add3A_145 = arith.addi %xor3A_142, %add3A_144 : vector<4x16x8x128xi32>
      %convert_element_type3A_146 = arith.sitofp %add3A_145 : vector<4x16x8x128xi32> to vector<4x16x8x128xf32>
      %bitcast_convert_type3A_147 = tpu.bitcast %convert_element_type3A_146 : vector<4x16x8x128xf32> -> vector<4x16x8x128xi32>
      %shift_right_logical3A_148 = arith.constant 23 : i32
      %shift_right_logical3A_149 = vector.broadcast %shift_right_logical3A_148 : i32 to vector<4x16x8x128xi32>
      %shift_right_logical3A_150 = arith.shrui %bitcast_convert_type3A_147, %shift_right_logical3A_149 : vector<4x16x8x128xi32>
      %and3A_151 = arith.andi %add3A_145, %xor3A_142 : vector<4x16x8x128xi32>
      %eq3A_152 = arith.constant 0 : i32
      %eq3A_153 = vector.broadcast %eq3A_152 : i32 to vector<4x16x8x128xi32>
      %eq3A_154 = arith.cmpi eq, %and3A_151, %eq3A_153 : vector<4x16x8x128xi32>
      %and3A_155 = arith.constant 63688 : i32
      %and3A_156 = vector.broadcast %and3A_155 : i32 to vector<4x16x8x128xi32>
      %and3A_157 = arith.andi %add3A_145, %and3A_156 : vector<4x16x8x128xi32>
      %ne3A_158 = arith.constant 0 : i32
      %ne3A_159 = vector.broadcast %ne3A_158 : i32 to vector<4x16x8x128xi32>
      %ne3A_160 = arith.cmpi ne, %and3A_157, %ne3A_159 : vector<4x16x8x128xi32>
      %and3A_161 = arith.andi %eq3A_154, %ne3A_160 : vector<4x16x8x128xi1>
      %jit3A_162 = arith.constant 1 : i32
      %jit3A_163 = arith.constant 0 : i32
      %broadcast_in_dim3A_164 = vector.broadcast %jit3A_162 : i32 to vector<4x16x8x128xi32>
      %broadcast_in_dim3A_165 = vector.broadcast %jit3A_163 : i32 to vector<4x16x8x128xi32>
      %select_n3A_166 = arith.select %and3A_161, %broadcast_in_dim3A_164, %broadcast_in_dim3A_165 : vector<4x16x8x128xi1>, vector<4x16x8x128xi32>
      %sub3A_167 = arith.constant 142 : i32
      %sub3A_168 = vector.broadcast %sub3A_167 : i32 to vector<4x16x8x128xi32>
      %sub3A_169 = arith.subi %sub3A_168, %shift_right_logical3A_150 : vector<4x16x8x128xi32>
      %add3A_170 = arith.addi %sub3A_169, %select_n3A_166 : vector<4x16x8x128xi32>
      %convert_element_type3A_171 = arith.sitofp %add3A_170 : vector<4x16x8x128xi32> to vector<4x16x8x128xf32>
      %mul3A_172 = arith.constant 6.250000e-02 : f32
      %mul3A_173 = vector.broadcast %mul3A_172 : f32 to vector<4x16x8x128xf32>
      %mul3A_174 = arith.mulf %convert_element_type3A_171, %mul3A_173 : vector<4x16x8x128xf32>
      %mul3A_175 = vector.broadcast %broadcast_in_dim3A_140 : vector<4x1x8x1xf32> to vector<4x16x8x128xf32>
      %mul3A_176 = arith.mulf %mul3A_174, %mul3A_175 : vector<4x16x8x128xf32>
      %slice3A_177 = vector.extract_strided_slice %transpose3A_130 {offsets = [0, 0, 0, 0], sizes = [4, 16, 8, 1], strides = [1, 1, 1, 1]} : vector<4x16x8x16xf32> to vector<4x16x8x1xf32>
      %slice3A_178 = vector.extract_strided_slice %get3A_119 {offsets = [0, 0, 0], sizes = [4, 16, 1], strides = [1, 1, 1]} : vector<4x16x16xf32> to vector<4x16x1xf32>
      %squeeze3A = vector.shape_cast %slice3A_178 : vector<4x16x1xf32> to vector<4x16xf32>
      %broadcast_in_dim3A_179 = vector.shape_cast %squeeze3A : vector<4x16xf32> to vector<4x16x1x1xf32>
      %add3A_180 = vector.broadcast %slice3A_177 : vector<4x16x8x1xf32> to vector<4x16x8x128xf32>
      %add3A_181 = arith.addf %mul3A_176, %add3A_180 : vector<4x16x8x128xf32>
      %sub3A_182 = vector.broadcast %broadcast_in_dim3A_179 : vector<4x16x1x1xf32> to vector<4x16x8x128xf32>
      %sub3A_183 = arith.subf %add3A_181, %sub3A_182 : vector<4x16x8x128xf32>
      %abs3A_184 = math.absf %sub3A_183 : vector<4x16x8x128xf32>
      %add3A_185 = arith.addf %broadcast_in_dim3A_132, %abs3A_184 : vector<4x16x8x128xf32>
      %mul3A_186 = arith.mulf %mul3A_176, %select_n3A_115 : vector<4x16x8x128xf32>
      %add3A_187 = vector.broadcast %slice3A_177 : vector<4x16x8x1xf32> to vector<4x16x8x128xf32>
      %add3A_188 = arith.addf %mul3A_186, %add3A_187 : vector<4x16x8x128xf32>
      %sub3A_189 = vector.broadcast %broadcast_in_dim3A_179 : vector<4x16x1x1xf32> to vector<4x16x8x128xf32>
      %sub3A_190 = arith.subf %add3A_188, %sub3A_189 : vector<4x16x8x128xf32>
      %abs3A_191 = math.absf %sub3A_190 : vector<4x16x8x128xf32>
      %add3A_192 = arith.addf %broadcast_in_dim3A_134, %abs3A_191 : vector<4x16x8x128xf32>
      %slice3A_193 = vector.extract_strided_slice %transpose3A {offsets = [0, 0, 0], sizes = [4, 8, 1], strides = [1, 1, 1]} : vector<4x8x16xi32> to vector<4x8x1xi32>
      %squeeze3A_194 = vector.shape_cast %slice3A_193 : vector<4x8x1xi32> to vector<4x8xi32>
      %broadcast_in_dim3A_195 = vector.shape_cast %squeeze3A_194 : vector<4x8xi32> to vector<4x1x8xi32>
      %xor3A_196 = vector.broadcast %broadcast_in_dim3A_195 : vector<4x1x8xi32> to vector<4x16x8xi32>
      %xor3A_197 = arith.xori %abs3A, %xor3A_196 : vector<4x16x8xi32>
      %add3A_198 = arith.constant 1 : i32
      %add3A_199 = vector.broadcast %add3A_198 : i32 to vector<4x16x8xi32>
      %add3A_200 = arith.addi %xor3A_197, %add3A_199 : vector<4x16x8xi32>
      %convert_element_type3A_201 = arith.sitofp %add3A_200 : vector<4x16x8xi32> to vector<4x16x8xf32>
      %bitcast_convert_type3A_202 = tpu.bitcast %convert_element_type3A_201 : vector<4x16x8xf32> -> vector<4x16x8xi32>
      %shift_right_logical3A_203 = arith.constant 23 : i32
      %shift_right_logical3A_204 = vector.broadcast %shift_right_logical3A_203 : i32 to vector<4x16x8xi32>
      %shift_right_logical3A_205 = arith.shrui %bitcast_convert_type3A_202, %shift_right_logical3A_204 : vector<4x16x8xi32>
      %and3A_206 = arith.andi %add3A_200, %xor3A_197 : vector<4x16x8xi32>
      %eq3A_207 = arith.constant 0 : i32
      %eq3A_208 = vector.broadcast %eq3A_207 : i32 to vector<4x16x8xi32>
      %eq3A_209 = arith.cmpi eq, %and3A_206, %eq3A_208 : vector<4x16x8xi32>
      %and3A_210 = arith.constant 63688 : i32
      %and3A_211 = vector.broadcast %and3A_210 : i32 to vector<4x16x8xi32>
      %and3A_212 = arith.andi %add3A_200, %and3A_211 : vector<4x16x8xi32>
      %ne3A_213 = arith.constant 0 : i32
      %ne3A_214 = vector.broadcast %ne3A_213 : i32 to vector<4x16x8xi32>
      %ne3A_215 = arith.cmpi ne, %and3A_212, %ne3A_214 : vector<4x16x8xi32>
      %and3A_216 = arith.andi %eq3A_209, %ne3A_215 : vector<4x16x8xi1>
      %jit3A_217 = arith.constant 1 : i32
      %jit3A_218 = arith.constant 0 : i32
      %broadcast_in_dim3A_219 = vector.broadcast %jit3A_217 : i32 to vector<4x16x8xi32>
      %broadcast_in_dim3A_220 = vector.broadcast %jit3A_218 : i32 to vector<4x16x8xi32>
      %select_n3A_221 = arith.select %and3A_216, %broadcast_in_dim3A_219, %broadcast_in_dim3A_220 : vector<4x16x8xi1>, vector<4x16x8xi32>
      %sub3A_222 = arith.constant 142 : i32
      %sub3A_223 = vector.broadcast %sub3A_222 : i32 to vector<4x16x8xi32>
      %sub3A_224 = arith.subi %sub3A_223, %shift_right_logical3A_205 : vector<4x16x8xi32>
      %add3A_225 = arith.addi %sub3A_224, %select_n3A_221 : vector<4x16x8xi32>
      %convert_element_type3A_226 = arith.sitofp %add3A_225 : vector<4x16x8xi32> to vector<4x16x8xf32>
      %mul3A_227 = arith.constant 6.250000e-02 : f32
      %mul3A_228 = vector.broadcast %mul3A_227 : f32 to vector<4x16x8xf32>
      %mul3A_229 = arith.mulf %convert_element_type3A_226, %mul3A_228 : vector<4x16x8xf32>
      %slice3A_230 = vector.extract_strided_slice %mul3A_123 {offsets = [0, 0, 0], sizes = [4, 8, 1], strides = [1, 1, 1]} : vector<4x8x16xf32> to vector<4x8x1xf32>
      %squeeze3A_231 = vector.shape_cast %slice3A_230 : vector<4x8x1xf32> to vector<4x8xf32>
      %broadcast_in_dim3A_232 = vector.shape_cast %squeeze3A_231 : vector<4x8xf32> to vector<4x1x8xf32>
      %mul3A_233 = vector.broadcast %broadcast_in_dim3A_232 : vector<4x1x8xf32> to vector<4x16x8xf32>
      %mul3A_234 = arith.mulf %mul3A_229, %mul3A_233 : vector<4x16x8xf32>
      %slice3A_235 = vector.extract_strided_slice %transpose3A_130 {offsets = [0, 0, 0, 0], sizes = [4, 16, 8, 1], strides = [1, 1, 1, 1]} : vector<4x16x8x16xf32> to vector<4x16x8x1xf32>
      %squeeze3A_236 = vector.shape_cast %slice3A_235 : vector<4x16x8x1xf32> to vector<4x16x8xf32>
      %add3A_237 = arith.addf %mul3A_234, %squeeze3A_236 : vector<4x16x8xf32>
      %slice3A_238 = vector.extract_strided_slice %get3A_119 {offsets = [0, 0, 0], sizes = [4, 16, 1], strides = [1, 1, 1]} : vector<4x16x16xf32> to vector<4x16x1xf32>
      %squeeze3A_239 = vector.shape_cast %slice3A_238 : vector<4x16x1xf32> to vector<4x16xf32>
      %broadcast_in_dim3A_240 = vector.shape_cast %squeeze3A_239 : vector<4x16xf32> to vector<4x16x1xf32>
      %sub3A_241 = vector.broadcast %broadcast_in_dim3A_240 : vector<4x16x1xf32> to vector<4x16x8xf32>
      %sub3A_242 = arith.subf %add3A_237, %sub3A_241 : vector<4x16x8xf32>
      %abs3A_243 = math.absf %sub3A_242 : vector<4x16x8xf32>
      %add3A_244 = arith.addf %broadcast_in_dim3A_136, %abs3A_243 : vector<4x16x8xf32>
      %slice3A_245 = vector.extract_strided_slice %transpose3A {offsets = [0, 0, 1], sizes = [4, 8, 1], strides = [1, 1, 1]} : vector<4x8x16xi32> to vector<4x8x1xi32>
      %broadcast_in_dim3A_246 = vector.shape_cast %slice3A_245 : vector<4x8x1xi32> to vector<4x1x8x1xi32>
      %slice3A_247 = vector.extract_strided_slice %mul3A_123 {offsets = [0, 0, 1], sizes = [4, 8, 1], strides = [1, 1, 1]} : vector<4x8x16xf32> to vector<4x8x1xf32>
      %broadcast_in_dim3A_248 = vector.shape_cast %slice3A_247 : vector<4x8x1xf32> to vector<4x1x8x1xf32>
      %xor3A_249 = vector.broadcast %broadcast_in_dim3A_246 : vector<4x1x8x1xi32> to vector<4x16x8x128xi32>
      %xor3A_250 = arith.xori %xor3A_107, %xor3A_249 : vector<4x16x8x128xi32>
      %add3A_251 = arith.constant 1 : i32
      %add3A_252 = vector.broadcast %add3A_251 : i32 to vector<4x16x8x128xi32>
      %add3A_253 = arith.addi %xor3A_250, %add3A_252 : vector<4x16x8x128xi32>
      %convert_element_type3A_254 = arith.sitofp %add3A_253 : vector<4x16x8x128xi32> to vector<4x16x8x128xf32>
      %bitcast_convert_type3A_255 = tpu.bitcast %convert_element_type3A_254 : vector<4x16x8x128xf32> -> vector<4x16x8x128xi32>
      %shift_right_logical3A_256 = arith.constant 23 : i32
      %shift_right_logical3A_257 = vector.broadcast %shift_right_logical3A_256 : i32 to vector<4x16x8x128xi32>
      %shift_right_logical3A_258 = arith.shrui %bitcast_convert_type3A_255, %shift_right_logical3A_257 : vector<4x16x8x128xi32>
      %and3A_259 = arith.andi %add3A_253, %xor3A_250 : vector<4x16x8x128xi32>
      %eq3A_260 = arith.constant 0 : i32
      %eq3A_261 = vector.broadcast %eq3A_260 : i32 to vector<4x16x8x128xi32>
      %eq3A_262 = arith.cmpi eq, %and3A_259, %eq3A_261 : vector<4x16x8x128xi32>
      %and3A_263 = arith.constant 63688 : i32
      %and3A_264 = vector.broadcast %and3A_263 : i32 to vector<4x16x8x128xi32>
      %and3A_265 = arith.andi %add3A_253, %and3A_264 : vector<4x16x8x128xi32>
      %ne3A_266 = arith.constant 0 : i32
      %ne3A_267 = vector.broadcast %ne3A_266 : i32 to vector<4x16x8x128xi32>
      %ne3A_268 = arith.cmpi ne, %and3A_265, %ne3A_267 : vector<4x16x8x128xi32>
      %and3A_269 = arith.andi %eq3A_262, %ne3A_268 : vector<4x16x8x128xi1>
      %jit3A_270 = arith.constant 1 : i32
      %jit3A_271 = arith.constant 0 : i32
      %broadcast_in_dim3A_272 = vector.broadcast %jit3A_270 : i32 to vector<4x16x8x128xi32>
      %broadcast_in_dim3A_273 = vector.broadcast %jit3A_271 : i32 to vector<4x16x8x128xi32>
      %select_n3A_274 = arith.select %and3A_269, %broadcast_in_dim3A_272, %broadcast_in_dim3A_273 : vector<4x16x8x128xi1>, vector<4x16x8x128xi32>
      %sub3A_275 = arith.constant 142 : i32
      %sub3A_276 = vector.broadcast %sub3A_275 : i32 to vector<4x16x8x128xi32>
      %sub3A_277 = arith.subi %sub3A_276, %shift_right_logical3A_258 : vector<4x16x8x128xi32>
      %add3A_278 = arith.addi %sub3A_277, %select_n3A_274 : vector<4x16x8x128xi32>
      %convert_element_type3A_279 = arith.sitofp %add3A_278 : vector<4x16x8x128xi32> to vector<4x16x8x128xf32>
      %mul3A_280 = arith.constant 6.250000e-02 : f32
      %mul3A_281 = vector.broadcast %mul3A_280 : f32 to vector<4x16x8x128xf32>
      %mul3A_282 = arith.mulf %convert_element_type3A_279, %mul3A_281 : vector<4x16x8x128xf32>
      %mul3A_283 = vector.broadcast %broadcast_in_dim3A_248 : vector<4x1x8x1xf32> to vector<4x16x8x128xf32>
      %mul3A_284 = arith.mulf %mul3A_282, %mul3A_283 : vector<4x16x8x128xf32>
      %slice3A_285 = vector.extract_strided_slice %transpose3A_130 {offsets = [0, 0, 0, 1], sizes = [4, 16, 8, 1], strides = [1, 1, 1, 1]} : vector<4x16x8x16xf32> to vector<4x16x8x1xf32>
      %slice3A_286 = vector.extract_strided_slice %get3A_119 {offsets = [0, 0, 1], sizes = [4, 16, 1], strides = [1, 1, 1]} : vector<4x16x16xf32> to vector<4x16x1xf32>
      %squeeze3A_287 = vector.shape_cast %slice3A_286 : vector<4x16x1xf32> to vector<4x16xf32>
      %broadcast_in_dim3A_288 = vector.shape_cast %squeeze3A_287 : vector<4x16xf32> to vector<4x16x1x1xf32>
      %add3A_289 = vector.broadcast %slice3A_285 : vector<4x16x8x1xf32> to vector<4x16x8x128xf32>
      %add3A_290 = arith.addf %mul3A_284, %add3A_289 : vector<4x16x8x128xf32>
      %sub3A_291 = vector.broadcast %broadcast_in_dim3A_288 : vector<4x16x1x1xf32> to vector<4x16x8x128xf32>
      %sub3A_292 = arith.subf %add3A_290, %sub3A_291 : vector<4x16x8x128xf32>
      %abs3A_293 = math.absf %sub3A_292 : vector<4x16x8x128xf32>
      %add3A_294 = arith.addf %add3A_185, %abs3A_293 : vector<4x16x8x128xf32>
      %mul3A_295 = arith.mulf %mul3A_284, %select_n3A_115 : vector<4x16x8x128xf32>
      %add3A_296 = vector.broadcast %slice3A_285 : vector<4x16x8x1xf32> to vector<4x16x8x128xf32>
      %add3A_297 = arith.addf %mul3A_295, %add3A_296 : vector<4x16x8x128xf32>
      %sub3A_298 = vector.broadcast %broadcast_in_dim3A_288 : vector<4x16x1x1xf32> to vector<4x16x8x128xf32>
      %sub3A_299 = arith.subf %add3A_297, %sub3A_298 : vector<4x16x8x128xf32>
      %abs3A_300 = math.absf %sub3A_299 : vector<4x16x8x128xf32>
      %add3A_301 = arith.addf %add3A_192, %abs3A_300 : vector<4x16x8x128xf32>
      %slice3A_302 = vector.extract_strided_slice %transpose3A {offsets = [0, 0, 1], sizes = [4, 8, 1], strides = [1, 1, 1]} : vector<4x8x16xi32> to vector<4x8x1xi32>
      %squeeze3A_303 = vector.shape_cast %slice3A_302 : vector<4x8x1xi32> to vector<4x8xi32>
      %broadcast_in_dim3A_304 = vector.shape_cast %squeeze3A_303 : vector<4x8xi32> to vector<4x1x8xi32>
      %xor3A_305 = vector.broadcast %broadcast_in_dim3A_304 : vector<4x1x8xi32> to vector<4x16x8xi32>
      %xor3A_306 = arith.xori %abs3A, %xor3A_305 : vector<4x16x8xi32>
      %add3A_307 = arith.constant 1 : i32
      %add3A_308 = vector.broadcast %add3A_307 : i32 to vector<4x16x8xi32>
      %add3A_309 = arith.addi %xor3A_306, %add3A_308 : vector<4x16x8xi32>
      %convert_element_type3A_310 = arith.sitofp %add3A_309 : vector<4x16x8xi32> to vector<4x16x8xf32>
      %bitcast_convert_type3A_311 = tpu.bitcast %convert_element_type3A_310 : vector<4x16x8xf32> -> vector<4x16x8xi32>
      %shift_right_logical3A_312 = arith.constant 23 : i32
      %shift_right_logical3A_313 = vector.broadcast %shift_right_logical3A_312 : i32 to vector<4x16x8xi32>
      %shift_right_logical3A_314 = arith.shrui %bitcast_convert_type3A_311, %shift_right_logical3A_313 : vector<4x16x8xi32>
      %and3A_315 = arith.andi %add3A_309, %xor3A_306 : vector<4x16x8xi32>
      %eq3A_316 = arith.constant 0 : i32
      %eq3A_317 = vector.broadcast %eq3A_316 : i32 to vector<4x16x8xi32>
      %eq3A_318 = arith.cmpi eq, %and3A_315, %eq3A_317 : vector<4x16x8xi32>
      %and3A_319 = arith.constant 63688 : i32
      %and3A_320 = vector.broadcast %and3A_319 : i32 to vector<4x16x8xi32>
      %and3A_321 = arith.andi %add3A_309, %and3A_320 : vector<4x16x8xi32>
      %ne3A_322 = arith.constant 0 : i32
      %ne3A_323 = vector.broadcast %ne3A_322 : i32 to vector<4x16x8xi32>
      %ne3A_324 = arith.cmpi ne, %and3A_321, %ne3A_323 : vector<4x16x8xi32>
      %and3A_325 = arith.andi %eq3A_318, %ne3A_324 : vector<4x16x8xi1>
      %jit3A_326 = arith.constant 1 : i32
      %jit3A_327 = arith.constant 0 : i32
      %broadcast_in_dim3A_328 = vector.broadcast %jit3A_326 : i32 to vector<4x16x8xi32>
      %broadcast_in_dim3A_329 = vector.broadcast %jit3A_327 : i32 to vector<4x16x8xi32>
      %select_n3A_330 = arith.select %and3A_325, %broadcast_in_dim3A_328, %broadcast_in_dim3A_329 : vector<4x16x8xi1>, vector<4x16x8xi32>
      %sub3A_331 = arith.constant 142 : i32
      %sub3A_332 = vector.broadcast %sub3A_331 : i32 to vector<4x16x8xi32>
      %sub3A_333 = arith.subi %sub3A_332, %shift_right_logical3A_314 : vector<4x16x8xi32>
      %add3A_334 = arith.addi %sub3A_333, %select_n3A_330 : vector<4x16x8xi32>
      %convert_element_type3A_335 = arith.sitofp %add3A_334 : vector<4x16x8xi32> to vector<4x16x8xf32>
      %mul3A_336 = arith.constant 6.250000e-02 : f32
      %mul3A_337 = vector.broadcast %mul3A_336 : f32 to vector<4x16x8xf32>
      %mul3A_338 = arith.mulf %convert_element_type3A_335, %mul3A_337 : vector<4x16x8xf32>
      %slice3A_339 = vector.extract_strided_slice %mul3A_123 {offsets = [0, 0, 1], sizes = [4, 8, 1], strides = [1, 1, 1]} : vector<4x8x16xf32> to vector<4x8x1xf32>
      %squeeze3A_340 = vector.shape_cast %slice3A_339 : vector<4x8x1xf32> to vector<4x8xf32>
      %broadcast_in_dim3A_341 = vector.shape_cast %squeeze3A_340 : vector<4x8xf32> to vector<4x1x8xf32>
      %mul3A_342 = vector.broadcast %broadcast_in_dim3A_341 : vector<4x1x8xf32> to vector<4x16x8xf32>
      %mul3A_343 = arith.mulf %mul3A_338, %mul3A_342 : vector<4x16x8xf32>
      %slice3A_344 = vector.extract_strided_slice %transpose3A_130 {offsets = [0, 0, 0, 1], sizes = [4, 16, 8, 1], strides = [1, 1, 1, 1]} : vector<4x16x8x16xf32> to vector<4x16x8x1xf32>
      %squeeze3A_345 = vector.shape_cast %slice3A_344 : vector<4x16x8x1xf32> to vector<4x16x8xf32>
      %add3A_346 = arith.addf %mul3A_343, %squeeze3A_345 : vector<4x16x8xf32>
      %slice3A_347 = vector.extract_strided_slice %get3A_119 {offsets = [0, 0, 1], sizes = [4, 16, 1], strides = [1, 1, 1]} : vector<4x16x16xf32> to vector<4x16x1xf32>
      %squeeze3A_348 = vector.shape_cast %slice3A_347 : vector<4x16x1xf32> to vector<4x16xf32>
      %broadcast_in_dim3A_349 = vector.shape_cast %squeeze3A_348 : vector<4x16xf32> to vector<4x16x1xf32>
      %sub3A_350 = vector.broadcast %broadcast_in_dim3A_349 : vector<4x16x1xf32> to vector<4x16x8xf32>
      %sub3A_351 = arith.subf %add3A_346, %sub3A_350 : vector<4x16x8xf32>
      %abs3A_352 = math.absf %sub3A_351 : vector<4x16x8xf32>
      %add3A_353 = arith.addf %add3A_244, %abs3A_352 : vector<4x16x8xf32>
      %slice3A_354 = vector.extract_strided_slice %transpose3A {offsets = [0, 0, 2], sizes = [4, 8, 1], strides = [1, 1, 1]} : vector<4x8x16xi32> to vector<4x8x1xi32>
      %broadcast_in_dim3A_355 = vector.shape_cast %slice3A_354 : vector<4x8x1xi32> to vector<4x1x8x1xi32>
      %slice3A_356 = vector.extract_strided_slice %mul3A_123 {offsets = [0, 0, 2], sizes = [4, 8, 1], strides = [1, 1, 1]} : vector<4x8x16xf32> to vector<4x8x1xf32>
      %broadcast_in_dim3A_357 = vector.shape_cast %slice3A_356 : vector<4x8x1xf32> to vector<4x1x8x1xf32>
      %xor3A_358 = vector.broadcast %broadcast_in_dim3A_355 : vector<4x1x8x1xi32> to vector<4x16x8x128xi32>
      %xor3A_359 = arith.xori %xor3A_107, %xor3A_358 : vector<4x16x8x128xi32>
      %add3A_360 = arith.constant 1 : i32
      %add3A_361 = vector.broadcast %add3A_360 : i32 to vector<4x16x8x128xi32>
      %add3A_362 = arith.addi %xor3A_359, %add3A_361 : vector<4x16x8x128xi32>
      %convert_element_type3A_363 = arith.sitofp %add3A_362 : vector<4x16x8x128xi32> to vector<4x16x8x128xf32>
      %bitcast_convert_type3A_364 = tpu.bitcast %convert_element_type3A_363 : vector<4x16x8x128xf32> -> vector<4x16x8x128xi32>
      %shift_right_logical3A_365 = arith.constant 23 : i32
      %shift_right_logical3A_366 = vector.broadcast %shift_right_logical3A_365 : i32 to vector<4x16x8x128xi32>
      %shift_right_logical3A_367 = arith.shrui %bitcast_convert_type3A_364, %shift_right_logical3A_366 : vector<4x16x8x128xi32>
      %and3A_368 = arith.andi %add3A_362, %xor3A_359 : vector<4x16x8x128xi32>
      %eq3A_369 = arith.constant 0 : i32
      %eq3A_370 = vector.broadcast %eq3A_369 : i32 to vector<4x16x8x128xi32>
      %eq3A_371 = arith.cmpi eq, %and3A_368, %eq3A_370 : vector<4x16x8x128xi32>
      %and3A_372 = arith.constant 63688 : i32
      %and3A_373 = vector.broadcast %and3A_372 : i32 to vector<4x16x8x128xi32>
      %and3A_374 = arith.andi %add3A_362, %and3A_373 : vector<4x16x8x128xi32>
      %ne3A_375 = arith.constant 0 : i32
      %ne3A_376 = vector.broadcast %ne3A_375 : i32 to vector<4x16x8x128xi32>
      %ne3A_377 = arith.cmpi ne, %and3A_374, %ne3A_376 : vector<4x16x8x128xi32>
      %and3A_378 = arith.andi %eq3A_371, %ne3A_377 : vector<4x16x8x128xi1>
      %jit3A_379 = arith.constant 1 : i32
      %jit3A_380 = arith.constant 0 : i32
      %broadcast_in_dim3A_381 = vector.broadcast %jit3A_379 : i32 to vector<4x16x8x128xi32>
      %broadcast_in_dim3A_382 = vector.broadcast %jit3A_380 : i32 to vector<4x16x8x128xi32>
      %select_n3A_383 = arith.select %and3A_378, %broadcast_in_dim3A_381, %broadcast_in_dim3A_382 : vector<4x16x8x128xi1>, vector<4x16x8x128xi32>
      %sub3A_384 = arith.constant 142 : i32
      %sub3A_385 = vector.broadcast %sub3A_384 : i32 to vector<4x16x8x128xi32>
      %sub3A_386 = arith.subi %sub3A_385, %shift_right_logical3A_367 : vector<4x16x8x128xi32>
      %add3A_387 = arith.addi %sub3A_386, %select_n3A_383 : vector<4x16x8x128xi32>
      %convert_element_type3A_388 = arith.sitofp %add3A_387 : vector<4x16x8x128xi32> to vector<4x16x8x128xf32>
      %mul3A_389 = arith.constant 6.250000e-02 : f32
      %mul3A_390 = vector.broadcast %mul3A_389 : f32 to vector<4x16x8x128xf32>
      %mul3A_391 = arith.mulf %convert_element_type3A_388, %mul3A_390 : vector<4x16x8x128xf32>
      %mul3A_392 = vector.broadcast %broadcast_in_dim3A_357 : vector<4x1x8x1xf32> to vector<4x16x8x128xf32>
      %mul3A_393 = arith.mulf %mul3A_391, %mul3A_392 : vector<4x16x8x128xf32>
      %slice3A_394 = vector.extract_strided_slice %transpose3A_130 {offsets = [0, 0, 0, 2], sizes = [4, 16, 8, 1], strides = [1, 1, 1, 1]} : vector<4x16x8x16xf32> to vector<4x16x8x1xf32>
      %slice3A_395 = vector.extract_strided_slice %get3A_119 {offsets = [0, 0, 2], sizes = [4, 16, 1], strides = [1, 1, 1]} : vector<4x16x16xf32> to vector<4x16x1xf32>
      %squeeze3A_396 = vector.shape_cast %slice3A_395 : vector<4x16x1xf32> to vector<4x16xf32>
      %broadcast_in_dim3A_397 = vector.shape_cast %squeeze3A_396 : vector<4x16xf32> to vector<4x16x1x1xf32>
      %add3A_398 = vector.broadcast %slice3A_394 : vector<4x16x8x1xf32> to vector<4x16x8x128xf32>
      %add3A_399 = arith.addf %mul3A_393, %add3A_398 : vector<4x16x8x128xf32>
      %sub3A_400 = vector.broadcast %broadcast_in_dim3A_397 : vector<4x16x1x1xf32> to vector<4x16x8x128xf32>
      %sub3A_401 = arith.subf %add3A_399, %sub3A_400 : vector<4x16x8x128xf32>
      %abs3A_402 = math.absf %sub3A_401 : vector<4x16x8x128xf32>
      %add3A_403 = arith.addf %add3A_294, %abs3A_402 : vector<4x16x8x128xf32>
      %mul3A_404 = arith.mulf %mul3A_393, %select_n3A_115 : vector<4x16x8x128xf32>
      %add3A_405 = vector.broadcast %slice3A_394 : vector<4x16x8x1xf32> to vector<4x16x8x128xf32>
      %add3A_406 = arith.addf %mul3A_404, %add3A_405 : vector<4x16x8x128xf32>
      %sub3A_407 = vector.broadcast %broadcast_in_dim3A_397 : vector<4x16x1x1xf32> to vector<4x16x8x128xf32>
      %sub3A_408 = arith.subf %add3A_406, %sub3A_407 : vector<4x16x8x128xf32>
      %abs3A_409 = math.absf %sub3A_408 : vector<4x16x8x128xf32>
      %add3A_410 = arith.addf %add3A_301, %abs3A_409 : vector<4x16x8x128xf32>
      %slice3A_411 = vector.extract_strided_slice %transpose3A {offsets = [0, 0, 2], sizes = [4, 8, 1], strides = [1, 1, 1]} : vector<4x8x16xi32> to vector<4x8x1xi32>
      %squeeze3A_412 = vector.shape_cast %slice3A_411 : vector<4x8x1xi32> to vector<4x8xi32>
      %broadcast_in_dim3A_413 = vector.shape_cast %squeeze3A_412 : vector<4x8xi32> to vector<4x1x8xi32>
      %xor3A_414 = vector.broadcast %broadcast_in_dim3A_413 : vector<4x1x8xi32> to vector<4x16x8xi32>
      %xor3A_415 = arith.xori %abs3A, %xor3A_414 : vector<4x16x8xi32>
      %add3A_416 = arith.constant 1 : i32
      %add3A_417 = vector.broadcast %add3A_416 : i32 to vector<4x16x8xi32>
      %add3A_418 = arith.addi %xor3A_415, %add3A_417 : vector<4x16x8xi32>
      %convert_element_type3A_419 = arith.sitofp %add3A_418 : vector<4x16x8xi32> to vector<4x16x8xf32>
      %bitcast_convert_type3A_420 = tpu.bitcast %convert_element_type3A_419 : vector<4x16x8xf32> -> vector<4x16x8xi32>
      %shift_right_logical3A_421 = arith.constant 23 : i32
      %shift_right_logical3A_422 = vector.broadcast %shift_right_logical3A_421 : i32 to vector<4x16x8xi32>
      %shift_right_logical3A_423 = arith.shrui %bitcast_convert_type3A_420, %shift_right_logical3A_422 : vector<4x16x8xi32>
      %and3A_424 = arith.andi %add3A_418, %xor3A_415 : vector<4x16x8xi32>
      %eq3A_425 = arith.constant 0 : i32
      %eq3A_426 = vector.broadcast %eq3A_425 : i32 to vector<4x16x8xi32>
      %eq3A_427 = arith.cmpi eq, %and3A_424, %eq3A_426 : vector<4x16x8xi32>
      %and3A_428 = arith.constant 63688 : i32
      %and3A_429 = vector.broadcast %and3A_428 : i32 to vector<4x16x8xi32>
      %and3A_430 = arith.andi %add3A_418, %and3A_429 : vector<4x16x8xi32>
      %ne3A_431 = arith.constant 0 : i32
      %ne3A_432 = vector.broadcast %ne3A_431 : i32 to vector<4x16x8xi32>
      %ne3A_433 = arith.cmpi ne, %and3A_430, %ne3A_432 : vector<4x16x8xi32>
      %and3A_434 = arith.andi %eq3A_427, %ne3A_433 : vector<4x16x8xi1>
      %jit3A_435 = arith.constant 1 : i32
      %jit3A_436 = arith.constant 0 : i32
      %broadcast_in_dim3A_437 = vector.broadcast %jit3A_435 : i32 to vector<4x16x8xi32>
      %broadcast_in_dim3A_438 = vector.broadcast %jit3A_436 : i32 to vector<4x16x8xi32>
      %select_n3A_439 = arith.select %and3A_434, %broadcast_in_dim3A_437, %broadcast_in_dim3A_438 : vector<4x16x8xi1>, vector<4x16x8xi32>
      %sub3A_440 = arith.constant 142 : i32
      %sub3A_441 = vector.broadcast %sub3A_440 : i32 to vector<4x16x8xi32>
      %sub3A_442 = arith.subi %sub3A_441, %shift_right_logical3A_423 : vector<4x16x8xi32>
      %add3A_443 = arith.addi %sub3A_442, %select_n3A_439 : vector<4x16x8xi32>
      %convert_element_type3A_444 = arith.sitofp %add3A_443 : vector<4x16x8xi32> to vector<4x16x8xf32>
      %mul3A_445 = arith.constant 6.250000e-02 : f32
      %mul3A_446 = vector.broadcast %mul3A_445 : f32 to vector<4x16x8xf32>
      %mul3A_447 = arith.mulf %convert_element_type3A_444, %mul3A_446 : vector<4x16x8xf32>
      %slice3A_448 = vector.extract_strided_slice %mul3A_123 {offsets = [0, 0, 2], sizes = [4, 8, 1], strides = [1, 1, 1]} : vector<4x8x16xf32> to vector<4x8x1xf32>
      %squeeze3A_449 = vector.shape_cast %slice3A_448 : vector<4x8x1xf32> to vector<4x8xf32>
      %broadcast_in_dim3A_450 = vector.shape_cast %squeeze3A_449 : vector<4x8xf32> to vector<4x1x8xf32>
      %mul3A_451 = vector.broadcast %broadcast_in_dim3A_450 : vector<4x1x8xf32> to vector<4x16x8xf32>
      %mul3A_452 = arith.mulf %mul3A_447, %mul3A_451 : vector<4x16x8xf32>
      %slice3A_453 = vector.extract_strided_slice %transpose3A_130 {offsets = [0, 0, 0, 2], sizes = [4, 16, 8, 1], strides = [1, 1, 1, 1]} : vector<4x16x8x16xf32> to vector<4x16x8x1xf32>
      %squeeze3A_454 = vector.shape_cast %slice3A_453 : vector<4x16x8x1xf32> to vector<4x16x8xf32>
      %add3A_455 = arith.addf %mul3A_452, %squeeze3A_454 : vector<4x16x8xf32>
      %slice3A_456 = vector.extract_strided_slice %get3A_119 {offsets = [0, 0, 2], sizes = [4, 16, 1], strides = [1, 1, 1]} : vector<4x16x16xf32> to vector<4x16x1xf32>
      %squeeze3A_457 = vector.shape_cast %slice3A_456 : vector<4x16x1xf32> to vector<4x16xf32>
      %broadcast_in_dim3A_458 = vector.shape_cast %squeeze3A_457 : vector<4x16xf32> to vector<4x16x1xf32>
      %sub3A_459 = vector.broadcast %broadcast_in_dim3A_458 : vector<4x16x1xf32> to vector<4x16x8xf32>
      %sub3A_460 = arith.subf %add3A_455, %sub3A_459 : vector<4x16x8xf32>
      %abs3A_461 = math.absf %sub3A_460 : vector<4x16x8xf32>
      %add3A_462 = arith.addf %add3A_353, %abs3A_461 : vector<4x16x8xf32>
      %slice3A_463 = vector.extract_strided_slice %transpose3A {offsets = [0, 0, 3], sizes = [4, 8, 1], strides = [1, 1, 1]} : vector<4x8x16xi32> to vector<4x8x1xi32>
      %broadcast_in_dim3A_464 = vector.shape_cast %slice3A_463 : vector<4x8x1xi32> to vector<4x1x8x1xi32>
      %slice3A_465 = vector.extract_strided_slice %mul3A_123 {offsets = [0, 0, 3], sizes = [4, 8, 1], strides = [1, 1, 1]} : vector<4x8x16xf32> to vector<4x8x1xf32>
      %broadcast_in_dim3A_466 = vector.shape_cast %slice3A_465 : vector<4x8x1xf32> to vector<4x1x8x1xf32>
      %xor3A_467 = vector.broadcast %broadcast_in_dim3A_464 : vector<4x1x8x1xi32> to vector<4x16x8x128xi32>
      %xor3A_468 = arith.xori %xor3A_107, %xor3A_467 : vector<4x16x8x128xi32>
      %add3A_469 = arith.constant 1 : i32
      %add3A_470 = vector.broadcast %add3A_469 : i32 to vector<4x16x8x128xi32>
      %add3A_471 = arith.addi %xor3A_468, %add3A_470 : vector<4x16x8x128xi32>
      %convert_element_type3A_472 = arith.sitofp %add3A_471 : vector<4x16x8x128xi32> to vector<4x16x8x128xf32>
      %bitcast_convert_type3A_473 = tpu.bitcast %convert_element_type3A_472 : vector<4x16x8x128xf32> -> vector<4x16x8x128xi32>
      %shift_right_logical3A_474 = arith.constant 23 : i32
      %shift_right_logical3A_475 = vector.broadcast %shift_right_logical3A_474 : i32 to vector<4x16x8x128xi32>
      %shift_right_logical3A_476 = arith.shrui %bitcast_convert_type3A_473, %shift_right_logical3A_475 : vector<4x16x8x128xi32>
      %and3A_477 = arith.andi %add3A_471, %xor3A_468 : vector<4x16x8x128xi32>
      %eq3A_478 = arith.constant 0 : i32
      %eq3A_479 = vector.broadcast %eq3A_478 : i32 to vector<4x16x8x128xi32>
      %eq3A_480 = arith.cmpi eq, %and3A_477, %eq3A_479 : vector<4x16x8x128xi32>
      %and3A_481 = arith.constant 63688 : i32
      %and3A_482 = vector.broadcast %and3A_481 : i32 to vector<4x16x8x128xi32>
      %and3A_483 = arith.andi %add3A_471, %and3A_482 : vector<4x16x8x128xi32>
      %ne3A_484 = arith.constant 0 : i32
      %ne3A_485 = vector.broadcast %ne3A_484 : i32 to vector<4x16x8x128xi32>
      %ne3A_486 = arith.cmpi ne, %and3A_483, %ne3A_485 : vector<4x16x8x128xi32>
      %and3A_487 = arith.andi %eq3A_480, %ne3A_486 : vector<4x16x8x128xi1>
      %jit3A_488 = arith.constant 1 : i32
      %jit3A_489 = arith.constant 0 : i32
      %broadcast_in_dim3A_490 = vector.broadcast %jit3A_488 : i32 to vector<4x16x8x128xi32>
      %broadcast_in_dim3A_491 = vector.broadcast %jit3A_489 : i32 to vector<4x16x8x128xi32>
      %select_n3A_492 = arith.select %and3A_487, %broadcast_in_dim3A_490, %broadcast_in_dim3A_491 : vector<4x16x8x128xi1>, vector<4x16x8x128xi32>
      %sub3A_493 = arith.constant 142 : i32
      %sub3A_494 = vector.broadcast %sub3A_493 : i32 to vector<4x16x8x128xi32>
      %sub3A_495 = arith.subi %sub3A_494, %shift_right_logical3A_476 : vector<4x16x8x128xi32>
      %add3A_496 = arith.addi %sub3A_495, %select_n3A_492 : vector<4x16x8x128xi32>
      %convert_element_type3A_497 = arith.sitofp %add3A_496 : vector<4x16x8x128xi32> to vector<4x16x8x128xf32>
      %mul3A_498 = arith.constant 6.250000e-02 : f32
      %mul3A_499 = vector.broadcast %mul3A_498 : f32 to vector<4x16x8x128xf32>
      %mul3A_500 = arith.mulf %convert_element_type3A_497, %mul3A_499 : vector<4x16x8x128xf32>
      %mul3A_501 = vector.broadcast %broadcast_in_dim3A_466 : vector<4x1x8x1xf32> to vector<4x16x8x128xf32>
      %mul3A_502 = arith.mulf %mul3A_500, %mul3A_501 : vector<4x16x8x128xf32>
      %slice3A_503 = vector.extract_strided_slice %transpose3A_130 {offsets = [0, 0, 0, 3], sizes = [4, 16, 8, 1], strides = [1, 1, 1, 1]} : vector<4x16x8x16xf32> to vector<4x16x8x1xf32>
      %slice3A_504 = vector.extract_strided_slice %get3A_119 {offsets = [0, 0, 3], sizes = [4, 16, 1], strides = [1, 1, 1]} : vector<4x16x16xf32> to vector<4x16x1xf32>
      %squeeze3A_505 = vector.shape_cast %slice3A_504 : vector<4x16x1xf32> to vector<4x16xf32>
      %broadcast_in_dim3A_506 = vector.shape_cast %squeeze3A_505 : vector<4x16xf32> to vector<4x16x1x1xf32>
      %add3A_507 = vector.broadcast %slice3A_503 : vector<4x16x8x1xf32> to vector<4x16x8x128xf32>
      %add3A_508 = arith.addf %mul3A_502, %add3A_507 : vector<4x16x8x128xf32>
      %sub3A_509 = vector.broadcast %broadcast_in_dim3A_506 : vector<4x16x1x1xf32> to vector<4x16x8x128xf32>
      %sub3A_510 = arith.subf %add3A_508, %sub3A_509 : vector<4x16x8x128xf32>
      %abs3A_511 = math.absf %sub3A_510 : vector<4x16x8x128xf32>
      %add3A_512 = arith.addf %add3A_403, %abs3A_511 : vector<4x16x8x128xf32>
      %mul3A_513 = arith.mulf %mul3A_502, %select_n3A_115 : vector<4x16x8x128xf32>
      %add3A_514 = vector.broadcast %slice3A_503 : vector<4x16x8x1xf32> to vector<4x16x8x128xf32>
      %add3A_515 = arith.addf %mul3A_513, %add3A_514 : vector<4x16x8x128xf32>
      %sub3A_516 = vector.broadcast %broadcast_in_dim3A_506 : vector<4x16x1x1xf32> to vector<4x16x8x128xf32>
      %sub3A_517 = arith.subf %add3A_515, %sub3A_516 : vector<4x16x8x128xf32>
      %abs3A_518 = math.absf %sub3A_517 : vector<4x16x8x128xf32>
      %add3A_519 = arith.addf %add3A_410, %abs3A_518 : vector<4x16x8x128xf32>
      %slice3A_520 = vector.extract_strided_slice %transpose3A {offsets = [0, 0, 3], sizes = [4, 8, 1], strides = [1, 1, 1]} : vector<4x8x16xi32> to vector<4x8x1xi32>
      %squeeze3A_521 = vector.shape_cast %slice3A_520 : vector<4x8x1xi32> to vector<4x8xi32>
      %broadcast_in_dim3A_522 = vector.shape_cast %squeeze3A_521 : vector<4x8xi32> to vector<4x1x8xi32>
      %xor3A_523 = vector.broadcast %broadcast_in_dim3A_522 : vector<4x1x8xi32> to vector<4x16x8xi32>
      %xor3A_524 = arith.xori %abs3A, %xor3A_523 : vector<4x16x8xi32>
      %add3A_525 = arith.constant 1 : i32
      %add3A_526 = vector.broadcast %add3A_525 : i32 to vector<4x16x8xi32>
      %add3A_527 = arith.addi %xor3A_524, %add3A_526 : vector<4x16x8xi32>
      %convert_element_type3A_528 = arith.sitofp %add3A_527 : vector<4x16x8xi32> to vector<4x16x8xf32>
      %bitcast_convert_type3A_529 = tpu.bitcast %convert_element_type3A_528 : vector<4x16x8xf32> -> vector<4x16x8xi32>
      %shift_right_logical3A_530 = arith.constant 23 : i32
      %shift_right_logical3A_531 = vector.broadcast %shift_right_logical3A_530 : i32 to vector<4x16x8xi32>
      %shift_right_logical3A_532 = arith.shrui %bitcast_convert_type3A_529, %shift_right_logical3A_531 : vector<4x16x8xi32>
      %and3A_533 = arith.andi %add3A_527, %xor3A_524 : vector<4x16x8xi32>
      %eq3A_534 = arith.constant 0 : i32
      %eq3A_535 = vector.broadcast %eq3A_534 : i32 to vector<4x16x8xi32>
      %eq3A_536 = arith.cmpi eq, %and3A_533, %eq3A_535 : vector<4x16x8xi32>
      %and3A_537 = arith.constant 63688 : i32
      %and3A_538 = vector.broadcast %and3A_537 : i32 to vector<4x16x8xi32>
      %and3A_539 = arith.andi %add3A_527, %and3A_538 : vector<4x16x8xi32>
      %ne3A_540 = arith.constant 0 : i32
      %ne3A_541 = vector.broadcast %ne3A_540 : i32 to vector<4x16x8xi32>
      %ne3A_542 = arith.cmpi ne, %and3A_539, %ne3A_541 : vector<4x16x8xi32>
      %and3A_543 = arith.andi %eq3A_536, %ne3A_542 : vector<4x16x8xi1>
      %jit3A_544 = arith.constant 1 : i32
      %jit3A_545 = arith.constant 0 : i32
      %broadcast_in_dim3A_546 = vector.broadcast %jit3A_544 : i32 to vector<4x16x8xi32>
      %broadcast_in_dim3A_547 = vector.broadcast %jit3A_545 : i32 to vector<4x16x8xi32>
      %select_n3A_548 = arith.select %and3A_543, %broadcast_in_dim3A_546, %broadcast_in_dim3A_547 : vector<4x16x8xi1>, vector<4x16x8xi32>
      %sub3A_549 = arith.constant 142 : i32
      %sub3A_550 = vector.broadcast %sub3A_549 : i32 to vector<4x16x8xi32>
      %sub3A_551 = arith.subi %sub3A_550, %shift_right_logical3A_532 : vector<4x16x8xi32>
      %add3A_552 = arith.addi %sub3A_551, %select_n3A_548 : vector<4x16x8xi32>
      %convert_element_type3A_553 = arith.sitofp %add3A_552 : vector<4x16x8xi32> to vector<4x16x8xf32>
      %mul3A_554 = arith.constant 6.250000e-02 : f32
      %mul3A_555 = vector.broadcast %mul3A_554 : f32 to vector<4x16x8xf32>
      %mul3A_556 = arith.mulf %convert_element_type3A_553, %mul3A_555 : vector<4x16x8xf32>
      %slice3A_557 = vector.extract_strided_slice %mul3A_123 {offsets = [0, 0, 3], sizes = [4, 8, 1], strides = [1, 1, 1]} : vector<4x8x16xf32> to vector<4x8x1xf32>
      %squeeze3A_558 = vector.shape_cast %slice3A_557 : vector<4x8x1xf32> to vector<4x8xf32>
      %broadcast_in_dim3A_559 = vector.shape_cast %squeeze3A_558 : vector<4x8xf32> to vector<4x1x8xf32>
      %mul3A_560 = vector.broadcast %broadcast_in_dim3A_559 : vector<4x1x8xf32> to vector<4x16x8xf32>
      %mul3A_561 = arith.mulf %mul3A_556, %mul3A_560 : vector<4x16x8xf32>
      %slice3A_562 = vector.extract_strided_slice %transpose3A_130 {offsets = [0, 0, 0, 3], sizes = [4, 16, 8, 1], strides = [1, 1, 1, 1]} : vector<4x16x8x16xf32> to vector<4x16x8x1xf32>
      %squeeze3A_563 = vector.shape_cast %slice3A_562 : vector<4x16x8x1xf32> to vector<4x16x8xf32>
      %add3A_564 = arith.addf %mul3A_561, %squeeze3A_563 : vector<4x16x8xf32>
      %slice3A_565 = vector.extract_strided_slice %get3A_119 {offsets = [0, 0, 3], sizes = [4, 16, 1], strides = [1, 1, 1]} : vector<4x16x16xf32> to vector<4x16x1xf32>
      %squeeze3A_566 = vector.shape_cast %slice3A_565 : vector<4x16x1xf32> to vector<4x16xf32>
      %broadcast_in_dim3A_567 = vector.shape_cast %squeeze3A_566 : vector<4x16xf32> to vector<4x16x1xf32>
      %sub3A_568 = vector.broadcast %broadcast_in_dim3A_567 : vector<4x16x1xf32> to vector<4x16x8xf32>
      %sub3A_569 = arith.subf %add3A_564, %sub3A_568 : vector<4x16x8xf32>
      %abs3A_570 = math.absf %sub3A_569 : vector<4x16x8xf32>
      %add3A_571 = arith.addf %add3A_462, %abs3A_570 : vector<4x16x8xf32>
      %slice3A_572 = vector.extract_strided_slice %transpose3A {offsets = [0, 0, 4], sizes = [4, 8, 1], strides = [1, 1, 1]} : vector<4x8x16xi32> to vector<4x8x1xi32>
      %broadcast_in_dim3A_573 = vector.shape_cast %slice3A_572 : vector<4x8x1xi32> to vector<4x1x8x1xi32>
      %slice3A_574 = vector.extract_strided_slice %mul3A_123 {offsets = [0, 0, 4], sizes = [4, 8, 1], strides = [1, 1, 1]} : vector<4x8x16xf32> to vector<4x8x1xf32>
      %broadcast_in_dim3A_575 = vector.shape_cast %slice3A_574 : vector<4x8x1xf32> to vector<4x1x8x1xf32>
      %xor3A_576 = vector.broadcast %broadcast_in_dim3A_573 : vector<4x1x8x1xi32> to vector<4x16x8x128xi32>
      %xor3A_577 = arith.xori %xor3A_107, %xor3A_576 : vector<4x16x8x128xi32>
      %add3A_578 = arith.constant 1 : i32
      %add3A_579 = vector.broadcast %add3A_578 : i32 to vector<4x16x8x128xi32>
      %add3A_580 = arith.addi %xor3A_577, %add3A_579 : vector<4x16x8x128xi32>
      %convert_element_type3A_581 = arith.sitofp %add3A_580 : vector<4x16x8x128xi32> to vector<4x16x8x128xf32>
      %bitcast_convert_type3A_582 = tpu.bitcast %convert_element_type3A_581 : vector<4x16x8x128xf32> -> vector<4x16x8x128xi32>
      %shift_right_logical3A_583 = arith.constant 23 : i32
      %shift_right_logical3A_584 = vector.broadcast %shift_right_logical3A_583 : i32 to vector<4x16x8x128xi32>
      %shift_right_logical3A_585 = arith.shrui %bitcast_convert_type3A_582, %shift_right_logical3A_584 : vector<4x16x8x128xi32>
      %and3A_586 = arith.andi %add3A_580, %xor3A_577 : vector<4x16x8x128xi32>
      %eq3A_587 = arith.constant 0 : i32
      %eq3A_588 = vector.broadcast %eq3A_587 : i32 to vector<4x16x8x128xi32>
      %eq3A_589 = arith.cmpi eq, %and3A_586, %eq3A_588 : vector<4x16x8x128xi32>
      %and3A_590 = arith.constant 63688 : i32
      %and3A_591 = vector.broadcast %and3A_590 : i32 to vector<4x16x8x128xi32>
      %and3A_592 = arith.andi %add3A_580, %and3A_591 : vector<4x16x8x128xi32>
      %ne3A_593 = arith.constant 0 : i32
      %ne3A_594 = vector.broadcast %ne3A_593 : i32 to vector<4x16x8x128xi32>
      %ne3A_595 = arith.cmpi ne, %and3A_592, %ne3A_594 : vector<4x16x8x128xi32>
      %and3A_596 = arith.andi %eq3A_589, %ne3A_595 : vector<4x16x8x128xi1>
      %jit3A_597 = arith.constant 1 : i32
      %jit3A_598 = arith.constant 0 : i32
      %broadcast_in_dim3A_599 = vector.broadcast %jit3A_597 : i32 to vector<4x16x8x128xi32>
      %broadcast_in_dim3A_600 = vector.broadcast %jit3A_598 : i32 to vector<4x16x8x128xi32>
      %select_n3A_601 = arith.select %and3A_596, %broadcast_in_dim3A_599, %broadcast_in_dim3A_600 : vector<4x16x8x128xi1>, vector<4x16x8x128xi32>
      %sub3A_602 = arith.constant 142 : i32
      %sub3A_603 = vector.broadcast %sub3A_602 : i32 to vector<4x16x8x128xi32>
      %sub3A_604 = arith.subi %sub3A_603, %shift_right_logical3A_585 : vector<4x16x8x128xi32>
      %add3A_605 = arith.addi %sub3A_604, %select_n3A_601 : vector<4x16x8x128xi32>
      %convert_element_type3A_606 = arith.sitofp %add3A_605 : vector<4x16x8x128xi32> to vector<4x16x8x128xf32>
      %mul3A_607 = arith.constant 6.250000e-02 : f32
      %mul3A_608 = vector.broadcast %mul3A_607 : f32 to vector<4x16x8x128xf32>
      %mul3A_609 = arith.mulf %convert_element_type3A_606, %mul3A_608 : vector<4x16x8x128xf32>
      %mul3A_610 = vector.broadcast %broadcast_in_dim3A_575 : vector<4x1x8x1xf32> to vector<4x16x8x128xf32>
      %mul3A_611 = arith.mulf %mul3A_609, %mul3A_610 : vector<4x16x8x128xf32>
      %slice3A_612 = vector.extract_strided_slice %transpose3A_130 {offsets = [0, 0, 0, 4], sizes = [4, 16, 8, 1], strides = [1, 1, 1, 1]} : vector<4x16x8x16xf32> to vector<4x16x8x1xf32>
      %slice3A_613 = vector.extract_strided_slice %get3A_119 {offsets = [0, 0, 4], sizes = [4, 16, 1], strides = [1, 1, 1]} : vector<4x16x16xf32> to vector<4x16x1xf32>
      %squeeze3A_614 = vector.shape_cast %slice3A_613 : vector<4x16x1xf32> to vector<4x16xf32>
      %broadcast_in_dim3A_615 = vector.shape_cast %squeeze3A_614 : vector<4x16xf32> to vector<4x16x1x1xf32>
      %add3A_616 = vector.broadcast %slice3A_612 : vector<4x16x8x1xf32> to vector<4x16x8x128xf32>
      %add3A_617 = arith.addf %mul3A_611, %add3A_616 : vector<4x16x8x128xf32>
      %sub3A_618 = vector.broadcast %broadcast_in_dim3A_615 : vector<4x16x1x1xf32> to vector<4x16x8x128xf32>
      %sub3A_619 = arith.subf %add3A_617, %sub3A_618 : vector<4x16x8x128xf32>
      %abs3A_620 = math.absf %sub3A_619 : vector<4x16x8x128xf32>
      %add3A_621 = arith.addf %add3A_512, %abs3A_620 : vector<4x16x8x128xf32>
      %mul3A_622 = arith.mulf %mul3A_611, %select_n3A_115 : vector<4x16x8x128xf32>
      %add3A_623 = vector.broadcast %slice3A_612 : vector<4x16x8x1xf32> to vector<4x16x8x128xf32>
      %add3A_624 = arith.addf %mul3A_622, %add3A_623 : vector<4x16x8x128xf32>
      %sub3A_625 = vector.broadcast %broadcast_in_dim3A_615 : vector<4x16x1x1xf32> to vector<4x16x8x128xf32>
      %sub3A_626 = arith.subf %add3A_624, %sub3A_625 : vector<4x16x8x128xf32>
      %abs3A_627 = math.absf %sub3A_626 : vector<4x16x8x128xf32>
      %add3A_628 = arith.addf %add3A_519, %abs3A_627 : vector<4x16x8x128xf32>
      %slice3A_629 = vector.extract_strided_slice %transpose3A {offsets = [0, 0, 4], sizes = [4, 8, 1], strides = [1, 1, 1]} : vector<4x8x16xi32> to vector<4x8x1xi32>
      %squeeze3A_630 = vector.shape_cast %slice3A_629 : vector<4x8x1xi32> to vector<4x8xi32>
      %broadcast_in_dim3A_631 = vector.shape_cast %squeeze3A_630 : vector<4x8xi32> to vector<4x1x8xi32>
      %xor3A_632 = vector.broadcast %broadcast_in_dim3A_631 : vector<4x1x8xi32> to vector<4x16x8xi32>
      %xor3A_633 = arith.xori %abs3A, %xor3A_632 : vector<4x16x8xi32>
      %add3A_634 = arith.constant 1 : i32
      %add3A_635 = vector.broadcast %add3A_634 : i32 to vector<4x16x8xi32>
      %add3A_636 = arith.addi %xor3A_633, %add3A_635 : vector<4x16x8xi32>
      %convert_element_type3A_637 = arith.sitofp %add3A_636 : vector<4x16x8xi32> to vector<4x16x8xf32>
      %bitcast_convert_type3A_638 = tpu.bitcast %convert_element_type3A_637 : vector<4x16x8xf32> -> vector<4x16x8xi32>
      %shift_right_logical3A_639 = arith.constant 23 : i32
      %shift_right_logical3A_640 = vector.broadcast %shift_right_logical3A_639 : i32 to vector<4x16x8xi32>
      %shift_right_logical3A_641 = arith.shrui %bitcast_convert_type3A_638, %shift_right_logical3A_640 : vector<4x16x8xi32>
      %and3A_642 = arith.andi %add3A_636, %xor3A_633 : vector<4x16x8xi32>
      %eq3A_643 = arith.constant 0 : i32
      %eq3A_644 = vector.broadcast %eq3A_643 : i32 to vector<4x16x8xi32>
      %eq3A_645 = arith.cmpi eq, %and3A_642, %eq3A_644 : vector<4x16x8xi32>
      %and3A_646 = arith.constant 63688 : i32
      %and3A_647 = vector.broadcast %and3A_646 : i32 to vector<4x16x8xi32>
      %and3A_648 = arith.andi %add3A_636, %and3A_647 : vector<4x16x8xi32>
      %ne3A_649 = arith.constant 0 : i32
      %ne3A_650 = vector.broadcast %ne3A_649 : i32 to vector<4x16x8xi32>
      %ne3A_651 = arith.cmpi ne, %and3A_648, %ne3A_650 : vector<4x16x8xi32>
      %and3A_652 = arith.andi %eq3A_645, %ne3A_651 : vector<4x16x8xi1>
      %jit3A_653 = arith.constant 1 : i32
      %jit3A_654 = arith.constant 0 : i32
      %broadcast_in_dim3A_655 = vector.broadcast %jit3A_653 : i32 to vector<4x16x8xi32>
      %broadcast_in_dim3A_656 = vector.broadcast %jit3A_654 : i32 to vector<4x16x8xi32>
      %select_n3A_657 = arith.select %and3A_652, %broadcast_in_dim3A_655, %broadcast_in_dim3A_656 : vector<4x16x8xi1>, vector<4x16x8xi32>
      %sub3A_658 = arith.constant 142 : i32
      %sub3A_659 = vector.broadcast %sub3A_658 : i32 to vector<4x16x8xi32>
      %sub3A_660 = arith.subi %sub3A_659, %shift_right_logical3A_641 : vector<4x16x8xi32>
      %add3A_661 = arith.addi %sub3A_660, %select_n3A_657 : vector<4x16x8xi32>
      %convert_element_type3A_662 = arith.sitofp %add3A_661 : vector<4x16x8xi32> to vector<4x16x8xf32>
      %mul3A_663 = arith.constant 6.250000e-02 : f32
      %mul3A_664 = vector.broadcast %mul3A_663 : f32 to vector<4x16x8xf32>
      %mul3A_665 = arith.mulf %convert_element_type3A_662, %mul3A_664 : vector<4x16x8xf32>
      %slice3A_666 = vector.extract_strided_slice %mul3A_123 {offsets = [0, 0, 4], sizes = [4, 8, 1], strides = [1, 1, 1]} : vector<4x8x16xf32> to vector<4x8x1xf32>
      %squeeze3A_667 = vector.shape_cast %slice3A_666 : vector<4x8x1xf32> to vector<4x8xf32>
      %broadcast_in_dim3A_668 = vector.shape_cast %squeeze3A_667 : vector<4x8xf32> to vector<4x1x8xf32>
      %mul3A_669 = vector.broadcast %broadcast_in_dim3A_668 : vector<4x1x8xf32> to vector<4x16x8xf32>
      %mul3A_670 = arith.mulf %mul3A_665, %mul3A_669 : vector<4x16x8xf32>
      %slice3A_671 = vector.extract_strided_slice %transpose3A_130 {offsets = [0, 0, 0, 4], sizes = [4, 16, 8, 1], strides = [1, 1, 1, 1]} : vector<4x16x8x16xf32> to vector<4x16x8x1xf32>
      %squeeze3A_672 = vector.shape_cast %slice3A_671 : vector<4x16x8x1xf32> to vector<4x16x8xf32>
      %add3A_673 = arith.addf %mul3A_670, %squeeze3A_672 : vector<4x16x8xf32>
      %slice3A_674 = vector.extract_strided_slice %get3A_119 {offsets = [0, 0, 4], sizes = [4, 16, 1], strides = [1, 1, 1]} : vector<4x16x16xf32> to vector<4x16x1xf32>
      %squeeze3A_675 = vector.shape_cast %slice3A_674 : vector<4x16x1xf32> to vector<4x16xf32>
      %broadcast_in_dim3A_676 = vector.shape_cast %squeeze3A_675 : vector<4x16xf32> to vector<4x16x1xf32>
      %sub3A_677 = vector.broadcast %broadcast_in_dim3A_676 : vector<4x16x1xf32> to vector<4x16x8xf32>
      %sub3A_678 = arith.subf %add3A_673, %sub3A_677 : vector<4x16x8xf32>
      %abs3A_679 = math.absf %sub3A_678 : vector<4x16x8xf32>
      %add3A_680 = arith.addf %add3A_571, %abs3A_679 : vector<4x16x8xf32>
      %slice3A_681 = vector.extract_strided_slice %transpose3A {offsets = [0, 0, 5], sizes = [4, 8, 1], strides = [1, 1, 1]} : vector<4x8x16xi32> to vector<4x8x1xi32>
      %broadcast_in_dim3A_682 = vector.shape_cast %slice3A_681 : vector<4x8x1xi32> to vector<4x1x8x1xi32>
      %slice3A_683 = vector.extract_strided_slice %mul3A_123 {offsets = [0, 0, 5], sizes = [4, 8, 1], strides = [1, 1, 1]} : vector<4x8x16xf32> to vector<4x8x1xf32>
      %broadcast_in_dim3A_684 = vector.shape_cast %slice3A_683 : vector<4x8x1xf32> to vector<4x1x8x1xf32>
      %xor3A_685 = vector.broadcast %broadcast_in_dim3A_682 : vector<4x1x8x1xi32> to vector<4x16x8x128xi32>
      %xor3A_686 = arith.xori %xor3A_107, %xor3A_685 : vector<4x16x8x128xi32>
      %add3A_687 = arith.constant 1 : i32
      %add3A_688 = vector.broadcast %add3A_687 : i32 to vector<4x16x8x128xi32>
      %add3A_689 = arith.addi %xor3A_686, %add3A_688 : vector<4x16x8x128xi32>
      %convert_element_type3A_690 = arith.sitofp %add3A_689 : vector<4x16x8x128xi32> to vector<4x16x8x128xf32>
      %bitcast_convert_type3A_691 = tpu.bitcast %convert_element_type3A_690 : vector<4x16x8x128xf32> -> vector<4x16x8x128xi32>
      %shift_right_logical3A_692 = arith.constant 23 : i32
      %shift_right_logical3A_693 = vector.broadcast %shift_right_logical3A_692 : i32 to vector<4x16x8x128xi32>
      %shift_right_logical3A_694 = arith.shrui %bitcast_convert_type3A_691, %shift_right_logical3A_693 : vector<4x16x8x128xi32>
      %and3A_695 = arith.andi %add3A_689, %xor3A_686 : vector<4x16x8x128xi32>
      %eq3A_696 = arith.constant 0 : i32
      %eq3A_697 = vector.broadcast %eq3A_696 : i32 to vector<4x16x8x128xi32>
      %eq3A_698 = arith.cmpi eq, %and3A_695, %eq3A_697 : vector<4x16x8x128xi32>
      %and3A_699 = arith.constant 63688 : i32
      %and3A_700 = vector.broadcast %and3A_699 : i32 to vector<4x16x8x128xi32>
      %and3A_701 = arith.andi %add3A_689, %and3A_700 : vector<4x16x8x128xi32>
      %ne3A_702 = arith.constant 0 : i32
      %ne3A_703 = vector.broadcast %ne3A_702 : i32 to vector<4x16x8x128xi32>
      %ne3A_704 = arith.cmpi ne, %and3A_701, %ne3A_703 : vector<4x16x8x128xi32>
      %and3A_705 = arith.andi %eq3A_698, %ne3A_704 : vector<4x16x8x128xi1>
      %jit3A_706 = arith.constant 1 : i32
      %jit3A_707 = arith.constant 0 : i32
      %broadcast_in_dim3A_708 = vector.broadcast %jit3A_706 : i32 to vector<4x16x8x128xi32>
      %broadcast_in_dim3A_709 = vector.broadcast %jit3A_707 : i32 to vector<4x16x8x128xi32>
      %select_n3A_710 = arith.select %and3A_705, %broadcast_in_dim3A_708, %broadcast_in_dim3A_709 : vector<4x16x8x128xi1>, vector<4x16x8x128xi32>
      %sub3A_711 = arith.constant 142 : i32
      %sub3A_712 = vector.broadcast %sub3A_711 : i32 to vector<4x16x8x128xi32>
      %sub3A_713 = arith.subi %sub3A_712, %shift_right_logical3A_694 : vector<4x16x8x128xi32>
      %add3A_714 = arith.addi %sub3A_713, %select_n3A_710 : vector<4x16x8x128xi32>
      %convert_element_type3A_715 = arith.sitofp %add3A_714 : vector<4x16x8x128xi32> to vector<4x16x8x128xf32>
      %mul3A_716 = arith.constant 6.250000e-02 : f32
      %mul3A_717 = vector.broadcast %mul3A_716 : f32 to vector<4x16x8x128xf32>
      %mul3A_718 = arith.mulf %convert_element_type3A_715, %mul3A_717 : vector<4x16x8x128xf32>
      %mul3A_719 = vector.broadcast %broadcast_in_dim3A_684 : vector<4x1x8x1xf32> to vector<4x16x8x128xf32>
      %mul3A_720 = arith.mulf %mul3A_718, %mul3A_719 : vector<4x16x8x128xf32>
      %slice3A_721 = vector.extract_strided_slice %transpose3A_130 {offsets = [0, 0, 0, 5], sizes = [4, 16, 8, 1], strides = [1, 1, 1, 1]} : vector<4x16x8x16xf32> to vector<4x16x8x1xf32>
      %slice3A_722 = vector.extract_strided_slice %get3A_119 {offsets = [0, 0, 5], sizes = [4, 16, 1], strides = [1, 1, 1]} : vector<4x16x16xf32> to vector<4x16x1xf32>
      %squeeze3A_723 = vector.shape_cast %slice3A_722 : vector<4x16x1xf32> to vector<4x16xf32>
      %broadcast_in_dim3A_724 = vector.shape_cast %squeeze3A_723 : vector<4x16xf32> to vector<4x16x1x1xf32>
      %add3A_725 = vector.broadcast %slice3A_721 : vector<4x16x8x1xf32> to vector<4x16x8x128xf32>
      %add3A_726 = arith.addf %mul3A_720, %add3A_725 : vector<4x16x8x128xf32>
      %sub3A_727 = vector.broadcast %broadcast_in_dim3A_724 : vector<4x16x1x1xf32> to vector<4x16x8x128xf32>
      %sub3A_728 = arith.subf %add3A_726, %sub3A_727 : vector<4x16x8x128xf32>
      %abs3A_729 = math.absf %sub3A_728 : vector<4x16x8x128xf32>
      %add3A_730 = arith.addf %add3A_621, %abs3A_729 : vector<4x16x8x128xf32>
      %mul3A_731 = arith.mulf %mul3A_720, %select_n3A_115 : vector<4x16x8x128xf32>
      %add3A_732 = vector.broadcast %slice3A_721 : vector<4x16x8x1xf32> to vector<4x16x8x128xf32>
      %add3A_733 = arith.addf %mul3A_731, %add3A_732 : vector<4x16x8x128xf32>
      %sub3A_734 = vector.broadcast %broadcast_in_dim3A_724 : vector<4x16x1x1xf32> to vector<4x16x8x128xf32>
      %sub3A_735 = arith.subf %add3A_733, %sub3A_734 : vector<4x16x8x128xf32>
      %abs3A_736 = math.absf %sub3A_735 : vector<4x16x8x128xf32>
      %add3A_737 = arith.addf %add3A_628, %abs3A_736 : vector<4x16x8x128xf32>
      %slice3A_738 = vector.extract_strided_slice %transpose3A {offsets = [0, 0, 5], sizes = [4, 8, 1], strides = [1, 1, 1]} : vector<4x8x16xi32> to vector<4x8x1xi32>
      %squeeze3A_739 = vector.shape_cast %slice3A_738 : vector<4x8x1xi32> to vector<4x8xi32>
      %broadcast_in_dim3A_740 = vector.shape_cast %squeeze3A_739 : vector<4x8xi32> to vector<4x1x8xi32>
      %xor3A_741 = vector.broadcast %broadcast_in_dim3A_740 : vector<4x1x8xi32> to vector<4x16x8xi32>
      %xor3A_742 = arith.xori %abs3A, %xor3A_741 : vector<4x16x8xi32>
      %add3A_743 = arith.constant 1 : i32
      %add3A_744 = vector.broadcast %add3A_743 : i32 to vector<4x16x8xi32>
      %add3A_745 = arith.addi %xor3A_742, %add3A_744 : vector<4x16x8xi32>
      %convert_element_type3A_746 = arith.sitofp %add3A_745 : vector<4x16x8xi32> to vector<4x16x8xf32>
      %bitcast_convert_type3A_747 = tpu.bitcast %convert_element_type3A_746 : vector<4x16x8xf32> -> vector<4x16x8xi32>
      %shift_right_logical3A_748 = arith.constant 23 : i32
      %shift_right_logical3A_749 = vector.broadcast %shift_right_logical3A_748 : i32 to vector<4x16x8xi32>
      %shift_right_logical3A_750 = arith.shrui %bitcast_convert_type3A_747, %shift_right_logical3A_749 : vector<4x16x8xi32>
      %and3A_751 = arith.andi %add3A_745, %xor3A_742 : vector<4x16x8xi32>
      %eq3A_752 = arith.constant 0 : i32
      %eq3A_753 = vector.broadcast %eq3A_752 : i32 to vector<4x16x8xi32>
      %eq3A_754 = arith.cmpi eq, %and3A_751, %eq3A_753 : vector<4x16x8xi32>
      %and3A_755 = arith.constant 63688 : i32
      %and3A_756 = vector.broadcast %and3A_755 : i32 to vector<4x16x8xi32>
      %and3A_757 = arith.andi %add3A_745, %and3A_756 : vector<4x16x8xi32>
      %ne3A_758 = arith.constant 0 : i32
      %ne3A_759 = vector.broadcast %ne3A_758 : i32 to vector<4x16x8xi32>
      %ne3A_760 = arith.cmpi ne, %and3A_757, %ne3A_759 : vector<4x16x8xi32>
      %and3A_761 = arith.andi %eq3A_754, %ne3A_760 : vector<4x16x8xi1>
      %jit3A_762 = arith.constant 1 : i32
      %jit3A_763 = arith.constant 0 : i32
      %broadcast_in_dim3A_764 = vector.broadcast %jit3A_762 : i32 to vector<4x16x8xi32>
      %broadcast_in_dim3A_765 = vector.broadcast %jit3A_763 : i32 to vector<4x16x8xi32>
      %select_n3A_766 = arith.select %and3A_761, %broadcast_in_dim3A_764, %broadcast_in_dim3A_765 : vector<4x16x8xi1>, vector<4x16x8xi32>
      %sub3A_767 = arith.constant 142 : i32
      %sub3A_768 = vector.broadcast %sub3A_767 : i32 to vector<4x16x8xi32>
      %sub3A_769 = arith.subi %sub3A_768, %shift_right_logical3A_750 : vector<4x16x8xi32>
      %add3A_770 = arith.addi %sub3A_769, %select_n3A_766 : vector<4x16x8xi32>
      %convert_element_type3A_771 = arith.sitofp %add3A_770 : vector<4x16x8xi32> to vector<4x16x8xf32>
      %mul3A_772 = arith.constant 6.250000e-02 : f32
      %mul3A_773 = vector.broadcast %mul3A_772 : f32 to vector<4x16x8xf32>
      %mul3A_774 = arith.mulf %convert_element_type3A_771, %mul3A_773 : vector<4x16x8xf32>
      %slice3A_775 = vector.extract_strided_slice %mul3A_123 {offsets = [0, 0, 5], sizes = [4, 8, 1], strides = [1, 1, 1]} : vector<4x8x16xf32> to vector<4x8x1xf32>
      %squeeze3A_776 = vector.shape_cast %slice3A_775 : vector<4x8x1xf32> to vector<4x8xf32>
      %broadcast_in_dim3A_777 = vector.shape_cast %squeeze3A_776 : vector<4x8xf32> to vector<4x1x8xf32>
      %mul3A_778 = vector.broadcast %broadcast_in_dim3A_777 : vector<4x1x8xf32> to vector<4x16x8xf32>
      %mul3A_779 = arith.mulf %mul3A_774, %mul3A_778 : vector<4x16x8xf32>
      %slice3A_780 = vector.extract_strided_slice %transpose3A_130 {offsets = [0, 0, 0, 5], sizes = [4, 16, 8, 1], strides = [1, 1, 1, 1]} : vector<4x16x8x16xf32> to vector<4x16x8x1xf32>
      %squeeze3A_781 = vector.shape_cast %slice3A_780 : vector<4x16x8x1xf32> to vector<4x16x8xf32>
      %add3A_782 = arith.addf %mul3A_779, %squeeze3A_781 : vector<4x16x8xf32>
      %slice3A_783 = vector.extract_strided_slice %get3A_119 {offsets = [0, 0, 5], sizes = [4, 16, 1], strides = [1, 1, 1]} : vector<4x16x16xf32> to vector<4x16x1xf32>
      %squeeze3A_784 = vector.shape_cast %slice3A_783 : vector<4x16x1xf32> to vector<4x16xf32>
      %broadcast_in_dim3A_785 = vector.shape_cast %squeeze3A_784 : vector<4x16xf32> to vector<4x16x1xf32>
      %sub3A_786 = vector.broadcast %broadcast_in_dim3A_785 : vector<4x16x1xf32> to vector<4x16x8xf32>
      %sub3A_787 = arith.subf %add3A_782, %sub3A_786 : vector<4x16x8xf32>
      %abs3A_788 = math.absf %sub3A_787 : vector<4x16x8xf32>
      %add3A_789 = arith.addf %add3A_680, %abs3A_788 : vector<4x16x8xf32>
      %slice3A_790 = vector.extract_strided_slice %transpose3A {offsets = [0, 0, 6], sizes = [4, 8, 1], strides = [1, 1, 1]} : vector<4x8x16xi32> to vector<4x8x1xi32>
      %broadcast_in_dim3A_791 = vector.shape_cast %slice3A_790 : vector<4x8x1xi32> to vector<4x1x8x1xi32>
      %slice3A_792 = vector.extract_strided_slice %mul3A_123 {offsets = [0, 0, 6], sizes = [4, 8, 1], strides = [1, 1, 1]} : vector<4x8x16xf32> to vector<4x8x1xf32>
      %broadcast_in_dim3A_793 = vector.shape_cast %slice3A_792 : vector<4x8x1xf32> to vector<4x1x8x1xf32>
      %xor3A_794 = vector.broadcast %broadcast_in_dim3A_791 : vector<4x1x8x1xi32> to vector<4x16x8x128xi32>
      %xor3A_795 = arith.xori %xor3A_107, %xor3A_794 : vector<4x16x8x128xi32>
      %add3A_796 = arith.constant 1 : i32
      %add3A_797 = vector.broadcast %add3A_796 : i32 to vector<4x16x8x128xi32>
      %add3A_798 = arith.addi %xor3A_795, %add3A_797 : vector<4x16x8x128xi32>
      %convert_element_type3A_799 = arith.sitofp %add3A_798 : vector<4x16x8x128xi32> to vector<4x16x8x128xf32>
      %bitcast_convert_type3A_800 = tpu.bitcast %convert_element_type3A_799 : vector<4x16x8x128xf32> -> vector<4x16x8x128xi32>
      %shift_right_logical3A_801 = arith.constant 23 : i32
      %shift_right_logical3A_802 = vector.broadcast %shift_right_logical3A_801 : i32 to vector<4x16x8x128xi32>
      %shift_right_logical3A_803 = arith.shrui %bitcast_convert_type3A_800, %shift_right_logical3A_802 : vector<4x16x8x128xi32>
      %and3A_804 = arith.andi %add3A_798, %xor3A_795 : vector<4x16x8x128xi32>
      %eq3A_805 = arith.constant 0 : i32
      %eq3A_806 = vector.broadcast %eq3A_805 : i32 to vector<4x16x8x128xi32>
      %eq3A_807 = arith.cmpi eq, %and3A_804, %eq3A_806 : vector<4x16x8x128xi32>
      %and3A_808 = arith.constant 63688 : i32
      %and3A_809 = vector.broadcast %and3A_808 : i32 to vector<4x16x8x128xi32>
      %and3A_810 = arith.andi %add3A_798, %and3A_809 : vector<4x16x8x128xi32>
      %ne3A_811 = arith.constant 0 : i32
      %ne3A_812 = vector.broadcast %ne3A_811 : i32 to vector<4x16x8x128xi32>
      %ne3A_813 = arith.cmpi ne, %and3A_810, %ne3A_812 : vector<4x16x8x128xi32>
      %and3A_814 = arith.andi %eq3A_807, %ne3A_813 : vector<4x16x8x128xi1>
      %jit3A_815 = arith.constant 1 : i32
      %jit3A_816 = arith.constant 0 : i32
      %broadcast_in_dim3A_817 = vector.broadcast %jit3A_815 : i32 to vector<4x16x8x128xi32>
      %broadcast_in_dim3A_818 = vector.broadcast %jit3A_816 : i32 to vector<4x16x8x128xi32>
      %select_n3A_819 = arith.select %and3A_814, %broadcast_in_dim3A_817, %broadcast_in_dim3A_818 : vector<4x16x8x128xi1>, vector<4x16x8x128xi32>
      %sub3A_820 = arith.constant 142 : i32
      %sub3A_821 = vector.broadcast %sub3A_820 : i32 to vector<4x16x8x128xi32>
      %sub3A_822 = arith.subi %sub3A_821, %shift_right_logical3A_803 : vector<4x16x8x128xi32>
      %add3A_823 = arith.addi %sub3A_822, %select_n3A_819 : vector<4x16x8x128xi32>
      %convert_element_type3A_824 = arith.sitofp %add3A_823 : vector<4x16x8x128xi32> to vector<4x16x8x128xf32>
      %mul3A_825 = arith.constant 6.250000e-02 : f32
      %mul3A_826 = vector.broadcast %mul3A_825 : f32 to vector<4x16x8x128xf32>
      %mul3A_827 = arith.mulf %convert_element_type3A_824, %mul3A_826 : vector<4x16x8x128xf32>
      %mul3A_828 = vector.broadcast %broadcast_in_dim3A_793 : vector<4x1x8x1xf32> to vector<4x16x8x128xf32>
      %mul3A_829 = arith.mulf %mul3A_827, %mul3A_828 : vector<4x16x8x128xf32>
      %slice3A_830 = vector.extract_strided_slice %transpose3A_130 {offsets = [0, 0, 0, 6], sizes = [4, 16, 8, 1], strides = [1, 1, 1, 1]} : vector<4x16x8x16xf32> to vector<4x16x8x1xf32>
      %slice3A_831 = vector.extract_strided_slice %get3A_119 {offsets = [0, 0, 6], sizes = [4, 16, 1], strides = [1, 1, 1]} : vector<4x16x16xf32> to vector<4x16x1xf32>
      %squeeze3A_832 = vector.shape_cast %slice3A_831 : vector<4x16x1xf32> to vector<4x16xf32>
      %broadcast_in_dim3A_833 = vector.shape_cast %squeeze3A_832 : vector<4x16xf32> to vector<4x16x1x1xf32>
      %add3A_834 = vector.broadcast %slice3A_830 : vector<4x16x8x1xf32> to vector<4x16x8x128xf32>
      %add3A_835 = arith.addf %mul3A_829, %add3A_834 : vector<4x16x8x128xf32>
      %sub3A_836 = vector.broadcast %broadcast_in_dim3A_833 : vector<4x16x1x1xf32> to vector<4x16x8x128xf32>
      %sub3A_837 = arith.subf %add3A_835, %sub3A_836 : vector<4x16x8x128xf32>
      %abs3A_838 = math.absf %sub3A_837 : vector<4x16x8x128xf32>
      %add3A_839 = arith.addf %add3A_730, %abs3A_838 : vector<4x16x8x128xf32>
      %mul3A_840 = arith.mulf %mul3A_829, %select_n3A_115 : vector<4x16x8x128xf32>
      %add3A_841 = vector.broadcast %slice3A_830 : vector<4x16x8x1xf32> to vector<4x16x8x128xf32>
      %add3A_842 = arith.addf %mul3A_840, %add3A_841 : vector<4x16x8x128xf32>
      %sub3A_843 = vector.broadcast %broadcast_in_dim3A_833 : vector<4x16x1x1xf32> to vector<4x16x8x128xf32>
      %sub3A_844 = arith.subf %add3A_842, %sub3A_843 : vector<4x16x8x128xf32>
      %abs3A_845 = math.absf %sub3A_844 : vector<4x16x8x128xf32>
      %add3A_846 = arith.addf %add3A_737, %abs3A_845 : vector<4x16x8x128xf32>
      %slice3A_847 = vector.extract_strided_slice %transpose3A {offsets = [0, 0, 6], sizes = [4, 8, 1], strides = [1, 1, 1]} : vector<4x8x16xi32> to vector<4x8x1xi32>
      %squeeze3A_848 = vector.shape_cast %slice3A_847 : vector<4x8x1xi32> to vector<4x8xi32>
      %broadcast_in_dim3A_849 = vector.shape_cast %squeeze3A_848 : vector<4x8xi32> to vector<4x1x8xi32>
      %xor3A_850 = vector.broadcast %broadcast_in_dim3A_849 : vector<4x1x8xi32> to vector<4x16x8xi32>
      %xor3A_851 = arith.xori %abs3A, %xor3A_850 : vector<4x16x8xi32>
      %add3A_852 = arith.constant 1 : i32
      %add3A_853 = vector.broadcast %add3A_852 : i32 to vector<4x16x8xi32>
      %add3A_854 = arith.addi %xor3A_851, %add3A_853 : vector<4x16x8xi32>
      %convert_element_type3A_855 = arith.sitofp %add3A_854 : vector<4x16x8xi32> to vector<4x16x8xf32>
      %bitcast_convert_type3A_856 = tpu.bitcast %convert_element_type3A_855 : vector<4x16x8xf32> -> vector<4x16x8xi32>
      %shift_right_logical3A_857 = arith.constant 23 : i32
      %shift_right_logical3A_858 = vector.broadcast %shift_right_logical3A_857 : i32 to vector<4x16x8xi32>
      %shift_right_logical3A_859 = arith.shrui %bitcast_convert_type3A_856, %shift_right_logical3A_858 : vector<4x16x8xi32>
      %and3A_860 = arith.andi %add3A_854, %xor3A_851 : vector<4x16x8xi32>
      %eq3A_861 = arith.constant 0 : i32
      %eq3A_862 = vector.broadcast %eq3A_861 : i32 to vector<4x16x8xi32>
      %eq3A_863 = arith.cmpi eq, %and3A_860, %eq3A_862 : vector<4x16x8xi32>
      %and3A_864 = arith.constant 63688 : i32
      %and3A_865 = vector.broadcast %and3A_864 : i32 to vector<4x16x8xi32>
      %and3A_866 = arith.andi %add3A_854, %and3A_865 : vector<4x16x8xi32>
      %ne3A_867 = arith.constant 0 : i32
      %ne3A_868 = vector.broadcast %ne3A_867 : i32 to vector<4x16x8xi32>
      %ne3A_869 = arith.cmpi ne, %and3A_866, %ne3A_868 : vector<4x16x8xi32>
      %and3A_870 = arith.andi %eq3A_863, %ne3A_869 : vector<4x16x8xi1>
      %jit3A_871 = arith.constant 1 : i32
      %jit3A_872 = arith.constant 0 : i32
      %broadcast_in_dim3A_873 = vector.broadcast %jit3A_871 : i32 to vector<4x16x8xi32>
      %broadcast_in_dim3A_874 = vector.broadcast %jit3A_872 : i32 to vector<4x16x8xi32>
      %select_n3A_875 = arith.select %and3A_870, %broadcast_in_dim3A_873, %broadcast_in_dim3A_874 : vector<4x16x8xi1>, vector<4x16x8xi32>
      %sub3A_876 = arith.constant 142 : i32
      %sub3A_877 = vector.broadcast %sub3A_876 : i32 to vector<4x16x8xi32>
      %sub3A_878 = arith.subi %sub3A_877, %shift_right_logical3A_859 : vector<4x16x8xi32>
      %add3A_879 = arith.addi %sub3A_878, %select_n3A_875 : vector<4x16x8xi32>
      %convert_element_type3A_880 = arith.sitofp %add3A_879 : vector<4x16x8xi32> to vector<4x16x8xf32>
      %mul3A_881 = arith.constant 6.250000e-02 : f32
      %mul3A_882 = vector.broadcast %mul3A_881 : f32 to vector<4x16x8xf32>
      %mul3A_883 = arith.mulf %convert_element_type3A_880, %mul3A_882 : vector<4x16x8xf32>
      %slice3A_884 = vector.extract_strided_slice %mul3A_123 {offsets = [0, 0, 6], sizes = [4, 8, 1], strides = [1, 1, 1]} : vector<4x8x16xf32> to vector<4x8x1xf32>
      %squeeze3A_885 = vector.shape_cast %slice3A_884 : vector<4x8x1xf32> to vector<4x8xf32>
      %broadcast_in_dim3A_886 = vector.shape_cast %squeeze3A_885 : vector<4x8xf32> to vector<4x1x8xf32>
      %mul3A_887 = vector.broadcast %broadcast_in_dim3A_886 : vector<4x1x8xf32> to vector<4x16x8xf32>
      %mul3A_888 = arith.mulf %mul3A_883, %mul3A_887 : vector<4x16x8xf32>
      %slice3A_889 = vector.extract_strided_slice %transpose3A_130 {offsets = [0, 0, 0, 6], sizes = [4, 16, 8, 1], strides = [1, 1, 1, 1]} : vector<4x16x8x16xf32> to vector<4x16x8x1xf32>
      %squeeze3A_890 = vector.shape_cast %slice3A_889 : vector<4x16x8x1xf32> to vector<4x16x8xf32>
      %add3A_891 = arith.addf %mul3A_888, %squeeze3A_890 : vector<4x16x8xf32>
      %slice3A_892 = vector.extract_strided_slice %get3A_119 {offsets = [0, 0, 6], sizes = [4, 16, 1], strides = [1, 1, 1]} : vector<4x16x16xf32> to vector<4x16x1xf32>
      %squeeze3A_893 = vector.shape_cast %slice3A_892 : vector<4x16x1xf32> to vector<4x16xf32>
      %broadcast_in_dim3A_894 = vector.shape_cast %squeeze3A_893 : vector<4x16xf32> to vector<4x16x1xf32>
      %sub3A_895 = vector.broadcast %broadcast_in_dim3A_894 : vector<4x16x1xf32> to vector<4x16x8xf32>
      %sub3A_896 = arith.subf %add3A_891, %sub3A_895 : vector<4x16x8xf32>
      %abs3A_897 = math.absf %sub3A_896 : vector<4x16x8xf32>
      %add3A_898 = arith.addf %add3A_789, %abs3A_897 : vector<4x16x8xf32>
      %slice3A_899 = vector.extract_strided_slice %transpose3A {offsets = [0, 0, 7], sizes = [4, 8, 1], strides = [1, 1, 1]} : vector<4x8x16xi32> to vector<4x8x1xi32>
      %broadcast_in_dim3A_900 = vector.shape_cast %slice3A_899 : vector<4x8x1xi32> to vector<4x1x8x1xi32>
      %slice3A_901 = vector.extract_strided_slice %mul3A_123 {offsets = [0, 0, 7], sizes = [4, 8, 1], strides = [1, 1, 1]} : vector<4x8x16xf32> to vector<4x8x1xf32>
      %broadcast_in_dim3A_902 = vector.shape_cast %slice3A_901 : vector<4x8x1xf32> to vector<4x1x8x1xf32>
      %xor3A_903 = vector.broadcast %broadcast_in_dim3A_900 : vector<4x1x8x1xi32> to vector<4x16x8x128xi32>
      %xor3A_904 = arith.xori %xor3A_107, %xor3A_903 : vector<4x16x8x128xi32>
      %add3A_905 = arith.constant 1 : i32
      %add3A_906 = vector.broadcast %add3A_905 : i32 to vector<4x16x8x128xi32>
      %add3A_907 = arith.addi %xor3A_904, %add3A_906 : vector<4x16x8x128xi32>
      %convert_element_type3A_908 = arith.sitofp %add3A_907 : vector<4x16x8x128xi32> to vector<4x16x8x128xf32>
      %bitcast_convert_type3A_909 = tpu.bitcast %convert_element_type3A_908 : vector<4x16x8x128xf32> -> vector<4x16x8x128xi32>
      %shift_right_logical3A_910 = arith.constant 23 : i32
      %shift_right_logical3A_911 = vector.broadcast %shift_right_logical3A_910 : i32 to vector<4x16x8x128xi32>
      %shift_right_logical3A_912 = arith.shrui %bitcast_convert_type3A_909, %shift_right_logical3A_911 : vector<4x16x8x128xi32>
      %and3A_913 = arith.andi %add3A_907, %xor3A_904 : vector<4x16x8x128xi32>
      %eq3A_914 = arith.constant 0 : i32
      %eq3A_915 = vector.broadcast %eq3A_914 : i32 to vector<4x16x8x128xi32>
      %eq3A_916 = arith.cmpi eq, %and3A_913, %eq3A_915 : vector<4x16x8x128xi32>
      %and3A_917 = arith.constant 63688 : i32
      %and3A_918 = vector.broadcast %and3A_917 : i32 to vector<4x16x8x128xi32>
      %and3A_919 = arith.andi %add3A_907, %and3A_918 : vector<4x16x8x128xi32>
      %ne3A_920 = arith.constant 0 : i32
      %ne3A_921 = vector.broadcast %ne3A_920 : i32 to vector<4x16x8x128xi32>
      %ne3A_922 = arith.cmpi ne, %and3A_919, %ne3A_921 : vector<4x16x8x128xi32>
      %and3A_923 = arith.andi %eq3A_916, %ne3A_922 : vector<4x16x8x128xi1>
      %jit3A_924 = arith.constant 1 : i32
      %jit3A_925 = arith.constant 0 : i32
      %broadcast_in_dim3A_926 = vector.broadcast %jit3A_924 : i32 to vector<4x16x8x128xi32>
      %broadcast_in_dim3A_927 = vector.broadcast %jit3A_925 : i32 to vector<4x16x8x128xi32>
      %select_n3A_928 = arith.select %and3A_923, %broadcast_in_dim3A_926, %broadcast_in_dim3A_927 : vector<4x16x8x128xi1>, vector<4x16x8x128xi32>
      %sub3A_929 = arith.constant 142 : i32
      %sub3A_930 = vector.broadcast %sub3A_929 : i32 to vector<4x16x8x128xi32>
      %sub3A_931 = arith.subi %sub3A_930, %shift_right_logical3A_912 : vector<4x16x8x128xi32>
      %add3A_932 = arith.addi %sub3A_931, %select_n3A_928 : vector<4x16x8x128xi32>
      %convert_element_type3A_933 = arith.sitofp %add3A_932 : vector<4x16x8x128xi32> to vector<4x16x8x128xf32>
      %mul3A_934 = arith.constant 6.250000e-02 : f32
      %mul3A_935 = vector.broadcast %mul3A_934 : f32 to vector<4x16x8x128xf32>
      %mul3A_936 = arith.mulf %convert_element_type3A_933, %mul3A_935 : vector<4x16x8x128xf32>
      %mul3A_937 = vector.broadcast %broadcast_in_dim3A_902 : vector<4x1x8x1xf32> to vector<4x16x8x128xf32>
      %mul3A_938 = arith.mulf %mul3A_936, %mul3A_937 : vector<4x16x8x128xf32>
      %slice3A_939 = vector.extract_strided_slice %transpose3A_130 {offsets = [0, 0, 0, 7], sizes = [4, 16, 8, 1], strides = [1, 1, 1, 1]} : vector<4x16x8x16xf32> to vector<4x16x8x1xf32>
      %slice3A_940 = vector.extract_strided_slice %get3A_119 {offsets = [0, 0, 7], sizes = [4, 16, 1], strides = [1, 1, 1]} : vector<4x16x16xf32> to vector<4x16x1xf32>
      %squeeze3A_941 = vector.shape_cast %slice3A_940 : vector<4x16x1xf32> to vector<4x16xf32>
      %broadcast_in_dim3A_942 = vector.shape_cast %squeeze3A_941 : vector<4x16xf32> to vector<4x16x1x1xf32>
      %add3A_943 = vector.broadcast %slice3A_939 : vector<4x16x8x1xf32> to vector<4x16x8x128xf32>
      %add3A_944 = arith.addf %mul3A_938, %add3A_943 : vector<4x16x8x128xf32>
      %sub3A_945 = vector.broadcast %broadcast_in_dim3A_942 : vector<4x16x1x1xf32> to vector<4x16x8x128xf32>
      %sub3A_946 = arith.subf %add3A_944, %sub3A_945 : vector<4x16x8x128xf32>
      %abs3A_947 = math.absf %sub3A_946 : vector<4x16x8x128xf32>
      %add3A_948 = arith.addf %add3A_839, %abs3A_947 : vector<4x16x8x128xf32>
      %mul3A_949 = arith.mulf %mul3A_938, %select_n3A_115 : vector<4x16x8x128xf32>
      %add3A_950 = vector.broadcast %slice3A_939 : vector<4x16x8x1xf32> to vector<4x16x8x128xf32>
      %add3A_951 = arith.addf %mul3A_949, %add3A_950 : vector<4x16x8x128xf32>
      %sub3A_952 = vector.broadcast %broadcast_in_dim3A_942 : vector<4x16x1x1xf32> to vector<4x16x8x128xf32>
      %sub3A_953 = arith.subf %add3A_951, %sub3A_952 : vector<4x16x8x128xf32>
      %abs3A_954 = math.absf %sub3A_953 : vector<4x16x8x128xf32>
      %add3A_955 = arith.addf %add3A_846, %abs3A_954 : vector<4x16x8x128xf32>
      %slice3A_956 = vector.extract_strided_slice %transpose3A {offsets = [0, 0, 7], sizes = [4, 8, 1], strides = [1, 1, 1]} : vector<4x8x16xi32> to vector<4x8x1xi32>
      %squeeze3A_957 = vector.shape_cast %slice3A_956 : vector<4x8x1xi32> to vector<4x8xi32>
      %broadcast_in_dim3A_958 = vector.shape_cast %squeeze3A_957 : vector<4x8xi32> to vector<4x1x8xi32>
      %xor3A_959 = vector.broadcast %broadcast_in_dim3A_958 : vector<4x1x8xi32> to vector<4x16x8xi32>
      %xor3A_960 = arith.xori %abs3A, %xor3A_959 : vector<4x16x8xi32>
      %add3A_961 = arith.constant 1 : i32
      %add3A_962 = vector.broadcast %add3A_961 : i32 to vector<4x16x8xi32>
      %add3A_963 = arith.addi %xor3A_960, %add3A_962 : vector<4x16x8xi32>
      %convert_element_type3A_964 = arith.sitofp %add3A_963 : vector<4x16x8xi32> to vector<4x16x8xf32>
      %bitcast_convert_type3A_965 = tpu.bitcast %convert_element_type3A_964 : vector<4x16x8xf32> -> vector<4x16x8xi32>
      %shift_right_logical3A_966 = arith.constant 23 : i32
      %shift_right_logical3A_967 = vector.broadcast %shift_right_logical3A_966 : i32 to vector<4x16x8xi32>
      %shift_right_logical3A_968 = arith.shrui %bitcast_convert_type3A_965, %shift_right_logical3A_967 : vector<4x16x8xi32>
      %and3A_969 = arith.andi %add3A_963, %xor3A_960 : vector<4x16x8xi32>
      %eq3A_970 = arith.constant 0 : i32
      %eq3A_971 = vector.broadcast %eq3A_970 : i32 to vector<4x16x8xi32>
      %eq3A_972 = arith.cmpi eq, %and3A_969, %eq3A_971 : vector<4x16x8xi32>
      %and3A_973 = arith.constant 63688 : i32
      %and3A_974 = vector.broadcast %and3A_973 : i32 to vector<4x16x8xi32>
      %and3A_975 = arith.andi %add3A_963, %and3A_974 : vector<4x16x8xi32>
      %ne3A_976 = arith.constant 0 : i32
      %ne3A_977 = vector.broadcast %ne3A_976 : i32 to vector<4x16x8xi32>
      %ne3A_978 = arith.cmpi ne, %and3A_975, %ne3A_977 : vector<4x16x8xi32>
      %and3A_979 = arith.andi %eq3A_972, %ne3A_978 : vector<4x16x8xi1>
      %jit3A_980 = arith.constant 1 : i32
      %jit3A_981 = arith.constant 0 : i32
      %broadcast_in_dim3A_982 = vector.broadcast %jit3A_980 : i32 to vector<4x16x8xi32>
      %broadcast_in_dim3A_983 = vector.broadcast %jit3A_981 : i32 to vector<4x16x8xi32>
      %select_n3A_984 = arith.select %and3A_979, %broadcast_in_dim3A_982, %broadcast_in_dim3A_983 : vector<4x16x8xi1>, vector<4x16x8xi32>
      %sub3A_985 = arith.constant 142 : i32
      %sub3A_986 = vector.broadcast %sub3A_985 : i32 to vector<4x16x8xi32>
      %sub3A_987 = arith.subi %sub3A_986, %shift_right_logical3A_968 : vector<4x16x8xi32>
      %add3A_988 = arith.addi %sub3A_987, %select_n3A_984 : vector<4x16x8xi32>
      %convert_element_type3A_989 = arith.sitofp %add3A_988 : vector<4x16x8xi32> to vector<4x16x8xf32>
      %mul3A_990 = arith.constant 6.250000e-02 : f32
      %mul3A_991 = vector.broadcast %mul3A_990 : f32 to vector<4x16x8xf32>
      %mul3A_992 = arith.mulf %convert_element_type3A_989, %mul3A_991 : vector<4x16x8xf32>
      %slice3A_993 = vector.extract_strided_slice %mul3A_123 {offsets = [0, 0, 7], sizes = [4, 8, 1], strides = [1, 1, 1]} : vector<4x8x16xf32> to vector<4x8x1xf32>
      %squeeze3A_994 = vector.shape_cast %slice3A_993 : vector<4x8x1xf32> to vector<4x8xf32>
      %broadcast_in_dim3A_995 = vector.shape_cast %squeeze3A_994 : vector<4x8xf32> to vector<4x1x8xf32>
      %mul3A_996 = vector.broadcast %broadcast_in_dim3A_995 : vector<4x1x8xf32> to vector<4x16x8xf32>
      %mul3A_997 = arith.mulf %mul3A_992, %mul3A_996 : vector<4x16x8xf32>
      %slice3A_998 = vector.extract_strided_slice %transpose3A_130 {offsets = [0, 0, 0, 7], sizes = [4, 16, 8, 1], strides = [1, 1, 1, 1]} : vector<4x16x8x16xf32> to vector<4x16x8x1xf32>
      %squeeze3A_999 = vector.shape_cast %slice3A_998 : vector<4x16x8x1xf32> to vector<4x16x8xf32>
      %add3A_1000 = arith.addf %mul3A_997, %squeeze3A_999 : vector<4x16x8xf32>
      %slice3A_1001 = vector.extract_strided_slice %get3A_119 {offsets = [0, 0, 7], sizes = [4, 16, 1], strides = [1, 1, 1]} : vector<4x16x16xf32> to vector<4x16x1xf32>
      %squeeze3A_1002 = vector.shape_cast %slice3A_1001 : vector<4x16x1xf32> to vector<4x16xf32>
      %broadcast_in_dim3A_1003 = vector.shape_cast %squeeze3A_1002 : vector<4x16xf32> to vector<4x16x1xf32>
      %sub3A_1004 = vector.broadcast %broadcast_in_dim3A_1003 : vector<4x16x1xf32> to vector<4x16x8xf32>
      %sub3A_1005 = arith.subf %add3A_1000, %sub3A_1004 : vector<4x16x8xf32>
      %abs3A_1006 = math.absf %sub3A_1005 : vector<4x16x8xf32>
      %add3A_1007 = arith.addf %add3A_898, %abs3A_1006 : vector<4x16x8xf32>
      %slice3A_1008 = vector.extract_strided_slice %transpose3A {offsets = [0, 0, 8], sizes = [4, 8, 1], strides = [1, 1, 1]} : vector<4x8x16xi32> to vector<4x8x1xi32>
      %broadcast_in_dim3A_1009 = vector.shape_cast %slice3A_1008 : vector<4x8x1xi32> to vector<4x1x8x1xi32>
      %slice3A_1010 = vector.extract_strided_slice %mul3A_123 {offsets = [0, 0, 8], sizes = [4, 8, 1], strides = [1, 1, 1]} : vector<4x8x16xf32> to vector<4x8x1xf32>
      %broadcast_in_dim3A_1011 = vector.shape_cast %slice3A_1010 : vector<4x8x1xf32> to vector<4x1x8x1xf32>
      %xor3A_1012 = vector.broadcast %broadcast_in_dim3A_1009 : vector<4x1x8x1xi32> to vector<4x16x8x128xi32>
      %xor3A_1013 = arith.xori %xor3A_107, %xor3A_1012 : vector<4x16x8x128xi32>
      %add3A_1014 = arith.constant 1 : i32
      %add3A_1015 = vector.broadcast %add3A_1014 : i32 to vector<4x16x8x128xi32>
      %add3A_1016 = arith.addi %xor3A_1013, %add3A_1015 : vector<4x16x8x128xi32>
      %convert_element_type3A_1017 = arith.sitofp %add3A_1016 : vector<4x16x8x128xi32> to vector<4x16x8x128xf32>
      %bitcast_convert_type3A_1018 = tpu.bitcast %convert_element_type3A_1017 : vector<4x16x8x128xf32> -> vector<4x16x8x128xi32>
      %shift_right_logical3A_1019 = arith.constant 23 : i32
      %shift_right_logical3A_1020 = vector.broadcast %shift_right_logical3A_1019 : i32 to vector<4x16x8x128xi32>
      %shift_right_logical3A_1021 = arith.shrui %bitcast_convert_type3A_1018, %shift_right_logical3A_1020 : vector<4x16x8x128xi32>
      %and3A_1022 = arith.andi %add3A_1016, %xor3A_1013 : vector<4x16x8x128xi32>
      %eq3A_1023 = arith.constant 0 : i32
      %eq3A_1024 = vector.broadcast %eq3A_1023 : i32 to vector<4x16x8x128xi32>
      %eq3A_1025 = arith.cmpi eq, %and3A_1022, %eq3A_1024 : vector<4x16x8x128xi32>
      %and3A_1026 = arith.constant 63688 : i32
      %and3A_1027 = vector.broadcast %and3A_1026 : i32 to vector<4x16x8x128xi32>
      %and3A_1028 = arith.andi %add3A_1016, %and3A_1027 : vector<4x16x8x128xi32>
      %ne3A_1029 = arith.constant 0 : i32
      %ne3A_1030 = vector.broadcast %ne3A_1029 : i32 to vector<4x16x8x128xi32>
      %ne3A_1031 = arith.cmpi ne, %and3A_1028, %ne3A_1030 : vector<4x16x8x128xi32>
      %and3A_1032 = arith.andi %eq3A_1025, %ne3A_1031 : vector<4x16x8x128xi1>
      %jit3A_1033 = arith.constant 1 : i32
      %jit3A_1034 = arith.constant 0 : i32
      %broadcast_in_dim3A_1035 = vector.broadcast %jit3A_1033 : i32 to vector<4x16x8x128xi32>
      %broadcast_in_dim3A_1036 = vector.broadcast %jit3A_1034 : i32 to vector<4x16x8x128xi32>
      %select_n3A_1037 = arith.select %and3A_1032, %broadcast_in_dim3A_1035, %broadcast_in_dim3A_1036 : vector<4x16x8x128xi1>, vector<4x16x8x128xi32>
      %sub3A_1038 = arith.constant 142 : i32
      %sub3A_1039 = vector.broadcast %sub3A_1038 : i32 to vector<4x16x8x128xi32>
      %sub3A_1040 = arith.subi %sub3A_1039, %shift_right_logical3A_1021 : vector<4x16x8x128xi32>
      %add3A_1041 = arith.addi %sub3A_1040, %select_n3A_1037 : vector<4x16x8x128xi32>
      %convert_element_type3A_1042 = arith.sitofp %add3A_1041 : vector<4x16x8x128xi32> to vector<4x16x8x128xf32>
      %mul3A_1043 = arith.constant 6.250000e-02 : f32
      %mul3A_1044 = vector.broadcast %mul3A_1043 : f32 to vector<4x16x8x128xf32>
      %mul3A_1045 = arith.mulf %convert_element_type3A_1042, %mul3A_1044 : vector<4x16x8x128xf32>
      %mul3A_1046 = vector.broadcast %broadcast_in_dim3A_1011 : vector<4x1x8x1xf32> to vector<4x16x8x128xf32>
      %mul3A_1047 = arith.mulf %mul3A_1045, %mul3A_1046 : vector<4x16x8x128xf32>
      %slice3A_1048 = vector.extract_strided_slice %transpose3A_130 {offsets = [0, 0, 0, 8], sizes = [4, 16, 8, 1], strides = [1, 1, 1, 1]} : vector<4x16x8x16xf32> to vector<4x16x8x1xf32>
      %slice3A_1049 = vector.extract_strided_slice %get3A_119 {offsets = [0, 0, 8], sizes = [4, 16, 1], strides = [1, 1, 1]} : vector<4x16x16xf32> to vector<4x16x1xf32>
      %squeeze3A_1050 = vector.shape_cast %slice3A_1049 : vector<4x16x1xf32> to vector<4x16xf32>
      %broadcast_in_dim3A_1051 = vector.shape_cast %squeeze3A_1050 : vector<4x16xf32> to vector<4x16x1x1xf32>
      %add3A_1052 = vector.broadcast %slice3A_1048 : vector<4x16x8x1xf32> to vector<4x16x8x128xf32>
      %add3A_1053 = arith.addf %mul3A_1047, %add3A_1052 : vector<4x16x8x128xf32>
      %sub3A_1054 = vector.broadcast %broadcast_in_dim3A_1051 : vector<4x16x1x1xf32> to vector<4x16x8x128xf32>
      %sub3A_1055 = arith.subf %add3A_1053, %sub3A_1054 : vector<4x16x8x128xf32>
      %abs3A_1056 = math.absf %sub3A_1055 : vector<4x16x8x128xf32>
      %add3A_1057 = arith.addf %add3A_948, %abs3A_1056 : vector<4x16x8x128xf32>
      %mul3A_1058 = arith.mulf %mul3A_1047, %select_n3A_115 : vector<4x16x8x128xf32>
      %add3A_1059 = vector.broadcast %slice3A_1048 : vector<4x16x8x1xf32> to vector<4x16x8x128xf32>
      %add3A_1060 = arith.addf %mul3A_1058, %add3A_1059 : vector<4x16x8x128xf32>
      %sub3A_1061 = vector.broadcast %broadcast_in_dim3A_1051 : vector<4x16x1x1xf32> to vector<4x16x8x128xf32>
      %sub3A_1062 = arith.subf %add3A_1060, %sub3A_1061 : vector<4x16x8x128xf32>
      %abs3A_1063 = math.absf %sub3A_1062 : vector<4x16x8x128xf32>
      %add3A_1064 = arith.addf %add3A_955, %abs3A_1063 : vector<4x16x8x128xf32>
      %slice3A_1065 = vector.extract_strided_slice %transpose3A {offsets = [0, 0, 8], sizes = [4, 8, 1], strides = [1, 1, 1]} : vector<4x8x16xi32> to vector<4x8x1xi32>
      %squeeze3A_1066 = vector.shape_cast %slice3A_1065 : vector<4x8x1xi32> to vector<4x8xi32>
      %broadcast_in_dim3A_1067 = vector.shape_cast %squeeze3A_1066 : vector<4x8xi32> to vector<4x1x8xi32>
      %xor3A_1068 = vector.broadcast %broadcast_in_dim3A_1067 : vector<4x1x8xi32> to vector<4x16x8xi32>
      %xor3A_1069 = arith.xori %abs3A, %xor3A_1068 : vector<4x16x8xi32>
      %add3A_1070 = arith.constant 1 : i32
      %add3A_1071 = vector.broadcast %add3A_1070 : i32 to vector<4x16x8xi32>
      %add3A_1072 = arith.addi %xor3A_1069, %add3A_1071 : vector<4x16x8xi32>
      %convert_element_type3A_1073 = arith.sitofp %add3A_1072 : vector<4x16x8xi32> to vector<4x16x8xf32>
      %bitcast_convert_type3A_1074 = tpu.bitcast %convert_element_type3A_1073 : vector<4x16x8xf32> -> vector<4x16x8xi32>
      %shift_right_logical3A_1075 = arith.constant 23 : i32
      %shift_right_logical3A_1076 = vector.broadcast %shift_right_logical3A_1075 : i32 to vector<4x16x8xi32>
      %shift_right_logical3A_1077 = arith.shrui %bitcast_convert_type3A_1074, %shift_right_logical3A_1076 : vector<4x16x8xi32>
      %and3A_1078 = arith.andi %add3A_1072, %xor3A_1069 : vector<4x16x8xi32>
      %eq3A_1079 = arith.constant 0 : i32
      %eq3A_1080 = vector.broadcast %eq3A_1079 : i32 to vector<4x16x8xi32>
      %eq3A_1081 = arith.cmpi eq, %and3A_1078, %eq3A_1080 : vector<4x16x8xi32>
      %and3A_1082 = arith.constant 63688 : i32
      %and3A_1083 = vector.broadcast %and3A_1082 : i32 to vector<4x16x8xi32>
      %and3A_1084 = arith.andi %add3A_1072, %and3A_1083 : vector<4x16x8xi32>
      %ne3A_1085 = arith.constant 0 : i32
      %ne3A_1086 = vector.broadcast %ne3A_1085 : i32 to vector<4x16x8xi32>
      %ne3A_1087 = arith.cmpi ne, %and3A_1084, %ne3A_1086 : vector<4x16x8xi32>
      %and3A_1088 = arith.andi %eq3A_1081, %ne3A_1087 : vector<4x16x8xi1>
      %jit3A_1089 = arith.constant 1 : i32
      %jit3A_1090 = arith.constant 0 : i32
      %broadcast_in_dim3A_1091 = vector.broadcast %jit3A_1089 : i32 to vector<4x16x8xi32>
      %broadcast_in_dim3A_1092 = vector.broadcast %jit3A_1090 : i32 to vector<4x16x8xi32>
      %select_n3A_1093 = arith.select %and3A_1088, %broadcast_in_dim3A_1091, %broadcast_in_dim3A_1092 : vector<4x16x8xi1>, vector<4x16x8xi32>
      %sub3A_1094 = arith.constant 142 : i32
      %sub3A_1095 = vector.broadcast %sub3A_1094 : i32 to vector<4x16x8xi32>
      %sub3A_1096 = arith.subi %sub3A_1095, %shift_right_logical3A_1077 : vector<4x16x8xi32>
      %add3A_1097 = arith.addi %sub3A_1096, %select_n3A_1093 : vector<4x16x8xi32>
      %convert_element_type3A_1098 = arith.sitofp %add3A_1097 : vector<4x16x8xi32> to vector<4x16x8xf32>
      %mul3A_1099 = arith.constant 6.250000e-02 : f32
      %mul3A_1100 = vector.broadcast %mul3A_1099 : f32 to vector<4x16x8xf32>
      %mul3A_1101 = arith.mulf %convert_element_type3A_1098, %mul3A_1100 : vector<4x16x8xf32>
      %slice3A_1102 = vector.extract_strided_slice %mul3A_123 {offsets = [0, 0, 8], sizes = [4, 8, 1], strides = [1, 1, 1]} : vector<4x8x16xf32> to vector<4x8x1xf32>
      %squeeze3A_1103 = vector.shape_cast %slice3A_1102 : vector<4x8x1xf32> to vector<4x8xf32>
      %broadcast_in_dim3A_1104 = vector.shape_cast %squeeze3A_1103 : vector<4x8xf32> to vector<4x1x8xf32>
      %mul3A_1105 = vector.broadcast %broadcast_in_dim3A_1104 : vector<4x1x8xf32> to vector<4x16x8xf32>
      %mul3A_1106 = arith.mulf %mul3A_1101, %mul3A_1105 : vector<4x16x8xf32>
      %slice3A_1107 = vector.extract_strided_slice %transpose3A_130 {offsets = [0, 0, 0, 8], sizes = [4, 16, 8, 1], strides = [1, 1, 1, 1]} : vector<4x16x8x16xf32> to vector<4x16x8x1xf32>
      %squeeze3A_1108 = vector.shape_cast %slice3A_1107 : vector<4x16x8x1xf32> to vector<4x16x8xf32>
      %add3A_1109 = arith.addf %mul3A_1106, %squeeze3A_1108 : vector<4x16x8xf32>
      %slice3A_1110 = vector.extract_strided_slice %get3A_119 {offsets = [0, 0, 8], sizes = [4, 16, 1], strides = [1, 1, 1]} : vector<4x16x16xf32> to vector<4x16x1xf32>
      %squeeze3A_1111 = vector.shape_cast %slice3A_1110 : vector<4x16x1xf32> to vector<4x16xf32>
      %broadcast_in_dim3A_1112 = vector.shape_cast %squeeze3A_1111 : vector<4x16xf32> to vector<4x16x1xf32>
      %sub3A_1113 = vector.broadcast %broadcast_in_dim3A_1112 : vector<4x16x1xf32> to vector<4x16x8xf32>
      %sub3A_1114 = arith.subf %add3A_1109, %sub3A_1113 : vector<4x16x8xf32>
      %abs3A_1115 = math.absf %sub3A_1114 : vector<4x16x8xf32>
      %add3A_1116 = arith.addf %add3A_1007, %abs3A_1115 : vector<4x16x8xf32>
      %slice3A_1117 = vector.extract_strided_slice %transpose3A {offsets = [0, 0, 9], sizes = [4, 8, 1], strides = [1, 1, 1]} : vector<4x8x16xi32> to vector<4x8x1xi32>
      %broadcast_in_dim3A_1118 = vector.shape_cast %slice3A_1117 : vector<4x8x1xi32> to vector<4x1x8x1xi32>
      %slice3A_1119 = vector.extract_strided_slice %mul3A_123 {offsets = [0, 0, 9], sizes = [4, 8, 1], strides = [1, 1, 1]} : vector<4x8x16xf32> to vector<4x8x1xf32>
      %broadcast_in_dim3A_1120 = vector.shape_cast %slice3A_1119 : vector<4x8x1xf32> to vector<4x1x8x1xf32>
      %xor3A_1121 = vector.broadcast %broadcast_in_dim3A_1118 : vector<4x1x8x1xi32> to vector<4x16x8x128xi32>
      %xor3A_1122 = arith.xori %xor3A_107, %xor3A_1121 : vector<4x16x8x128xi32>
      %add3A_1123 = arith.constant 1 : i32
      %add3A_1124 = vector.broadcast %add3A_1123 : i32 to vector<4x16x8x128xi32>
      %add3A_1125 = arith.addi %xor3A_1122, %add3A_1124 : vector<4x16x8x128xi32>
      %convert_element_type3A_1126 = arith.sitofp %add3A_1125 : vector<4x16x8x128xi32> to vector<4x16x8x128xf32>
      %bitcast_convert_type3A_1127 = tpu.bitcast %convert_element_type3A_1126 : vector<4x16x8x128xf32> -> vector<4x16x8x128xi32>
      %shift_right_logical3A_1128 = arith.constant 23 : i32
      %shift_right_logical3A_1129 = vector.broadcast %shift_right_logical3A_1128 : i32 to vector<4x16x8x128xi32>
      %shift_right_logical3A_1130 = arith.shrui %bitcast_convert_type3A_1127, %shift_right_logical3A_1129 : vector<4x16x8x128xi32>
      %and3A_1131 = arith.andi %add3A_1125, %xor3A_1122 : vector<4x16x8x128xi32>
      %eq3A_1132 = arith.constant 0 : i32
      %eq3A_1133 = vector.broadcast %eq3A_1132 : i32 to vector<4x16x8x128xi32>
      %eq3A_1134 = arith.cmpi eq, %and3A_1131, %eq3A_1133 : vector<4x16x8x128xi32>
      %and3A_1135 = arith.constant 63688 : i32
      %and3A_1136 = vector.broadcast %and3A_1135 : i32 to vector<4x16x8x128xi32>
      %and3A_1137 = arith.andi %add3A_1125, %and3A_1136 : vector<4x16x8x128xi32>
      %ne3A_1138 = arith.constant 0 : i32
      %ne3A_1139 = vector.broadcast %ne3A_1138 : i32 to vector<4x16x8x128xi32>
      %ne3A_1140 = arith.cmpi ne, %and3A_1137, %ne3A_1139 : vector<4x16x8x128xi32>
      %and3A_1141 = arith.andi %eq3A_1134, %ne3A_1140 : vector<4x16x8x128xi1>
      %jit3A_1142 = arith.constant 1 : i32
      %jit3A_1143 = arith.constant 0 : i32
      %broadcast_in_dim3A_1144 = vector.broadcast %jit3A_1142 : i32 to vector<4x16x8x128xi32>
      %broadcast_in_dim3A_1145 = vector.broadcast %jit3A_1143 : i32 to vector<4x16x8x128xi32>
      %select_n3A_1146 = arith.select %and3A_1141, %broadcast_in_dim3A_1144, %broadcast_in_dim3A_1145 : vector<4x16x8x128xi1>, vector<4x16x8x128xi32>
      %sub3A_1147 = arith.constant 142 : i32
      %sub3A_1148 = vector.broadcast %sub3A_1147 : i32 to vector<4x16x8x128xi32>
      %sub3A_1149 = arith.subi %sub3A_1148, %shift_right_logical3A_1130 : vector<4x16x8x128xi32>
      %add3A_1150 = arith.addi %sub3A_1149, %select_n3A_1146 : vector<4x16x8x128xi32>
      %convert_element_type3A_1151 = arith.sitofp %add3A_1150 : vector<4x16x8x128xi32> to vector<4x16x8x128xf32>
      %mul3A_1152 = arith.constant 6.250000e-02 : f32
      %mul3A_1153 = vector.broadcast %mul3A_1152 : f32 to vector<4x16x8x128xf32>
      %mul3A_1154 = arith.mulf %convert_element_type3A_1151, %mul3A_1153 : vector<4x16x8x128xf32>
      %mul3A_1155 = vector.broadcast %broadcast_in_dim3A_1120 : vector<4x1x8x1xf32> to vector<4x16x8x128xf32>
      %mul3A_1156 = arith.mulf %mul3A_1154, %mul3A_1155 : vector<4x16x8x128xf32>
      %slice3A_1157 = vector.extract_strided_slice %transpose3A_130 {offsets = [0, 0, 0, 9], sizes = [4, 16, 8, 1], strides = [1, 1, 1, 1]} : vector<4x16x8x16xf32> to vector<4x16x8x1xf32>
      %slice3A_1158 = vector.extract_strided_slice %get3A_119 {offsets = [0, 0, 9], sizes = [4, 16, 1], strides = [1, 1, 1]} : vector<4x16x16xf32> to vector<4x16x1xf32>
      %squeeze3A_1159 = vector.shape_cast %slice3A_1158 : vector<4x16x1xf32> to vector<4x16xf32>
      %broadcast_in_dim3A_1160 = vector.shape_cast %squeeze3A_1159 : vector<4x16xf32> to vector<4x16x1x1xf32>
      %add3A_1161 = vector.broadcast %slice3A_1157 : vector<4x16x8x1xf32> to vector<4x16x8x128xf32>
      %add3A_1162 = arith.addf %mul3A_1156, %add3A_1161 : vector<4x16x8x128xf32>
      %sub3A_1163 = vector.broadcast %broadcast_in_dim3A_1160 : vector<4x16x1x1xf32> to vector<4x16x8x128xf32>
      %sub3A_1164 = arith.subf %add3A_1162, %sub3A_1163 : vector<4x16x8x128xf32>
      %abs3A_1165 = math.absf %sub3A_1164 : vector<4x16x8x128xf32>
      %add3A_1166 = arith.addf %add3A_1057, %abs3A_1165 : vector<4x16x8x128xf32>
      %mul3A_1167 = arith.mulf %mul3A_1156, %select_n3A_115 : vector<4x16x8x128xf32>
      %add3A_1168 = vector.broadcast %slice3A_1157 : vector<4x16x8x1xf32> to vector<4x16x8x128xf32>
      %add3A_1169 = arith.addf %mul3A_1167, %add3A_1168 : vector<4x16x8x128xf32>
      %sub3A_1170 = vector.broadcast %broadcast_in_dim3A_1160 : vector<4x16x1x1xf32> to vector<4x16x8x128xf32>
      %sub3A_1171 = arith.subf %add3A_1169, %sub3A_1170 : vector<4x16x8x128xf32>
      %abs3A_1172 = math.absf %sub3A_1171 : vector<4x16x8x128xf32>
      %add3A_1173 = arith.addf %add3A_1064, %abs3A_1172 : vector<4x16x8x128xf32>
      %slice3A_1174 = vector.extract_strided_slice %transpose3A {offsets = [0, 0, 9], sizes = [4, 8, 1], strides = [1, 1, 1]} : vector<4x8x16xi32> to vector<4x8x1xi32>
      %squeeze3A_1175 = vector.shape_cast %slice3A_1174 : vector<4x8x1xi32> to vector<4x8xi32>
      %broadcast_in_dim3A_1176 = vector.shape_cast %squeeze3A_1175 : vector<4x8xi32> to vector<4x1x8xi32>
      %xor3A_1177 = vector.broadcast %broadcast_in_dim3A_1176 : vector<4x1x8xi32> to vector<4x16x8xi32>
      %xor3A_1178 = arith.xori %abs3A, %xor3A_1177 : vector<4x16x8xi32>
      %add3A_1179 = arith.constant 1 : i32
      %add3A_1180 = vector.broadcast %add3A_1179 : i32 to vector<4x16x8xi32>
      %add3A_1181 = arith.addi %xor3A_1178, %add3A_1180 : vector<4x16x8xi32>
      %convert_element_type3A_1182 = arith.sitofp %add3A_1181 : vector<4x16x8xi32> to vector<4x16x8xf32>
      %bitcast_convert_type3A_1183 = tpu.bitcast %convert_element_type3A_1182 : vector<4x16x8xf32> -> vector<4x16x8xi32>
      %shift_right_logical3A_1184 = arith.constant 23 : i32
      %shift_right_logical3A_1185 = vector.broadcast %shift_right_logical3A_1184 : i32 to vector<4x16x8xi32>
      %shift_right_logical3A_1186 = arith.shrui %bitcast_convert_type3A_1183, %shift_right_logical3A_1185 : vector<4x16x8xi32>
      %and3A_1187 = arith.andi %add3A_1181, %xor3A_1178 : vector<4x16x8xi32>
      %eq3A_1188 = arith.constant 0 : i32
      %eq3A_1189 = vector.broadcast %eq3A_1188 : i32 to vector<4x16x8xi32>
      %eq3A_1190 = arith.cmpi eq, %and3A_1187, %eq3A_1189 : vector<4x16x8xi32>
      %and3A_1191 = arith.constant 63688 : i32
      %and3A_1192 = vector.broadcast %and3A_1191 : i32 to vector<4x16x8xi32>
      %and3A_1193 = arith.andi %add3A_1181, %and3A_1192 : vector<4x16x8xi32>
      %ne3A_1194 = arith.constant 0 : i32
      %ne3A_1195 = vector.broadcast %ne3A_1194 : i32 to vector<4x16x8xi32>
      %ne3A_1196 = arith.cmpi ne, %and3A_1193, %ne3A_1195 : vector<4x16x8xi32>
      %and3A_1197 = arith.andi %eq3A_1190, %ne3A_1196 : vector<4x16x8xi1>
      %jit3A_1198 = arith.constant 1 : i32
      %jit3A_1199 = arith.constant 0 : i32
      %broadcast_in_dim3A_1200 = vector.broadcast %jit3A_1198 : i32 to vector<4x16x8xi32>
      %broadcast_in_dim3A_1201 = vector.broadcast %jit3A_1199 : i32 to vector<4x16x8xi32>
      %select_n3A_1202 = arith.select %and3A_1197, %broadcast_in_dim3A_1200, %broadcast_in_dim3A_1201 : vector<4x16x8xi1>, vector<4x16x8xi32>
      %sub3A_1203 = arith.constant 142 : i32
      %sub3A_1204 = vector.broadcast %sub3A_1203 : i32 to vector<4x16x8xi32>
      %sub3A_1205 = arith.subi %sub3A_1204, %shift_right_logical3A_1186 : vector<4x16x8xi32>
      %add3A_1206 = arith.addi %sub3A_1205, %select_n3A_1202 : vector<4x16x8xi32>
      %convert_element_type3A_1207 = arith.sitofp %add3A_1206 : vector<4x16x8xi32> to vector<4x16x8xf32>
      %mul3A_1208 = arith.constant 6.250000e-02 : f32
      %mul3A_1209 = vector.broadcast %mul3A_1208 : f32 to vector<4x16x8xf32>
      %mul3A_1210 = arith.mulf %convert_element_type3A_1207, %mul3A_1209 : vector<4x16x8xf32>
      %slice3A_1211 = vector.extract_strided_slice %mul3A_123 {offsets = [0, 0, 9], sizes = [4, 8, 1], strides = [1, 1, 1]} : vector<4x8x16xf32> to vector<4x8x1xf32>
      %squeeze3A_1212 = vector.shape_cast %slice3A_1211 : vector<4x8x1xf32> to vector<4x8xf32>
      %broadcast_in_dim3A_1213 = vector.shape_cast %squeeze3A_1212 : vector<4x8xf32> to vector<4x1x8xf32>
      %mul3A_1214 = vector.broadcast %broadcast_in_dim3A_1213 : vector<4x1x8xf32> to vector<4x16x8xf32>
      %mul3A_1215 = arith.mulf %mul3A_1210, %mul3A_1214 : vector<4x16x8xf32>
      %slice3A_1216 = vector.extract_strided_slice %transpose3A_130 {offsets = [0, 0, 0, 9], sizes = [4, 16, 8, 1], strides = [1, 1, 1, 1]} : vector<4x16x8x16xf32> to vector<4x16x8x1xf32>
      %squeeze3A_1217 = vector.shape_cast %slice3A_1216 : vector<4x16x8x1xf32> to vector<4x16x8xf32>
      %add3A_1218 = arith.addf %mul3A_1215, %squeeze3A_1217 : vector<4x16x8xf32>
      %slice3A_1219 = vector.extract_strided_slice %get3A_119 {offsets = [0, 0, 9], sizes = [4, 16, 1], strides = [1, 1, 1]} : vector<4x16x16xf32> to vector<4x16x1xf32>
      %squeeze3A_1220 = vector.shape_cast %slice3A_1219 : vector<4x16x1xf32> to vector<4x16xf32>
      %broadcast_in_dim3A_1221 = vector.shape_cast %squeeze3A_1220 : vector<4x16xf32> to vector<4x16x1xf32>
      %sub3A_1222 = vector.broadcast %broadcast_in_dim3A_1221 : vector<4x16x1xf32> to vector<4x16x8xf32>
      %sub3A_1223 = arith.subf %add3A_1218, %sub3A_1222 : vector<4x16x8xf32>
      %abs3A_1224 = math.absf %sub3A_1223 : vector<4x16x8xf32>
      %add3A_1225 = arith.addf %add3A_1116, %abs3A_1224 : vector<4x16x8xf32>
      %slice3A_1226 = vector.extract_strided_slice %transpose3A {offsets = [0, 0, 10], sizes = [4, 8, 1], strides = [1, 1, 1]} : vector<4x8x16xi32> to vector<4x8x1xi32>
      %broadcast_in_dim3A_1227 = vector.shape_cast %slice3A_1226 : vector<4x8x1xi32> to vector<4x1x8x1xi32>
      %slice3A_1228 = vector.extract_strided_slice %mul3A_123 {offsets = [0, 0, 10], sizes = [4, 8, 1], strides = [1, 1, 1]} : vector<4x8x16xf32> to vector<4x8x1xf32>
      %broadcast_in_dim3A_1229 = vector.shape_cast %slice3A_1228 : vector<4x8x1xf32> to vector<4x1x8x1xf32>
      %xor3A_1230 = vector.broadcast %broadcast_in_dim3A_1227 : vector<4x1x8x1xi32> to vector<4x16x8x128xi32>
      %xor3A_1231 = arith.xori %xor3A_107, %xor3A_1230 : vector<4x16x8x128xi32>
      %add3A_1232 = arith.constant 1 : i32
      %add3A_1233 = vector.broadcast %add3A_1232 : i32 to vector<4x16x8x128xi32>
      %add3A_1234 = arith.addi %xor3A_1231, %add3A_1233 : vector<4x16x8x128xi32>
      %convert_element_type3A_1235 = arith.sitofp %add3A_1234 : vector<4x16x8x128xi32> to vector<4x16x8x128xf32>
      %bitcast_convert_type3A_1236 = tpu.bitcast %convert_element_type3A_1235 : vector<4x16x8x128xf32> -> vector<4x16x8x128xi32>
      %shift_right_logical3A_1237 = arith.constant 23 : i32
      %shift_right_logical3A_1238 = vector.broadcast %shift_right_logical3A_1237 : i32 to vector<4x16x8x128xi32>
      %shift_right_logical3A_1239 = arith.shrui %bitcast_convert_type3A_1236, %shift_right_logical3A_1238 : vector<4x16x8x128xi32>
      %and3A_1240 = arith.andi %add3A_1234, %xor3A_1231 : vector<4x16x8x128xi32>
      %eq3A_1241 = arith.constant 0 : i32
      %eq3A_1242 = vector.broadcast %eq3A_1241 : i32 to vector<4x16x8x128xi32>
      %eq3A_1243 = arith.cmpi eq, %and3A_1240, %eq3A_1242 : vector<4x16x8x128xi32>
      %and3A_1244 = arith.constant 63688 : i32
      %and3A_1245 = vector.broadcast %and3A_1244 : i32 to vector<4x16x8x128xi32>
      %and3A_1246 = arith.andi %add3A_1234, %and3A_1245 : vector<4x16x8x128xi32>
      %ne3A_1247 = arith.constant 0 : i32
      %ne3A_1248 = vector.broadcast %ne3A_1247 : i32 to vector<4x16x8x128xi32>
      %ne3A_1249 = arith.cmpi ne, %and3A_1246, %ne3A_1248 : vector<4x16x8x128xi32>
      %and3A_1250 = arith.andi %eq3A_1243, %ne3A_1249 : vector<4x16x8x128xi1>
      %jit3A_1251 = arith.constant 1 : i32
      %jit3A_1252 = arith.constant 0 : i32
      %broadcast_in_dim3A_1253 = vector.broadcast %jit3A_1251 : i32 to vector<4x16x8x128xi32>
      %broadcast_in_dim3A_1254 = vector.broadcast %jit3A_1252 : i32 to vector<4x16x8x128xi32>
      %select_n3A_1255 = arith.select %and3A_1250, %broadcast_in_dim3A_1253, %broadcast_in_dim3A_1254 : vector<4x16x8x128xi1>, vector<4x16x8x128xi32>
      %sub3A_1256 = arith.constant 142 : i32
      %sub3A_1257 = vector.broadcast %sub3A_1256 : i32 to vector<4x16x8x128xi32>
      %sub3A_1258 = arith.subi %sub3A_1257, %shift_right_logical3A_1239 : vector<4x16x8x128xi32>
      %add3A_1259 = arith.addi %sub3A_1258, %select_n3A_1255 : vector<4x16x8x128xi32>
      %convert_element_type3A_1260 = arith.sitofp %add3A_1259 : vector<4x16x8x128xi32> to vector<4x16x8x128xf32>
      %mul3A_1261 = arith.constant 6.250000e-02 : f32
      %mul3A_1262 = vector.broadcast %mul3A_1261 : f32 to vector<4x16x8x128xf32>
      %mul3A_1263 = arith.mulf %convert_element_type3A_1260, %mul3A_1262 : vector<4x16x8x128xf32>
      %mul3A_1264 = vector.broadcast %broadcast_in_dim3A_1229 : vector<4x1x8x1xf32> to vector<4x16x8x128xf32>
      %mul3A_1265 = arith.mulf %mul3A_1263, %mul3A_1264 : vector<4x16x8x128xf32>
      %slice3A_1266 = vector.extract_strided_slice %transpose3A_130 {offsets = [0, 0, 0, 10], sizes = [4, 16, 8, 1], strides = [1, 1, 1, 1]} : vector<4x16x8x16xf32> to vector<4x16x8x1xf32>
      %slice3A_1267 = vector.extract_strided_slice %get3A_119 {offsets = [0, 0, 10], sizes = [4, 16, 1], strides = [1, 1, 1]} : vector<4x16x16xf32> to vector<4x16x1xf32>
      %squeeze3A_1268 = vector.shape_cast %slice3A_1267 : vector<4x16x1xf32> to vector<4x16xf32>
      %broadcast_in_dim3A_1269 = vector.shape_cast %squeeze3A_1268 : vector<4x16xf32> to vector<4x16x1x1xf32>
      %add3A_1270 = vector.broadcast %slice3A_1266 : vector<4x16x8x1xf32> to vector<4x16x8x128xf32>
      %add3A_1271 = arith.addf %mul3A_1265, %add3A_1270 : vector<4x16x8x128xf32>
      %sub3A_1272 = vector.broadcast %broadcast_in_dim3A_1269 : vector<4x16x1x1xf32> to vector<4x16x8x128xf32>
      %sub3A_1273 = arith.subf %add3A_1271, %sub3A_1272 : vector<4x16x8x128xf32>
      %abs3A_1274 = math.absf %sub3A_1273 : vector<4x16x8x128xf32>
      %add3A_1275 = arith.addf %add3A_1166, %abs3A_1274 : vector<4x16x8x128xf32>
      %mul3A_1276 = arith.mulf %mul3A_1265, %select_n3A_115 : vector<4x16x8x128xf32>
      %add3A_1277 = vector.broadcast %slice3A_1266 : vector<4x16x8x1xf32> to vector<4x16x8x128xf32>
      %add3A_1278 = arith.addf %mul3A_1276, %add3A_1277 : vector<4x16x8x128xf32>
      %sub3A_1279 = vector.broadcast %broadcast_in_dim3A_1269 : vector<4x16x1x1xf32> to vector<4x16x8x128xf32>
      %sub3A_1280 = arith.subf %add3A_1278, %sub3A_1279 : vector<4x16x8x128xf32>
      %abs3A_1281 = math.absf %sub3A_1280 : vector<4x16x8x128xf32>
      %add3A_1282 = arith.addf %add3A_1173, %abs3A_1281 : vector<4x16x8x128xf32>
      %slice3A_1283 = vector.extract_strided_slice %transpose3A {offsets = [0, 0, 10], sizes = [4, 8, 1], strides = [1, 1, 1]} : vector<4x8x16xi32> to vector<4x8x1xi32>
      %squeeze3A_1284 = vector.shape_cast %slice3A_1283 : vector<4x8x1xi32> to vector<4x8xi32>
      %broadcast_in_dim3A_1285 = vector.shape_cast %squeeze3A_1284 : vector<4x8xi32> to vector<4x1x8xi32>
      %xor3A_1286 = vector.broadcast %broadcast_in_dim3A_1285 : vector<4x1x8xi32> to vector<4x16x8xi32>
      %xor3A_1287 = arith.xori %abs3A, %xor3A_1286 : vector<4x16x8xi32>
      %add3A_1288 = arith.constant 1 : i32
      %add3A_1289 = vector.broadcast %add3A_1288 : i32 to vector<4x16x8xi32>
      %add3A_1290 = arith.addi %xor3A_1287, %add3A_1289 : vector<4x16x8xi32>
      %convert_element_type3A_1291 = arith.sitofp %add3A_1290 : vector<4x16x8xi32> to vector<4x16x8xf32>
      %bitcast_convert_type3A_1292 = tpu.bitcast %convert_element_type3A_1291 : vector<4x16x8xf32> -> vector<4x16x8xi32>
      %shift_right_logical3A_1293 = arith.constant 23 : i32
      %shift_right_logical3A_1294 = vector.broadcast %shift_right_logical3A_1293 : i32 to vector<4x16x8xi32>
      %shift_right_logical3A_1295 = arith.shrui %bitcast_convert_type3A_1292, %shift_right_logical3A_1294 : vector<4x16x8xi32>
      %and3A_1296 = arith.andi %add3A_1290, %xor3A_1287 : vector<4x16x8xi32>
      %eq3A_1297 = arith.constant 0 : i32
      %eq3A_1298 = vector.broadcast %eq3A_1297 : i32 to vector<4x16x8xi32>
      %eq3A_1299 = arith.cmpi eq, %and3A_1296, %eq3A_1298 : vector<4x16x8xi32>
      %and3A_1300 = arith.constant 63688 : i32
      %and3A_1301 = vector.broadcast %and3A_1300 : i32 to vector<4x16x8xi32>
      %and3A_1302 = arith.andi %add3A_1290, %and3A_1301 : vector<4x16x8xi32>
      %ne3A_1303 = arith.constant 0 : i32
      %ne3A_1304 = vector.broadcast %ne3A_1303 : i32 to vector<4x16x8xi32>
      %ne3A_1305 = arith.cmpi ne, %and3A_1302, %ne3A_1304 : vector<4x16x8xi32>
      %and3A_1306 = arith.andi %eq3A_1299, %ne3A_1305 : vector<4x16x8xi1>
      %jit3A_1307 = arith.constant 1 : i32
      %jit3A_1308 = arith.constant 0 : i32
      %broadcast_in_dim3A_1309 = vector.broadcast %jit3A_1307 : i32 to vector<4x16x8xi32>
      %broadcast_in_dim3A_1310 = vector.broadcast %jit3A_1308 : i32 to vector<4x16x8xi32>
      %select_n3A_1311 = arith.select %and3A_1306, %broadcast_in_dim3A_1309, %broadcast_in_dim3A_1310 : vector<4x16x8xi1>, vector<4x16x8xi32>
      %sub3A_1312 = arith.constant 142 : i32
      %sub3A_1313 = vector.broadcast %sub3A_1312 : i32 to vector<4x16x8xi32>
      %sub3A_1314 = arith.subi %sub3A_1313, %shift_right_logical3A_1295 : vector<4x16x8xi32>
      %add3A_1315 = arith.addi %sub3A_1314, %select_n3A_1311 : vector<4x16x8xi32>
      %convert_element_type3A_1316 = arith.sitofp %add3A_1315 : vector<4x16x8xi32> to vector<4x16x8xf32>
      %mul3A_1317 = arith.constant 6.250000e-02 : f32
      %mul3A_1318 = vector.broadcast %mul3A_1317 : f32 to vector<4x16x8xf32>
      %mul3A_1319 = arith.mulf %convert_element_type3A_1316, %mul3A_1318 : vector<4x16x8xf32>
      %slice3A_1320 = vector.extract_strided_slice %mul3A_123 {offsets = [0, 0, 10], sizes = [4, 8, 1], strides = [1, 1, 1]} : vector<4x8x16xf32> to vector<4x8x1xf32>
      %squeeze3A_1321 = vector.shape_cast %slice3A_1320 : vector<4x8x1xf32> to vector<4x8xf32>
      %broadcast_in_dim3A_1322 = vector.shape_cast %squeeze3A_1321 : vector<4x8xf32> to vector<4x1x8xf32>
      %mul3A_1323 = vector.broadcast %broadcast_in_dim3A_1322 : vector<4x1x8xf32> to vector<4x16x8xf32>
      %mul3A_1324 = arith.mulf %mul3A_1319, %mul3A_1323 : vector<4x16x8xf32>
      %slice3A_1325 = vector.extract_strided_slice %transpose3A_130 {offsets = [0, 0, 0, 10], sizes = [4, 16, 8, 1], strides = [1, 1, 1, 1]} : vector<4x16x8x16xf32> to vector<4x16x8x1xf32>
      %squeeze3A_1326 = vector.shape_cast %slice3A_1325 : vector<4x16x8x1xf32> to vector<4x16x8xf32>
      %add3A_1327 = arith.addf %mul3A_1324, %squeeze3A_1326 : vector<4x16x8xf32>
      %slice3A_1328 = vector.extract_strided_slice %get3A_119 {offsets = [0, 0, 10], sizes = [4, 16, 1], strides = [1, 1, 1]} : vector<4x16x16xf32> to vector<4x16x1xf32>
      %squeeze3A_1329 = vector.shape_cast %slice3A_1328 : vector<4x16x1xf32> to vector<4x16xf32>
      %broadcast_in_dim3A_1330 = vector.shape_cast %squeeze3A_1329 : vector<4x16xf32> to vector<4x16x1xf32>
      %sub3A_1331 = vector.broadcast %broadcast_in_dim3A_1330 : vector<4x16x1xf32> to vector<4x16x8xf32>
      %sub3A_1332 = arith.subf %add3A_1327, %sub3A_1331 : vector<4x16x8xf32>
      %abs3A_1333 = math.absf %sub3A_1332 : vector<4x16x8xf32>
      %add3A_1334 = arith.addf %add3A_1225, %abs3A_1333 : vector<4x16x8xf32>
      %slice3A_1335 = vector.extract_strided_slice %transpose3A {offsets = [0, 0, 11], sizes = [4, 8, 1], strides = [1, 1, 1]} : vector<4x8x16xi32> to vector<4x8x1xi32>
      %broadcast_in_dim3A_1336 = vector.shape_cast %slice3A_1335 : vector<4x8x1xi32> to vector<4x1x8x1xi32>
      %slice3A_1337 = vector.extract_strided_slice %mul3A_123 {offsets = [0, 0, 11], sizes = [4, 8, 1], strides = [1, 1, 1]} : vector<4x8x16xf32> to vector<4x8x1xf32>
      %broadcast_in_dim3A_1338 = vector.shape_cast %slice3A_1337 : vector<4x8x1xf32> to vector<4x1x8x1xf32>
      %xor3A_1339 = vector.broadcast %broadcast_in_dim3A_1336 : vector<4x1x8x1xi32> to vector<4x16x8x128xi32>
      %xor3A_1340 = arith.xori %xor3A_107, %xor3A_1339 : vector<4x16x8x128xi32>
      %add3A_1341 = arith.constant 1 : i32
      %add3A_1342 = vector.broadcast %add3A_1341 : i32 to vector<4x16x8x128xi32>
      %add3A_1343 = arith.addi %xor3A_1340, %add3A_1342 : vector<4x16x8x128xi32>
      %convert_element_type3A_1344 = arith.sitofp %add3A_1343 : vector<4x16x8x128xi32> to vector<4x16x8x128xf32>
      %bitcast_convert_type3A_1345 = tpu.bitcast %convert_element_type3A_1344 : vector<4x16x8x128xf32> -> vector<4x16x8x128xi32>
      %shift_right_logical3A_1346 = arith.constant 23 : i32
      %shift_right_logical3A_1347 = vector.broadcast %shift_right_logical3A_1346 : i32 to vector<4x16x8x128xi32>
      %shift_right_logical3A_1348 = arith.shrui %bitcast_convert_type3A_1345, %shift_right_logical3A_1347 : vector<4x16x8x128xi32>
      %and3A_1349 = arith.andi %add3A_1343, %xor3A_1340 : vector<4x16x8x128xi32>
      %eq3A_1350 = arith.constant 0 : i32
      %eq3A_1351 = vector.broadcast %eq3A_1350 : i32 to vector<4x16x8x128xi32>
      %eq3A_1352 = arith.cmpi eq, %and3A_1349, %eq3A_1351 : vector<4x16x8x128xi32>
      %and3A_1353 = arith.constant 63688 : i32
      %and3A_1354 = vector.broadcast %and3A_1353 : i32 to vector<4x16x8x128xi32>
      %and3A_1355 = arith.andi %add3A_1343, %and3A_1354 : vector<4x16x8x128xi32>
      %ne3A_1356 = arith.constant 0 : i32
      %ne3A_1357 = vector.broadcast %ne3A_1356 : i32 to vector<4x16x8x128xi32>
      %ne3A_1358 = arith.cmpi ne, %and3A_1355, %ne3A_1357 : vector<4x16x8x128xi32>
      %and3A_1359 = arith.andi %eq3A_1352, %ne3A_1358 : vector<4x16x8x128xi1>
      %jit3A_1360 = arith.constant 1 : i32
      %jit3A_1361 = arith.constant 0 : i32
      %broadcast_in_dim3A_1362 = vector.broadcast %jit3A_1360 : i32 to vector<4x16x8x128xi32>
      %broadcast_in_dim3A_1363 = vector.broadcast %jit3A_1361 : i32 to vector<4x16x8x128xi32>
      %select_n3A_1364 = arith.select %and3A_1359, %broadcast_in_dim3A_1362, %broadcast_in_dim3A_1363 : vector<4x16x8x128xi1>, vector<4x16x8x128xi32>
      %sub3A_1365 = arith.constant 142 : i32
      %sub3A_1366 = vector.broadcast %sub3A_1365 : i32 to vector<4x16x8x128xi32>
      %sub3A_1367 = arith.subi %sub3A_1366, %shift_right_logical3A_1348 : vector<4x16x8x128xi32>
      %add3A_1368 = arith.addi %sub3A_1367, %select_n3A_1364 : vector<4x16x8x128xi32>
      %convert_element_type3A_1369 = arith.sitofp %add3A_1368 : vector<4x16x8x128xi32> to vector<4x16x8x128xf32>
      %mul3A_1370 = arith.constant 6.250000e-02 : f32
      %mul3A_1371 = vector.broadcast %mul3A_1370 : f32 to vector<4x16x8x128xf32>
      %mul3A_1372 = arith.mulf %convert_element_type3A_1369, %mul3A_1371 : vector<4x16x8x128xf32>
      %mul3A_1373 = vector.broadcast %broadcast_in_dim3A_1338 : vector<4x1x8x1xf32> to vector<4x16x8x128xf32>
      %mul3A_1374 = arith.mulf %mul3A_1372, %mul3A_1373 : vector<4x16x8x128xf32>
      %slice3A_1375 = vector.extract_strided_slice %transpose3A_130 {offsets = [0, 0, 0, 11], sizes = [4, 16, 8, 1], strides = [1, 1, 1, 1]} : vector<4x16x8x16xf32> to vector<4x16x8x1xf32>
      %slice3A_1376 = vector.extract_strided_slice %get3A_119 {offsets = [0, 0, 11], sizes = [4, 16, 1], strides = [1, 1, 1]} : vector<4x16x16xf32> to vector<4x16x1xf32>
      %squeeze3A_1377 = vector.shape_cast %slice3A_1376 : vector<4x16x1xf32> to vector<4x16xf32>
      %broadcast_in_dim3A_1378 = vector.shape_cast %squeeze3A_1377 : vector<4x16xf32> to vector<4x16x1x1xf32>
      %add3A_1379 = vector.broadcast %slice3A_1375 : vector<4x16x8x1xf32> to vector<4x16x8x128xf32>
      %add3A_1380 = arith.addf %mul3A_1374, %add3A_1379 : vector<4x16x8x128xf32>
      %sub3A_1381 = vector.broadcast %broadcast_in_dim3A_1378 : vector<4x16x1x1xf32> to vector<4x16x8x128xf32>
      %sub3A_1382 = arith.subf %add3A_1380, %sub3A_1381 : vector<4x16x8x128xf32>
      %abs3A_1383 = math.absf %sub3A_1382 : vector<4x16x8x128xf32>
      %add3A_1384 = arith.addf %add3A_1275, %abs3A_1383 : vector<4x16x8x128xf32>
      %mul3A_1385 = arith.mulf %mul3A_1374, %select_n3A_115 : vector<4x16x8x128xf32>
      %add3A_1386 = vector.broadcast %slice3A_1375 : vector<4x16x8x1xf32> to vector<4x16x8x128xf32>
      %add3A_1387 = arith.addf %mul3A_1385, %add3A_1386 : vector<4x16x8x128xf32>
      %sub3A_1388 = vector.broadcast %broadcast_in_dim3A_1378 : vector<4x16x1x1xf32> to vector<4x16x8x128xf32>
      %sub3A_1389 = arith.subf %add3A_1387, %sub3A_1388 : vector<4x16x8x128xf32>
      %abs3A_1390 = math.absf %sub3A_1389 : vector<4x16x8x128xf32>
      %add3A_1391 = arith.addf %add3A_1282, %abs3A_1390 : vector<4x16x8x128xf32>
      %slice3A_1392 = vector.extract_strided_slice %transpose3A {offsets = [0, 0, 11], sizes = [4, 8, 1], strides = [1, 1, 1]} : vector<4x8x16xi32> to vector<4x8x1xi32>
      %squeeze3A_1393 = vector.shape_cast %slice3A_1392 : vector<4x8x1xi32> to vector<4x8xi32>
      %broadcast_in_dim3A_1394 = vector.shape_cast %squeeze3A_1393 : vector<4x8xi32> to vector<4x1x8xi32>
      %xor3A_1395 = vector.broadcast %broadcast_in_dim3A_1394 : vector<4x1x8xi32> to vector<4x16x8xi32>
      %xor3A_1396 = arith.xori %abs3A, %xor3A_1395 : vector<4x16x8xi32>
      %add3A_1397 = arith.constant 1 : i32
      %add3A_1398 = vector.broadcast %add3A_1397 : i32 to vector<4x16x8xi32>
      %add3A_1399 = arith.addi %xor3A_1396, %add3A_1398 : vector<4x16x8xi32>
      %convert_element_type3A_1400 = arith.sitofp %add3A_1399 : vector<4x16x8xi32> to vector<4x16x8xf32>
      %bitcast_convert_type3A_1401 = tpu.bitcast %convert_element_type3A_1400 : vector<4x16x8xf32> -> vector<4x16x8xi32>
      %shift_right_logical3A_1402 = arith.constant 23 : i32
      %shift_right_logical3A_1403 = vector.broadcast %shift_right_logical3A_1402 : i32 to vector<4x16x8xi32>
      %shift_right_logical3A_1404 = arith.shrui %bitcast_convert_type3A_1401, %shift_right_logical3A_1403 : vector<4x16x8xi32>
      %and3A_1405 = arith.andi %add3A_1399, %xor3A_1396 : vector<4x16x8xi32>
      %eq3A_1406 = arith.constant 0 : i32
      %eq3A_1407 = vector.broadcast %eq3A_1406 : i32 to vector<4x16x8xi32>
      %eq3A_1408 = arith.cmpi eq, %and3A_1405, %eq3A_1407 : vector<4x16x8xi32>
      %and3A_1409 = arith.constant 63688 : i32
      %and3A_1410 = vector.broadcast %and3A_1409 : i32 to vector<4x16x8xi32>
      %and3A_1411 = arith.andi %add3A_1399, %and3A_1410 : vector<4x16x8xi32>
      %ne3A_1412 = arith.constant 0 : i32
      %ne3A_1413 = vector.broadcast %ne3A_1412 : i32 to vector<4x16x8xi32>
      %ne3A_1414 = arith.cmpi ne, %and3A_1411, %ne3A_1413 : vector<4x16x8xi32>
      %and3A_1415 = arith.andi %eq3A_1408, %ne3A_1414 : vector<4x16x8xi1>
      %jit3A_1416 = arith.constant 1 : i32
      %jit3A_1417 = arith.constant 0 : i32
      %broadcast_in_dim3A_1418 = vector.broadcast %jit3A_1416 : i32 to vector<4x16x8xi32>
      %broadcast_in_dim3A_1419 = vector.broadcast %jit3A_1417 : i32 to vector<4x16x8xi32>
      %select_n3A_1420 = arith.select %and3A_1415, %broadcast_in_dim3A_1418, %broadcast_in_dim3A_1419 : vector<4x16x8xi1>, vector<4x16x8xi32>
      %sub3A_1421 = arith.constant 142 : i32
      %sub3A_1422 = vector.broadcast %sub3A_1421 : i32 to vector<4x16x8xi32>
      %sub3A_1423 = arith.subi %sub3A_1422, %shift_right_logical3A_1404 : vector<4x16x8xi32>
      %add3A_1424 = arith.addi %sub3A_1423, %select_n3A_1420 : vector<4x16x8xi32>
      %convert_element_type3A_1425 = arith.sitofp %add3A_1424 : vector<4x16x8xi32> to vector<4x16x8xf32>
      %mul3A_1426 = arith.constant 6.250000e-02 : f32
      %mul3A_1427 = vector.broadcast %mul3A_1426 : f32 to vector<4x16x8xf32>
      %mul3A_1428 = arith.mulf %convert_element_type3A_1425, %mul3A_1427 : vector<4x16x8xf32>
      %slice3A_1429 = vector.extract_strided_slice %mul3A_123 {offsets = [0, 0, 11], sizes = [4, 8, 1], strides = [1, 1, 1]} : vector<4x8x16xf32> to vector<4x8x1xf32>
      %squeeze3A_1430 = vector.shape_cast %slice3A_1429 : vector<4x8x1xf32> to vector<4x8xf32>
      %broadcast_in_dim3A_1431 = vector.shape_cast %squeeze3A_1430 : vector<4x8xf32> to vector<4x1x8xf32>
      %mul3A_1432 = vector.broadcast %broadcast_in_dim3A_1431 : vector<4x1x8xf32> to vector<4x16x8xf32>
      %mul3A_1433 = arith.mulf %mul3A_1428, %mul3A_1432 : vector<4x16x8xf32>
      %slice3A_1434 = vector.extract_strided_slice %transpose3A_130 {offsets = [0, 0, 0, 11], sizes = [4, 16, 8, 1], strides = [1, 1, 1, 1]} : vector<4x16x8x16xf32> to vector<4x16x8x1xf32>
      %squeeze3A_1435 = vector.shape_cast %slice3A_1434 : vector<4x16x8x1xf32> to vector<4x16x8xf32>
      %add3A_1436 = arith.addf %mul3A_1433, %squeeze3A_1435 : vector<4x16x8xf32>
      %slice3A_1437 = vector.extract_strided_slice %get3A_119 {offsets = [0, 0, 11], sizes = [4, 16, 1], strides = [1, 1, 1]} : vector<4x16x16xf32> to vector<4x16x1xf32>
      %squeeze3A_1438 = vector.shape_cast %slice3A_1437 : vector<4x16x1xf32> to vector<4x16xf32>
      %broadcast_in_dim3A_1439 = vector.shape_cast %squeeze3A_1438 : vector<4x16xf32> to vector<4x16x1xf32>
      %sub3A_1440 = vector.broadcast %broadcast_in_dim3A_1439 : vector<4x16x1xf32> to vector<4x16x8xf32>
      %sub3A_1441 = arith.subf %add3A_1436, %sub3A_1440 : vector<4x16x8xf32>
      %abs3A_1442 = math.absf %sub3A_1441 : vector<4x16x8xf32>
      %add3A_1443 = arith.addf %add3A_1334, %abs3A_1442 : vector<4x16x8xf32>
      %slice3A_1444 = vector.extract_strided_slice %transpose3A {offsets = [0, 0, 12], sizes = [4, 8, 1], strides = [1, 1, 1]} : vector<4x8x16xi32> to vector<4x8x1xi32>
      %broadcast_in_dim3A_1445 = vector.shape_cast %slice3A_1444 : vector<4x8x1xi32> to vector<4x1x8x1xi32>
      %slice3A_1446 = vector.extract_strided_slice %mul3A_123 {offsets = [0, 0, 12], sizes = [4, 8, 1], strides = [1, 1, 1]} : vector<4x8x16xf32> to vector<4x8x1xf32>
      %broadcast_in_dim3A_1447 = vector.shape_cast %slice3A_1446 : vector<4x8x1xf32> to vector<4x1x8x1xf32>
      %xor3A_1448 = vector.broadcast %broadcast_in_dim3A_1445 : vector<4x1x8x1xi32> to vector<4x16x8x128xi32>
      %xor3A_1449 = arith.xori %xor3A_107, %xor3A_1448 : vector<4x16x8x128xi32>
      %add3A_1450 = arith.constant 1 : i32
      %add3A_1451 = vector.broadcast %add3A_1450 : i32 to vector<4x16x8x128xi32>
      %add3A_1452 = arith.addi %xor3A_1449, %add3A_1451 : vector<4x16x8x128xi32>
      %convert_element_type3A_1453 = arith.sitofp %add3A_1452 : vector<4x16x8x128xi32> to vector<4x16x8x128xf32>
      %bitcast_convert_type3A_1454 = tpu.bitcast %convert_element_type3A_1453 : vector<4x16x8x128xf32> -> vector<4x16x8x128xi32>
      %shift_right_logical3A_1455 = arith.constant 23 : i32
      %shift_right_logical3A_1456 = vector.broadcast %shift_right_logical3A_1455 : i32 to vector<4x16x8x128xi32>
      %shift_right_logical3A_1457 = arith.shrui %bitcast_convert_type3A_1454, %shift_right_logical3A_1456 : vector<4x16x8x128xi32>
      %and3A_1458 = arith.andi %add3A_1452, %xor3A_1449 : vector<4x16x8x128xi32>
      %eq3A_1459 = arith.constant 0 : i32
      %eq3A_1460 = vector.broadcast %eq3A_1459 : i32 to vector<4x16x8x128xi32>
      %eq3A_1461 = arith.cmpi eq, %and3A_1458, %eq3A_1460 : vector<4x16x8x128xi32>
      %and3A_1462 = arith.constant 63688 : i32
      %and3A_1463 = vector.broadcast %and3A_1462 : i32 to vector<4x16x8x128xi32>
      %and3A_1464 = arith.andi %add3A_1452, %and3A_1463 : vector<4x16x8x128xi32>
      %ne3A_1465 = arith.constant 0 : i32
      %ne3A_1466 = vector.broadcast %ne3A_1465 : i32 to vector<4x16x8x128xi32>
      %ne3A_1467 = arith.cmpi ne, %and3A_1464, %ne3A_1466 : vector<4x16x8x128xi32>
      %and3A_1468 = arith.andi %eq3A_1461, %ne3A_1467 : vector<4x16x8x128xi1>
      %jit3A_1469 = arith.constant 1 : i32
      %jit3A_1470 = arith.constant 0 : i32
      %broadcast_in_dim3A_1471 = vector.broadcast %jit3A_1469 : i32 to vector<4x16x8x128xi32>
      %broadcast_in_dim3A_1472 = vector.broadcast %jit3A_1470 : i32 to vector<4x16x8x128xi32>
      %select_n3A_1473 = arith.select %and3A_1468, %broadcast_in_dim3A_1471, %broadcast_in_dim3A_1472 : vector<4x16x8x128xi1>, vector<4x16x8x128xi32>
      %sub3A_1474 = arith.constant 142 : i32
      %sub3A_1475 = vector.broadcast %sub3A_1474 : i32 to vector<4x16x8x128xi32>
      %sub3A_1476 = arith.subi %sub3A_1475, %shift_right_logical3A_1457 : vector<4x16x8x128xi32>
      %add3A_1477 = arith.addi %sub3A_1476, %select_n3A_1473 : vector<4x16x8x128xi32>
      %convert_element_type3A_1478 = arith.sitofp %add3A_1477 : vector<4x16x8x128xi32> to vector<4x16x8x128xf32>
      %mul3A_1479 = arith.constant 6.250000e-02 : f32
      %mul3A_1480 = vector.broadcast %mul3A_1479 : f32 to vector<4x16x8x128xf32>
      %mul3A_1481 = arith.mulf %convert_element_type3A_1478, %mul3A_1480 : vector<4x16x8x128xf32>
      %mul3A_1482 = vector.broadcast %broadcast_in_dim3A_1447 : vector<4x1x8x1xf32> to vector<4x16x8x128xf32>
      %mul3A_1483 = arith.mulf %mul3A_1481, %mul3A_1482 : vector<4x16x8x128xf32>
      %slice3A_1484 = vector.extract_strided_slice %transpose3A_130 {offsets = [0, 0, 0, 12], sizes = [4, 16, 8, 1], strides = [1, 1, 1, 1]} : vector<4x16x8x16xf32> to vector<4x16x8x1xf32>
      %slice3A_1485 = vector.extract_strided_slice %get3A_119 {offsets = [0, 0, 12], sizes = [4, 16, 1], strides = [1, 1, 1]} : vector<4x16x16xf32> to vector<4x16x1xf32>
      %squeeze3A_1486 = vector.shape_cast %slice3A_1485 : vector<4x16x1xf32> to vector<4x16xf32>
      %broadcast_in_dim3A_1487 = vector.shape_cast %squeeze3A_1486 : vector<4x16xf32> to vector<4x16x1x1xf32>
      %add3A_1488 = vector.broadcast %slice3A_1484 : vector<4x16x8x1xf32> to vector<4x16x8x128xf32>
      %add3A_1489 = arith.addf %mul3A_1483, %add3A_1488 : vector<4x16x8x128xf32>
      %sub3A_1490 = vector.broadcast %broadcast_in_dim3A_1487 : vector<4x16x1x1xf32> to vector<4x16x8x128xf32>
      %sub3A_1491 = arith.subf %add3A_1489, %sub3A_1490 : vector<4x16x8x128xf32>
      %abs3A_1492 = math.absf %sub3A_1491 : vector<4x16x8x128xf32>
      %add3A_1493 = arith.addf %add3A_1384, %abs3A_1492 : vector<4x16x8x128xf32>
      %mul3A_1494 = arith.mulf %mul3A_1483, %select_n3A_115 : vector<4x16x8x128xf32>
      %add3A_1495 = vector.broadcast %slice3A_1484 : vector<4x16x8x1xf32> to vector<4x16x8x128xf32>
      %add3A_1496 = arith.addf %mul3A_1494, %add3A_1495 : vector<4x16x8x128xf32>
      %sub3A_1497 = vector.broadcast %broadcast_in_dim3A_1487 : vector<4x16x1x1xf32> to vector<4x16x8x128xf32>
      %sub3A_1498 = arith.subf %add3A_1496, %sub3A_1497 : vector<4x16x8x128xf32>
      %abs3A_1499 = math.absf %sub3A_1498 : vector<4x16x8x128xf32>
      %add3A_1500 = arith.addf %add3A_1391, %abs3A_1499 : vector<4x16x8x128xf32>
      %slice3A_1501 = vector.extract_strided_slice %transpose3A {offsets = [0, 0, 12], sizes = [4, 8, 1], strides = [1, 1, 1]} : vector<4x8x16xi32> to vector<4x8x1xi32>
      %squeeze3A_1502 = vector.shape_cast %slice3A_1501 : vector<4x8x1xi32> to vector<4x8xi32>
      %broadcast_in_dim3A_1503 = vector.shape_cast %squeeze3A_1502 : vector<4x8xi32> to vector<4x1x8xi32>
      %xor3A_1504 = vector.broadcast %broadcast_in_dim3A_1503 : vector<4x1x8xi32> to vector<4x16x8xi32>
      %xor3A_1505 = arith.xori %abs3A, %xor3A_1504 : vector<4x16x8xi32>
      %add3A_1506 = arith.constant 1 : i32
      %add3A_1507 = vector.broadcast %add3A_1506 : i32 to vector<4x16x8xi32>
      %add3A_1508 = arith.addi %xor3A_1505, %add3A_1507 : vector<4x16x8xi32>
      %convert_element_type3A_1509 = arith.sitofp %add3A_1508 : vector<4x16x8xi32> to vector<4x16x8xf32>
      %bitcast_convert_type3A_1510 = tpu.bitcast %convert_element_type3A_1509 : vector<4x16x8xf32> -> vector<4x16x8xi32>
      %shift_right_logical3A_1511 = arith.constant 23 : i32
      %shift_right_logical3A_1512 = vector.broadcast %shift_right_logical3A_1511 : i32 to vector<4x16x8xi32>
      %shift_right_logical3A_1513 = arith.shrui %bitcast_convert_type3A_1510, %shift_right_logical3A_1512 : vector<4x16x8xi32>
      %and3A_1514 = arith.andi %add3A_1508, %xor3A_1505 : vector<4x16x8xi32>
      %eq3A_1515 = arith.constant 0 : i32
      %eq3A_1516 = vector.broadcast %eq3A_1515 : i32 to vector<4x16x8xi32>
      %eq3A_1517 = arith.cmpi eq, %and3A_1514, %eq3A_1516 : vector<4x16x8xi32>
      %and3A_1518 = arith.constant 63688 : i32
      %and3A_1519 = vector.broadcast %and3A_1518 : i32 to vector<4x16x8xi32>
      %and3A_1520 = arith.andi %add3A_1508, %and3A_1519 : vector<4x16x8xi32>
      %ne3A_1521 = arith.constant 0 : i32
      %ne3A_1522 = vector.broadcast %ne3A_1521 : i32 to vector<4x16x8xi32>
      %ne3A_1523 = arith.cmpi ne, %and3A_1520, %ne3A_1522 : vector<4x16x8xi32>
      %and3A_1524 = arith.andi %eq3A_1517, %ne3A_1523 : vector<4x16x8xi1>
      %jit3A_1525 = arith.constant 1 : i32
      %jit3A_1526 = arith.constant 0 : i32
      %broadcast_in_dim3A_1527 = vector.broadcast %jit3A_1525 : i32 to vector<4x16x8xi32>
      %broadcast_in_dim3A_1528 = vector.broadcast %jit3A_1526 : i32 to vector<4x16x8xi32>
      %select_n3A_1529 = arith.select %and3A_1524, %broadcast_in_dim3A_1527, %broadcast_in_dim3A_1528 : vector<4x16x8xi1>, vector<4x16x8xi32>
      %sub3A_1530 = arith.constant 142 : i32
      %sub3A_1531 = vector.broadcast %sub3A_1530 : i32 to vector<4x16x8xi32>
      %sub3A_1532 = arith.subi %sub3A_1531, %shift_right_logical3A_1513 : vector<4x16x8xi32>
      %add3A_1533 = arith.addi %sub3A_1532, %select_n3A_1529 : vector<4x16x8xi32>
      %convert_element_type3A_1534 = arith.sitofp %add3A_1533 : vector<4x16x8xi32> to vector<4x16x8xf32>
      %mul3A_1535 = arith.constant 6.250000e-02 : f32
      %mul3A_1536 = vector.broadcast %mul3A_1535 : f32 to vector<4x16x8xf32>
      %mul3A_1537 = arith.mulf %convert_element_type3A_1534, %mul3A_1536 : vector<4x16x8xf32>
      %slice3A_1538 = vector.extract_strided_slice %mul3A_123 {offsets = [0, 0, 12], sizes = [4, 8, 1], strides = [1, 1, 1]} : vector<4x8x16xf32> to vector<4x8x1xf32>
      %squeeze3A_1539 = vector.shape_cast %slice3A_1538 : vector<4x8x1xf32> to vector<4x8xf32>
      %broadcast_in_dim3A_1540 = vector.shape_cast %squeeze3A_1539 : vector<4x8xf32> to vector<4x1x8xf32>
      %mul3A_1541 = vector.broadcast %broadcast_in_dim3A_1540 : vector<4x1x8xf32> to vector<4x16x8xf32>
      %mul3A_1542 = arith.mulf %mul3A_1537, %mul3A_1541 : vector<4x16x8xf32>
      %slice3A_1543 = vector.extract_strided_slice %transpose3A_130 {offsets = [0, 0, 0, 12], sizes = [4, 16, 8, 1], strides = [1, 1, 1, 1]} : vector<4x16x8x16xf32> to vector<4x16x8x1xf32>
      %squeeze3A_1544 = vector.shape_cast %slice3A_1543 : vector<4x16x8x1xf32> to vector<4x16x8xf32>
      %add3A_1545 = arith.addf %mul3A_1542, %squeeze3A_1544 : vector<4x16x8xf32>
      %slice3A_1546 = vector.extract_strided_slice %get3A_119 {offsets = [0, 0, 12], sizes = [4, 16, 1], strides = [1, 1, 1]} : vector<4x16x16xf32> to vector<4x16x1xf32>
      %squeeze3A_1547 = vector.shape_cast %slice3A_1546 : vector<4x16x1xf32> to vector<4x16xf32>
      %broadcast_in_dim3A_1548 = vector.shape_cast %squeeze3A_1547 : vector<4x16xf32> to vector<4x16x1xf32>
      %sub3A_1549 = vector.broadcast %broadcast_in_dim3A_1548 : vector<4x16x1xf32> to vector<4x16x8xf32>
      %sub3A_1550 = arith.subf %add3A_1545, %sub3A_1549 : vector<4x16x8xf32>
      %abs3A_1551 = math.absf %sub3A_1550 : vector<4x16x8xf32>
      %add3A_1552 = arith.addf %add3A_1443, %abs3A_1551 : vector<4x16x8xf32>
      %slice3A_1553 = vector.extract_strided_slice %transpose3A {offsets = [0, 0, 13], sizes = [4, 8, 1], strides = [1, 1, 1]} : vector<4x8x16xi32> to vector<4x8x1xi32>
      %broadcast_in_dim3A_1554 = vector.shape_cast %slice3A_1553 : vector<4x8x1xi32> to vector<4x1x8x1xi32>
      %slice3A_1555 = vector.extract_strided_slice %mul3A_123 {offsets = [0, 0, 13], sizes = [4, 8, 1], strides = [1, 1, 1]} : vector<4x8x16xf32> to vector<4x8x1xf32>
      %broadcast_in_dim3A_1556 = vector.shape_cast %slice3A_1555 : vector<4x8x1xf32> to vector<4x1x8x1xf32>
      %xor3A_1557 = vector.broadcast %broadcast_in_dim3A_1554 : vector<4x1x8x1xi32> to vector<4x16x8x128xi32>
      %xor3A_1558 = arith.xori %xor3A_107, %xor3A_1557 : vector<4x16x8x128xi32>
      %add3A_1559 = arith.constant 1 : i32
      %add3A_1560 = vector.broadcast %add3A_1559 : i32 to vector<4x16x8x128xi32>
      %add3A_1561 = arith.addi %xor3A_1558, %add3A_1560 : vector<4x16x8x128xi32>
      %convert_element_type3A_1562 = arith.sitofp %add3A_1561 : vector<4x16x8x128xi32> to vector<4x16x8x128xf32>
      %bitcast_convert_type3A_1563 = tpu.bitcast %convert_element_type3A_1562 : vector<4x16x8x128xf32> -> vector<4x16x8x128xi32>
      %shift_right_logical3A_1564 = arith.constant 23 : i32
      %shift_right_logical3A_1565 = vector.broadcast %shift_right_logical3A_1564 : i32 to vector<4x16x8x128xi32>
      %shift_right_logical3A_1566 = arith.shrui %bitcast_convert_type3A_1563, %shift_right_logical3A_1565 : vector<4x16x8x128xi32>
      %and3A_1567 = arith.andi %add3A_1561, %xor3A_1558 : vector<4x16x8x128xi32>
      %eq3A_1568 = arith.constant 0 : i32
      %eq3A_1569 = vector.broadcast %eq3A_1568 : i32 to vector<4x16x8x128xi32>
      %eq3A_1570 = arith.cmpi eq, %and3A_1567, %eq3A_1569 : vector<4x16x8x128xi32>
      %and3A_1571 = arith.constant 63688 : i32
      %and3A_1572 = vector.broadcast %and3A_1571 : i32 to vector<4x16x8x128xi32>
      %and3A_1573 = arith.andi %add3A_1561, %and3A_1572 : vector<4x16x8x128xi32>
      %ne3A_1574 = arith.constant 0 : i32
      %ne3A_1575 = vector.broadcast %ne3A_1574 : i32 to vector<4x16x8x128xi32>
      %ne3A_1576 = arith.cmpi ne, %and3A_1573, %ne3A_1575 : vector<4x16x8x128xi32>
      %and3A_1577 = arith.andi %eq3A_1570, %ne3A_1576 : vector<4x16x8x128xi1>
      %jit3A_1578 = arith.constant 1 : i32
      %jit3A_1579 = arith.constant 0 : i32
      %broadcast_in_dim3A_1580 = vector.broadcast %jit3A_1578 : i32 to vector<4x16x8x128xi32>
      %broadcast_in_dim3A_1581 = vector.broadcast %jit3A_1579 : i32 to vector<4x16x8x128xi32>
      %select_n3A_1582 = arith.select %and3A_1577, %broadcast_in_dim3A_1580, %broadcast_in_dim3A_1581 : vector<4x16x8x128xi1>, vector<4x16x8x128xi32>
      %sub3A_1583 = arith.constant 142 : i32
      %sub3A_1584 = vector.broadcast %sub3A_1583 : i32 to vector<4x16x8x128xi32>
      %sub3A_1585 = arith.subi %sub3A_1584, %shift_right_logical3A_1566 : vector<4x16x8x128xi32>
      %add3A_1586 = arith.addi %sub3A_1585, %select_n3A_1582 : vector<4x16x8x128xi32>
      %convert_element_type3A_1587 = arith.sitofp %add3A_1586 : vector<4x16x8x128xi32> to vector<4x16x8x128xf32>
      %mul3A_1588 = arith.constant 6.250000e-02 : f32
      %mul3A_1589 = vector.broadcast %mul3A_1588 : f32 to vector<4x16x8x128xf32>
      %mul3A_1590 = arith.mulf %convert_element_type3A_1587, %mul3A_1589 : vector<4x16x8x128xf32>
      %mul3A_1591 = vector.broadcast %broadcast_in_dim3A_1556 : vector<4x1x8x1xf32> to vector<4x16x8x128xf32>
      %mul3A_1592 = arith.mulf %mul3A_1590, %mul3A_1591 : vector<4x16x8x128xf32>
      %slice3A_1593 = vector.extract_strided_slice %transpose3A_130 {offsets = [0, 0, 0, 13], sizes = [4, 16, 8, 1], strides = [1, 1, 1, 1]} : vector<4x16x8x16xf32> to vector<4x16x8x1xf32>
      %slice3A_1594 = vector.extract_strided_slice %get3A_119 {offsets = [0, 0, 13], sizes = [4, 16, 1], strides = [1, 1, 1]} : vector<4x16x16xf32> to vector<4x16x1xf32>
      %squeeze3A_1595 = vector.shape_cast %slice3A_1594 : vector<4x16x1xf32> to vector<4x16xf32>
      %broadcast_in_dim3A_1596 = vector.shape_cast %squeeze3A_1595 : vector<4x16xf32> to vector<4x16x1x1xf32>
      %add3A_1597 = vector.broadcast %slice3A_1593 : vector<4x16x8x1xf32> to vector<4x16x8x128xf32>
      %add3A_1598 = arith.addf %mul3A_1592, %add3A_1597 : vector<4x16x8x128xf32>
      %sub3A_1599 = vector.broadcast %broadcast_in_dim3A_1596 : vector<4x16x1x1xf32> to vector<4x16x8x128xf32>
      %sub3A_1600 = arith.subf %add3A_1598, %sub3A_1599 : vector<4x16x8x128xf32>
      %abs3A_1601 = math.absf %sub3A_1600 : vector<4x16x8x128xf32>
      %add3A_1602 = arith.addf %add3A_1493, %abs3A_1601 : vector<4x16x8x128xf32>
      %mul3A_1603 = arith.mulf %mul3A_1592, %select_n3A_115 : vector<4x16x8x128xf32>
      %add3A_1604 = vector.broadcast %slice3A_1593 : vector<4x16x8x1xf32> to vector<4x16x8x128xf32>
      %add3A_1605 = arith.addf %mul3A_1603, %add3A_1604 : vector<4x16x8x128xf32>
      %sub3A_1606 = vector.broadcast %broadcast_in_dim3A_1596 : vector<4x16x1x1xf32> to vector<4x16x8x128xf32>
      %sub3A_1607 = arith.subf %add3A_1605, %sub3A_1606 : vector<4x16x8x128xf32>
      %abs3A_1608 = math.absf %sub3A_1607 : vector<4x16x8x128xf32>
      %add3A_1609 = arith.addf %add3A_1500, %abs3A_1608 : vector<4x16x8x128xf32>
      %slice3A_1610 = vector.extract_strided_slice %transpose3A {offsets = [0, 0, 13], sizes = [4, 8, 1], strides = [1, 1, 1]} : vector<4x8x16xi32> to vector<4x8x1xi32>
      %squeeze3A_1611 = vector.shape_cast %slice3A_1610 : vector<4x8x1xi32> to vector<4x8xi32>
      %broadcast_in_dim3A_1612 = vector.shape_cast %squeeze3A_1611 : vector<4x8xi32> to vector<4x1x8xi32>
      %xor3A_1613 = vector.broadcast %broadcast_in_dim3A_1612 : vector<4x1x8xi32> to vector<4x16x8xi32>
      %xor3A_1614 = arith.xori %abs3A, %xor3A_1613 : vector<4x16x8xi32>
      %add3A_1615 = arith.constant 1 : i32
      %add3A_1616 = vector.broadcast %add3A_1615 : i32 to vector<4x16x8xi32>
      %add3A_1617 = arith.addi %xor3A_1614, %add3A_1616 : vector<4x16x8xi32>
      %convert_element_type3A_1618 = arith.sitofp %add3A_1617 : vector<4x16x8xi32> to vector<4x16x8xf32>
      %bitcast_convert_type3A_1619 = tpu.bitcast %convert_element_type3A_1618 : vector<4x16x8xf32> -> vector<4x16x8xi32>
      %shift_right_logical3A_1620 = arith.constant 23 : i32
      %shift_right_logical3A_1621 = vector.broadcast %shift_right_logical3A_1620 : i32 to vector<4x16x8xi32>
      %shift_right_logical3A_1622 = arith.shrui %bitcast_convert_type3A_1619, %shift_right_logical3A_1621 : vector<4x16x8xi32>
      %and3A_1623 = arith.andi %add3A_1617, %xor3A_1614 : vector<4x16x8xi32>
      %eq3A_1624 = arith.constant 0 : i32
      %eq3A_1625 = vector.broadcast %eq3A_1624 : i32 to vector<4x16x8xi32>
      %eq3A_1626 = arith.cmpi eq, %and3A_1623, %eq3A_1625 : vector<4x16x8xi32>
      %and3A_1627 = arith.constant 63688 : i32
      %and3A_1628 = vector.broadcast %and3A_1627 : i32 to vector<4x16x8xi32>
      %and3A_1629 = arith.andi %add3A_1617, %and3A_1628 : vector<4x16x8xi32>
      %ne3A_1630 = arith.constant 0 : i32
      %ne3A_1631 = vector.broadcast %ne3A_1630 : i32 to vector<4x16x8xi32>
      %ne3A_1632 = arith.cmpi ne, %and3A_1629, %ne3A_1631 : vector<4x16x8xi32>
      %and3A_1633 = arith.andi %eq3A_1626, %ne3A_1632 : vector<4x16x8xi1>
      %jit3A_1634 = arith.constant 1 : i32
      %jit3A_1635 = arith.constant 0 : i32
      %broadcast_in_dim3A_1636 = vector.broadcast %jit3A_1634 : i32 to vector<4x16x8xi32>
      %broadcast_in_dim3A_1637 = vector.broadcast %jit3A_1635 : i32 to vector<4x16x8xi32>
      %select_n3A_1638 = arith.select %and3A_1633, %broadcast_in_dim3A_1636, %broadcast_in_dim3A_1637 : vector<4x16x8xi1>, vector<4x16x8xi32>
      %sub3A_1639 = arith.constant 142 : i32
      %sub3A_1640 = vector.broadcast %sub3A_1639 : i32 to vector<4x16x8xi32>
      %sub3A_1641 = arith.subi %sub3A_1640, %shift_right_logical3A_1622 : vector<4x16x8xi32>
      %add3A_1642 = arith.addi %sub3A_1641, %select_n3A_1638 : vector<4x16x8xi32>
      %convert_element_type3A_1643 = arith.sitofp %add3A_1642 : vector<4x16x8xi32> to vector<4x16x8xf32>
      %mul3A_1644 = arith.constant 6.250000e-02 : f32
      %mul3A_1645 = vector.broadcast %mul3A_1644 : f32 to vector<4x16x8xf32>
      %mul3A_1646 = arith.mulf %convert_element_type3A_1643, %mul3A_1645 : vector<4x16x8xf32>
      %slice3A_1647 = vector.extract_strided_slice %mul3A_123 {offsets = [0, 0, 13], sizes = [4, 8, 1], strides = [1, 1, 1]} : vector<4x8x16xf32> to vector<4x8x1xf32>
      %squeeze3A_1648 = vector.shape_cast %slice3A_1647 : vector<4x8x1xf32> to vector<4x8xf32>
      %broadcast_in_dim3A_1649 = vector.shape_cast %squeeze3A_1648 : vector<4x8xf32> to vector<4x1x8xf32>
      %mul3A_1650 = vector.broadcast %broadcast_in_dim3A_1649 : vector<4x1x8xf32> to vector<4x16x8xf32>
      %mul3A_1651 = arith.mulf %mul3A_1646, %mul3A_1650 : vector<4x16x8xf32>
      %slice3A_1652 = vector.extract_strided_slice %transpose3A_130 {offsets = [0, 0, 0, 13], sizes = [4, 16, 8, 1], strides = [1, 1, 1, 1]} : vector<4x16x8x16xf32> to vector<4x16x8x1xf32>
      %squeeze3A_1653 = vector.shape_cast %slice3A_1652 : vector<4x16x8x1xf32> to vector<4x16x8xf32>
      %add3A_1654 = arith.addf %mul3A_1651, %squeeze3A_1653 : vector<4x16x8xf32>
      %slice3A_1655 = vector.extract_strided_slice %get3A_119 {offsets = [0, 0, 13], sizes = [4, 16, 1], strides = [1, 1, 1]} : vector<4x16x16xf32> to vector<4x16x1xf32>
      %squeeze3A_1656 = vector.shape_cast %slice3A_1655 : vector<4x16x1xf32> to vector<4x16xf32>
      %broadcast_in_dim3A_1657 = vector.shape_cast %squeeze3A_1656 : vector<4x16xf32> to vector<4x16x1xf32>
      %sub3A_1658 = vector.broadcast %broadcast_in_dim3A_1657 : vector<4x16x1xf32> to vector<4x16x8xf32>
      %sub3A_1659 = arith.subf %add3A_1654, %sub3A_1658 : vector<4x16x8xf32>
      %abs3A_1660 = math.absf %sub3A_1659 : vector<4x16x8xf32>
      %add3A_1661 = arith.addf %add3A_1552, %abs3A_1660 : vector<4x16x8xf32>
      %slice3A_1662 = vector.extract_strided_slice %transpose3A {offsets = [0, 0, 14], sizes = [4, 8, 1], strides = [1, 1, 1]} : vector<4x8x16xi32> to vector<4x8x1xi32>
      %broadcast_in_dim3A_1663 = vector.shape_cast %slice3A_1662 : vector<4x8x1xi32> to vector<4x1x8x1xi32>
      %slice3A_1664 = vector.extract_strided_slice %mul3A_123 {offsets = [0, 0, 14], sizes = [4, 8, 1], strides = [1, 1, 1]} : vector<4x8x16xf32> to vector<4x8x1xf32>
      %broadcast_in_dim3A_1665 = vector.shape_cast %slice3A_1664 : vector<4x8x1xf32> to vector<4x1x8x1xf32>
      %xor3A_1666 = vector.broadcast %broadcast_in_dim3A_1663 : vector<4x1x8x1xi32> to vector<4x16x8x128xi32>
      %xor3A_1667 = arith.xori %xor3A_107, %xor3A_1666 : vector<4x16x8x128xi32>
      %add3A_1668 = arith.constant 1 : i32
      %add3A_1669 = vector.broadcast %add3A_1668 : i32 to vector<4x16x8x128xi32>
      %add3A_1670 = arith.addi %xor3A_1667, %add3A_1669 : vector<4x16x8x128xi32>
      %convert_element_type3A_1671 = arith.sitofp %add3A_1670 : vector<4x16x8x128xi32> to vector<4x16x8x128xf32>
      %bitcast_convert_type3A_1672 = tpu.bitcast %convert_element_type3A_1671 : vector<4x16x8x128xf32> -> vector<4x16x8x128xi32>
      %shift_right_logical3A_1673 = arith.constant 23 : i32
      %shift_right_logical3A_1674 = vector.broadcast %shift_right_logical3A_1673 : i32 to vector<4x16x8x128xi32>
      %shift_right_logical3A_1675 = arith.shrui %bitcast_convert_type3A_1672, %shift_right_logical3A_1674 : vector<4x16x8x128xi32>
      %and3A_1676 = arith.andi %add3A_1670, %xor3A_1667 : vector<4x16x8x128xi32>
      %eq3A_1677 = arith.constant 0 : i32
      %eq3A_1678 = vector.broadcast %eq3A_1677 : i32 to vector<4x16x8x128xi32>
      %eq3A_1679 = arith.cmpi eq, %and3A_1676, %eq3A_1678 : vector<4x16x8x128xi32>
      %and3A_1680 = arith.constant 63688 : i32
      %and3A_1681 = vector.broadcast %and3A_1680 : i32 to vector<4x16x8x128xi32>
      %and3A_1682 = arith.andi %add3A_1670, %and3A_1681 : vector<4x16x8x128xi32>
      %ne3A_1683 = arith.constant 0 : i32
      %ne3A_1684 = vector.broadcast %ne3A_1683 : i32 to vector<4x16x8x128xi32>
      %ne3A_1685 = arith.cmpi ne, %and3A_1682, %ne3A_1684 : vector<4x16x8x128xi32>
      %and3A_1686 = arith.andi %eq3A_1679, %ne3A_1685 : vector<4x16x8x128xi1>
      %jit3A_1687 = arith.constant 1 : i32
      %jit3A_1688 = arith.constant 0 : i32
      %broadcast_in_dim3A_1689 = vector.broadcast %jit3A_1687 : i32 to vector<4x16x8x128xi32>
      %broadcast_in_dim3A_1690 = vector.broadcast %jit3A_1688 : i32 to vector<4x16x8x128xi32>
      %select_n3A_1691 = arith.select %and3A_1686, %broadcast_in_dim3A_1689, %broadcast_in_dim3A_1690 : vector<4x16x8x128xi1>, vector<4x16x8x128xi32>
      %sub3A_1692 = arith.constant 142 : i32
      %sub3A_1693 = vector.broadcast %sub3A_1692 : i32 to vector<4x16x8x128xi32>
      %sub3A_1694 = arith.subi %sub3A_1693, %shift_right_logical3A_1675 : vector<4x16x8x128xi32>
      %add3A_1695 = arith.addi %sub3A_1694, %select_n3A_1691 : vector<4x16x8x128xi32>
      %convert_element_type3A_1696 = arith.sitofp %add3A_1695 : vector<4x16x8x128xi32> to vector<4x16x8x128xf32>
      %mul3A_1697 = arith.constant 6.250000e-02 : f32
      %mul3A_1698 = vector.broadcast %mul3A_1697 : f32 to vector<4x16x8x128xf32>
      %mul3A_1699 = arith.mulf %convert_element_type3A_1696, %mul3A_1698 : vector<4x16x8x128xf32>
      %mul3A_1700 = vector.broadcast %broadcast_in_dim3A_1665 : vector<4x1x8x1xf32> to vector<4x16x8x128xf32>
      %mul3A_1701 = arith.mulf %mul3A_1699, %mul3A_1700 : vector<4x16x8x128xf32>
      %slice3A_1702 = vector.extract_strided_slice %transpose3A_130 {offsets = [0, 0, 0, 14], sizes = [4, 16, 8, 1], strides = [1, 1, 1, 1]} : vector<4x16x8x16xf32> to vector<4x16x8x1xf32>
      %slice3A_1703 = vector.extract_strided_slice %get3A_119 {offsets = [0, 0, 14], sizes = [4, 16, 1], strides = [1, 1, 1]} : vector<4x16x16xf32> to vector<4x16x1xf32>
      %squeeze3A_1704 = vector.shape_cast %slice3A_1703 : vector<4x16x1xf32> to vector<4x16xf32>
      %broadcast_in_dim3A_1705 = vector.shape_cast %squeeze3A_1704 : vector<4x16xf32> to vector<4x16x1x1xf32>
      %add3A_1706 = vector.broadcast %slice3A_1702 : vector<4x16x8x1xf32> to vector<4x16x8x128xf32>
      %add3A_1707 = arith.addf %mul3A_1701, %add3A_1706 : vector<4x16x8x128xf32>
      %sub3A_1708 = vector.broadcast %broadcast_in_dim3A_1705 : vector<4x16x1x1xf32> to vector<4x16x8x128xf32>
      %sub3A_1709 = arith.subf %add3A_1707, %sub3A_1708 : vector<4x16x8x128xf32>
      %abs3A_1710 = math.absf %sub3A_1709 : vector<4x16x8x128xf32>
      %add3A_1711 = arith.addf %add3A_1602, %abs3A_1710 : vector<4x16x8x128xf32>
      %mul3A_1712 = arith.mulf %mul3A_1701, %select_n3A_115 : vector<4x16x8x128xf32>
      %add3A_1713 = vector.broadcast %slice3A_1702 : vector<4x16x8x1xf32> to vector<4x16x8x128xf32>
      %add3A_1714 = arith.addf %mul3A_1712, %add3A_1713 : vector<4x16x8x128xf32>
      %sub3A_1715 = vector.broadcast %broadcast_in_dim3A_1705 : vector<4x16x1x1xf32> to vector<4x16x8x128xf32>
      %sub3A_1716 = arith.subf %add3A_1714, %sub3A_1715 : vector<4x16x8x128xf32>
      %abs3A_1717 = math.absf %sub3A_1716 : vector<4x16x8x128xf32>
      %add3A_1718 = arith.addf %add3A_1609, %abs3A_1717 : vector<4x16x8x128xf32>
      %slice3A_1719 = vector.extract_strided_slice %transpose3A {offsets = [0, 0, 14], sizes = [4, 8, 1], strides = [1, 1, 1]} : vector<4x8x16xi32> to vector<4x8x1xi32>
      %squeeze3A_1720 = vector.shape_cast %slice3A_1719 : vector<4x8x1xi32> to vector<4x8xi32>
      %broadcast_in_dim3A_1721 = vector.shape_cast %squeeze3A_1720 : vector<4x8xi32> to vector<4x1x8xi32>
      %xor3A_1722 = vector.broadcast %broadcast_in_dim3A_1721 : vector<4x1x8xi32> to vector<4x16x8xi32>
      %xor3A_1723 = arith.xori %abs3A, %xor3A_1722 : vector<4x16x8xi32>
      %add3A_1724 = arith.constant 1 : i32
      %add3A_1725 = vector.broadcast %add3A_1724 : i32 to vector<4x16x8xi32>
      %add3A_1726 = arith.addi %xor3A_1723, %add3A_1725 : vector<4x16x8xi32>
      %convert_element_type3A_1727 = arith.sitofp %add3A_1726 : vector<4x16x8xi32> to vector<4x16x8xf32>
      %bitcast_convert_type3A_1728 = tpu.bitcast %convert_element_type3A_1727 : vector<4x16x8xf32> -> vector<4x16x8xi32>
      %shift_right_logical3A_1729 = arith.constant 23 : i32
      %shift_right_logical3A_1730 = vector.broadcast %shift_right_logical3A_1729 : i32 to vector<4x16x8xi32>
      %shift_right_logical3A_1731 = arith.shrui %bitcast_convert_type3A_1728, %shift_right_logical3A_1730 : vector<4x16x8xi32>
      %and3A_1732 = arith.andi %add3A_1726, %xor3A_1723 : vector<4x16x8xi32>
      %eq3A_1733 = arith.constant 0 : i32
      %eq3A_1734 = vector.broadcast %eq3A_1733 : i32 to vector<4x16x8xi32>
      %eq3A_1735 = arith.cmpi eq, %and3A_1732, %eq3A_1734 : vector<4x16x8xi32>
      %and3A_1736 = arith.constant 63688 : i32
      %and3A_1737 = vector.broadcast %and3A_1736 : i32 to vector<4x16x8xi32>
      %and3A_1738 = arith.andi %add3A_1726, %and3A_1737 : vector<4x16x8xi32>
      %ne3A_1739 = arith.constant 0 : i32
      %ne3A_1740 = vector.broadcast %ne3A_1739 : i32 to vector<4x16x8xi32>
      %ne3A_1741 = arith.cmpi ne, %and3A_1738, %ne3A_1740 : vector<4x16x8xi32>
      %and3A_1742 = arith.andi %eq3A_1735, %ne3A_1741 : vector<4x16x8xi1>
      %jit3A_1743 = arith.constant 1 : i32
      %jit3A_1744 = arith.constant 0 : i32
      %broadcast_in_dim3A_1745 = vector.broadcast %jit3A_1743 : i32 to vector<4x16x8xi32>
      %broadcast_in_dim3A_1746 = vector.broadcast %jit3A_1744 : i32 to vector<4x16x8xi32>
      %select_n3A_1747 = arith.select %and3A_1742, %broadcast_in_dim3A_1745, %broadcast_in_dim3A_1746 : vector<4x16x8xi1>, vector<4x16x8xi32>
      %sub3A_1748 = arith.constant 142 : i32
      %sub3A_1749 = vector.broadcast %sub3A_1748 : i32 to vector<4x16x8xi32>
      %sub3A_1750 = arith.subi %sub3A_1749, %shift_right_logical3A_1731 : vector<4x16x8xi32>
      %add3A_1751 = arith.addi %sub3A_1750, %select_n3A_1747 : vector<4x16x8xi32>
      %convert_element_type3A_1752 = arith.sitofp %add3A_1751 : vector<4x16x8xi32> to vector<4x16x8xf32>
      %mul3A_1753 = arith.constant 6.250000e-02 : f32
      %mul3A_1754 = vector.broadcast %mul3A_1753 : f32 to vector<4x16x8xf32>
      %mul3A_1755 = arith.mulf %convert_element_type3A_1752, %mul3A_1754 : vector<4x16x8xf32>
      %slice3A_1756 = vector.extract_strided_slice %mul3A_123 {offsets = [0, 0, 14], sizes = [4, 8, 1], strides = [1, 1, 1]} : vector<4x8x16xf32> to vector<4x8x1xf32>
      %squeeze3A_1757 = vector.shape_cast %slice3A_1756 : vector<4x8x1xf32> to vector<4x8xf32>
      %broadcast_in_dim3A_1758 = vector.shape_cast %squeeze3A_1757 : vector<4x8xf32> to vector<4x1x8xf32>
      %mul3A_1759 = vector.broadcast %broadcast_in_dim3A_1758 : vector<4x1x8xf32> to vector<4x16x8xf32>
      %mul3A_1760 = arith.mulf %mul3A_1755, %mul3A_1759 : vector<4x16x8xf32>
      %slice3A_1761 = vector.extract_strided_slice %transpose3A_130 {offsets = [0, 0, 0, 14], sizes = [4, 16, 8, 1], strides = [1, 1, 1, 1]} : vector<4x16x8x16xf32> to vector<4x16x8x1xf32>
      %squeeze3A_1762 = vector.shape_cast %slice3A_1761 : vector<4x16x8x1xf32> to vector<4x16x8xf32>
      %add3A_1763 = arith.addf %mul3A_1760, %squeeze3A_1762 : vector<4x16x8xf32>
      %slice3A_1764 = vector.extract_strided_slice %get3A_119 {offsets = [0, 0, 14], sizes = [4, 16, 1], strides = [1, 1, 1]} : vector<4x16x16xf32> to vector<4x16x1xf32>
      %squeeze3A_1765 = vector.shape_cast %slice3A_1764 : vector<4x16x1xf32> to vector<4x16xf32>
      %broadcast_in_dim3A_1766 = vector.shape_cast %squeeze3A_1765 : vector<4x16xf32> to vector<4x16x1xf32>
      %sub3A_1767 = vector.broadcast %broadcast_in_dim3A_1766 : vector<4x16x1xf32> to vector<4x16x8xf32>
      %sub3A_1768 = arith.subf %add3A_1763, %sub3A_1767 : vector<4x16x8xf32>
      %abs3A_1769 = math.absf %sub3A_1768 : vector<4x16x8xf32>
      %add3A_1770 = arith.addf %add3A_1661, %abs3A_1769 : vector<4x16x8xf32>
      %slice3A_1771 = vector.extract_strided_slice %transpose3A {offsets = [0, 0, 15], sizes = [4, 8, 1], strides = [1, 1, 1]} : vector<4x8x16xi32> to vector<4x8x1xi32>
      %broadcast_in_dim3A_1772 = vector.shape_cast %slice3A_1771 : vector<4x8x1xi32> to vector<4x1x8x1xi32>
      %slice3A_1773 = vector.extract_strided_slice %mul3A_123 {offsets = [0, 0, 15], sizes = [4, 8, 1], strides = [1, 1, 1]} : vector<4x8x16xf32> to vector<4x8x1xf32>
      %broadcast_in_dim3A_1774 = vector.shape_cast %slice3A_1773 : vector<4x8x1xf32> to vector<4x1x8x1xf32>
      %xor3A_1775 = vector.broadcast %broadcast_in_dim3A_1772 : vector<4x1x8x1xi32> to vector<4x16x8x128xi32>
      %xor3A_1776 = arith.xori %xor3A_107, %xor3A_1775 : vector<4x16x8x128xi32>
      %add3A_1777 = arith.constant 1 : i32
      %add3A_1778 = vector.broadcast %add3A_1777 : i32 to vector<4x16x8x128xi32>
      %add3A_1779 = arith.addi %xor3A_1776, %add3A_1778 : vector<4x16x8x128xi32>
      %convert_element_type3A_1780 = arith.sitofp %add3A_1779 : vector<4x16x8x128xi32> to vector<4x16x8x128xf32>
      %bitcast_convert_type3A_1781 = tpu.bitcast %convert_element_type3A_1780 : vector<4x16x8x128xf32> -> vector<4x16x8x128xi32>
      %shift_right_logical3A_1782 = arith.constant 23 : i32
      %shift_right_logical3A_1783 = vector.broadcast %shift_right_logical3A_1782 : i32 to vector<4x16x8x128xi32>
      %shift_right_logical3A_1784 = arith.shrui %bitcast_convert_type3A_1781, %shift_right_logical3A_1783 : vector<4x16x8x128xi32>
      %and3A_1785 = arith.andi %add3A_1779, %xor3A_1776 : vector<4x16x8x128xi32>
      %eq3A_1786 = arith.constant 0 : i32
      %eq3A_1787 = vector.broadcast %eq3A_1786 : i32 to vector<4x16x8x128xi32>
      %eq3A_1788 = arith.cmpi eq, %and3A_1785, %eq3A_1787 : vector<4x16x8x128xi32>
      %and3A_1789 = arith.constant 63688 : i32
      %and3A_1790 = vector.broadcast %and3A_1789 : i32 to vector<4x16x8x128xi32>
      %and3A_1791 = arith.andi %add3A_1779, %and3A_1790 : vector<4x16x8x128xi32>
      %ne3A_1792 = arith.constant 0 : i32
      %ne3A_1793 = vector.broadcast %ne3A_1792 : i32 to vector<4x16x8x128xi32>
      %ne3A_1794 = arith.cmpi ne, %and3A_1791, %ne3A_1793 : vector<4x16x8x128xi32>
      %and3A_1795 = arith.andi %eq3A_1788, %ne3A_1794 : vector<4x16x8x128xi1>
      %jit3A_1796 = arith.constant 1 : i32
      %jit3A_1797 = arith.constant 0 : i32
      %broadcast_in_dim3A_1798 = vector.broadcast %jit3A_1796 : i32 to vector<4x16x8x128xi32>
      %broadcast_in_dim3A_1799 = vector.broadcast %jit3A_1797 : i32 to vector<4x16x8x128xi32>
      %select_n3A_1800 = arith.select %and3A_1795, %broadcast_in_dim3A_1798, %broadcast_in_dim3A_1799 : vector<4x16x8x128xi1>, vector<4x16x8x128xi32>
      %sub3A_1801 = arith.constant 142 : i32
      %sub3A_1802 = vector.broadcast %sub3A_1801 : i32 to vector<4x16x8x128xi32>
      %sub3A_1803 = arith.subi %sub3A_1802, %shift_right_logical3A_1784 : vector<4x16x8x128xi32>
      %add3A_1804 = arith.addi %sub3A_1803, %select_n3A_1800 : vector<4x16x8x128xi32>
      %convert_element_type3A_1805 = arith.sitofp %add3A_1804 : vector<4x16x8x128xi32> to vector<4x16x8x128xf32>
      %mul3A_1806 = arith.constant 6.250000e-02 : f32
      %mul3A_1807 = vector.broadcast %mul3A_1806 : f32 to vector<4x16x8x128xf32>
      %mul3A_1808 = arith.mulf %convert_element_type3A_1805, %mul3A_1807 : vector<4x16x8x128xf32>
      %mul3A_1809 = vector.broadcast %broadcast_in_dim3A_1774 : vector<4x1x8x1xf32> to vector<4x16x8x128xf32>
      %mul3A_1810 = arith.mulf %mul3A_1808, %mul3A_1809 : vector<4x16x8x128xf32>
      %slice3A_1811 = vector.extract_strided_slice %transpose3A_130 {offsets = [0, 0, 0, 15], sizes = [4, 16, 8, 1], strides = [1, 1, 1, 1]} : vector<4x16x8x16xf32> to vector<4x16x8x1xf32>
      %slice3A_1812 = vector.extract_strided_slice %get3A_119 {offsets = [0, 0, 15], sizes = [4, 16, 1], strides = [1, 1, 1]} : vector<4x16x16xf32> to vector<4x16x1xf32>
      %squeeze3A_1813 = vector.shape_cast %slice3A_1812 : vector<4x16x1xf32> to vector<4x16xf32>
      %broadcast_in_dim3A_1814 = vector.shape_cast %squeeze3A_1813 : vector<4x16xf32> to vector<4x16x1x1xf32>
      %add3A_1815 = vector.broadcast %slice3A_1811 : vector<4x16x8x1xf32> to vector<4x16x8x128xf32>
      %add3A_1816 = arith.addf %mul3A_1810, %add3A_1815 : vector<4x16x8x128xf32>
      %sub3A_1817 = vector.broadcast %broadcast_in_dim3A_1814 : vector<4x16x1x1xf32> to vector<4x16x8x128xf32>
      %sub3A_1818 = arith.subf %add3A_1816, %sub3A_1817 : vector<4x16x8x128xf32>
      %abs3A_1819 = math.absf %sub3A_1818 : vector<4x16x8x128xf32>
      %add3A_1820 = arith.addf %add3A_1711, %abs3A_1819 : vector<4x16x8x128xf32>
      %mul3A_1821 = arith.mulf %mul3A_1810, %select_n3A_115 : vector<4x16x8x128xf32>
      %add3A_1822 = vector.broadcast %slice3A_1811 : vector<4x16x8x1xf32> to vector<4x16x8x128xf32>
      %add3A_1823 = arith.addf %mul3A_1821, %add3A_1822 : vector<4x16x8x128xf32>
      %sub3A_1824 = vector.broadcast %broadcast_in_dim3A_1814 : vector<4x16x1x1xf32> to vector<4x16x8x128xf32>
      %sub3A_1825 = arith.subf %add3A_1823, %sub3A_1824 : vector<4x16x8x128xf32>
      %abs3A_1826 = math.absf %sub3A_1825 : vector<4x16x8x128xf32>
      %add3A_1827 = arith.addf %add3A_1718, %abs3A_1826 : vector<4x16x8x128xf32>
      %slice3A_1828 = vector.extract_strided_slice %transpose3A {offsets = [0, 0, 15], sizes = [4, 8, 1], strides = [1, 1, 1]} : vector<4x8x16xi32> to vector<4x8x1xi32>
      %squeeze3A_1829 = vector.shape_cast %slice3A_1828 : vector<4x8x1xi32> to vector<4x8xi32>
      %broadcast_in_dim3A_1830 = vector.shape_cast %squeeze3A_1829 : vector<4x8xi32> to vector<4x1x8xi32>
      %xor3A_1831 = vector.broadcast %broadcast_in_dim3A_1830 : vector<4x1x8xi32> to vector<4x16x8xi32>
      %xor3A_1832 = arith.xori %abs3A, %xor3A_1831 : vector<4x16x8xi32>
      %add3A_1833 = arith.constant 1 : i32
      %add3A_1834 = vector.broadcast %add3A_1833 : i32 to vector<4x16x8xi32>
      %add3A_1835 = arith.addi %xor3A_1832, %add3A_1834 : vector<4x16x8xi32>
      %convert_element_type3A_1836 = arith.sitofp %add3A_1835 : vector<4x16x8xi32> to vector<4x16x8xf32>
      %bitcast_convert_type3A_1837 = tpu.bitcast %convert_element_type3A_1836 : vector<4x16x8xf32> -> vector<4x16x8xi32>
      %shift_right_logical3A_1838 = arith.constant 23 : i32
      %shift_right_logical3A_1839 = vector.broadcast %shift_right_logical3A_1838 : i32 to vector<4x16x8xi32>
      %shift_right_logical3A_1840 = arith.shrui %bitcast_convert_type3A_1837, %shift_right_logical3A_1839 : vector<4x16x8xi32>
      %and3A_1841 = arith.andi %add3A_1835, %xor3A_1832 : vector<4x16x8xi32>
      %eq3A_1842 = arith.constant 0 : i32
      %eq3A_1843 = vector.broadcast %eq3A_1842 : i32 to vector<4x16x8xi32>
      %eq3A_1844 = arith.cmpi eq, %and3A_1841, %eq3A_1843 : vector<4x16x8xi32>
      %and3A_1845 = arith.constant 63688 : i32
      %and3A_1846 = vector.broadcast %and3A_1845 : i32 to vector<4x16x8xi32>
      %and3A_1847 = arith.andi %add3A_1835, %and3A_1846 : vector<4x16x8xi32>
      %ne3A_1848 = arith.constant 0 : i32
      %ne3A_1849 = vector.broadcast %ne3A_1848 : i32 to vector<4x16x8xi32>
      %ne3A_1850 = arith.cmpi ne, %and3A_1847, %ne3A_1849 : vector<4x16x8xi32>
      %and3A_1851 = arith.andi %eq3A_1844, %ne3A_1850 : vector<4x16x8xi1>
      %jit3A_1852 = arith.constant 1 : i32
      %jit3A_1853 = arith.constant 0 : i32
      %broadcast_in_dim3A_1854 = vector.broadcast %jit3A_1852 : i32 to vector<4x16x8xi32>
      %broadcast_in_dim3A_1855 = vector.broadcast %jit3A_1853 : i32 to vector<4x16x8xi32>
      %select_n3A_1856 = arith.select %and3A_1851, %broadcast_in_dim3A_1854, %broadcast_in_dim3A_1855 : vector<4x16x8xi1>, vector<4x16x8xi32>
      %sub3A_1857 = arith.constant 142 : i32
      %sub3A_1858 = vector.broadcast %sub3A_1857 : i32 to vector<4x16x8xi32>
      %sub3A_1859 = arith.subi %sub3A_1858, %shift_right_logical3A_1840 : vector<4x16x8xi32>
      %add3A_1860 = arith.addi %sub3A_1859, %select_n3A_1856 : vector<4x16x8xi32>
      %convert_element_type3A_1861 = arith.sitofp %add3A_1860 : vector<4x16x8xi32> to vector<4x16x8xf32>
      %mul3A_1862 = arith.constant 6.250000e-02 : f32
      %mul3A_1863 = vector.broadcast %mul3A_1862 : f32 to vector<4x16x8xf32>
      %mul3A_1864 = arith.mulf %convert_element_type3A_1861, %mul3A_1863 : vector<4x16x8xf32>
      %slice3A_1865 = vector.extract_strided_slice %mul3A_123 {offsets = [0, 0, 15], sizes = [4, 8, 1], strides = [1, 1, 1]} : vector<4x8x16xf32> to vector<4x8x1xf32>
      %squeeze3A_1866 = vector.shape_cast %slice3A_1865 : vector<4x8x1xf32> to vector<4x8xf32>
      %broadcast_in_dim3A_1867 = vector.shape_cast %squeeze3A_1866 : vector<4x8xf32> to vector<4x1x8xf32>
      %mul3A_1868 = vector.broadcast %broadcast_in_dim3A_1867 : vector<4x1x8xf32> to vector<4x16x8xf32>
      %mul3A_1869 = arith.mulf %mul3A_1864, %mul3A_1868 : vector<4x16x8xf32>
      %slice3A_1870 = vector.extract_strided_slice %transpose3A_130 {offsets = [0, 0, 0, 15], sizes = [4, 16, 8, 1], strides = [1, 1, 1, 1]} : vector<4x16x8x16xf32> to vector<4x16x8x1xf32>
      %squeeze3A_1871 = vector.shape_cast %slice3A_1870 : vector<4x16x8x1xf32> to vector<4x16x8xf32>
      %add3A_1872 = arith.addf %mul3A_1869, %squeeze3A_1871 : vector<4x16x8xf32>
      %slice3A_1873 = vector.extract_strided_slice %get3A_119 {offsets = [0, 0, 15], sizes = [4, 16, 1], strides = [1, 1, 1]} : vector<4x16x16xf32> to vector<4x16x1xf32>
      %squeeze3A_1874 = vector.shape_cast %slice3A_1873 : vector<4x16x1xf32> to vector<4x16xf32>
      %broadcast_in_dim3A_1875 = vector.shape_cast %squeeze3A_1874 : vector<4x16xf32> to vector<4x16x1xf32>
      %sub3A_1876 = vector.broadcast %broadcast_in_dim3A_1875 : vector<4x16x1xf32> to vector<4x16x8xf32>
      %sub3A_1877 = arith.subf %add3A_1872, %sub3A_1876 : vector<4x16x8xf32>
      %abs3A_1878 = math.absf %sub3A_1877 : vector<4x16x8xf32>
      %add3A_1879 = arith.addf %add3A_1770, %abs3A_1878 : vector<4x16x8xf32>
      %mul3A_1880 = arith.constant 6.250000e-02 : f32
      %mul3A_1881 = vector.broadcast %mul3A_1880 : f32 to vector<4x16x8x128xf32>
      %mul3A_1882 = arith.mulf %add3A_1820, %mul3A_1881 : vector<4x16x8x128xf32>
      %mul3A_1883 = arith.constant 6.250000e-02 : f32
      %mul3A_1884 = vector.broadcast %mul3A_1883 : f32 to vector<4x16x8x128xf32>
      %mul3A_1885 = arith.mulf %add3A_1827, %mul3A_1884 : vector<4x16x8x128xf32>
      %mul3A_1886 = arith.constant 6.250000e-02 : f32
      %mul3A_1887 = vector.broadcast %mul3A_1886 : f32 to vector<4x16x8xf32>
      %mul3A_1888 = arith.mulf %add3A_1879, %mul3A_1887 : vector<4x16x8xf32>
      %min3A = arith.minimumf %mul3A_1882, %mul3A_1885 : vector<4x16x8x128xf32>
      %reduce_min3A = arith.constant dense<0x7F800000> : vector<4x16x8xf32>
      %reduce_min3A_1889 = vector.multi_reduction <minimumf>, %min3A, %reduce_min3A [3] : vector<4x16x8x128xf32> to vector<4x16x8xf32>
      %min3A_1890 = arith.minimumf %reduce_min3A_1889, %mul3A_1888 : vector<4x16x8xf32>
      %broadcast_in_dim3A_1891 = vector.shape_cast %min3A_1890 : vector<4x16x8xf32> to vector<4x16x8x1xf32>
      %eq3A_1892 = vector.broadcast %broadcast_in_dim3A_1891 : vector<4x16x8x1xf32> to vector<4x16x8x128xf32>
      %eq3A_1893 = arith.cmpf oeq, %mul3A_1882, %eq3A_1892 : vector<4x16x8x128xf32>
      %mul3A_1894 = arith.constant 262144 : i32
      %mul3A_1895 = vector.broadcast %mul3A_1894 : i32 to vector<1x1x1x128xi32>
      %mul3A_1896 = arith.muli %reshape3A_33, %mul3A_1895 : vector<1x1x1x128xi32>
      %add3A_1897 = arith.constant 65536 : i32
      %add3A_1898 = vector.broadcast %add3A_1897 : i32 to vector<4x16x8x128xi32>
      %add3A_1899 = arith.addi %xor3A_107, %add3A_1898 : vector<4x16x8x128xi32>
      %add3A_1900 = vector.broadcast %mul3A_1896 : vector<1x1x1x128xi32> to vector<4x16x8x128xi32>
      %add3A_1901 = arith.addi %add3A_1900, %add3A_1899 : vector<4x16x8x128xi32>
      %jit3A_1902 = arith.constant 1073741824 : i32
      %broadcast_in_dim3A_1903 = vector.broadcast %jit3A_1902 : i32 to vector<4x16x8x128xi32>
      %select_n3A_1904 = arith.select %eq3A_1893, %add3A_1901, %broadcast_in_dim3A_1903 : vector<4x16x8x128xi1>, vector<4x16x8x128xi32>
      %eq3A_1905 = vector.broadcast %broadcast_in_dim3A_1891 : vector<4x16x8x1xf32> to vector<4x16x8x128xf32>
      %eq3A_1906 = arith.cmpf oeq, %mul3A_1885, %eq3A_1905 : vector<4x16x8x128xf32>
      %mul3A_1907 = arith.constant 262144 : i32
      %mul3A_1908 = vector.broadcast %mul3A_1907 : i32 to vector<1x1x1x128xi32>
      %mul3A_1909 = arith.muli %reshape3A_34, %mul3A_1908 : vector<1x1x1x128xi32>
      %sub3A_1910 = arith.constant 65536 : i32
      %sub3A_1911 = vector.broadcast %sub3A_1910 : i32 to vector<4x16x8x128xi32>
      %sub3A_1912 = arith.subi %sub3A_1911, %xor3A_107 : vector<4x16x8x128xi32>
      %add3A_1913 = vector.broadcast %mul3A_1909 : vector<1x1x1x128xi32> to vector<4x16x8x128xi32>
      %add3A_1914 = arith.addi %add3A_1913, %sub3A_1912 : vector<4x16x8x128xi32>
      %jit3A_1915 = arith.constant 1073741824 : i32
      %broadcast_in_dim3A_1916 = vector.broadcast %jit3A_1915 : i32 to vector<4x16x8x128xi32>
      %select_n3A_1917 = arith.select %eq3A_1906, %add3A_1914, %broadcast_in_dim3A_1916 : vector<4x16x8x128xi1>, vector<4x16x8x128xi32>
      %eq3A_1918 = arith.cmpf oeq, %mul3A_1888, %min3A_1890 : vector<4x16x8xf32>
      %mul3A_1919 = arith.constant 262144 : i32
      %mul3A_1920 = vector.broadcast %mul3A_1919 : i32 to vector<1x1xi32>
      %mul3A_1921 = arith.muli %broadcast_in_dim3A_27, %mul3A_1920 : vector<1x1xi32>
      %add3A_1922 = arith.constant 65536 : i32
      %add3A_1923 = vector.broadcast %add3A_1922 : i32 to vector<4x16x8xi32>
      %add3A_1924 = arith.addi %abs3A, %add3A_1923 : vector<4x16x8xi32>
      %broadcast_in_dim3A_1925 = vector.shape_cast %mul3A_1921 : vector<1x1xi32> to vector<1x1x1xi32>
      %add3A_1926 = vector.broadcast %broadcast_in_dim3A_1925 : vector<1x1x1xi32> to vector<4x16x8xi32>
      %add3A_1927 = arith.addi %add3A_1926, %add3A_1924 : vector<4x16x8xi32>
      %jit3A_1928 = arith.constant 1073741824 : i32
      %broadcast_in_dim3A_1929 = vector.broadcast %jit3A_1928 : i32 to vector<4x16x8xi32>
      %select_n3A_1930 = arith.select %eq3A_1918, %add3A_1927, %broadcast_in_dim3A_1929 : vector<4x16x8xi1>, vector<4x16x8xi32>
      %min3A_1931 = arith.minsi %select_n3A_1904, %select_n3A_1917 : vector<4x16x8x128xi32>
      %reduce_min3A_1932 = arith.constant dense<2147483647> : vector<4x16x8xi32>
      %reduce_min3A_1933 = vector.multi_reduction <minsi>, %min3A_1931, %reduce_min3A_1932 [3] : vector<4x16x8x128xi32> to vector<4x16x8xi32>
      %min3A_1934 = arith.minsi %reduce_min3A_1933, %select_n3A_1930 : vector<4x16x8xi32>
      %and3A_1935 = arith.constant 262143 : i32
      %and3A_1936 = vector.broadcast %and3A_1935 : i32 to vector<4x16x8xi32>
      %and3A_1937 = arith.andi %min3A_1934, %and3A_1936 : vector<4x16x8xi32>
      %sub3A_1938 = arith.constant 65536 : i32
      %sub3A_1939 = vector.broadcast %sub3A_1938 : i32 to vector<4x16x8xi32>
      %sub3A_1940 = arith.subi %and3A_1937, %sub3A_1939 : vector<4x16x8xi32>
      %swap3A = arith.index_cast %mul3A_47 : i32 to index
      %swap3A_1941 = arith.constant 0 : index
      %swap3A_1942 = arith.constant 0 : index
      %swap3A_1943 = vector.load %arg4[%swap3A, %swap3A_1941, %swap3A_1942] : memref<32x16x8xi32, #tpu.memory_space<vmem>>, vector<4x16x8xi32>
      tpu.vector_store %arg4[%swap3A, %swap3A_1941, %swap3A_1942], %sub3A_1940 {strides = array<i32>} : memref<32x16x8xi32, #tpu.memory_space<vmem>>, vector<4x16x8xi32>,
      %swap3A_1944 = arith.index_cast %mul3A_47 : i32 to index
      %swap3A_1945 = arith.constant 0 : index
      %swap3A_1946 = arith.constant 0 : index
      %swap3A_1947 = vector.load %arg5[%swap3A_1944, %swap3A_1945, %swap3A_1946] : memref<32x16x8xf32, #tpu.memory_space<vmem>>, vector<4x16x8xf32>
      tpu.vector_store %arg5[%swap3A_1944, %swap3A_1945, %swap3A_1946], %min3A_1890 {strides = array<i32>} : memref<32x16x8xf32, #tpu.memory_space<vmem>>, vector<4x16x8xf32>,
    }
    return
  }
}

</mosaic_0001>

<sc_bundles>
// kernel: kernel.4.cloned.1.call-start
scs
__scs_entry_jumppad:
0x0: {  	(pc) =	sbr.rel $0x88, $3  }
0x1: {  	(tag) =	ssettag $0x0;
	lr =	simm.s32 $0x1  }
0x2: {  	[smem:$0x3F9C] =	sst lr;
	_ =	strace $0xD0000000  }
0x3: {  	_ = 	snop  }
0x4: {  	_ = 	snop  }
0x5: {  	_ = 	snop  }
0x6: {  	_ = 	snop  }
0x7: {  	_ = 	snop  }
__scs_overlays_trampoline_lowered:
0x8: {  	[smem:$0x3FAB] =	sst s0  }
0x9: {  	[smem:$0x3FAC] =	sst s1  }
0xa: {  	[smem:$0x3FAD] =	sst s2  }
0xb: {  	[smem:$0x3FAE] =	sst s3  }
0xc: {  	[smem:$0x3FAF] =	sst s4  }
0xd: {  	[smem:$0x3FB0] =	sst s5  }
0xe: {  	[smem:$0x3FB1] =	sst s6  }
0xf: {  	[smem:$0x3FB2] =	sst s7  }
0x10: {  	[smem:$0x3FB3] =	sst s8  }
0x11: {  	[smem:$0x3FB4] =	sst s9;
	s0 =	simm.s32 @!p0 $0x0  }
0x12: {  	s1 =	sld [smem:$0x3F9A];
	s0 =	simm.s32 @p0 $0x1  }
0x13: {  	[smem:$0x3FB5] =	sst s0;
	s0 =	simm.s32 @!p1 $0x0  }
0x14: {  	s2 =	sld [smem:$0x3F99];
	s0 =	simm.s32 @p1 $0x1  }
0x15: {  	[smem:$0x3FB6] =	sst s0;
	s0 =	simm.s32 @!p2 $0x0  }
0x16: {  	s3 =	sld [smem:$0x3FDB];
	s0 =	simm.s32 @p2 $0x1  }
0x17: {  	s4 =	simm.s32 $0x1BF5;
	[smem:$0x3FB8] =	sst s0  }
0x18: {  	s0 =	sld [smem:$0x3F9B];
	_ =	swait.ge [sflag:s4], $0x0  }
0x19: {  	s7 =	sld [smem:$0x3F9C]  }
0x1a: {  	s8 =	sadd.s32 $0xFFFFE003, lr  }
0x1b: {  	s9 =	sadd.s32 $0xFFFFFEF7, lr;
	s5 =	simm.s32 $0xFFFFFFFF;
	p2 =	slt.u32 s8, $0xFFFFF086  }
0x1c: {  	p1 =	slt.u32 s9, $0xF7A;
	s5 =	simm.s32 @!p2 $0x0  }
0x1d: {  	s5 =	simm.s32 @p1 $0x1;
	p0 =	seq.s32 s7, s2  }
0x1e: {  	s7 =	smul.u32 @!p0 $0xF7A, s2;
	p2 =	seq.s32 @!p0 s5, $0x0  }
0x1f: {  	s9 =	smul.u32 $0xF7A, s1;
	s8 =	simm.s32 @!p0 $0x1BF5;
	p2 =	por !p2, p0  }
0x20: {  	[sflag:s8] =	ssyncset.s32 @!p0 $0xFFFFF086;
	s6 =	sadd.s32 @!p0 s3, s7;
	s7 =	simm.s32 @!p0 $0x108  }
0x21: {  	s3 =	sadd.s32 s3, s9;
	s6 =	sadd.s32 @!p0 $0x88, s6;
	s7 =	simm.s32 @p2 $0x1082  }
0x22: {  	[simem:s7], [sflag:s8] =	dma.local @!p0 [hbm:s6], $0xF7A  }
0x23: {  	s9 =	sor.u32 $0xD0000000, s2;
	s6 =	simm.s32 $0x108;
	_ =	swait.ge @!p0 [sflag:s8], $0x0  }
0x24: {  	s3 =	sadd.s32 $0x88, s3;
	s6 =	simm.s32 @!p1 $0x1082;
	[sflag:s4] =	ssyncset.s32 $0xFFFFF086  }
0x25: {  	[simem:s6], [sflag:s4] =	dma.local [hbm:s3], $0xF7A  }
0x26: {  	[smem:$0x3F9C] =	sst s1;
	(tag) =	ssettag s2;
	_ =	strace s9  }
0x27: {  	s1 =	sld [smem:$0x3FAC]  }
0x28: {  	s2 =	sld [smem:$0x3FAD]  }
0x29: {  	s4 =	sld [smem:$0x3FAF]  }
0x2a: {  	p0 =	seq.s32 s5, $0x0;
	s5 =	sld [smem:$0x3FB0]  }
0x2b: {  	s6 =	sld [smem:$0x3FB1]  }
0x2c: {  	s7 =	sld [smem:$0x3FB2]  }
0x2d: {  	s3 =	simm.s32 $0x108;
	s8 =	sld [smem:$0x3FB3]  }
0x2e: {  	s3 =	simm.s32 @!p0 $0x1082;
	s9 =	sld [smem:$0x3FB4]  }
0x2f: {  	lr =	sadd.s32 s0, s3;
	s0 =	sld [smem:$0x3FAB]  }
0x30: {  	s3 =	sld [smem:$0x3FAE]  }
0x31: {  	[smem:$0x3FB7] =	sst s10  }
0x32: {  	s10 =	sld [smem:$0x3FB5];
	_ =	sdelay $0x3  }
0x33: {  	p0 =	seq.s32 s10, $0x1;
	s10 =	sld [smem:$0x3FB7];
	_ =	sdelay $0x3  }
0x34: {  	[smem:$0x3FB7] =	sst s10  }
0x35: {  	s10 =	sld [smem:$0x3FB6];
	_ =	sdelay $0x3  }
0x36: {  	p1 =	seq.s32 s10, $0x1;
	s10 =	sld [smem:$0x3FB7];
	_ =	sdelay $0x3  }
0x37: {  	[smem:$0x3FB7] =	sst s10  }
0x38: {  	s10 =	sld [smem:$0x3FB8]  }
0x39: {  	_ = 	snop;
	(pc) =	sbr.ind lr, $3  }
0x3a: {  	_ = 	snop  }
0x3b: {  	_ = 	snop  }
0x3c: {  	p2 =	seq.s32 s10, $0x1;
	s10 =	sld [smem:$0x3FB7]  }
0x3d: {  	_ =	shalt  }
0x3e: {  	_ =	shalt  }
0x3f: {  	_ =	shalt  }
0x40: {  	_ =	shalt  }
0x41: {  	_ =	shalt  }
0x42: {  	_ =	shalt  }
0x43: {  	_ =	shalt  }
0x44: {  	_ =	shalt  }
0x45: {  	_ =	shalt  }
0x46: {  	_ =	shalt  }
0x47: {  	_ =	shalt  }
0x48: {  	_ =	shalt  }
0x49: {  	_ =	shalt  }
0x4a: {  	_ =	shalt  }
0x4b: {  	_ =	shalt  }
0x4c: {  	_ =	shalt  }
0x4d: {  	_ =	shalt  }
0x4e: {  	_ =	shalt  }
0x4f: {  	_ =	shalt  }
0x50: {  	_ =	shalt  }
0x51: {  	_ =	shalt  }
0x52: {  	_ =	shalt  }
0x53: {  	_ =	shalt  }
0x54: {  	_ =	shalt  }
0x55: {  	_ =	shalt  }
0x56: {  	_ =	shalt  }
0x57: {  	_ =	shalt  }
0x58: {  	_ =	shalt  }
0x59: {  	_ =	shalt  }
0x5a: {  	_ =	shalt  }
0x5b: {  	_ =	shalt  }
0x5c: {  	_ =	shalt  }
0x5d: {  	_ =	shalt  }
0x5e: {  	_ =	shalt  }
0x5f: {  	_ =	shalt  }
0x60: {  	_ =	shalt  }
0x61: {  	_ =	shalt  }
0x62: {  	_ =	shalt  }
0x63: {  	_ =	shalt  }
0x64: {  	_ =	shalt  }
0x65: {  	_ =	shalt  }
0x66: {  	_ =	shalt  }
0x67: {  	_ =	shalt  }
0x68: {  	_ =	shalt  }
0x69: {  	_ =	shalt  }
0x6a: {  	_ =	shalt  }
0x6b: {  	_ =	shalt  }
0x6c: {  	_ =	shalt  }
0x6d: {  	_ =	shalt  }
0x6e: {  	_ =	shalt  }
0x6f: {  	_ =	shalt  }
0x70: {  	_ =	shalt  }
0x71: {  	_ =	shalt  }
0x72: {  	_ =	shalt  }
0x73: {  	_ =	shalt  }
0x74: {  	_ =	shalt  }
0x75: {  	_ =	shalt  }
0x76: {  	_ =	shalt  }
0x77: {  	_ =	shalt  }
0x78: {  	_ =	shalt  }
0x79: {  	_ =	shalt  }
0x7a: {  	_ =	shalt  }
0x7b: {  	_ =	shalt  }
0x7c: {  	_ =	shalt  }
0x7d: {  	_ =	shalt  }
0x7e: {  	_ =	shalt  }
0x7f: {  	_ =	shalt  }
0x80: {  	_ =	shalt  }
0x81: {  	_ =	shalt  }
0x82: {  	_ =	shalt  }
0x83: {  	_ =	shalt  }
0x84: {  	_ =	shalt  }
0x85: {  	_ =	shalt  }
0x86: {  	_ =	shalt  }
0x87: {  	_ =	shalt  }
.Lfunc_end0:
.L_simem_size_0:
called_computation_lowered:
.L_overlay_start_0:
0x88: {  	s2 =	sld [smem:$0x3FD9]  }
0x89: {  	s3 =	sld [smem:$0x3FFE];
	_ =	sdelay $0x1  }
0x8a: {  	s1 =	srdreg.scid  }
0x8b: {  	s0 =	sand.u32 $0x1, s1  }
0x8c: {  	s14 =	sshll.u32 s0, $0xA;
	s2 =	sadd.s32 s3, s2  }
0x8d: {  	s2 =	sadd.s32 s2, s14  }
0x8e: {  	[smem:$0x3FC3] =	sst s2  }
0x8f: {  	_ = 	snop  }
0x90: {  	s2 =	sld [smem:$0x3FD0];
	_ =	sdelay $0x2  }
0x91: {  	s15 =	simm.s32 $0xA;
	s4 =	simm.s32 $0x10  }
0x92: {  	[smem:s4], [sflag:s15] =	dma.local [hbm:s2], $0x1  }
0x93: {  	_ =	swait.eq [sflag:s15], $0x1  }
0x94: {  	[sflag:s15] =	ssyncset.done $0x0  }
0x95: {  	s16 =	sld [smem:$0x10];
	[sflag:s15] =	ssyncadd.s32 $0xFFFFFFFF  }
0x96: {  	s17 =	sld [smem:$0x11];
	(tm) =	ssettm $0x1  }
0x97: {  	s18 =	sld [smem:$0x3FFB];
	_ =	sdelay $0x3  }
0x98: {  	_ =	strace s18  }
0x99: {  	s4 =	sld [smem:$0x3FFC];
	_ =	sdelay $0x3  }
0x9a: {  	_ =	strace s4  }
0x9b: {  	s4 =	sld [smem:$0x3FFD];
	_ =	sdelay $0x3  }
0x9c: {  	_ =	strace s4  }
0x9d: {  	_ =	strace $0x8FFFFFFF  }
0x9e: {  	s19 =	sld [smem:$0x3FDB];
	_ =	sdelay $0x1  }
0x9f: {  	s5 =	simm.s32 $_scs_section_size  }
0xa0: {  	s6 =	simm.s32 $_size__tile_overlayer_lowered;
	s7 =	simm.s32 $_tile_overlayer_lowered  }
0xa1: {  	s22 =	simm.s32 $0x1BFF;
	s21 =	sshll.u32 s7, $0x1;
	s4 =	sadd.s32 s5, s19  }
0xa2: {  	s8 =	simm.s32 $0x0;
	s20 =	sshll.u32 s6, $0x1;
	s6 =	sadd.s32 s21, s4  }
0xa3: {  	[timem:s8], [sflag:s22] =	dma.local [hbm:s6], s20  }
0xa4: {  	_ =	swait.ge [sflag:s22], s20  }
0xa5: {  	s5 =	ssub.s32 $0x0, s20;
	[sflag:s22] =	ssyncset.done $0x0  }
0xa6: {  	[sflag:s22] =	ssyncadd.s32 s5;
	_ =	sdelay $0x1  }
0xa7: {  	s23 =	simm.s32 $0x1B8B  }
0xa8: {  	_ =	swait.ge [sflag:s23], $0x1  }
0xa9: {  	[sflag:s23] =	ssyncset.done $0x0  }
0xaa: {  	s25 =	simm.s32 $0x1B8E;
	s24 =	sld [smem:$0x3FFE];
	[sflag:s23] =	ssyncadd.s32 $0xFFFFFFFF  }
0xab: {  	s26 =	simm.s32 $execute0_lowered;
	[smem:$0x3FD2] =	sst s25  }
0xac: {  	s6 =	sshll.u32 s26, $0x1;
	_ =	strace $0x80000046;
	[dreg:$0x1] =	wrdreg $0xFFFFFFFF  }
0xad: {  	s28 =	simm.s32 $_size_execute0_lowered;
	s4 =	sadd.s32 s4, s6;
	[dreg:$0x0] =	wrdreg $0x0  }
0xae: {  	s6 =	sshll.u32 s28, $0x1;
	[dreg:$0x2] =	wrdreg s4  }
0xaf: {  	[dreg:$0x3] =	wrdreg s6  }
0xb0: {  	[dreg:$0x4] =	wrdreg $0xC0  }
0xb1: {  	_ =	task [dreg:s8], $0x5FFFF  }
0xb2: {  	[dreg:$0x1] =	wrdreg $0xFFFFFFFF  }
0xb3: {  	[dreg:$0x0] =	wrdreg $0x60  }
0xb4: {  	[dreg:$0x2] =	wrdreg s16  }
0xb5: {  	[dreg:$0x3] =	wrdreg s24  }
0xb6: {  	[dreg:$0x4] =	wrdreg s17  }
0xb7: {  	[dreg:$0x5] =	wrdreg $0x9  }
0xb8: {  	_ =	task.clear_ibuf [dreg:s8], $0x6FFFF;
	_ =	strace $0x90000046  }
0xb9: {  	s29 =	simm.s32 $0x9;
	_ =	strace $0x80000048  }
0xba: {  	_ =	swait.ge [sflag:s29], $0x1  }
0xbb: {  	[sflag:s29] =	ssyncadd.s32 $0xFFFFFFFF  }
0xbc: {  	_ =	strace $0x90000048  }
0xbd: {  	_ =	sfence  }
0xbe: {  	s30 =	sld [smem:$0x0];
	_ =	sdelay $0x2  }
0xbf: {  	s31 =	sshll.u32 s1, $0xD;
	s1 =	sshrl.u32 s1, $0x2  }
0xc0: {  	s3 =	sand.u32 $0x4000, s31;
	s1 =	sadd.s32 s1, s30  }
0xc1: {  	s0 =	sor.u32 s3, s0;
	s1 =	sshll.u32 s1, $0x11  }
0xc2: {  	s0 =	sor.u32 s1, s0  }
0xc3: {  	s0 =	sadd.s32 $0x8F2B, s0  }
0xc4: {  	[sflag:s0] =	ssyncadd.remote.s32 $0x1  }
0xc5: {  	_ =	sfence.sel $0xFFFF  }
0xc6: {  	[dreg:$0x0] =	wrdreg $0xFFFFFFFF;
	(pc) =	sbr.abs _section_cstart, $3  }
0xc7: {  	[dreg:$0x1] =	wrdreg $0xFFFFFFFF  }
0xc8: {  	_ =	task.clear_ibuf [dreg:s8], $0x2FFFF;
	_ =	strace $0x9FFFFFFF  }
0xc9: {  	(tm) =	ssettm $0x7FFFFFFF  }
tec
execute0_lowered:
.L_overlay_start_1:
0x0: {  	(tag) =	ssettag $0x1  }
0x1: {  	s3 =	rddreg [dreg:$0x0]  }
0x2: {  	s1 =	srdreg.scid;
	s5 =	rddreg [dreg:$0x1]  }
0x3: {  	s0 =	stileid.u32;
	s8 =	rddreg [dreg:$0x2];
	s6 =	sand.u32 $0x1, s1  }
0x4: {  	s2 =	simm.s32 $0x0;
	s4 =	sshll.u32 s0, $0x5;
	s7 =	sshll.u32 s6, $0x4  }
0x5: {  	[smem:$0x7FF] =	sst s2;
	s9 =	sor.u32 s7, s4  }
0x6: {  	s1 =	rddreg [dreg:$0x3];
	_ =	strace $0x80000047;
	s4 =	sshrl.u32 s9, $0x3  }
0x7: {  	s10 =	ssub.s32 $0x2, s6;
	s4 =	sadd.s32 s3, s4;
	s3 =	simm.s32 $0x2  }
0x8: {  	[tilespmem:s2], [sflag:$0x2] =	stream.linear.gather [hbm4b:s4+s2], $0x10, $0x38;
	[tilespmem:$0x110] =	vst v63  }
0x9: {  	s5 =	sadd.s32 $0xA00, s5;
	s11 =	sshrl.u32 s10, $0x1;
	_ =	swait.ge [sflag:s3], $0x10  }
0xa: {  	s6 =	simm.s32 $0x10;
	s10 =	ssub.s32 s10, s11;
	[sflag:s3] =	ssyncset.done $0x0  }
0xb: {  	s7 =	simm.s32 $0x1;
	s31 =	smax.u32 s10, $0x1;
	[sflag:s3] =	ssyncadd.s32 $0xFFFFFFF0  }
0xc: {  	[tilespmem:s6], [sflag:$0x1] =	stream.indirect.gather [hbm4b:s5+s6], $0x10, s2, s6, $0xb8;
	[tilespmem:$0x110] =	vst v63  }
0xd: {  	p0 =	sne.s32 s31, $0x1;
	_ =	swait.ge [sflag:s7], $0x100  }
.Ltmp0:
0xe: {  	s9 =	sshll.u32 s9, $0x1;
	[sflag:s7] =	ssyncset.done $0x0;
	(pc) =	sbr.rel @!p0 .LBB2_2-.Ltmp0, $4  }
0xf: {  	s8 =	sadd.s32 s8, s9;
	[sflag:s7] =	ssyncadd.s32 $0xFFFFFF00  }
0x10: {  	[hbm4b:s8+s2] =	stream.linear.scatter [tilespmem:s6], [sflag:$0x2], $0x100, $0x38;
	[tilespmem:$0x110] =	vst v63  }
0x11: {  	_ =	swait.ge [sflag:s3], $0x100  }
0x12: {  	s9 =	sadd.s32 $0xFFFFFFFF, s31;
	[sflag:s3] =	ssyncset.done $0x0  }
.LBB2_1:
0x13: {  	p0 =	sne.s32 s9, $0x1;
	s9 =	sadd.s32 $0xFFFFFFFF, s9;
	[sflag:s3] =	ssyncadd.s32 $0xFFFFFF00  }
0x14: {  	[tilespmem:s2], [sflag:$0x2] =	stream.linear.gather [hbm4b:s4+s2], $0x10, $0x38;
	[tilespmem:$0x110] =	vst v63  }
0x15: {  	_ =	swait.ge [sflag:s3], $0x10  }
0x16: {  	[sflag:s3] =	ssyncset.done $0x0  }
0x17: {  	[sflag:s3] =	ssyncadd.s32 $0xFFFFFFF0  }
0x18: {  	[tilespmem:s6], [sflag:$0x1] =	stream.indirect.gather [hbm4b:s5+s6], $0x10, s2, s6, $0xb8;
	[tilespmem:$0x110] =	vst v63  }
0x19: {  	_ =	swait.ge [sflag:s7], $0x100  }
.Ltmp1:
0x1a: {  	[sflag:s7] =	ssyncset.done $0x0;
	(pc) =	sbr.rel @p0 .LBB2_1-.Ltmp1, $4  }
0x1b: {  	[sflag:s7] =	ssyncadd.s32 $0xFFFFFF00  }
0x1c: {  	[hbm4b:s8+s2] =	stream.linear.scatter [tilespmem:s6], [sflag:$0x2], $0x100, $0x38;
	[tilespmem:$0x110] =	vst v63  }
0x1d: {  	_ =	swait.ge [sflag:s3], $0x100  }
0x1e: {  	[sflag:s3] =	ssyncset.done $0x0  }
.LBB2_2:
0x1f: {  	[sflag:s3] =	ssyncadd.s32 $0xFFFFFF00  }
0x20: {  	_ =	sfence.sel $0x180000  }
0x21: {  	[bflag:$0x0] =	sbarrier.arrive $0xFFFF  }
0x22: {  	p0 =	sne.s32 s0, $0x0;
	_ =	strace $0x90000047  }
0x23: {  	s0 =	sadd.s32 @!p0 $0x100000, s1;
	[bflag:$0x2] =	sbarrier.arrive $0xFFFF  }
0x24: {  	[sflag:s0] =	ssyncadd.tile.s32 @!p0 $0x1;
	_ =	shalt  }
.Lfunc_end2:
_tile_overlayer_lowered:
.L_overlay_start_2:
0x25: {  	(tag) =	ssettag $0x2  }
0x26: {  	s0 =	rddreg [dreg:$0x0];
	s2 =	stileid.u32  }
0x27: {  	s1 =	rddreg [dreg:$0x1];
	p0 =	sne.s32 s2, $0x0  }
0x28: {  	s3 =	rddreg [dreg:$0x2];
	[bflag:$0x3] =	sbarrier.arrive $0xFFFF;
	s2 =	simm.s32 @!p0 $0x1C02  }
0x29: {  	[timem:s3], [sflag:s2] =	dma.local @!p0 [hbm:s0], s1  }
0x2a: {  	s0 =	simm.s32 @!p0 $0x2  }
0x2b: {  	_ =	swait.ge @!p0 [sflag:s0], s1  }
0x2c: {  	s1 =	ssub.s32 @!p0 $0x0, s1;
	[sflag:s0] =	ssyncset.done @!p0 $0x0  }
0x2d: {  	[sflag:s0] =	ssyncadd.s32 @!p0 s1  }
0x2e: {  	[bflag:$0x3] =	sbarrier.arrive $0xFFFF  }
0x2f: {  	_ =	shalt  }

</sc_bundles>
